<compile_context>
chip_gen: v7x
topology: tpu7x:2x2x1
jax: 0.10.2.dev20260603
libtpu: 0.0.44.dev20260713+nightly
codegen_flags: <defaults>
</compile_context>

<pallas_src>
import functools

import jax
import jax.numpy as jnp
from jax import lax
from jax.experimental import pallas as pl
from jax.experimental.pallas import tpu as pltpu
from jax.experimental.pallas import tpu_sc as plsc

N = 10000
E = 320000
A_DIM = 16
C_DIM = 8
E_DIM = 8
S = 128
VEC = 4
L = 3
LAT = 8
RBF = 10
DMAX = 32.0
N_ATYPE = 10
N_CHG = 6
N_BOND = 5

TG = 256
TM = 128
TV = 16
EW = 32
NW = 32
NSUB = 16
CHUNK = 80
EPT = E // NW
NCH_E = EPT // CHUNK
CPT = (2 * E) // NW
NCH_C = CPT // CHUNK
NPS = 640
NPS_L = N - (NSUB - 1) * NPS

BN = 2000
GN = N // BN
BE = 2000
GE = E // BE

_MESH = dict(core_axis_name="c", subcore_axis_name="s")



def _sc_gather(table, idx3, d, nch, d_out=None):
    d_out = d if d_out is None else d_out
    rows_total = NW * nch * CHUNK
    mesh = plsc.VectorSubcoreMesh(**_MESH)

    @functools.partial(
        pl.kernel,
        mesh=mesh,
        out_type=jax.ShapeDtypeStruct((rows_total, d_out), jnp.float32),
        scratch_types=[
            pltpu.VMEM((nch, CHUNK), jnp.int32),
            pltpu.VMEM((CHUNK, d), jnp.float32),
            pltpu.VMEM((CHUNK, d), jnp.float32),
            pltpu.SemaphoreType.DMA,
            pltpu.SemaphoreType.DMA,
        ],
    )
    def k(table_hbm, idx_hbm, out_hbm, idx_v, buf_a, buf_b, sem_a, sem_b):
        wid = lax.axis_index("s") * 2 + lax.axis_index("c")
        base = wid * (nch * CHUNK)
        pltpu.sync_copy(idx_hbm.at[wid], idx_v)
        pltpu.async_copy(table_hbm.at[idx_v.at[0]], buf_a, sem_a)

        @pl.loop(0, nch // 2)
        def _(p):
            j = 2 * p
            pltpu.make_async_copy(table_hbm.at[idx_v.at[j]], buf_a, sem_a).wait()
            pltpu.async_copy(table_hbm.at[idx_v.at[j + 1]], buf_b, sem_b)
            pltpu.sync_copy(buf_a, out_hbm.at[pl.ds(base + j * CHUNK, CHUNK)])
            pltpu.make_async_copy(table_hbm.at[idx_v.at[j + 1]], buf_b,
                                  sem_b).wait()

            @pl.when(j + 2 < nch)
            def _():
                pltpu.async_copy(table_hbm.at[idx_v.at[j + 2]], buf_a, sem_a)

            pltpu.sync_copy(buf_b,
                            out_hbm.at[pl.ds(base + (j + 1) * CHUNK, CHUNK)])

        if nch % 2:
            jt = nch - 1
            pltpu.make_async_copy(table_hbm.at[idx_v.at[jt]], buf_a,
                                  sem_a).wait()
            pltpu.sync_copy(buf_a, out_hbm.at[pl.ds(base + jt * CHUNK, CHUNK)])

    return k(table, idx3)


def _sc_scatter_add(rows, idx, zeros_nd, d):
    mesh = plsc.VectorSubcoreMesh(**_MESH)
    kwargs = {}
    if d < TM:
        kwargs["compiler_params"] = pltpu.CompilerParams(
            use_tc_tiling_on_sc=False)

    @functools.partial(
        pl.kernel,
        mesh=mesh,
        out_type=jax.ShapeDtypeStruct((2, N, d), jnp.float32),
        scratch_types=[
            pltpu.VMEM((CHUNK,), jnp.int32),
            pltpu.VMEM((CHUNK,), jnp.int32),
            pltpu.VMEM((CHUNK, d), jnp.float32),
            pltpu.VMEM((CHUNK, d), jnp.float32),
            pltpu.VMEM_SHARED((N, d), jnp.float32),
            pltpu.SemaphoreType.DMA,
            pltpu.SemaphoreType.DMA,
            pltpu.SemaphoreType.DMA,
            pltpu.SemaphoreType.DMA,
        ],
        **kwargs,
    )
    def k(rows_hbm, idx_hbm, zeros_hbm, out_hbm, idx_a, idx_b, buf_a, buf_b,
          acc, sem_ia, sem_ib, sem_a, sem_b):
        cid = lax.axis_index("c")
        sid = lax.axis_index("s")
        wid = sid * 2 + cid
        base = wid * (NCH_E * CHUNK)
        @pl.when(sid < NSUB - 1)
        def _():
            pltpu.sync_copy(zeros_hbm.at[pl.ds(sid * NPS, NPS)],
                            acc.at[pl.ds(sid * NPS, NPS)])

        @pl.when(sid == NSUB - 1)
        def _():
            pltpu.sync_copy(zeros_hbm.at[pl.ds((NSUB - 1) * NPS, NPS_L)],
                            acc.at[pl.ds((NSUB - 1) * NPS, NPS_L)])

        pltpu.async_copy(idx_hbm.at[pl.ds(base, CHUNK)], idx_a, sem_ia)
        pltpu.async_copy(rows_hbm.at[pl.ds(base, CHUNK)], buf_a, sem_a)
        plsc.subcore_barrier()

        @pl.loop(0, NCH_E // 2)
        def _(p):
            j = 2 * p
            o0 = base + j * CHUNK
            o1 = base + (j + 1) * CHUNK
            pltpu.make_async_copy(idx_hbm.at[pl.ds(o0, CHUNK)], idx_a,
                                  sem_ia).wait()
            pltpu.make_async_copy(rows_hbm.at[pl.ds(o0, CHUNK)], buf_a,
                                  sem_a).wait()
            pltpu.async_copy(idx_hbm.at[pl.ds(o1, CHUNK)], idx_b, sem_ib)
            pltpu.async_copy(rows_hbm.at[pl.ds(o1, CHUNK)], buf_b, sem_b)
            pltpu.sync_copy(buf_a, acc.at[idx_a], add=True)
            pltpu.make_async_copy(idx_hbm.at[pl.ds(o1, CHUNK)], idx_b,
                                  sem_ib).wait()
            pltpu.make_async_copy(rows_hbm.at[pl.ds(o1, CHUNK)], buf_b,
                                  sem_b).wait()

            @pl.when(j + 2 < NCH_E)
            def _():
                o2 = base + (j + 2) * CHUNK
                pltpu.async_copy(idx_hbm.at[pl.ds(o2, CHUNK)], idx_a, sem_ia)
                pltpu.async_copy(rows_hbm.at[pl.ds(o2, CHUNK)], buf_a, sem_a)

            pltpu.sync_copy(buf_b, acc.at[idx_b], add=True)

        if NCH_E % 2:
            ot = base + (NCH_E - 1) * CHUNK
            pltpu.make_async_copy(idx_hbm.at[pl.ds(ot, CHUNK)], idx_a,
                                  sem_ia).wait()
            pltpu.make_async_copy(rows_hbm.at[pl.ds(ot, CHUNK)], buf_a,
                                  sem_a).wait()
            pltpu.sync_copy(buf_a, acc.at[idx_a], add=True)

        plsc.subcore_barrier()

        @pl.when(sid < NSUB - 1)
        def _():
            pltpu.sync_copy(acc.at[pl.ds(sid * NPS, NPS)],
                            out_hbm.at[cid, pl.ds(sid * NPS, NPS)])

        @pl.when(sid == NSUB - 1)
        def _():
            pltpu.sync_copy(acc.at[pl.ds((NSUB - 1) * NPS, NPS_L)],
                            out_hbm.at[cid, pl.ds((NSUB - 1) * NPS, NPS_L)])

    return k(rows, idx, zeros_nd)



def _embed_body(at_ref, ac_ref, a1_ref, c1_ref, nsb_ref, wss_ref, s_ref, t_ref):
    oh_a = (at_ref[...] == lax.broadcasted_iota(jnp.int32, (1, N_ATYPE), 1)
            ).astype(jnp.float32)
    oh_c = (ac_ref[...] == lax.broadcasted_iota(jnp.int32, (1, N_CHG), 1)
            ).astype(jnp.float32)
    s0 = jnp.maximum(oh_a @ a1_ref[...] + oh_c @ c1_ref[...] + nsb_ref[...], 0.0)
    s_ref[...] = s0
    t = s0 @ wss_ref[...]
    t_ref[...] = jnp.concatenate(
        [t, jnp.zeros((t.shape[0], TG - S), jnp.float32)], axis=1)


def _edge_static_body(cs_ref, cd_ref, bo_ref, es_ref):
    diff = cs_ref[:, :3] - cd_ref[:, :3]
    d = jnp.sqrt(jnp.sum(diff * diff, axis=1, keepdims=True) + 1e-8)
    xd = diff / d
    mu = lax.broadcasted_iota(jnp.int32, (1, RBF), 1).astype(jnp.float32) * (
        DMAX / (RBF - 1))
    sigma = DMAX / RBF
    rbf = jnp.exp(-(((d - mu) / sigma) ** 2))
    oh_b = (bo_ref[...] == lax.broadcasted_iota(jnp.int32, (1, N_BOND), 1)
            ).astype(jnp.float32)
    b = xd.shape[0]
    es_ref[...] = jnp.concatenate(
        [rbf, oh_b, xd, jnp.zeros((b, EW - 18), jnp.float32)], axis=1)


def _edge_body(g_ref, es_ref, wst_ref, bsr_ref, kh_ref, kx_ref, psel_ref,
               wsv_ref, wg_ref, bgr_ref, kv_ref, rg_ref, ms_ref, mv_ref):
    g = g_ref[...]
    es = es_ref[...]
    lin = g[:, :S] + es[:, :15] @ wst_ref[...] + bsr_ref[...]
    vh = g[:, S:S + 12] @ kh_ref[...] + es[:, 15:18] @ kx_ref[...]
    vn = jnp.sqrt((vh * vh) @ psel_ref[...] + 1e-8)
    s_out = jnp.maximum(lin + vn @ wsv_ref[...], 0.0)
    gate = jax.nn.sigmoid(s_out @ wg_ref[...] + bgr_ref[...])
    mv = (vh @ kv_ref[...]) * (gate @ rg_ref[...])
    b = s_out.shape[0]
    ms_ref[...] = s_out
    mv_ref[...] = jnp.concatenate(
        [mv, jnp.ones((b, 1), jnp.float32),
         jnp.zeros((b, TV - 13), jnp.float32)], axis=1)


def _update_body(ps_ref, pv_ref, s_ref, vf_ref, wssn_ref, s_out_ref,
                 vf_out_ref, t_out_ref):
    p = ps_ref[0] + ps_ref[1]
    q = pv_ref[0] + pv_ref[1]
    denom = jnp.maximum(q[:, 12:13], 1.0)
    s_new = s_ref[...] + p / denom
    vf_new = vf_ref[...] + q[:, :12] / denom
    s_out_ref[...] = s_new
    vf_out_ref[...] = vf_new
    t_out_ref[...] = jnp.concatenate(
        [s_new @ wssn_ref[...], vf_new,
         jnp.zeros((s_new.shape[0], TG - S - 12), jnp.float32)], axis=1)


def _final_body(ps_ref, pv_ref, s_ref, w1_ref, b1_ref, w2_ref, b2_ref,
                out_ref):
    p = ps_ref[0] + ps_ref[1]
    q = pv_ref[0] + pv_ref[1]
    denom = jnp.maximum(q[:, 12:13], 1.0)
    s_new = s_ref[...] + p / denom
    h = jnp.maximum(s_new @ w1_ref[...] + b1_ref[...], 0.0)
    out_ref[...] = h @ w2_ref[...] + b2_ref[...]


def _full(shape):
    return pl.BlockSpec(shape, lambda i: tuple(0 for _ in shape))



def kernel(atom_types, atom_charges, bond_orders, coords, edge_index, a_emb,
           c_emb, e_emb, ns_w, ns_b, wh, ws, bs, wv, wg, bg, al_w1, al_b1,
           al_w2, al_b2):
    f32 = jnp.float32
    src = edge_index[0].astype(jnp.int32)
    dst = edge_index[1].astype(jnp.int32)
    at2 = atom_types.astype(jnp.int32).reshape(N, 1)
    ac2 = atom_charges.astype(jnp.int32).reshape(N, 1)
    bo2 = bond_orders.astype(jnp.int32).reshape(E, 1)
    coords_p = jnp.pad(coords.astype(f32), ((0, 0), (0, TM - 3)))

    a1 = a_emb.astype(f32) @ ns_w[:A_DIM]
    c1 = c_emb.astype(f32) @ ns_w[A_DIM:]
    eye3 = jnp.eye(3, dtype=f32)
    wss = [ws[l][:S] for l in range(L)]
    wst = [jnp.concatenate([ws[l][136:146], e_emb @ ws[l][S:136]], axis=0)
           for l in range(L)]
    wsv = [ws[l][146:151] for l in range(L)]
    kh = [jnp.kron(wh[l][:VEC, :], eye3) for l in range(L)]
    kx = [jnp.kron(wh[l][VEC:, :], eye3) for l in range(L)]
    kv = [jnp.kron(wv[l], eye3) for l in range(L)]
    psel = jnp.kron(jnp.eye(VEC + 1, dtype=f32), jnp.ones((3, 1), f32))
    rg = jnp.kron(jnp.eye(VEC, dtype=f32), jnp.ones((1, 3), f32))

    src3 = src.reshape(NW, NCH_E, CHUNK)
    cd3 = jnp.concatenate([src, dst]).reshape(NW, NCH_C, CHUNK)
    zeros_s = jnp.zeros((N, TM), f32)
    zeros_v = jnp.zeros((N, TV), f32)

    s, t = pl.pallas_call(
        _embed_body,
        grid=(GN,),
        in_specs=[
            pl.BlockSpec((BN, 1), lambda i: (i, 0)),
            pl.BlockSpec((BN, 1), lambda i: (i, 0)),
            _full((N_ATYPE, S)),
            _full((N_CHG, S)),
            _full((1, S)),
            _full((S, S)),
        ],
        out_specs=[pl.BlockSpec((BN, S), lambda i: (i, 0)),
                   pl.BlockSpec((BN, TG), lambda i: (i, 0))],
        out_shape=[jax.ShapeDtypeStruct((N, S), f32),
                   jax.ShapeDtypeStruct((N, TG), f32)],
    )(at2, ac2, a1, c1, ns_b.reshape(1, S), wss[0])

    gc = _sc_gather(coords_p, cd3, TM, NCH_C)
    t, _gc_done = lax.optimization_barrier((t, gc))

    es = pl.pallas_call(
        _edge_static_body,
        grid=(GE,),
        in_specs=[
            pl.BlockSpec((BE, TM), lambda i: (i, 0)),
            pl.BlockSpec((BE, TM), lambda i: (i + GE, 0)),
            pl.BlockSpec((BE, 1), lambda i: (i, 0)),
        ],
        out_specs=pl.BlockSpec((BE, EW), lambda i: (i, 0)),
        out_shape=jax.ShapeDtypeStruct((E, EW), f32),
    )(gc, gc, bo2)

    vf = jnp.zeros((N, 12), f32)
    out = None
    for l in range(L):
        g = _sc_gather(t, src3, TG, NCH_E)
        ms, mv = pl.pallas_call(
            _edge_body,
            grid=(GE,),
            in_specs=[
                pl.BlockSpec((BE, TG), lambda i: (i, 0)),
                pl.BlockSpec((BE, EW), lambda i: (i, 0)),
                _full((15, S)),
                _full((1, S)),
                _full((12, 15)),
                _full((3, 15)),
                _full((15, VEC + 1)),
                _full((VEC + 1, S)),
                _full((S, VEC)),
                _full((1, VEC)),
                _full((15, 12)),
                _full((VEC, 12)),
            ],
            out_specs=[pl.BlockSpec((BE, TM), lambda i: (i, 0)),
                       pl.BlockSpec((BE, TV), lambda i: (i, 0))],
            out_shape=[jax.ShapeDtypeStruct((E, TM), f32),
                       jax.ShapeDtypeStruct((E, TV), f32)],
        )(g, es, wst[l], bs[l].reshape(1, S), kh[l], kx[l], psel, wsv[l],
          wg[l], bg[l].reshape(1, VEC), kv[l], rg)

        part_s = _sc_scatter_add(ms, dst, zeros_s, TM)
        mv, _ps_done = lax.optimization_barrier((mv, part_s))
        part_v = _sc_scatter_add(mv, dst, zeros_v, TV)

        if l < L - 1:
            s, vf, t = pl.pallas_call(
                _update_body,
                grid=(GN,),
                in_specs=[
                    pl.BlockSpec((2, BN, TM), lambda i: (0, i, 0)),
                    pl.BlockSpec((2, BN, TV), lambda i: (0, i, 0)),
                    pl.BlockSpec((BN, S), lambda i: (i, 0)),
                    pl.BlockSpec((BN, 12), lambda i: (i, 0)),
                    _full((S, S)),
                ],
                out_specs=[pl.BlockSpec((BN, S), lambda i: (i, 0)),
                           pl.BlockSpec((BN, 12), lambda i: (i, 0)),
                           pl.BlockSpec((BN, TG), lambda i: (i, 0))],
                out_shape=[jax.ShapeDtypeStruct((N, S), f32),
                           jax.ShapeDtypeStruct((N, 12), f32),
                           jax.ShapeDtypeStruct((N, TG), f32)],
            )(part_s, part_v, s, vf, wss[l + 1])
        else:
            out = pl.pallas_call(
                _final_body,
                grid=(GN,),
                in_specs=[
                    pl.BlockSpec((2, BN, TM), lambda i: (0, i, 0)),
                    pl.BlockSpec((2, BN, TV), lambda i: (0, i, 0)),
                    pl.BlockSpec((BN, S), lambda i: (i, 0)),
                    _full((S, 2 * LAT)),
                    _full((1, 2 * LAT)),
                    _full((2 * LAT, LAT)),
                    _full((1, LAT)),
                ],
                out_specs=pl.BlockSpec((BN, LAT), lambda i: (i, 0)),
                out_shape=jax.ShapeDtypeStruct((N, LAT), f32),
            )(part_s, part_v, s, al_w1, al_b1.reshape(1, 2 * LAT), al_w2,
              al_b2.reshape(1, LAT))
    return out

# --- scband reference (transcript-rebuilt; emitter-appended) ---
"""Pipeline reference for scband-encoder-19232863552079 (READ-ONLY COPY).

The authoritative reference and input builder live on the scoring server;
editing this copy changes nothing except your own understanding.
"""

import jax, jax.numpy as jnp
import numpy as np

N = 10000
E = 320000
A_DIM = 16; C_DIM = 8; E_DIM = 8; S = 128; VEC = 4; L = 3; LAT = 8; RBF = 10; DMAX = 32.0
N_ATYPE = 10; N_CHG = 6; N_BOND = 5


def _rbf(d, D_min=0.0, D_max=DMAX, D_count=RBF):
    mu = jnp.linspace(D_min, D_max, D_count)
    sigma = (D_max - D_min) / D_count
    return jnp.exp(-((d[..., None] - mu) / sigma) ** 2)


def _norm_no_nan(x, eps=1e-8):
    return jnp.sqrt(jnp.sum(x * x, axis=-1) + eps)


def _gvp(s_in, V_in, wh, ws, bs, wv, wg, bg):
    # geometric vector perceptron: rotate vectors, take norms, mix with scalars, gate vectors
    Vh = jnp.einsum('evd,vh->ehd', V_in, wh)
    vn = jnp.sqrt(jnp.sum(Vh * Vh, axis=-1) + 1e-8)
    s_out = jax.nn.relu(jnp.concatenate([s_in, vn], axis=-1) @ ws + bs)
    Vu = jnp.einsum('ehd,hm->emd', Vh, wv)
    gate = jax.nn.sigmoid(s_out @ wg + bg)
    return s_out, Vu * gate[..., None]


def setup_inputs(seed: int = 0):
    key = jax.random.key(seed)
    ks = [jax.random.fold_in(key, i) for i in range(30)]
    inp = {}
    inp['atom_types'] = jax.random.randint(ks[0], (N,), 0, N_ATYPE)
    inp['atom_charges'] = jax.random.randint(ks[1], (N,), 0, N_CHG)
    inp['bond_orders'] = jax.random.randint(ks[2], (E,), 0, N_BOND)
    inp['coords'] = jax.random.normal(ks[3], (N, 3), dtype=jnp.float32) * 4.0
    inp['edge_index'] = jax.random.randint(ks[4], (2, E), 0, N)
    inp['a_emb'] = jax.random.normal(ks[5], (N_ATYPE, A_DIM), dtype=jnp.float32) * 0.1
    inp['c_emb'] = jax.random.normal(ks[6], (N_CHG, C_DIM), dtype=jnp.float32) * 0.1
    inp['e_emb'] = jax.random.normal(ks[7], (N_BOND, E_DIM), dtype=jnp.float32) * 0.1
    inp['ns_w'] = jax.random.normal(ks[8], (A_DIM + C_DIM, S), dtype=jnp.float32) * (1.0 / np.sqrt(A_DIM + C_DIM))
    inp['ns_b'] = jnp.zeros((S,), dtype=jnp.float32)
    h = VEC + 1
    s_msg_in = S + E_DIM + RBF
    inp['wh'] = jax.random.normal(ks[9], (L, h, h), dtype=jnp.float32) * (1.0 / np.sqrt(h))
    inp['ws'] = jax.random.normal(ks[10], (L, s_msg_in + h, S), dtype=jnp.float32) * (1.0 / np.sqrt(s_msg_in + h))
    inp['bs'] = jnp.zeros((L, S), dtype=jnp.float32)
    inp['wv'] = jax.random.normal(ks[11], (L, h, VEC), dtype=jnp.float32) * (1.0 / np.sqrt(h))
    inp['wg'] = jax.random.normal(ks[12], (L, S, VEC), dtype=jnp.float32) * (1.0 / np.sqrt(S))
    inp['bg'] = jnp.zeros((L, VEC), dtype=jnp.float32)
    inp['al_w1'] = jax.random.normal(ks[13], (S, LAT * 2), dtype=jnp.float32) * (1.0 / np.sqrt(S))
    inp['al_b1'] = jnp.zeros((LAT * 2,), dtype=jnp.float32)
    inp['al_w2'] = jax.random.normal(ks[14], (LAT * 2, LAT), dtype=jnp.float32) * (1.0 / np.sqrt(LAT * 2))
    inp['al_b2'] = jnp.zeros((LAT,), dtype=jnp.float32)
    return inp


def reference(atom_types, atom_charges, bond_orders, coords, edge_index, a_emb, c_emb, e_emb, ns_w, ns_b, wh, ws, bs, wv, wg, bg, al_w1, al_b1, al_w2, al_b2):
    src = edge_index[0]
    dst = edge_index[1]
    n_nodes = coords.shape[0]
    # embeddings -> node scalars (mask_prob = 0.0, so no masking branch taken)
    s = jax.nn.relu(jnp.concatenate([a_emb[atom_types], c_emb[atom_charges]], axis=-1) @ ns_w + ns_b)
    e_feat = e_emb[bond_orders]
    V = jnp.zeros((n_nodes, VEC, 3), dtype=s.dtype)
    # geometric edge features
    diff = coords[src] - coords[dst]
    d = _norm_no_nan(diff)
    x_diff = diff / d[:, None]
    d_rbf = _rbf(d)
    deg = jax.ops.segment_sum(jnp.ones_like(d), dst, num_segments=n_nodes)
    denom = jnp.maximum(deg, 1.0)
    for l in range(L):
        s_src = s[src]
        V_src = V[src]
        msg_s_in = jnp.concatenate([s_src, e_feat, d_rbf], axis=-1)
        msg_V_in = jnp.concatenate([V_src, x_diff[:, None, :]], axis=1)
        ms, mV = _gvp(msg_s_in, msg_V_in, wh[l], ws[l], bs[l], wv[l], wg[l], bg[l])
        agg_s = jax.ops.segment_sum(ms, dst, num_segments=n_nodes) / denom[:, None]
        agg_V = jax.ops.segment_sum(mV, dst, num_segments=n_nodes) / denom[:, None, None]
        s = s + agg_s
        V = V + agg_V
    atom_latents = jax.nn.relu(s @ al_w1 + al_b1) @ al_w2 + al_b2
    return atom_latents

if __name__ == "__main__":
    import jax
    _d = setup_inputs()
    print(jax.jit(kernel)(*tuple(_d.values())))

</pallas_src>

<mosaic_0001>
#map = affine_map<(d0, d1) -> (0, 0)>
#map1 = affine_map<(d0, d1) -> (0)>
#map2 = affine_map<(d0, d1) -> (0, 0, 0)>
module attributes {stable_mosaic.version = 14 : i64} {
  func.func @k(%arg0: i32, %arg1: i32, %arg2: memref<320000x16xf32, #tpu.memory_space<hbm>>, %arg3: memref<320000xi32, #tpu.memory_space<hbm>>, %arg4: memref<10000x16xf32, #tpu.memory_space<hbm>>, %arg5: memref<2x10000x16xf32, #tpu.memory_space<hbm>>, %arg6: memref<80xi32, #tpu.memory_space<vmem>>, %arg7: memref<80xi32, #tpu.memory_space<vmem>>, %arg8: memref<80x16xf32, #tpu.memory_space<vmem>>, %arg9: memref<80x16xf32, #tpu.memory_space<vmem>>, %arg10: memref<10000x16xf32, #tpu.memory_space<vmem_shared>>, %arg11: memref<!tpu.dma_semaphore, #tpu.memory_space<semaphore_mem>>, %arg12: memref<!tpu.dma_semaphore, #tpu.memory_space<semaphore_mem>>, %arg13: memref<!tpu.dma_semaphore, #tpu.memory_space<semaphore_mem>>, %arg14: memref<!tpu.dma_semaphore, #tpu.memory_space<semaphore_mem>>) attributes {dimension_semantics = [#tpu.dimension_semantics<core_parallel>, #tpu.dimension_semantics<subcore_parallel>], iteration_bounds = array<i64: 2, 16>, scalar_prefetch = 0 : i64, scratch_operands = 9 : i64, tpu.core_type = #tpu.core_type<sc_vector_subcore>, window_params = [{transform_indices = #map}, {transform_indices = #map1}, {transform_indices = #map}, {transform_indices = #map2}]} {
    %mul3A = arith.constant 2 : i32
    %mul3A_0 = arith.muli %arg1, %mul3A : i32
    %add3A = arith.addi %mul3A_0, %arg0 : i32
    %mul3A_1 = arith.constant 10000 : i32
    %mul3A_2 = arith.muli %add3A, %mul3A_1 : i32
    %lt3A = arith.constant 15 : i32
    %lt3A_3 = arith.cmpi slt, %arg1, %lt3A : i32
    %convert_element_type3A = arith.extui %lt3A_3 : i1 to i32
    %cond3A = arith.constant 0 : i32
    %cond3A_4 = arith.cmpi ne, %convert_element_type3A, %cond3A : i32
    scf.if %cond3A_4 {
      %mul3A_36 = arith.constant 640 : i32
      %mul3A_37 = arith.muli %arg1, %mul3A_36 : i32
      %mul3A_38 = arith.constant 640 : i32
      %mul3A_39 = arith.muli %arg1, %mul3A_38 : i32
      "tpu.region"() ({
        %run_scoped3A = tpu.sem_alloc : memref<!tpu.dma_semaphore, #tpu.memory_space<semaphore_mem>>
        %dma_start3A_40 = arith.constant 0 : i32
        %dma_start3A_41 = tpu.memref_slice %arg10[%mul3A_39, %dma_start3A_40] : memref<10000x16xf32, #tpu.memory_space<vmem_shared>> -> memref<640x16xf32, #tpu.memory_space<vmem_shared>>
        %dma_start3A_42 = arith.constant 0 : i32
        %dma_start3A_43 = tpu.memref_slice %arg4[%mul3A_37, %dma_start3A_42] : memref<10000x16xf32, #tpu.memory_space<hbm>> -> memref<640x16xf32, #tpu.memory_space<hbm>>
        tpu.enqueue_dma source(%dma_start3A_43 : memref<640x16xf32, #tpu.memory_space<hbm>>) target(%dma_start3A_41 : memref<640x16xf32, #tpu.memory_space<vmem_shared>>) target_semaphore(%run_scoped3A : memref<!tpu.dma_semaphore, #tpu.memory_space<semaphore_mem>>)
        %dma_wait3A_44 = arith.constant 0 : i32
        %dma_wait3A_45 = tpu.memref_slice %arg10[%mul3A_39, %dma_wait3A_44] : memref<10000x16xf32, #tpu.memory_space<vmem_shared>> -> memref<640x16xf32, #tpu.memory_space<vmem_shared>>
        %dma_wait3A_46 = arith.constant 0 : i32
        %dma_wait3A_47 = tpu.memref_slice %arg4[%mul3A_37, %dma_wait3A_46] : memref<10000x16xf32, #tpu.memory_space<hbm>> -> memref<640x16xf32, #tpu.memory_space<hbm>>
        tpu.wait_dma2 semaphore(%run_scoped3A : memref<!tpu.dma_semaphore, #tpu.memory_space<semaphore_mem>>) src(%dma_wait3A_47 : memref<640x16xf32, #tpu.memory_space<hbm>>) dst(%dma_wait3A_45 : memref<640x16xf32, #tpu.memory_space<vmem_shared>>)
        tpu.yield
      }) : () -> ()
    } else {
    }
    %eq3A = arith.constant 15 : i32
    %eq3A_5 = arith.cmpi eq, %arg1, %eq3A : i32
    %convert_element_type3A_6 = arith.extui %eq3A_5 : i1 to i32
    %cond3A_7 = arith.constant 0 : i32
    %cond3A_8 = arith.cmpi ne, %convert_element_type3A_6, %cond3A_7 : i32
    scf.if %cond3A_8 {
      "tpu.region"() ({
        %run_scoped3A = tpu.sem_alloc : memref<!tpu.dma_semaphore, #tpu.memory_space<semaphore_mem>>
        %dma_start3A_36 = arith.constant 9600 : i32
        %dma_start3A_37 = arith.constant 0 : i32
        %dma_start3A_38 = tpu.memref_slice %arg10[%dma_start3A_36, %dma_start3A_37] : memref<10000x16xf32, #tpu.memory_space<vmem_shared>> -> memref<400x16xf32, #tpu.memory_space<vmem_shared>>
        %dma_start3A_39 = arith.constant 9600 : i32
        %dma_start3A_40 = arith.constant 0 : i32
        %dma_start3A_41 = tpu.memref_slice %arg4[%dma_start3A_39, %dma_start3A_40] : memref<10000x16xf32, #tpu.memory_space<hbm>> -> memref<400x16xf32, #tpu.memory_space<hbm>>
        tpu.enqueue_dma source(%dma_start3A_41 : memref<400x16xf32, #tpu.memory_space<hbm>>) target(%dma_start3A_38 : memref<400x16xf32, #tpu.memory_space<vmem_shared>>) target_semaphore(%run_scoped3A : memref<!tpu.dma_semaphore, #tpu.memory_space<semaphore_mem>>)
        %dma_wait3A_42 = arith.constant 9600 : i32
        %dma_wait3A_43 = arith.constant 0 : i32
        %dma_wait3A_44 = tpu.memref_slice %arg10[%dma_wait3A_42, %dma_wait3A_43] : memref<10000x16xf32, #tpu.memory_space<vmem_shared>> -> memref<400x16xf32, #tpu.memory_space<vmem_shared>>
        %dma_wait3A_45 = arith.constant 9600 : i32
        %dma_wait3A_46 = arith.constant 0 : i32
        %dma_wait3A_47 = tpu.memref_slice %arg4[%dma_wait3A_45, %dma_wait3A_46] : memref<10000x16xf32, #tpu.memory_space<hbm>> -> memref<400x16xf32, #tpu.memory_space<hbm>>
        tpu.wait_dma2 semaphore(%run_scoped3A : memref<!tpu.dma_semaphore, #tpu.memory_space<semaphore_mem>>) src(%dma_wait3A_47 : memref<400x16xf32, #tpu.memory_space<hbm>>) dst(%dma_wait3A_44 : memref<400x16xf32, #tpu.memory_space<vmem_shared>>)
        tpu.yield
      }) : () -> ()
    } else {
    }
    %dma_start3A = tpu.memref_slice %arg3[%mul3A_2] : memref<320000xi32, #tpu.memory_space<hbm>> -> memref<80xi32, #tpu.memory_space<hbm>>
    %dma_start3A_9 = tpu.memref_slice %arg3[%mul3A_2] : memref<320000xi32, #tpu.memory_space<hbm>> -> memref<80xi32, #tpu.memory_space<hbm>>
    tpu.enqueue_dma source(%dma_start3A_9 : memref<80xi32, #tpu.memory_space<hbm>>) target(%arg6 : memref<80xi32, #tpu.memory_space<vmem>>) target_semaphore(%arg11 : memref<!tpu.dma_semaphore, #tpu.memory_space<semaphore_mem>>)
    %dma_start3A_10 = arith.constant 0 : i32
    %dma_start3A_11 = tpu.memref_slice %arg2[%mul3A_2, %dma_start3A_10] : memref<320000x16xf32, #tpu.memory_space<hbm>> -> memref<80x16xf32, #tpu.memory_space<hbm>>
    %dma_start3A_12 = arith.constant 0 : i32
    %dma_start3A_13 = tpu.memref_slice %arg2[%mul3A_2, %dma_start3A_12] : memref<320000x16xf32, #tpu.memory_space<hbm>> -> memref<80x16xf32, #tpu.memory_space<hbm>>
    tpu.enqueue_dma source(%dma_start3A_13 : memref<80x16xf32, #tpu.memory_space<hbm>>) target(%arg8 : memref<80x16xf32, #tpu.memory_space<vmem>>) target_semaphore(%arg13 : memref<!tpu.dma_semaphore, #tpu.memory_space<semaphore_mem>>)
    %barrier3A = arith.constant 0 : index
    tpu.barrier barrier_id(%barrier3A)
    %scan3A = arith.constant 0 : i32
    %scan3A_14 = arith.constant 62 : i32
    %scan3A_15 = arith.addi %scan3A, %scan3A_14 : i32
    %scan3A_16 = arith.constant 1 : i32
    scf.for %scan3A_36 = %scan3A to %scan3A_15 step %scan3A_16  : i32 {
      %mul3A_37 = arith.constant 1 : i32
      %mul3A_38 = arith.muli %scan3A_36, %mul3A_37 : i32
      %add3A_39 = arith.constant 0 : i32
      %add3A_40 = arith.addi %add3A_39, %mul3A_38 : i32
      %mul3A_41 = arith.constant 2 : i32
      %mul3A_42 = arith.muli %mul3A_41, %add3A_40 : i32
      %mul3A_43 = arith.constant 80 : i32
      %mul3A_44 = arith.muli %mul3A_42, %mul3A_43 : i32
      %add3A_45 = arith.addi %mul3A_2, %mul3A_44 : i32
      %add3A_46 = arith.constant 1 : i32
      %add3A_47 = arith.addi %mul3A_42, %add3A_46 : i32
      %mul3A_48 = arith.constant 80 : i32
      %mul3A_49 = arith.muli %add3A_47, %mul3A_48 : i32
      %add3A_50 = arith.addi %mul3A_2, %mul3A_49 : i32
      %dma_wait3A_51 = tpu.memref_slice %arg3[%add3A_45] : memref<320000xi32, #tpu.memory_space<hbm>> -> memref<80xi32, #tpu.memory_space<hbm>>
      %dma_wait3A_52 = tpu.memref_slice %arg3[%add3A_45] : memref<320000xi32, #tpu.memory_space<hbm>> -> memref<80xi32, #tpu.memory_space<hbm>>
      tpu.wait_dma2 semaphore(%arg11 : memref<!tpu.dma_semaphore, #tpu.memory_space<semaphore_mem>>) src(%dma_wait3A_52 : memref<80xi32, #tpu.memory_space<hbm>>) dst(%arg6 : memref<80xi32, #tpu.memory_space<vmem>>)
      %dma_wait3A_53 = arith.constant 0 : i32
      %dma_wait3A_54 = tpu.memref_slice %arg2[%add3A_45, %dma_wait3A_53] : memref<320000x16xf32, #tpu.memory_space<hbm>> -> memref<80x16xf32, #tpu.memory_space<hbm>>
      %dma_wait3A_55 = arith.constant 0 : i32
      %dma_wait3A_56 = tpu.memref_slice %arg2[%add3A_45, %dma_wait3A_55] : memref<320000x16xf32, #tpu.memory_space<hbm>> -> memref<80x16xf32, #tpu.memory_space<hbm>>
      tpu.wait_dma2 semaphore(%arg13 : memref<!tpu.dma_semaphore, #tpu.memory_space<semaphore_mem>>) src(%dma_wait3A_56 : memref<80x16xf32, #tpu.memory_space<hbm>>) dst(%arg8 : memref<80x16xf32, #tpu.memory_space<vmem>>)
      %dma_start3A_57 = tpu.memref_slice %arg3[%add3A_50] : memref<320000xi32, #tpu.memory_space<hbm>> -> memref<80xi32, #tpu.memory_space<hbm>>
      %dma_start3A_58 = tpu.memref_slice %arg3[%add3A_50] : memref<320000xi32, #tpu.memory_space<hbm>> -> memref<80xi32, #tpu.memory_space<hbm>>
      tpu.enqueue_dma source(%dma_start3A_58 : memref<80xi32, #tpu.memory_space<hbm>>) target(%arg7 : memref<80xi32, #tpu.memory_space<vmem>>) target_semaphore(%arg12 : memref<!tpu.dma_semaphore, #tpu.memory_space<semaphore_mem>>)
      %dma_start3A_59 = arith.constant 0 : i32
      %dma_start3A_60 = tpu.memref_slice %arg2[%add3A_50, %dma_start3A_59] : memref<320000x16xf32, #tpu.memory_space<hbm>> -> memref<80x16xf32, #tpu.memory_space<hbm>>
      %dma_start3A_61 = arith.constant 0 : i32
      %dma_start3A_62 = tpu.memref_slice %arg2[%add3A_50, %dma_start3A_61] : memref<320000x16xf32, #tpu.memory_space<hbm>> -> memref<80x16xf32, #tpu.memory_space<hbm>>
      tpu.enqueue_dma source(%dma_start3A_62 : memref<80x16xf32, #tpu.memory_space<hbm>>) target(%arg9 : memref<80x16xf32, #tpu.memory_space<vmem>>) target_semaphore(%arg14 : memref<!tpu.dma_semaphore, #tpu.memory_space<semaphore_mem>>)
      "tpu.region"() ({
        %run_scoped3A = tpu.sem_alloc : memref<!tpu.dma_semaphore, #tpu.memory_space<semaphore_mem>>
        %dma_start3A_76 = arith.constant 0 : i32
        %dma_start3A_77 = arith.constant 0 : i32
        %dma_start3A_78 = tpu.memref_slice %arg10[%dma_start3A_76, %dma_start3A_77] : memref<10000x16xf32, #tpu.memory_space<vmem_shared>> -> memref<10000x16xf32, #tpu.memory_space<vmem_shared>>
        tpu.enqueue_indirect_dma source(%arg8 : memref<80x16xf32, #tpu.memory_space<vmem>>) target(%dma_start3A_78 : memref<10000x16xf32, #tpu.memory_space<vmem_shared>>) offsets(%arg6 : memref<80xi32, #tpu.memory_space<vmem>>) semaphore(%run_scoped3A : memref<!tpu.dma_semaphore, #tpu.memory_space<semaphore_mem>>) {add = true}
        %dma_wait3A_79 = arith.constant 0 : i32
        %dma_wait3A_80 = arith.constant 0 : i32
        %dma_wait3A_81 = tpu.memref_slice %arg10[%dma_wait3A_79, %dma_wait3A_80] : memref<10000x16xf32, #tpu.memory_space<vmem_shared>> -> memref<10000x16xf32, #tpu.memory_space<vmem_shared>>
        tpu.wait_indirect_dma semaphore(%run_scoped3A : memref<!tpu.dma_semaphore, #tpu.memory_space<semaphore_mem>>) src(%arg8 : memref<80x16xf32, #tpu.memory_space<vmem>>) dst(%dma_wait3A_81 : memref<10000x16xf32, #tpu.memory_space<vmem_shared>>)
        tpu.yield
      }) : () -> ()
      %dma_wait3A_63 = tpu.memref_slice %arg3[%add3A_50] : memref<320000xi32, #tpu.memory_space<hbm>> -> memref<80xi32, #tpu.memory_space<hbm>>
      %dma_wait3A_64 = tpu.memref_slice %arg3[%add3A_50] : memref<320000xi32, #tpu.memory_space<hbm>> -> memref<80xi32, #tpu.memory_space<hbm>>
      tpu.wait_dma2 semaphore(%arg12 : memref<!tpu.dma_semaphore, #tpu.memory_space<semaphore_mem>>) src(%dma_wait3A_64 : memref<80xi32, #tpu.memory_space<hbm>>) dst(%arg7 : memref<80xi32, #tpu.memory_space<vmem>>)
      %dma_wait3A_65 = arith.constant 0 : i32
      %dma_wait3A_66 = tpu.memref_slice %arg2[%add3A_50, %dma_wait3A_65] : memref<320000x16xf32, #tpu.memory_space<hbm>> -> memref<80x16xf32, #tpu.memory_space<hbm>>
      %dma_wait3A_67 = arith.constant 0 : i32
      %dma_wait3A_68 = tpu.memref_slice %arg2[%add3A_50, %dma_wait3A_67] : memref<320000x16xf32, #tpu.memory_space<hbm>> -> memref<80x16xf32, #tpu.memory_space<hbm>>
      tpu.wait_dma2 semaphore(%arg14 : memref<!tpu.dma_semaphore, #tpu.memory_space<semaphore_mem>>) src(%dma_wait3A_68 : memref<80x16xf32, #tpu.memory_space<hbm>>) dst(%arg9 : memref<80x16xf32, #tpu.memory_space<vmem>>)
      %add3A_69 = arith.constant 2 : i32
      %add3A_70 = arith.addi %mul3A_42, %add3A_69 : i32
      %lt3A_71 = arith.constant 125 : i32
      %lt3A_72 = arith.cmpi slt, %add3A_70, %lt3A_71 : i32
      %convert_element_type3A_73 = arith.extui %lt3A_72 : i1 to i32
      %cond3A_74 = arith.constant 0 : i32
      %cond3A_75 = arith.cmpi ne, %convert_element_type3A_73, %cond3A_74 : i32
      scf.if %cond3A_75 {
        %add3A_76 = arith.constant 2 : i32
        %add3A_77 = arith.addi %mul3A_42, %add3A_76 : i32
        %mul3A_78 = arith.constant 80 : i32
        %mul3A_79 = arith.muli %add3A_77, %mul3A_78 : i32
        %add3A_80 = arith.addi %mul3A_2, %mul3A_79 : i32
        %dma_start3A_81 = tpu.memref_slice %arg3[%add3A_80] : memref<320000xi32, #tpu.memory_space<hbm>> -> memref<80xi32, #tpu.memory_space<hbm>>
        %dma_start3A_82 = tpu.memref_slice %arg3[%add3A_80] : memref<320000xi32, #tpu.memory_space<hbm>> -> memref<80xi32, #tpu.memory_space<hbm>>
        tpu.enqueue_dma source(%dma_start3A_82 : memref<80xi32, #tpu.memory_space<hbm>>) target(%arg6 : memref<80xi32, #tpu.memory_space<vmem>>) target_semaphore(%arg11 : memref<!tpu.dma_semaphore, #tpu.memory_space<semaphore_mem>>)
        %dma_start3A_83 = arith.constant 0 : i32
        %dma_start3A_84 = tpu.memref_slice %arg2[%add3A_80, %dma_start3A_83] : memref<320000x16xf32, #tpu.memory_space<hbm>> -> memref<80x16xf32, #tpu.memory_space<hbm>>
        %dma_start3A_85 = arith.constant 0 : i32
        %dma_start3A_86 = tpu.memref_slice %arg2[%add3A_80, %dma_start3A_85] : memref<320000x16xf32, #tpu.memory_space<hbm>> -> memref<80x16xf32, #tpu.memory_space<hbm>>
        tpu.enqueue_dma source(%dma_start3A_86 : memref<80x16xf32, #tpu.memory_space<hbm>>) target(%arg8 : memref<80x16xf32, #tpu.memory_space<vmem>>) target_semaphore(%arg13 : memref<!tpu.dma_semaphore, #tpu.memory_space<semaphore_mem>>)
      } else {
      }
      "tpu.region"() ({
        %run_scoped3A = tpu.sem_alloc : memref<!tpu.dma_semaphore, #tpu.memory_space<semaphore_mem>>
        %dma_start3A_76 = arith.constant 0 : i32
        %dma_start3A_77 = arith.constant 0 : i32
        %dma_start3A_78 = tpu.memref_slice %arg10[%dma_start3A_76, %dma_start3A_77] : memref<10000x16xf32, #tpu.memory_space<vmem_shared>> -> memref<10000x16xf32, #tpu.memory_space<vmem_shared>>
        tpu.enqueue_indirect_dma source(%arg9 : memref<80x16xf32, #tpu.memory_space<vmem>>) target(%dma_start3A_78 : memref<10000x16xf32, #tpu.memory_space<vmem_shared>>) offsets(%arg7 : memref<80xi32, #tpu.memory_space<vmem>>) semaphore(%run_scoped3A : memref<!tpu.dma_semaphore, #tpu.memory_space<semaphore_mem>>) {add = true}
        %dma_wait3A_79 = arith.constant 0 : i32
        %dma_wait3A_80 = arith.constant 0 : i32
        %dma_wait3A_81 = tpu.memref_slice %arg10[%dma_wait3A_79, %dma_wait3A_80] : memref<10000x16xf32, #tpu.memory_space<vmem_shared>> -> memref<10000x16xf32, #tpu.memory_space<vmem_shared>>
        tpu.wait_indirect_dma semaphore(%run_scoped3A : memref<!tpu.dma_semaphore, #tpu.memory_space<semaphore_mem>>) src(%arg9 : memref<80x16xf32, #tpu.memory_space<vmem>>) dst(%dma_wait3A_81 : memref<10000x16xf32, #tpu.memory_space<vmem_shared>>)
        tpu.yield
      }) : () -> ()
    }
    %scan3A_17 = arith.constant 62 : i32
    %add3A_18 = arith.constant 9920 : i32
    %add3A_19 = arith.addi %mul3A_2, %add3A_18 : i32
    %dma_wait3A = tpu.memref_slice %arg3[%add3A_19] : memref<320000xi32, #tpu.memory_space<hbm>> -> memref<80xi32, #tpu.memory_space<hbm>>
    %dma_wait3A_20 = tpu.memref_slice %arg3[%add3A_19] : memref<320000xi32, #tpu.memory_space<hbm>> -> memref<80xi32, #tpu.memory_space<hbm>>
    tpu.wait_dma2 semaphore(%arg11 : memref<!tpu.dma_semaphore, #tpu.memory_space<semaphore_mem>>) src(%dma_wait3A_20 : memref<80xi32, #tpu.memory_space<hbm>>) dst(%arg6 : memref<80xi32, #tpu.memory_space<vmem>>)
    %dma_wait3A_21 = arith.constant 0 : i32
    %dma_wait3A_22 = tpu.memref_slice %arg2[%add3A_19, %dma_wait3A_21] : memref<320000x16xf32, #tpu.memory_space<hbm>> -> memref<80x16xf32, #tpu.memory_space<hbm>>
    %dma_wait3A_23 = arith.constant 0 : i32
    %dma_wait3A_24 = tpu.memref_slice %arg2[%add3A_19, %dma_wait3A_23] : memref<320000x16xf32, #tpu.memory_space<hbm>> -> memref<80x16xf32, #tpu.memory_space<hbm>>
    tpu.wait_dma2 semaphore(%arg13 : memref<!tpu.dma_semaphore, #tpu.memory_space<semaphore_mem>>) src(%dma_wait3A_24 : memref<80x16xf32, #tpu.memory_space<hbm>>) dst(%arg8 : memref<80x16xf32, #tpu.memory_space<vmem>>)
    "tpu.region"() ({
      %run_scoped3A = tpu.sem_alloc : memref<!tpu.dma_semaphore, #tpu.memory_space<semaphore_mem>>
      %dma_start3A_36 = arith.constant 0 : i32
      %dma_start3A_37 = arith.constant 0 : i32
      %dma_start3A_38 = tpu.memref_slice %arg10[%dma_start3A_36, %dma_start3A_37] : memref<10000x16xf32, #tpu.memory_space<vmem_shared>> -> memref<10000x16xf32, #tpu.memory_space<vmem_shared>>
      tpu.enqueue_indirect_dma source(%arg8 : memref<80x16xf32, #tpu.memory_space<vmem>>) target(%dma_start3A_38 : memref<10000x16xf32, #tpu.memory_space<vmem_shared>>) offsets(%arg6 : memref<80xi32, #tpu.memory_space<vmem>>) semaphore(%run_scoped3A : memref<!tpu.dma_semaphore, #tpu.memory_space<semaphore_mem>>) {add = true}
      %dma_wait3A_39 = arith.constant 0 : i32
      %dma_wait3A_40 = arith.constant 0 : i32
      %dma_wait3A_41 = tpu.memref_slice %arg10[%dma_wait3A_39, %dma_wait3A_40] : memref<10000x16xf32, #tpu.memory_space<vmem_shared>> -> memref<10000x16xf32, #tpu.memory_space<vmem_shared>>
      tpu.wait_indirect_dma semaphore(%run_scoped3A : memref<!tpu.dma_semaphore, #tpu.memory_space<semaphore_mem>>) src(%arg8 : memref<80x16xf32, #tpu.memory_space<vmem>>) dst(%dma_wait3A_41 : memref<10000x16xf32, #tpu.memory_space<vmem_shared>>)
      tpu.yield
    }) : () -> ()
    %barrier3A_25 = arith.constant 0 : index
    tpu.barrier barrier_id(%barrier3A_25)
    %lt3A_26 = arith.constant 15 : i32
    %lt3A_27 = arith.cmpi slt, %arg1, %lt3A_26 : i32
    %convert_element_type3A_28 = arith.extui %lt3A_27 : i1 to i32
    %cond3A_29 = arith.constant 0 : i32
    %cond3A_30 = arith.cmpi ne, %convert_element_type3A_28, %cond3A_29 : i32
    scf.if %cond3A_30 {
      %mul3A_36 = arith.constant 640 : i32
      %mul3A_37 = arith.muli %arg1, %mul3A_36 : i32
      %mul3A_38 = arith.constant 640 : i32
      %mul3A_39 = arith.muli %arg1, %mul3A_38 : i32
      "tpu.region"() ({
        %run_scoped3A = tpu.sem_alloc : memref<!tpu.dma_semaphore, #tpu.memory_space<semaphore_mem>>
        %dma_start3A_40 = arith.constant 0 : i32
        %dma_start3A_41 = tpu.memref_slice %arg5[%arg0, %mul3A_39, %dma_start3A_40] : memref<2x10000x16xf32, #tpu.memory_space<hbm>> -> memref<1x640x16xf32, #tpu.memory_space<hbm>>
        %dma_start3A_42 = tpu.memref_squeeze %dma_start3A_41 : memref<1x640x16xf32, #tpu.memory_space<hbm>> -> memref<640x16xf32, #tpu.memory_space<hbm>>
        %dma_start3A_43 = arith.constant 0 : i32
        %dma_start3A_44 = tpu.memref_slice %arg10[%mul3A_37, %dma_start3A_43] : memref<10000x16xf32, #tpu.memory_space<vmem_shared>> -> memref<640x16xf32, #tpu.memory_space<vmem_shared>>
        tpu.enqueue_dma source(%dma_start3A_44 : memref<640x16xf32, #tpu.memory_space<vmem_shared>>) target(%dma_start3A_42 : memref<640x16xf32, #tpu.memory_space<hbm>>) target_semaphore(%run_scoped3A : memref<!tpu.dma_semaphore, #tpu.memory_space<semaphore_mem>>)
        %dma_wait3A_45 = arith.constant 0 : i32
        %dma_wait3A_46 = tpu.memref_slice %arg5[%arg0, %mul3A_39, %dma_wait3A_45] : memref<2x10000x16xf32, #tpu.memory_space<hbm>> -> memref<1x640x16xf32, #tpu.memory_space<hbm>>
        %dma_wait3A_47 = tpu.memref_squeeze %dma_wait3A_46 : memref<1x640x16xf32, #tpu.memory_space<hbm>> -> memref<640x16xf32, #tpu.memory_space<hbm>>
        %dma_wait3A_48 = arith.constant 0 : i32
        %dma_wait3A_49 = tpu.memref_slice %arg10[%mul3A_37, %dma_wait3A_48] : memref<10000x16xf32, #tpu.memory_space<vmem_shared>> -> memref<640x16xf32, #tpu.memory_space<vmem_shared>>
        tpu.wait_dma2 semaphore(%run_scoped3A : memref<!tpu.dma_semaphore, #tpu.memory_space<semaphore_mem>>) src(%dma_wait3A_49 : memref<640x16xf32, #tpu.memory_space<vmem_shared>>) dst(%dma_wait3A_47 : memref<640x16xf32, #tpu.memory_space<hbm>>)
        tpu.yield
      }) : () -> ()
    } else {
    }
    %eq3A_31 = arith.constant 15 : i32
    %eq3A_32 = arith.cmpi eq, %arg1, %eq3A_31 : i32
    %convert_element_type3A_33 = arith.extui %eq3A_32 : i1 to i32
    %cond3A_34 = arith.constant 0 : i32
    %cond3A_35 = arith.cmpi ne, %convert_element_type3A_33, %cond3A_34 : i32
    scf.if %cond3A_35 {
      "tpu.region"() ({
        %run_scoped3A = tpu.sem_alloc : memref<!tpu.dma_semaphore, #tpu.memory_space<semaphore_mem>>
        %dma_start3A_36 = arith.constant 9600 : i32
        %dma_start3A_37 = arith.constant 0 : i32
        %dma_start3A_38 = tpu.memref_slice %arg5[%arg0, %dma_start3A_36, %dma_start3A_37] : memref<2x10000x16xf32, #tpu.memory_space<hbm>> -> memref<1x400x16xf32, #tpu.memory_space<hbm>>
        %dma_start3A_39 = tpu.memref_squeeze %dma_start3A_38 : memref<1x400x16xf32, #tpu.memory_space<hbm>> -> memref<400x16xf32, #tpu.memory_space<hbm>>
        %dma_start3A_40 = arith.constant 9600 : i32
        %dma_start3A_41 = arith.constant 0 : i32
        %dma_start3A_42 = tpu.memref_slice %arg10[%dma_start3A_40, %dma_start3A_41] : memref<10000x16xf32, #tpu.memory_space<vmem_shared>> -> memref<400x16xf32, #tpu.memory_space<vmem_shared>>
        tpu.enqueue_dma source(%dma_start3A_42 : memref<400x16xf32, #tpu.memory_space<vmem_shared>>) target(%dma_start3A_39 : memref<400x16xf32, #tpu.memory_space<hbm>>) target_semaphore(%run_scoped3A : memref<!tpu.dma_semaphore, #tpu.memory_space<semaphore_mem>>)
        %dma_wait3A_43 = arith.constant 9600 : i32
        %dma_wait3A_44 = arith.constant 0 : i32
        %dma_wait3A_45 = tpu.memref_slice %arg5[%arg0, %dma_wait3A_43, %dma_wait3A_44] : memref<2x10000x16xf32, #tpu.memory_space<hbm>> -> memref<1x400x16xf32, #tpu.memory_space<hbm>>
        %dma_wait3A_46 = tpu.memref_squeeze %dma_wait3A_45 : memref<1x400x16xf32, #tpu.memory_space<hbm>> -> memref<400x16xf32, #tpu.memory_space<hbm>>
        %dma_wait3A_47 = arith.constant 9600 : i32
        %dma_wait3A_48 = arith.constant 0 : i32
        %dma_wait3A_49 = tpu.memref_slice %arg10[%dma_wait3A_47, %dma_wait3A_48] : memref<10000x16xf32, #tpu.memory_space<vmem_shared>> -> memref<400x16xf32, #tpu.memory_space<vmem_shared>>
        tpu.wait_dma2 semaphore(%run_scoped3A : memref<!tpu.dma_semaphore, #tpu.memory_space<semaphore_mem>>) src(%dma_wait3A_49 : memref<400x16xf32, #tpu.memory_space<vmem_shared>>) dst(%dma_wait3A_46 : memref<400x16xf32, #tpu.memory_space<hbm>>)
        tpu.yield
      }) : () -> ()
    } else {
    }
    return
  }
}

#map = affine_map<(d0, d1) -> (0, 0)>
#map1 = affine_map<(d0, d1) -> (0, 0, 0)>
module attributes {stable_mosaic.version = 14 : i64} {
  func.func @k(%arg0: i32, %arg1: i32, %arg2: memref<10000x128xf32, #tpu.memory_space<hbm>>, %arg3: memref<32x250x80xi32, #tpu.memory_space<hbm>>, %arg4: memref<640000x128xf32, #tpu.memory_space<hbm>>, %arg5: memref<250x80xi32, #tpu.memory_space<vmem>>, %arg6: memref<80x128xf32, #tpu.memory_space<vmem>>, %arg7: memref<80x128xf32, #tpu.memory_space<vmem>>, %arg8: memref<!tpu.dma_semaphore, #tpu.memory_space<semaphore_mem>>, %arg9: memref<!tpu.dma_semaphore, #tpu.memory_space<semaphore_mem>>) attributes {dimension_semantics = [#tpu.dimension_semantics<core_parallel>, #tpu.dimension_semantics<subcore_parallel>], iteration_bounds = array<i64: 2, 16>, scalar_prefetch = 0 : i64, scratch_operands = 5 : i64, tpu.core_type = #tpu.core_type<sc_vector_subcore>, window_params = [{transform_indices = #map}, {transform_indices = #map1}, {transform_indices = #map}]} {
    %mul3A = arith.constant 2 : i32
    %mul3A_0 = arith.muli %arg1, %mul3A : i32
    %add3A = arith.addi %mul3A_0, %arg0 : i32
    %mul3A_1 = arith.constant 20000 : i32
    %mul3A_2 = arith.muli %add3A, %mul3A_1 : i32
    "tpu.region"() ({
      %run_scoped3A = tpu.sem_alloc : memref<!tpu.dma_semaphore, #tpu.memory_space<semaphore_mem>>
      %dma_start3A_13 = arith.constant 0 : i32
      %dma_start3A_14 = arith.constant 0 : i32
      %dma_start3A_15 = tpu.memref_slice %arg3[%add3A, %dma_start3A_13, %dma_start3A_14] : memref<32x250x80xi32, #tpu.memory_space<hbm>> -> memref<1x250x80xi32, #tpu.memory_space<hbm>>
      %dma_start3A_16 = tpu.memref_squeeze %dma_start3A_15 : memref<1x250x80xi32, #tpu.memory_space<hbm>> -> memref<250x80xi32, #tpu.memory_space<hbm>>
      %dma_start3A_17 = arith.constant 0 : i32
      %dma_start3A_18 = arith.constant 0 : i32
      %dma_start3A_19 = tpu.memref_slice %arg3[%add3A, %dma_start3A_17, %dma_start3A_18] : memref<32x250x80xi32, #tpu.memory_space<hbm>> -> memref<1x250x80xi32, #tpu.memory_space<hbm>>
      %dma_start3A_20 = tpu.memref_squeeze %dma_start3A_19 : memref<1x250x80xi32, #tpu.memory_space<hbm>> -> memref<250x80xi32, #tpu.memory_space<hbm>>
      tpu.enqueue_dma source(%dma_start3A_20 : memref<250x80xi32, #tpu.memory_space<hbm>>) target(%arg5 : memref<250x80xi32, #tpu.memory_space<vmem>>) target_semaphore(%run_scoped3A : memref<!tpu.dma_semaphore, #tpu.memory_space<semaphore_mem>>)
      %dma_wait3A = arith.constant 0 : i32
      %dma_wait3A_21 = arith.constant 0 : i32
      %dma_wait3A_22 = tpu.memref_slice %arg3[%add3A, %dma_wait3A, %dma_wait3A_21] : memref<32x250x80xi32, #tpu.memory_space<hbm>> -> memref<1x250x80xi32, #tpu.memory_space<hbm>>
      %dma_wait3A_23 = tpu.memref_squeeze %dma_wait3A_22 : memref<1x250x80xi32, #tpu.memory_space<hbm>> -> memref<250x80xi32, #tpu.memory_space<hbm>>
      %dma_wait3A_24 = arith.constant 0 : i32
      %dma_wait3A_25 = arith.constant 0 : i32
      %dma_wait3A_26 = tpu.memref_slice %arg3[%add3A, %dma_wait3A_24, %dma_wait3A_25] : memref<32x250x80xi32, #tpu.memory_space<hbm>> -> memref<1x250x80xi32, #tpu.memory_space<hbm>>
      %dma_wait3A_27 = tpu.memref_squeeze %dma_wait3A_26 : memref<1x250x80xi32, #tpu.memory_space<hbm>> -> memref<250x80xi32, #tpu.memory_space<hbm>>
      tpu.wait_dma2 semaphore(%run_scoped3A : memref<!tpu.dma_semaphore, #tpu.memory_space<semaphore_mem>>) src(%dma_wait3A_27 : memref<250x80xi32, #tpu.memory_space<hbm>>) dst(%arg5 : memref<250x80xi32, #tpu.memory_space<vmem>>)
      tpu.yield
    }) : () -> ()
    %dma_start3A = arith.constant 0 : i32
    %dma_start3A_3 = arith.constant 0 : i32
    %dma_start3A_4 = tpu.memref_slice %arg5[%dma_start3A, %dma_start3A_3] : memref<250x80xi32, #tpu.memory_space<vmem>> -> memref<1x80xi32, #tpu.memory_space<vmem>>
    %dma_start3A_5 = tpu.memref_squeeze %dma_start3A_4 : memref<1x80xi32, #tpu.memory_space<vmem>> -> memref<80xi32, #tpu.memory_space<vmem>>
    %dma_start3A_6 = arith.constant 0 : i32
    %dma_start3A_7 = arith.constant 0 : i32
    %dma_start3A_8 = tpu.memref_slice %arg2[%dma_start3A_6, %dma_start3A_7] : memref<10000x128xf32, #tpu.memory_space<hbm>> -> memref<10000x128xf32, #tpu.memory_space<hbm>>
    tpu.enqueue_indirect_dma source(%dma_start3A_8 : memref<10000x128xf32, #tpu.memory_space<hbm>>) target(%arg6 : memref<80x128xf32, #tpu.memory_space<vmem>>) offsets(%dma_start3A_5 : memref<80xi32, #tpu.memory_space<vmem>>) semaphore(%arg8 : memref<!tpu.dma_semaphore, #tpu.memory_space<semaphore_mem>>)
    %scan3A = arith.constant 0 : i32
    %scan3A_9 = arith.constant 125 : i32
    %scan3A_10 = arith.addi %scan3A, %scan3A_9 : i32
    %scan3A_11 = arith.constant 1 : i32
    scf.for %scan3A_13 = %scan3A to %scan3A_10 step %scan3A_11  : i32 {
      %mul3A_14 = arith.constant 1 : i32
      %mul3A_15 = arith.muli %scan3A_13, %mul3A_14 : i32
      %add3A_16 = arith.constant 0 : i32
      %add3A_17 = arith.addi %add3A_16, %mul3A_15 : i32
      %mul3A_18 = arith.constant 2 : i32
      %mul3A_19 = arith.muli %mul3A_18, %add3A_17 : i32
      %dma_wait3A = arith.constant 0 : i32
      %dma_wait3A_20 = tpu.memref_slice %arg5[%mul3A_19, %dma_wait3A] : memref<250x80xi32, #tpu.memory_space<vmem>> -> memref<1x80xi32, #tpu.memory_space<vmem>>
      %dma_wait3A_21 = tpu.memref_squeeze %dma_wait3A_20 : memref<1x80xi32, #tpu.memory_space<vmem>> -> memref<80xi32, #tpu.memory_space<vmem>>
      %dma_wait3A_22 = arith.constant 0 : i32
      %dma_wait3A_23 = arith.constant 0 : i32
      %dma_wait3A_24 = tpu.memref_slice %arg2[%dma_wait3A_22, %dma_wait3A_23] : memref<10000x128xf32, #tpu.memory_space<hbm>> -> memref<10000x128xf32, #tpu.memory_space<hbm>>
      tpu.wait_indirect_dma semaphore(%arg8 : memref<!tpu.dma_semaphore, #tpu.memory_space<semaphore_mem>>) src(%dma_wait3A_24 : memref<10000x128xf32, #tpu.memory_space<hbm>>) dst(%arg6 : memref<80x128xf32, #tpu.memory_space<vmem>>)
      %add3A_25 = arith.constant 1 : i32
      %add3A_26 = arith.addi %mul3A_19, %add3A_25 : i32
      %dma_start3A_27 = arith.constant 0 : i32
      %dma_start3A_28 = tpu.memref_slice %arg5[%add3A_26, %dma_start3A_27] : memref<250x80xi32, #tpu.memory_space<vmem>> -> memref<1x80xi32, #tpu.memory_space<vmem>>
      %dma_start3A_29 = tpu.memref_squeeze %dma_start3A_28 : memref<1x80xi32, #tpu.memory_space<vmem>> -> memref<80xi32, #tpu.memory_space<vmem>>
      %dma_start3A_30 = arith.constant 0 : i32
      %dma_start3A_31 = arith.constant 0 : i32
      %dma_start3A_32 = tpu.memref_slice %arg2[%dma_start3A_30, %dma_start3A_31] : memref<10000x128xf32, #tpu.memory_space<hbm>> -> memref<10000x128xf32, #tpu.memory_space<hbm>>
      tpu.enqueue_indirect_dma source(%dma_start3A_32 : memref<10000x128xf32, #tpu.memory_space<hbm>>) target(%arg7 : memref<80x128xf32, #tpu.memory_space<vmem>>) offsets(%dma_start3A_29 : memref<80xi32, #tpu.memory_space<vmem>>) semaphore(%arg9 : memref<!tpu.dma_semaphore, #tpu.memory_space<semaphore_mem>>)
      %mul3A_33 = arith.constant 80 : i32
      %mul3A_34 = arith.muli %mul3A_19, %mul3A_33 : i32
      %add3A_35 = arith.addi %mul3A_2, %mul3A_34 : i32
      "tpu.region"() ({
        %run_scoped3A = tpu.sem_alloc : memref<!tpu.dma_semaphore, #tpu.memory_space<semaphore_mem>>
        %dma_start3A_53 = arith.constant 0 : i32
        %dma_start3A_54 = tpu.memref_slice %arg4[%add3A_35, %dma_start3A_53] : memref<640000x128xf32, #tpu.memory_space<hbm>> -> memref<80x128xf32, #tpu.memory_space<hbm>>
        %dma_start3A_55 = arith.constant 0 : i32
        %dma_start3A_56 = tpu.memref_slice %arg4[%add3A_35, %dma_start3A_55] : memref<640000x128xf32, #tpu.memory_space<hbm>> -> memref<80x128xf32, #tpu.memory_space<hbm>>
        tpu.enqueue_dma source(%arg6 : memref<80x128xf32, #tpu.memory_space<vmem>>) target(%dma_start3A_56 : memref<80x128xf32, #tpu.memory_space<hbm>>) target_semaphore(%run_scoped3A : memref<!tpu.dma_semaphore, #tpu.memory_space<semaphore_mem>>)
        %dma_wait3A_57 = arith.constant 0 : i32
        %dma_wait3A_58 = tpu.memref_slice %arg4[%add3A_35, %dma_wait3A_57] : memref<640000x128xf32, #tpu.memory_space<hbm>> -> memref<80x128xf32, #tpu.memory_space<hbm>>
        %dma_wait3A_59 = arith.constant 0 : i32
        %dma_wait3A_60 = tpu.memref_slice %arg4[%add3A_35, %dma_wait3A_59] : memref<640000x128xf32, #tpu.memory_space<hbm>> -> memref<80x128xf32, #tpu.memory_space<hbm>>
        tpu.wait_dma2 semaphore(%run_scoped3A : memref<!tpu.dma_semaphore, #tpu.memory_space<semaphore_mem>>) src(%arg6 : memref<80x128xf32, #tpu.memory_space<vmem>>) dst(%dma_wait3A_60 : memref<80x128xf32, #tpu.memory_space<hbm>>)
        tpu.yield
      }) : () -> ()
      %add3A_36 = arith.constant 1 : i32
      %add3A_37 = arith.addi %mul3A_19, %add3A_36 : i32
      %dma_wait3A_38 = arith.constant 0 : i32
      %dma_wait3A_39 = tpu.memref_slice %arg5[%add3A_37, %dma_wait3A_38] : memref<250x80xi32, #tpu.memory_space<vmem>> -> memref<1x80xi32, #tpu.memory_space<vmem>>
      %dma_wait3A_40 = tpu.memref_squeeze %dma_wait3A_39 : memref<1x80xi32, #tpu.memory_space<vmem>> -> memref<80xi32, #tpu.memory_space<vmem>>
      %dma_wait3A_41 = arith.constant 0 : i32
      %dma_wait3A_42 = arith.constant 0 : i32
      %dma_wait3A_43 = tpu.memref_slice %arg2[%dma_wait3A_41, %dma_wait3A_42] : memref<10000x128xf32, #tpu.memory_space<hbm>> -> memref<10000x128xf32, #tpu.memory_space<hbm>>
      tpu.wait_indirect_dma semaphore(%arg9 : memref<!tpu.dma_semaphore, #tpu.memory_space<semaphore_mem>>) src(%dma_wait3A_43 : memref<10000x128xf32, #tpu.memory_space<hbm>>) dst(%arg7 : memref<80x128xf32, #tpu.memory_space<vmem>>)
      %add3A_44 = arith.constant 2 : i32
      %add3A_45 = arith.addi %mul3A_19, %add3A_44 : i32
      %lt3A = arith.constant 250 : i32
      %lt3A_46 = arith.cmpi slt, %add3A_45, %lt3A : i32
      %convert_element_type3A = arith.extui %lt3A_46 : i1 to i32
      %cond3A = arith.constant 0 : i32
      %cond3A_47 = arith.cmpi ne, %convert_element_type3A, %cond3A : i32
      scf.if %cond3A_47 {
        %add3A_53 = arith.constant 2 : i32
        %add3A_54 = arith.addi %mul3A_19, %add3A_53 : i32
        %dma_start3A_55 = arith.constant 0 : i32
        %dma_start3A_56 = tpu.memref_slice %arg5[%add3A_54, %dma_start3A_55] : memref<250x80xi32, #tpu.memory_space<vmem>> -> memref<1x80xi32, #tpu.memory_space<vmem>>
        %dma_start3A_57 = tpu.memref_squeeze %dma_start3A_56 : memref<1x80xi32, #tpu.memory_space<vmem>> -> memref<80xi32, #tpu.memory_space<vmem>>
        %dma_start3A_58 = arith.constant 0 : i32
        %dma_start3A_59 = arith.constant 0 : i32
        %dma_start3A_60 = tpu.memref_slice %arg2[%dma_start3A_58, %dma_start3A_59] : memref<10000x128xf32, #tpu.memory_space<hbm>> -> memref<10000x128xf32, #tpu.memory_space<hbm>>
        tpu.enqueue_indirect_dma source(%dma_start3A_60 : memref<10000x128xf32, #tpu.memory_space<hbm>>) target(%arg6 : memref<80x128xf32, #tpu.memory_space<vmem>>) offsets(%dma_start3A_57 : memref<80xi32, #tpu.memory_space<vmem>>) semaphore(%arg8 : memref<!tpu.dma_semaphore, #tpu.memory_space<semaphore_mem>>)
      } else {
      }
      %add3A_48 = arith.constant 1 : i32
      %add3A_49 = arith.addi %mul3A_19, %add3A_48 : i32
      %mul3A_50 = arith.constant 80 : i32
      %mul3A_51 = arith.muli %add3A_49, %mul3A_50 : i32
      %add3A_52 = arith.addi %mul3A_2, %mul3A_51 : i32
      "tpu.region"() ({
        %run_scoped3A = tpu.sem_alloc : memref<!tpu.dma_semaphore, #tpu.memory_space<semaphore_mem>>
        %dma_start3A_53 = arith.constant 0 : i32
        %dma_start3A_54 = tpu.memref_slice %arg4[%add3A_52, %dma_start3A_53] : memref<640000x128xf32, #tpu.memory_space<hbm>> -> memref<80x128xf32, #tpu.memory_space<hbm>>
        %dma_start3A_55 = arith.constant 0 : i32
        %dma_start3A_56 = tpu.memref_slice %arg4[%add3A_52, %dma_start3A_55] : memref<640000x128xf32, #tpu.memory_space<hbm>> -> memref<80x128xf32, #tpu.memory_space<hbm>>
        tpu.enqueue_dma source(%arg7 : memref<80x128xf32, #tpu.memory_space<vmem>>) target(%dma_start3A_56 : memref<80x128xf32, #tpu.memory_space<hbm>>) target_semaphore(%run_scoped3A : memref<!tpu.dma_semaphore, #tpu.memory_space<semaphore_mem>>)
        %dma_wait3A_57 = arith.constant 0 : i32
        %dma_wait3A_58 = tpu.memref_slice %arg4[%add3A_52, %dma_wait3A_57] : memref<640000x128xf32, #tpu.memory_space<hbm>> -> memref<80x128xf32, #tpu.memory_space<hbm>>
        %dma_wait3A_59 = arith.constant 0 : i32
        %dma_wait3A_60 = tpu.memref_slice %arg4[%add3A_52, %dma_wait3A_59] : memref<640000x128xf32, #tpu.memory_space<hbm>> -> memref<80x128xf32, #tpu.memory_space<hbm>>
        tpu.wait_dma2 semaphore(%run_scoped3A : memref<!tpu.dma_semaphore, #tpu.memory_space<semaphore_mem>>) src(%arg7 : memref<80x128xf32, #tpu.memory_space<vmem>>) dst(%dma_wait3A_60 : memref<80x128xf32, #tpu.memory_space<hbm>>)
        tpu.yield
      }) : () -> ()
    }
    %scan3A_12 = arith.constant 125 : i32
    return
  }
}

#map = affine_map<(d0, d1) -> (0, 0)>
#map1 = affine_map<(d0, d1) -> (0, 0, 0)>
module attributes {stable_mosaic.version = 14 : i64} {
  func.func @k(%arg0: i32, %arg1: i32, %arg2: memref<10000x256xf32, #tpu.memory_space<hbm>>, %arg3: memref<32x125x80xi32, #tpu.memory_space<hbm>>, %arg4: memref<320000x256xf32, #tpu.memory_space<hbm>>, %arg5: memref<125x80xi32, #tpu.memory_space<vmem>>, %arg6: memref<80x256xf32, #tpu.memory_space<vmem>>, %arg7: memref<80x256xf32, #tpu.memory_space<vmem>>, %arg8: memref<!tpu.dma_semaphore, #tpu.memory_space<semaphore_mem>>, %arg9: memref<!tpu.dma_semaphore, #tpu.memory_space<semaphore_mem>>) attributes {dimension_semantics = [#tpu.dimension_semantics<core_parallel>, #tpu.dimension_semantics<subcore_parallel>], iteration_bounds = array<i64: 2, 16>, scalar_prefetch = 0 : i64, scratch_operands = 5 : i64, tpu.core_type = #tpu.core_type<sc_vector_subcore>, window_params = [{transform_indices = #map}, {transform_indices = #map1}, {transform_indices = #map}]} {
    %mul3A = arith.constant 2 : i32
    %mul3A_0 = arith.muli %arg1, %mul3A : i32
    %add3A = arith.addi %mul3A_0, %arg0 : i32
    %mul3A_1 = arith.constant 10000 : i32
    %mul3A_2 = arith.muli %add3A, %mul3A_1 : i32
    "tpu.region"() ({
      %run_scoped3A = tpu.sem_alloc : memref<!tpu.dma_semaphore, #tpu.memory_space<semaphore_mem>>
      %dma_start3A_21 = arith.constant 0 : i32
      %dma_start3A_22 = arith.constant 0 : i32
      %dma_start3A_23 = tpu.memref_slice %arg3[%add3A, %dma_start3A_21, %dma_start3A_22] : memref<32x125x80xi32, #tpu.memory_space<hbm>> -> memref<1x125x80xi32, #tpu.memory_space<hbm>>
      %dma_start3A_24 = tpu.memref_squeeze %dma_start3A_23 : memref<1x125x80xi32, #tpu.memory_space<hbm>> -> memref<125x80xi32, #tpu.memory_space<hbm>>
      %dma_start3A_25 = arith.constant 0 : i32
      %dma_start3A_26 = arith.constant 0 : i32
      %dma_start3A_27 = tpu.memref_slice %arg3[%add3A, %dma_start3A_25, %dma_start3A_26] : memref<32x125x80xi32, #tpu.memory_space<hbm>> -> memref<1x125x80xi32, #tpu.memory_space<hbm>>
      %dma_start3A_28 = tpu.memref_squeeze %dma_start3A_27 : memref<1x125x80xi32, #tpu.memory_space<hbm>> -> memref<125x80xi32, #tpu.memory_space<hbm>>
      tpu.enqueue_dma source(%dma_start3A_28 : memref<125x80xi32, #tpu.memory_space<hbm>>) target(%arg5 : memref<125x80xi32, #tpu.memory_space<vmem>>) target_semaphore(%run_scoped3A : memref<!tpu.dma_semaphore, #tpu.memory_space<semaphore_mem>>)
      %dma_wait3A_29 = arith.constant 0 : i32
      %dma_wait3A_30 = arith.constant 0 : i32
      %dma_wait3A_31 = tpu.memref_slice %arg3[%add3A, %dma_wait3A_29, %dma_wait3A_30] : memref<32x125x80xi32, #tpu.memory_space<hbm>> -> memref<1x125x80xi32, #tpu.memory_space<hbm>>
      %dma_wait3A_32 = tpu.memref_squeeze %dma_wait3A_31 : memref<1x125x80xi32, #tpu.memory_space<hbm>> -> memref<125x80xi32, #tpu.memory_space<hbm>>
      %dma_wait3A_33 = arith.constant 0 : i32
      %dma_wait3A_34 = arith.constant 0 : i32
      %dma_wait3A_35 = tpu.memref_slice %arg3[%add3A, %dma_wait3A_33, %dma_wait3A_34] : memref<32x125x80xi32, #tpu.memory_space<hbm>> -> memref<1x125x80xi32, #tpu.memory_space<hbm>>
      %dma_wait3A_36 = tpu.memref_squeeze %dma_wait3A_35 : memref<1x125x80xi32, #tpu.memory_space<hbm>> -> memref<125x80xi32, #tpu.memory_space<hbm>>
      tpu.wait_dma2 semaphore(%run_scoped3A : memref<!tpu.dma_semaphore, #tpu.memory_space<semaphore_mem>>) src(%dma_wait3A_36 : memref<125x80xi32, #tpu.memory_space<hbm>>) dst(%arg5 : memref<125x80xi32, #tpu.memory_space<vmem>>)
      tpu.yield
    }) : () -> ()
    %dma_start3A = arith.constant 0 : i32
    %dma_start3A_3 = arith.constant 0 : i32
    %dma_start3A_4 = tpu.memref_slice %arg5[%dma_start3A, %dma_start3A_3] : memref<125x80xi32, #tpu.memory_space<vmem>> -> memref<1x80xi32, #tpu.memory_space<vmem>>
    %dma_start3A_5 = tpu.memref_squeeze %dma_start3A_4 : memref<1x80xi32, #tpu.memory_space<vmem>> -> memref<80xi32, #tpu.memory_space<vmem>>
    %dma_start3A_6 = arith.constant 0 : i32
    %dma_start3A_7 = arith.constant 0 : i32
    %dma_start3A_8 = tpu.memref_slice %arg2[%dma_start3A_6, %dma_start3A_7] : memref<10000x256xf32, #tpu.memory_space<hbm>> -> memref<10000x256xf32, #tpu.memory_space<hbm>>
    tpu.enqueue_indirect_dma source(%dma_start3A_8 : memref<10000x256xf32, #tpu.memory_space<hbm>>) target(%arg6 : memref<80x256xf32, #tpu.memory_space<vmem>>) offsets(%dma_start3A_5 : memref<80xi32, #tpu.memory_space<vmem>>) semaphore(%arg8 : memref<!tpu.dma_semaphore, #tpu.memory_space<semaphore_mem>>)
    %scan3A = arith.constant 0 : i32
    %scan3A_9 = arith.constant 62 : i32
    %scan3A_10 = arith.addi %scan3A, %scan3A_9 : i32
    %scan3A_11 = arith.constant 1 : i32
    scf.for %scan3A_21 = %scan3A to %scan3A_10 step %scan3A_11  : i32 {
      %mul3A_22 = arith.constant 1 : i32
      %mul3A_23 = arith.muli %scan3A_21, %mul3A_22 : i32
      %add3A_24 = arith.constant 0 : i32
      %add3A_25 = arith.addi %add3A_24, %mul3A_23 : i32
      %mul3A_26 = arith.constant 2 : i32
      %mul3A_27 = arith.muli %mul3A_26, %add3A_25 : i32
      %dma_wait3A_28 = arith.constant 0 : i32
      %dma_wait3A_29 = tpu.memref_slice %arg5[%mul3A_27, %dma_wait3A_28] : memref<125x80xi32, #tpu.memory_space<vmem>> -> memref<1x80xi32, #tpu.memory_space<vmem>>
      %dma_wait3A_30 = tpu.memref_squeeze %dma_wait3A_29 : memref<1x80xi32, #tpu.memory_space<vmem>> -> memref<80xi32, #tpu.memory_space<vmem>>
      %dma_wait3A_31 = arith.constant 0 : i32
      %dma_wait3A_32 = arith.constant 0 : i32
      %dma_wait3A_33 = tpu.memref_slice %arg2[%dma_wait3A_31, %dma_wait3A_32] : memref<10000x256xf32, #tpu.memory_space<hbm>> -> memref<10000x256xf32, #tpu.memory_space<hbm>>
      tpu.wait_indirect_dma semaphore(%arg8 : memref<!tpu.dma_semaphore, #tpu.memory_space<semaphore_mem>>) src(%dma_wait3A_33 : memref<10000x256xf32, #tpu.memory_space<hbm>>) dst(%arg6 : memref<80x256xf32, #tpu.memory_space<vmem>>)
      %add3A_34 = arith.constant 1 : i32
      %add3A_35 = arith.addi %mul3A_27, %add3A_34 : i32
      %dma_start3A_36 = arith.constant 0 : i32
      %dma_start3A_37 = tpu.memref_slice %arg5[%add3A_35, %dma_start3A_36] : memref<125x80xi32, #tpu.memory_space<vmem>> -> memref<1x80xi32, #tpu.memory_space<vmem>>
      %dma_start3A_38 = tpu.memref_squeeze %dma_start3A_37 : memref<1x80xi32, #tpu.memory_space<vmem>> -> memref<80xi32, #tpu.memory_space<vmem>>
      %dma_start3A_39 = arith.constant 0 : i32
      %dma_start3A_40 = arith.constant 0 : i32
      %dma_start3A_41 = tpu.memref_slice %arg2[%dma_start3A_39, %dma_start3A_40] : memref<10000x256xf32, #tpu.memory_space<hbm>> -> memref<10000x256xf32, #tpu.memory_space<hbm>>
      tpu.enqueue_indirect_dma source(%dma_start3A_41 : memref<10000x256xf32, #tpu.memory_space<hbm>>) target(%arg7 : memref<80x256xf32, #tpu.memory_space<vmem>>) offsets(%dma_start3A_38 : memref<80xi32, #tpu.memory_space<vmem>>) semaphore(%arg9 : memref<!tpu.dma_semaphore, #tpu.memory_space<semaphore_mem>>)
      %mul3A_42 = arith.constant 80 : i32
      %mul3A_43 = arith.muli %mul3A_27, %mul3A_42 : i32
      %add3A_44 = arith.addi %mul3A_2, %mul3A_43 : i32
      "tpu.region"() ({
        %run_scoped3A = tpu.sem_alloc : memref<!tpu.dma_semaphore, #tpu.memory_space<semaphore_mem>>
        %dma_start3A_62 = arith.constant 0 : i32
        %dma_start3A_63 = tpu.memref_slice %arg4[%add3A_44, %dma_start3A_62] : memref<320000x256xf32, #tpu.memory_space<hbm>> -> memref<80x256xf32, #tpu.memory_space<hbm>>
        %dma_start3A_64 = arith.constant 0 : i32
        %dma_start3A_65 = tpu.memref_slice %arg4[%add3A_44, %dma_start3A_64] : memref<320000x256xf32, #tpu.memory_space<hbm>> -> memref<80x256xf32, #tpu.memory_space<hbm>>
        tpu.enqueue_dma source(%arg6 : memref<80x256xf32, #tpu.memory_space<vmem>>) target(%dma_start3A_65 : memref<80x256xf32, #tpu.memory_space<hbm>>) target_semaphore(%run_scoped3A : memref<!tpu.dma_semaphore, #tpu.memory_space<semaphore_mem>>)
        %dma_wait3A_66 = arith.constant 0 : i32
        %dma_wait3A_67 = tpu.memref_slice %arg4[%add3A_44, %dma_wait3A_66] : memref<320000x256xf32, #tpu.memory_space<hbm>> -> memref<80x256xf32, #tpu.memory_space<hbm>>
        %dma_wait3A_68 = arith.constant 0 : i32
        %dma_wait3A_69 = tpu.memref_slice %arg4[%add3A_44, %dma_wait3A_68] : memref<320000x256xf32, #tpu.memory_space<hbm>> -> memref<80x256xf32, #tpu.memory_space<hbm>>
        tpu.wait_dma2 semaphore(%run_scoped3A : memref<!tpu.dma_semaphore, #tpu.memory_space<semaphore_mem>>) src(%arg6 : memref<80x256xf32, #tpu.memory_space<vmem>>) dst(%dma_wait3A_69 : memref<80x256xf32, #tpu.memory_space<hbm>>)
        tpu.yield
      }) : () -> ()
      %add3A_45 = arith.constant 1 : i32
      %add3A_46 = arith.addi %mul3A_27, %add3A_45 : i32
      %dma_wait3A_47 = arith.constant 0 : i32
      %dma_wait3A_48 = tpu.memref_slice %arg5[%add3A_46, %dma_wait3A_47] : memref<125x80xi32, #tpu.memory_space<vmem>> -> memref<1x80xi32, #tpu.memory_space<vmem>>
      %dma_wait3A_49 = tpu.memref_squeeze %dma_wait3A_48 : memref<1x80xi32, #tpu.memory_space<vmem>> -> memref<80xi32, #tpu.memory_space<vmem>>
      %dma_wait3A_50 = arith.constant 0 : i32
      %dma_wait3A_51 = arith.constant 0 : i32
      %dma_wait3A_52 = tpu.memref_slice %arg2[%dma_wait3A_50, %dma_wait3A_51] : memref<10000x256xf32, #tpu.memory_space<hbm>> -> memref<10000x256xf32, #tpu.memory_space<hbm>>
      tpu.wait_indirect_dma semaphore(%arg9 : memref<!tpu.dma_semaphore, #tpu.memory_space<semaphore_mem>>) src(%dma_wait3A_52 : memref<10000x256xf32, #tpu.memory_space<hbm>>) dst(%arg7 : memref<80x256xf32, #tpu.memory_space<vmem>>)
      %add3A_53 = arith.constant 2 : i32
      %add3A_54 = arith.addi %mul3A_27, %add3A_53 : i32
      %lt3A = arith.constant 125 : i32
      %lt3A_55 = arith.cmpi slt, %add3A_54, %lt3A : i32
      %convert_element_type3A = arith.extui %lt3A_55 : i1 to i32
      %cond3A = arith.constant 0 : i32
      %cond3A_56 = arith.cmpi ne, %convert_element_type3A, %cond3A : i32
      scf.if %cond3A_56 {
        %add3A_62 = arith.constant 2 : i32
        %add3A_63 = arith.addi %mul3A_27, %add3A_62 : i32
        %dma_start3A_64 = arith.constant 0 : i32
        %dma_start3A_65 = tpu.memref_slice %arg5[%add3A_63, %dma_start3A_64] : memref<125x80xi32, #tpu.memory_space<vmem>> -> memref<1x80xi32, #tpu.memory_space<vmem>>
        %dma_start3A_66 = tpu.memref_squeeze %dma_start3A_65 : memref<1x80xi32, #tpu.memory_space<vmem>> -> memref<80xi32, #tpu.memory_space<vmem>>
        %dma_start3A_67 = arith.constant 0 : i32
        %dma_start3A_68 = arith.constant 0 : i32
        %dma_start3A_69 = tpu.memref_slice %arg2[%dma_start3A_67, %dma_start3A_68] : memref<10000x256xf32, #tpu.memory_space<hbm>> -> memref<10000x256xf32, #tpu.memory_space<hbm>>
        tpu.enqueue_indirect_dma source(%dma_start3A_69 : memref<10000x256xf32, #tpu.memory_space<hbm>>) target(%arg6 : memref<80x256xf32, #tpu.memory_space<vmem>>) offsets(%dma_start3A_66 : memref<80xi32, #tpu.memory_space<vmem>>) semaphore(%arg8 : memref<!tpu.dma_semaphore, #tpu.memory_space<semaphore_mem>>)
      } else {
      }
      %add3A_57 = arith.constant 1 : i32
      %add3A_58 = arith.addi %mul3A_27, %add3A_57 : i32
      %mul3A_59 = arith.constant 80 : i32
      %mul3A_60 = arith.muli %add3A_58, %mul3A_59 : i32
      %add3A_61 = arith.addi %mul3A_2, %mul3A_60 : i32
      "tpu.region"() ({
        %run_scoped3A = tpu.sem_alloc : memref<!tpu.dma_semaphore, #tpu.memory_space<semaphore_mem>>
        %dma_start3A_62 = arith.constant 0 : i32
        %dma_start3A_63 = tpu.memref_slice %arg4[%add3A_61, %dma_start3A_62] : memref<320000x256xf32, #tpu.memory_space<hbm>> -> memref<80x256xf32, #tpu.memory_space<hbm>>
        %dma_start3A_64 = arith.constant 0 : i32
        %dma_start3A_65 = tpu.memref_slice %arg4[%add3A_61, %dma_start3A_64] : memref<320000x256xf32, #tpu.memory_space<hbm>> -> memref<80x256xf32, #tpu.memory_space<hbm>>
        tpu.enqueue_dma source(%arg7 : memref<80x256xf32, #tpu.memory_space<vmem>>) target(%dma_start3A_65 : memref<80x256xf32, #tpu.memory_space<hbm>>) target_semaphore(%run_scoped3A : memref<!tpu.dma_semaphore, #tpu.memory_space<semaphore_mem>>)
        %dma_wait3A_66 = arith.constant 0 : i32
        %dma_wait3A_67 = tpu.memref_slice %arg4[%add3A_61, %dma_wait3A_66] : memref<320000x256xf32, #tpu.memory_space<hbm>> -> memref<80x256xf32, #tpu.memory_space<hbm>>
        %dma_wait3A_68 = arith.constant 0 : i32
        %dma_wait3A_69 = tpu.memref_slice %arg4[%add3A_61, %dma_wait3A_68] : memref<320000x256xf32, #tpu.memory_space<hbm>> -> memref<80x256xf32, #tpu.memory_space<hbm>>
        tpu.wait_dma2 semaphore(%run_scoped3A : memref<!tpu.dma_semaphore, #tpu.memory_space<semaphore_mem>>) src(%arg7 : memref<80x256xf32, #tpu.memory_space<vmem>>) dst(%dma_wait3A_69 : memref<80x256xf32, #tpu.memory_space<hbm>>)
        tpu.yield
      }) : () -> ()
    }
    %scan3A_12 = arith.constant 62 : i32
    %dma_wait3A = arith.constant 124 : i32
    %dma_wait3A_13 = arith.constant 0 : i32
    %dma_wait3A_14 = tpu.memref_slice %arg5[%dma_wait3A, %dma_wait3A_13] : memref<125x80xi32, #tpu.memory_space<vmem>> -> memref<1x80xi32, #tpu.memory_space<vmem>>
    %dma_wait3A_15 = tpu.memref_squeeze %dma_wait3A_14 : memref<1x80xi32, #tpu.memory_space<vmem>> -> memref<80xi32, #tpu.memory_space<vmem>>
    %dma_wait3A_16 = arith.constant 0 : i32
    %dma_wait3A_17 = arith.constant 0 : i32
    %dma_wait3A_18 = tpu.memref_slice %arg2[%dma_wait3A_16, %dma_wait3A_17] : memref<10000x256xf32, #tpu.memory_space<hbm>> -> memref<10000x256xf32, #tpu.memory_space<hbm>>
    tpu.wait_indirect_dma semaphore(%arg8 : memref<!tpu.dma_semaphore, #tpu.memory_space<semaphore_mem>>) src(%dma_wait3A_18 : memref<10000x256xf32, #tpu.memory_space<hbm>>) dst(%arg6 : memref<80x256xf32, #tpu.memory_space<vmem>>)
    %add3A_19 = arith.constant 9920 : i32
    %add3A_20 = arith.addi %mul3A_2, %add3A_19 : i32
    "tpu.region"() ({
      %run_scoped3A = tpu.sem_alloc : memref<!tpu.dma_semaphore, #tpu.memory_space<semaphore_mem>>
      %dma_start3A_21 = arith.constant 0 : i32
      %dma_start3A_22 = tpu.memref_slice %arg4[%add3A_20, %dma_start3A_21] : memref<320000x256xf32, #tpu.memory_space<hbm>> -> memref<80x256xf32, #tpu.memory_space<hbm>>
      %dma_start3A_23 = arith.constant 0 : i32
      %dma_start3A_24 = tpu.memref_slice %arg4[%add3A_20, %dma_start3A_23] : memref<320000x256xf32, #tpu.memory_space<hbm>> -> memref<80x256xf32, #tpu.memory_space<hbm>>
      tpu.enqueue_dma source(%arg6 : memref<80x256xf32, #tpu.memory_space<vmem>>) target(%dma_start3A_24 : memref<80x256xf32, #tpu.memory_space<hbm>>) target_semaphore(%run_scoped3A : memref<!tpu.dma_semaphore, #tpu.memory_space<semaphore_mem>>)
      %dma_wait3A_25 = arith.constant 0 : i32
      %dma_wait3A_26 = tpu.memref_slice %arg4[%add3A_20, %dma_wait3A_25] : memref<320000x256xf32, #tpu.memory_space<hbm>> -> memref<80x256xf32, #tpu.memory_space<hbm>>
      %dma_wait3A_27 = arith.constant 0 : i32
      %dma_wait3A_28 = tpu.memref_slice %arg4[%add3A_20, %dma_wait3A_27] : memref<320000x256xf32, #tpu.memory_space<hbm>> -> memref<80x256xf32, #tpu.memory_space<hbm>>
      tpu.wait_dma2 semaphore(%run_scoped3A : memref<!tpu.dma_semaphore, #tpu.memory_space<semaphore_mem>>) src(%arg6 : memref<80x256xf32, #tpu.memory_space<vmem>>) dst(%dma_wait3A_28 : memref<80x256xf32, #tpu.memory_space<hbm>>)
      tpu.yield
    }) : () -> ()
    return
  }
}

#map = affine_map<(d0, d1) -> (0, 0)>
#map1 = affine_map<(d0, d1) -> (0)>
#map2 = affine_map<(d0, d1) -> (0, 0, 0)>
module attributes {stable_mosaic.version = 14 : i64} {
  func.func @k(%arg0: i32, %arg1: i32, %arg2: memref<320000x128xf32, #tpu.memory_space<hbm>>, %arg3: memref<320000xi32, #tpu.memory_space<hbm>>, %arg4: memref<10000x128xf32, #tpu.memory_space<hbm>>, %arg5: memref<2x10000x128xf32, #tpu.memory_space<hbm>>, %arg6: memref<80xi32, #tpu.memory_space<vmem>>, %arg7: memref<80xi32, #tpu.memory_space<vmem>>, %arg8: memref<80x128xf32, #tpu.memory_space<vmem>>, %arg9: memref<80x128xf32, #tpu.memory_space<vmem>>, %arg10: memref<10000x128xf32, #tpu.memory_space<vmem_shared>>, %arg11: memref<!tpu.dma_semaphore, #tpu.memory_space<semaphore_mem>>, %arg12: memref<!tpu.dma_semaphore, #tpu.memory_space<semaphore_mem>>, %arg13: memref<!tpu.dma_semaphore, #tpu.memory_space<semaphore_mem>>, %arg14: memref<!tpu.dma_semaphore, #tpu.memory_space<semaphore_mem>>) attributes {dimension_semantics = [#tpu.dimension_semantics<core_parallel>, #tpu.dimension_semantics<subcore_parallel>], iteration_bounds = array<i64: 2, 16>, scalar_prefetch = 0 : i64, scratch_operands = 9 : i64, tpu.core_type = #tpu.core_type<sc_vector_subcore>, window_params = [{transform_indices = #map}, {transform_indices = #map1}, {transform_indices = #map}, {transform_indices = #map2}]} {
    %mul3A = arith.constant 2 : i32
    %mul3A_0 = arith.muli %arg1, %mul3A : i32
    %add3A = arith.addi %mul3A_0, %arg0 : i32
    %mul3A_1 = arith.constant 10000 : i32
    %mul3A_2 = arith.muli %add3A, %mul3A_1 : i32
    %lt3A = arith.constant 15 : i32
    %lt3A_3 = arith.cmpi slt, %arg1, %lt3A : i32
    %convert_element_type3A = arith.extui %lt3A_3 : i1 to i32
    %cond3A = arith.constant 0 : i32
    %cond3A_4 = arith.cmpi ne, %convert_element_type3A, %cond3A : i32
    scf.if %cond3A_4 {
      %mul3A_36 = arith.constant 640 : i32
      %mul3A_37 = arith.muli %arg1, %mul3A_36 : i32
      %mul3A_38 = arith.constant 640 : i32
      %mul3A_39 = arith.muli %arg1, %mul3A_38 : i32
      "tpu.region"() ({
        %run_scoped3A = tpu.sem_alloc : memref<!tpu.dma_semaphore, #tpu.memory_space<semaphore_mem>>
        %dma_start3A_40 = arith.constant 0 : i32
        %dma_start3A_41 = tpu.memref_slice %arg10[%mul3A_39, %dma_start3A_40] : memref<10000x128xf32, #tpu.memory_space<vmem_shared>> -> memref<640x128xf32, #tpu.memory_space<vmem_shared>>
        %dma_start3A_42 = arith.constant 0 : i32
        %dma_start3A_43 = tpu.memref_slice %arg4[%mul3A_37, %dma_start3A_42] : memref<10000x128xf32, #tpu.memory_space<hbm>> -> memref<640x128xf32, #tpu.memory_space<hbm>>
        tpu.enqueue_dma source(%dma_start3A_43 : memref<640x128xf32, #tpu.memory_space<hbm>>) target(%dma_start3A_41 : memref<640x128xf32, #tpu.memory_space<vmem_shared>>) target_semaphore(%run_scoped3A : memref<!tpu.dma_semaphore, #tpu.memory_space<semaphore_mem>>)
        %dma_wait3A_44 = arith.constant 0 : i32
        %dma_wait3A_45 = tpu.memref_slice %arg10[%mul3A_39, %dma_wait3A_44] : memref<10000x128xf32, #tpu.memory_space<vmem_shared>> -> memref<640x128xf32, #tpu.memory_space<vmem_shared>>
        %dma_wait3A_46 = arith.constant 0 : i32
        %dma_wait3A_47 = tpu.memref_slice %arg4[%mul3A_37, %dma_wait3A_46] : memref<10000x128xf32, #tpu.memory_space<hbm>> -> memref<640x128xf32, #tpu.memory_space<hbm>>
        tpu.wait_dma2 semaphore(%run_scoped3A : memref<!tpu.dma_semaphore, #tpu.memory_space<semaphore_mem>>) src(%dma_wait3A_47 : memref<640x128xf32, #tpu.memory_space<hbm>>) dst(%dma_wait3A_45 : memref<640x128xf32, #tpu.memory_space<vmem_shared>>)
        tpu.yield
      }) : () -> ()
    } else {
    }
    %eq3A = arith.constant 15 : i32
    %eq3A_5 = arith.cmpi eq, %arg1, %eq3A : i32
    %convert_element_type3A_6 = arith.extui %eq3A_5 : i1 to i32
    %cond3A_7 = arith.constant 0 : i32
    %cond3A_8 = arith.cmpi ne, %convert_element_type3A_6, %cond3A_7 : i32
    scf.if %cond3A_8 {
      "tpu.region"() ({
        %run_scoped3A = tpu.sem_alloc : memref<!tpu.dma_semaphore, #tpu.memory_space<semaphore_mem>>
        %dma_start3A_36 = arith.constant 9600 : i32
        %dma_start3A_37 = arith.constant 0 : i32
        %dma_start3A_38 = tpu.memref_slice %arg10[%dma_start3A_36, %dma_start3A_37] : memref<10000x128xf32, #tpu.memory_space<vmem_shared>> -> memref<400x128xf32, #tpu.memory_space<vmem_shared>>
        %dma_start3A_39 = arith.constant 9600 : i32
        %dma_start3A_40 = arith.constant 0 : i32
        %dma_start3A_41 = tpu.memref_slice %arg4[%dma_start3A_39, %dma_start3A_40] : memref<10000x128xf32, #tpu.memory_space<hbm>> -> memref<400x128xf32, #tpu.memory_space<hbm>>
        tpu.enqueue_dma source(%dma_start3A_41 : memref<400x128xf32, #tpu.memory_space<hbm>>) target(%dma_start3A_38 : memref<400x128xf32, #tpu.memory_space<vmem_shared>>) target_semaphore(%run_scoped3A : memref<!tpu.dma_semaphore, #tpu.memory_space<semaphore_mem>>)
        %dma_wait3A_42 = arith.constant 9600 : i32
        %dma_wait3A_43 = arith.constant 0 : i32
        %dma_wait3A_44 = tpu.memref_slice %arg10[%dma_wait3A_42, %dma_wait3A_43] : memref<10000x128xf32, #tpu.memory_space<vmem_shared>> -> memref<400x128xf32, #tpu.memory_space<vmem_shared>>
        %dma_wait3A_45 = arith.constant 9600 : i32
        %dma_wait3A_46 = arith.constant 0 : i32
        %dma_wait3A_47 = tpu.memref_slice %arg4[%dma_wait3A_45, %dma_wait3A_46] : memref<10000x128xf32, #tpu.memory_space<hbm>> -> memref<400x128xf32, #tpu.memory_space<hbm>>
        tpu.wait_dma2 semaphore(%run_scoped3A : memref<!tpu.dma_semaphore, #tpu.memory_space<semaphore_mem>>) src(%dma_wait3A_47 : memref<400x128xf32, #tpu.memory_space<hbm>>) dst(%dma_wait3A_44 : memref<400x128xf32, #tpu.memory_space<vmem_shared>>)
        tpu.yield
      }) : () -> ()
    } else {
    }
    %dma_start3A = tpu.memref_slice %arg3[%mul3A_2] : memref<320000xi32, #tpu.memory_space<hbm>> -> memref<80xi32, #tpu.memory_space<hbm>>
    %dma_start3A_9 = tpu.memref_slice %arg3[%mul3A_2] : memref<320000xi32, #tpu.memory_space<hbm>> -> memref<80xi32, #tpu.memory_space<hbm>>
    tpu.enqueue_dma source(%dma_start3A_9 : memref<80xi32, #tpu.memory_space<hbm>>) target(%arg6 : memref<80xi32, #tpu.memory_space<vmem>>) target_semaphore(%arg11 : memref<!tpu.dma_semaphore, #tpu.memory_space<semaphore_mem>>)
    %dma_start3A_10 = arith.constant 0 : i32
    %dma_start3A_11 = tpu.memref_slice %arg2[%mul3A_2, %dma_start3A_10] : memref<320000x128xf32, #tpu.memory_space<hbm>> -> memref<80x128xf32, #tpu.memory_space<hbm>>
    %dma_start3A_12 = arith.constant 0 : i32
    %dma_start3A_13 = tpu.memref_slice %arg2[%mul3A_2, %dma_start3A_12] : memref<320000x128xf32, #tpu.memory_space<hbm>> -> memref<80x128xf32, #tpu.memory_space<hbm>>
    tpu.enqueue_dma source(%dma_start3A_13 : memref<80x128xf32, #tpu.memory_space<hbm>>) target(%arg8 : memref<80x128xf32, #tpu.memory_space<vmem>>) target_semaphore(%arg13 : memref<!tpu.dma_semaphore, #tpu.memory_space<semaphore_mem>>)
    %barrier3A = arith.constant 0 : index
    tpu.barrier barrier_id(%barrier3A)
    %scan3A = arith.constant 0 : i32
    %scan3A_14 = arith.constant 62 : i32
    %scan3A_15 = arith.addi %scan3A, %scan3A_14 : i32
    %scan3A_16 = arith.constant 1 : i32
    scf.for %scan3A_36 = %scan3A to %scan3A_15 step %scan3A_16  : i32 {
      %mul3A_37 = arith.constant 1 : i32
      %mul3A_38 = arith.muli %scan3A_36, %mul3A_37 : i32
      %add3A_39 = arith.constant 0 : i32
      %add3A_40 = arith.addi %add3A_39, %mul3A_38 : i32
      %mul3A_41 = arith.constant 2 : i32
      %mul3A_42 = arith.muli %mul3A_41, %add3A_40 : i32
      %mul3A_43 = arith.constant 80 : i32
      %mul3A_44 = arith.muli %mul3A_42, %mul3A_43 : i32
      %add3A_45 = arith.addi %mul3A_2, %mul3A_44 : i32
      %add3A_46 = arith.constant 1 : i32
      %add3A_47 = arith.addi %mul3A_42, %add3A_46 : i32
      %mul3A_48 = arith.constant 80 : i32
      %mul3A_49 = arith.muli %add3A_47, %mul3A_48 : i32
      %add3A_50 = arith.addi %mul3A_2, %mul3A_49 : i32
      %dma_wait3A_51 = tpu.memref_slice %arg3[%add3A_45] : memref<320000xi32, #tpu.memory_space<hbm>> -> memref<80xi32, #tpu.memory_space<hbm>>
      %dma_wait3A_52 = tpu.memref_slice %arg3[%add3A_45] : memref<320000xi32, #tpu.memory_space<hbm>> -> memref<80xi32, #tpu.memory_space<hbm>>
      tpu.wait_dma2 semaphore(%arg11 : memref<!tpu.dma_semaphore, #tpu.memory_space<semaphore_mem>>) src(%dma_wait3A_52 : memref<80xi32, #tpu.memory_space<hbm>>) dst(%arg6 : memref<80xi32, #tpu.memory_space<vmem>>)
      %dma_wait3A_53 = arith.constant 0 : i32
      %dma_wait3A_54 = tpu.memref_slice %arg2[%add3A_45, %dma_wait3A_53] : memref<320000x128xf32, #tpu.memory_space<hbm>> -> memref<80x128xf32, #tpu.memory_space<hbm>>
      %dma_wait3A_55 = arith.constant 0 : i32
      %dma_wait3A_56 = tpu.memref_slice %arg2[%add3A_45, %dma_wait3A_55] : memref<320000x128xf32, #tpu.memory_space<hbm>> -> memref<80x128xf32, #tpu.memory_space<hbm>>
      tpu.wait_dma2 semaphore(%arg13 : memref<!tpu.dma_semaphore, #tpu.memory_space<semaphore_mem>>) src(%dma_wait3A_56 : memref<80x128xf32, #tpu.memory_space<hbm>>) dst(%arg8 : memref<80x128xf32, #tpu.memory_space<vmem>>)
      %dma_start3A_57 = tpu.memref_slice %arg3[%add3A_50] : memref<320000xi32, #tpu.memory_space<hbm>> -> memref<80xi32, #tpu.memory_space<hbm>>
      %dma_start3A_58 = tpu.memref_slice %arg3[%add3A_50] : memref<320000xi32, #tpu.memory_space<hbm>> -> memref<80xi32, #tpu.memory_space<hbm>>
      tpu.enqueue_dma source(%dma_start3A_58 : memref<80xi32, #tpu.memory_space<hbm>>) target(%arg7 : memref<80xi32, #tpu.memory_space<vmem>>) target_semaphore(%arg12 : memref<!tpu.dma_semaphore, #tpu.memory_space<semaphore_mem>>)
      %dma_start3A_59 = arith.constant 0 : i32
      %dma_start3A_60 = tpu.memref_slice %arg2[%add3A_50, %dma_start3A_59] : memref<320000x128xf32, #tpu.memory_space<hbm>> -> memref<80x128xf32, #tpu.memory_space<hbm>>
      %dma_start3A_61 = arith.constant 0 : i32
      %dma_start3A_62 = tpu.memref_slice %arg2[%add3A_50, %dma_start3A_61] : memref<320000x128xf32, #tpu.memory_space<hbm>> -> memref<80x128xf32, #tpu.memory_space<hbm>>
      tpu.enqueue_dma source(%dma_start3A_62 : memref<80x128xf32, #tpu.memory_space<hbm>>) target(%arg9 : memref<80x128xf32, #tpu.memory_space<vmem>>) target_semaphore(%arg14 : memref<!tpu.dma_semaphore, #tpu.memory_space<semaphore_mem>>)
      "tpu.region"() ({
        %run_scoped3A = tpu.sem_alloc : memref<!tpu.dma_semaphore, #tpu.memory_space<semaphore_mem>>
        %dma_start3A_76 = arith.constant 0 : i32
        %dma_start3A_77 = arith.constant 0 : i32
        %dma_start3A_78 = tpu.memref_slice %arg10[%dma_start3A_76, %dma_start3A_77] : memref<10000x128xf32, #tpu.memory_space<vmem_shared>> -> memref<10000x128xf32, #tpu.memory_space<vmem_shared>>
        tpu.enqueue_indirect_dma source(%arg8 : memref<80x128xf32, #tpu.memory_space<vmem>>) target(%dma_start3A_78 : memref<10000x128xf32, #tpu.memory_space<vmem_shared>>) offsets(%arg6 : memref<80xi32, #tpu.memory_space<vmem>>) semaphore(%run_scoped3A : memref<!tpu.dma_semaphore, #tpu.memory_space<semaphore_mem>>) {add = true}
        %dma_wait3A_79 = arith.constant 0 : i32
        %dma_wait3A_80 = arith.constant 0 : i32
        %dma_wait3A_81 = tpu.memref_slice %arg10[%dma_wait3A_79, %dma_wait3A_80] : memref<10000x128xf32, #tpu.memory_space<vmem_shared>> -> memref<10000x128xf32, #tpu.memory_space<vmem_shared>>
        tpu.wait_indirect_dma semaphore(%run_scoped3A : memref<!tpu.dma_semaphore, #tpu.memory_space<semaphore_mem>>) src(%arg8 : memref<80x128xf32, #tpu.memory_space<vmem>>) dst(%dma_wait3A_81 : memref<10000x128xf32, #tpu.memory_space<vmem_shared>>)
        tpu.yield
      }) : () -> ()
      %dma_wait3A_63 = tpu.memref_slice %arg3[%add3A_50] : memref<320000xi32, #tpu.memory_space<hbm>> -> memref<80xi32, #tpu.memory_space<hbm>>
      %dma_wait3A_64 = tpu.memref_slice %arg3[%add3A_50] : memref<320000xi32, #tpu.memory_space<hbm>> -> memref<80xi32, #tpu.memory_space<hbm>>
      tpu.wait_dma2 semaphore(%arg12 : memref<!tpu.dma_semaphore, #tpu.memory_space<semaphore_mem>>) src(%dma_wait3A_64 : memref<80xi32, #tpu.memory_space<hbm>>) dst(%arg7 : memref<80xi32, #tpu.memory_space<vmem>>)
      %dma_wait3A_65 = arith.constant 0 : i32
      %dma_wait3A_66 = tpu.memref_slice %arg2[%add3A_50, %dma_wait3A_65] : memref<320000x128xf32, #tpu.memory_space<hbm>> -> memref<80x128xf32, #tpu.memory_space<hbm>>
      %dma_wait3A_67 = arith.constant 0 : i32
      %dma_wait3A_68 = tpu.memref_slice %arg2[%add3A_50, %dma_wait3A_67] : memref<320000x128xf32, #tpu.memory_space<hbm>> -> memref<80x128xf32, #tpu.memory_space<hbm>>
      tpu.wait_dma2 semaphore(%arg14 : memref<!tpu.dma_semaphore, #tpu.memory_space<semaphore_mem>>) src(%dma_wait3A_68 : memref<80x128xf32, #tpu.memory_space<hbm>>) dst(%arg9 : memref<80x128xf32, #tpu.memory_space<vmem>>)
      %add3A_69 = arith.constant 2 : i32
      %add3A_70 = arith.addi %mul3A_42, %add3A_69 : i32
      %lt3A_71 = arith.constant 125 : i32
      %lt3A_72 = arith.cmpi slt, %add3A_70, %lt3A_71 : i32
      %convert_element_type3A_73 = arith.extui %lt3A_72 : i1 to i32
      %cond3A_74 = arith.constant 0 : i32
      %cond3A_75 = arith.cmpi ne, %convert_element_type3A_73, %cond3A_74 : i32
      scf.if %cond3A_75 {
        %add3A_76 = arith.constant 2 : i32
        %add3A_77 = arith.addi %mul3A_42, %add3A_76 : i32
        %mul3A_78 = arith.constant 80 : i32
        %mul3A_79 = arith.muli %add3A_77, %mul3A_78 : i32
        %add3A_80 = arith.addi %mul3A_2, %mul3A_79 : i32
        %dma_start3A_81 = tpu.memref_slice %arg3[%add3A_80] : memref<320000xi32, #tpu.memory_space<hbm>> -> memref<80xi32, #tpu.memory_space<hbm>>
        %dma_start3A_82 = tpu.memref_slice %arg3[%add3A_80] : memref<320000xi32, #tpu.memory_space<hbm>> -> memref<80xi32, #tpu.memory_space<hbm>>
        tpu.enqueue_dma source(%dma_start3A_82 : memref<80xi32, #tpu.memory_space<hbm>>) target(%arg6 : memref<80xi32, #tpu.memory_space<vmem>>) target_semaphore(%arg11 : memref<!tpu.dma_semaphore, #tpu.memory_space<semaphore_mem>>)
        %dma_start3A_83 = arith.constant 0 : i32
        %dma_start3A_84 = tpu.memref_slice %arg2[%add3A_80, %dma_start3A_83] : memref<320000x128xf32, #tpu.memory_space<hbm>> -> memref<80x128xf32, #tpu.memory_space<hbm>>
        %dma_start3A_85 = arith.constant 0 : i32
        %dma_start3A_86 = tpu.memref_slice %arg2[%add3A_80, %dma_start3A_85] : memref<320000x128xf32, #tpu.memory_space<hbm>> -> memref<80x128xf32, #tpu.memory_space<hbm>>
        tpu.enqueue_dma source(%dma_start3A_86 : memref<80x128xf32, #tpu.memory_space<hbm>>) target(%arg8 : memref<80x128xf32, #tpu.memory_space<vmem>>) target_semaphore(%arg13 : memref<!tpu.dma_semaphore, #tpu.memory_space<semaphore_mem>>)
      } else {
      }
      "tpu.region"() ({
        %run_scoped3A = tpu.sem_alloc : memref<!tpu.dma_semaphore, #tpu.memory_space<semaphore_mem>>
        %dma_start3A_76 = arith.constant 0 : i32
        %dma_start3A_77 = arith.constant 0 : i32
        %dma_start3A_78 = tpu.memref_slice %arg10[%dma_start3A_76, %dma_start3A_77] : memref<10000x128xf32, #tpu.memory_space<vmem_shared>> -> memref<10000x128xf32, #tpu.memory_space<vmem_shared>>
        tpu.enqueue_indirect_dma source(%arg9 : memref<80x128xf32, #tpu.memory_space<vmem>>) target(%dma_start3A_78 : memref<10000x128xf32, #tpu.memory_space<vmem_shared>>) offsets(%arg7 : memref<80xi32, #tpu.memory_space<vmem>>) semaphore(%run_scoped3A : memref<!tpu.dma_semaphore, #tpu.memory_space<semaphore_mem>>) {add = true}
        %dma_wait3A_79 = arith.constant 0 : i32
        %dma_wait3A_80 = arith.constant 0 : i32
        %dma_wait3A_81 = tpu.memref_slice %arg10[%dma_wait3A_79, %dma_wait3A_80] : memref<10000x128xf32, #tpu.memory_space<vmem_shared>> -> memref<10000x128xf32, #tpu.memory_space<vmem_shared>>
        tpu.wait_indirect_dma semaphore(%run_scoped3A : memref<!tpu.dma_semaphore, #tpu.memory_space<semaphore_mem>>) src(%arg9 : memref<80x128xf32, #tpu.memory_space<vmem>>) dst(%dma_wait3A_81 : memref<10000x128xf32, #tpu.memory_space<vmem_shared>>)
        tpu.yield
      }) : () -> ()
    }
    %scan3A_17 = arith.constant 62 : i32
    %add3A_18 = arith.constant 9920 : i32
    %add3A_19 = arith.addi %mul3A_2, %add3A_18 : i32
    %dma_wait3A = tpu.memref_slice %arg3[%add3A_19] : memref<320000xi32, #tpu.memory_space<hbm>> -> memref<80xi32, #tpu.memory_space<hbm>>
    %dma_wait3A_20 = tpu.memref_slice %arg3[%add3A_19] : memref<320000xi32, #tpu.memory_space<hbm>> -> memref<80xi32, #tpu.memory_space<hbm>>
    tpu.wait_dma2 semaphore(%arg11 : memref<!tpu.dma_semaphore, #tpu.memory_space<semaphore_mem>>) src(%dma_wait3A_20 : memref<80xi32, #tpu.memory_space<hbm>>) dst(%arg6 : memref<80xi32, #tpu.memory_space<vmem>>)
    %dma_wait3A_21 = arith.constant 0 : i32
    %dma_wait3A_22 = tpu.memref_slice %arg2[%add3A_19, %dma_wait3A_21] : memref<320000x128xf32, #tpu.memory_space<hbm>> -> memref<80x128xf32, #tpu.memory_space<hbm>>
    %dma_wait3A_23 = arith.constant 0 : i32
    %dma_wait3A_24 = tpu.memref_slice %arg2[%add3A_19, %dma_wait3A_23] : memref<320000x128xf32, #tpu.memory_space<hbm>> -> memref<80x128xf32, #tpu.memory_space<hbm>>
    tpu.wait_dma2 semaphore(%arg13 : memref<!tpu.dma_semaphore, #tpu.memory_space<semaphore_mem>>) src(%dma_wait3A_24 : memref<80x128xf32, #tpu.memory_space<hbm>>) dst(%arg8 : memref<80x128xf32, #tpu.memory_space<vmem>>)
    "tpu.region"() ({
      %run_scoped3A = tpu.sem_alloc : memref<!tpu.dma_semaphore, #tpu.memory_space<semaphore_mem>>
      %dma_start3A_36 = arith.constant 0 : i32
      %dma_start3A_37 = arith.constant 0 : i32
      %dma_start3A_38 = tpu.memref_slice %arg10[%dma_start3A_36, %dma_start3A_37] : memref<10000x128xf32, #tpu.memory_space<vmem_shared>> -> memref<10000x128xf32, #tpu.memory_space<vmem_shared>>
      tpu.enqueue_indirect_dma source(%arg8 : memref<80x128xf32, #tpu.memory_space<vmem>>) target(%dma_start3A_38 : memref<10000x128xf32, #tpu.memory_space<vmem_shared>>) offsets(%arg6 : memref<80xi32, #tpu.memory_space<vmem>>) semaphore(%run_scoped3A : memref<!tpu.dma_semaphore, #tpu.memory_space<semaphore_mem>>) {add = true}
      %dma_wait3A_39 = arith.constant 0 : i32
      %dma_wait3A_40 = arith.constant 0 : i32
      %dma_wait3A_41 = tpu.memref_slice %arg10[%dma_wait3A_39, %dma_wait3A_40] : memref<10000x128xf32, #tpu.memory_space<vmem_shared>> -> memref<10000x128xf32, #tpu.memory_space<vmem_shared>>
      tpu.wait_indirect_dma semaphore(%run_scoped3A : memref<!tpu.dma_semaphore, #tpu.memory_space<semaphore_mem>>) src(%arg8 : memref<80x128xf32, #tpu.memory_space<vmem>>) dst(%dma_wait3A_41 : memref<10000x128xf32, #tpu.memory_space<vmem_shared>>)
      tpu.yield
    }) : () -> ()
    %barrier3A_25 = arith.constant 0 : index
    tpu.barrier barrier_id(%barrier3A_25)
    %lt3A_26 = arith.constant 15 : i32
    %lt3A_27 = arith.cmpi slt, %arg1, %lt3A_26 : i32
    %convert_element_type3A_28 = arith.extui %lt3A_27 : i1 to i32
    %cond3A_29 = arith.constant 0 : i32
    %cond3A_30 = arith.cmpi ne, %convert_element_type3A_28, %cond3A_29 : i32
    scf.if %cond3A_30 {
      %mul3A_36 = arith.constant 640 : i32
      %mul3A_37 = arith.muli %arg1, %mul3A_36 : i32
      %mul3A_38 = arith.constant 640 : i32
      %mul3A_39 = arith.muli %arg1, %mul3A_38 : i32
      "tpu.region"() ({
        %run_scoped3A = tpu.sem_alloc : memref<!tpu.dma_semaphore, #tpu.memory_space<semaphore_mem>>
        %dma_start3A_40 = arith.constant 0 : i32
        %dma_start3A_41 = tpu.memref_slice %arg5[%arg0, %mul3A_39, %dma_start3A_40] : memref<2x10000x128xf32, #tpu.memory_space<hbm>> -> memref<1x640x128xf32, #tpu.memory_space<hbm>>
        %dma_start3A_42 = tpu.memref_squeeze %dma_start3A_41 : memref<1x640x128xf32, #tpu.memory_space<hbm>> -> memref<640x128xf32, #tpu.memory_space<hbm>>
        %dma_start3A_43 = arith.constant 0 : i32
        %dma_start3A_44 = tpu.memref_slice %arg10[%mul3A_37, %dma_start3A_43] : memref<10000x128xf32, #tpu.memory_space<vmem_shared>> -> memref<640x128xf32, #tpu.memory_space<vmem_shared>>
        tpu.enqueue_dma source(%dma_start3A_44 : memref<640x128xf32, #tpu.memory_space<vmem_shared>>) target(%dma_start3A_42 : memref<640x128xf32, #tpu.memory_space<hbm>>) target_semaphore(%run_scoped3A : memref<!tpu.dma_semaphore, #tpu.memory_space<semaphore_mem>>)
        %dma_wait3A_45 = arith.constant 0 : i32
        %dma_wait3A_46 = tpu.memref_slice %arg5[%arg0, %mul3A_39, %dma_wait3A_45] : memref<2x10000x128xf32, #tpu.memory_space<hbm>> -> memref<1x640x128xf32, #tpu.memory_space<hbm>>
        %dma_wait3A_47 = tpu.memref_squeeze %dma_wait3A_46 : memref<1x640x128xf32, #tpu.memory_space<hbm>> -> memref<640x128xf32, #tpu.memory_space<hbm>>
        %dma_wait3A_48 = arith.constant 0 : i32
        %dma_wait3A_49 = tpu.memref_slice %arg10[%mul3A_37, %dma_wait3A_48] : memref<10000x128xf32, #tpu.memory_space<vmem_shared>> -> memref<640x128xf32, #tpu.memory_space<vmem_shared>>
        tpu.wait_dma2 semaphore(%run_scoped3A : memref<!tpu.dma_semaphore, #tpu.memory_space<semaphore_mem>>) src(%dma_wait3A_49 : memref<640x128xf32, #tpu.memory_space<vmem_shared>>) dst(%dma_wait3A_47 : memref<640x128xf32, #tpu.memory_space<hbm>>)
        tpu.yield
      }) : () -> ()
    } else {
    }
    %eq3A_31 = arith.constant 15 : i32
    %eq3A_32 = arith.cmpi eq, %arg1, %eq3A_31 : i32
    %convert_element_type3A_33 = arith.extui %eq3A_32 : i1 to i32
    %cond3A_34 = arith.constant 0 : i32
    %cond3A_35 = arith.cmpi ne, %convert_element_type3A_33, %cond3A_34 : i32
    scf.if %cond3A_35 {
      "tpu.region"() ({
        %run_scoped3A = tpu.sem_alloc : memref<!tpu.dma_semaphore, #tpu.memory_space<semaphore_mem>>
        %dma_start3A_36 = arith.constant 9600 : i32
        %dma_start3A_37 = arith.constant 0 : i32
        %dma_start3A_38 = tpu.memref_slice %arg5[%arg0, %dma_start3A_36, %dma_start3A_37] : memref<2x10000x128xf32, #tpu.memory_space<hbm>> -> memref<1x400x128xf32, #tpu.memory_space<hbm>>
        %dma_start3A_39 = tpu.memref_squeeze %dma_start3A_38 : memref<1x400x128xf32, #tpu.memory_space<hbm>> -> memref<400x128xf32, #tpu.memory_space<hbm>>
        %dma_start3A_40 = arith.constant 9600 : i32
        %dma_start3A_41 = arith.constant 0 : i32
        %dma_start3A_42 = tpu.memref_slice %arg10[%dma_start3A_40, %dma_start3A_41] : memref<10000x128xf32, #tpu.memory_space<vmem_shared>> -> memref<400x128xf32, #tpu.memory_space<vmem_shared>>
        tpu.enqueue_dma source(%dma_start3A_42 : memref<400x128xf32, #tpu.memory_space<vmem_shared>>) target(%dma_start3A_39 : memref<400x128xf32, #tpu.memory_space<hbm>>) target_semaphore(%run_scoped3A : memref<!tpu.dma_semaphore, #tpu.memory_space<semaphore_mem>>)
        %dma_wait3A_43 = arith.constant 9600 : i32
        %dma_wait3A_44 = arith.constant 0 : i32
        %dma_wait3A_45 = tpu.memref_slice %arg5[%arg0, %dma_wait3A_43, %dma_wait3A_44] : memref<2x10000x128xf32, #tpu.memory_space<hbm>> -> memref<1x400x128xf32, #tpu.memory_space<hbm>>
        %dma_wait3A_46 = tpu.memref_squeeze %dma_wait3A_45 : memref<1x400x128xf32, #tpu.memory_space<hbm>> -> memref<400x128xf32, #tpu.memory_space<hbm>>
        %dma_wait3A_47 = arith.constant 9600 : i32
        %dma_wait3A_48 = arith.constant 0 : i32
        %dma_wait3A_49 = tpu.memref_slice %arg10[%dma_wait3A_47, %dma_wait3A_48] : memref<10000x128xf32, #tpu.memory_space<vmem_shared>> -> memref<400x128xf32, #tpu.memory_space<vmem_shared>>
        tpu.wait_dma2 semaphore(%run_scoped3A : memref<!tpu.dma_semaphore, #tpu.memory_space<semaphore_mem>>) src(%dma_wait3A_49 : memref<400x128xf32, #tpu.memory_space<vmem_shared>>) dst(%dma_wait3A_46 : memref<400x128xf32, #tpu.memory_space<hbm>>)
        tpu.yield
      }) : () -> ()
    } else {
    }
    return
  }
}

#map = affine_map<(d0, d1) -> (0, 0)>
#map1 = affine_map<(d0, d1) -> (0, 0, 0)>
module attributes {stable_mosaic.version = 14 : i64} {
  func.func @k(%arg0: i32, %arg1: i32, %arg2: memref<10000x256xf32, #tpu.memory_space<hbm>>, %arg3: memref<32x125x80xi32, #tpu.memory_space<hbm>>, %arg4: memref<320000x256xf32, #tpu.memory_space<hbm>>, %arg5: memref<125x80xi32, #tpu.memory_space<vmem>>, %arg6: memref<80x256xf32, #tpu.memory_space<vmem>>, %arg7: memref<80x256xf32, #tpu.memory_space<vmem>>, %arg8: memref<!tpu.dma_semaphore, #tpu.memory_space<semaphore_mem>>, %arg9: memref<!tpu.dma_semaphore, #tpu.memory_space<semaphore_mem>>) attributes {dimension_semantics = [#tpu.dimension_semantics<core_parallel>, #tpu.dimension_semantics<subcore_parallel>], iteration_bounds = array<i64: 2, 16>, scalar_prefetch = 0 : i64, scratch_operands = 5 : i64, tpu.core_type = #tpu.core_type<sc_vector_subcore>, window_params = [{transform_indices = #map}, {transform_indices = #map1}, {transform_indices = #map}]} {
    %mul3A = arith.constant 2 : i32
    %mul3A_0 = arith.muli %arg1, %mul3A : i32
    %add3A = arith.addi %mul3A_0, %arg0 : i32
    %mul3A_1 = arith.constant 10000 : i32
    %mul3A_2 = arith.muli %add3A, %mul3A_1 : i32
    "tpu.region"() ({
      %run_scoped3A = tpu.sem_alloc : memref<!tpu.dma_semaphore, #tpu.memory_space<semaphore_mem>>
      %dma_start3A_21 = arith.constant 0 : i32
      %dma_start3A_22 = arith.constant 0 : i32
      %dma_start3A_23 = tpu.memref_slice %arg3[%add3A, %dma_start3A_21, %dma_start3A_22] : memref<32x125x80xi32, #tpu.memory_space<hbm>> -> memref<1x125x80xi32, #tpu.memory_space<hbm>>
      %dma_start3A_24 = tpu.memref_squeeze %dma_start3A_23 : memref<1x125x80xi32, #tpu.memory_space<hbm>> -> memref<125x80xi32, #tpu.memory_space<hbm>>
      %dma_start3A_25 = arith.constant 0 : i32
      %dma_start3A_26 = arith.constant 0 : i32
      %dma_start3A_27 = tpu.memref_slice %arg3[%add3A, %dma_start3A_25, %dma_start3A_26] : memref<32x125x80xi32, #tpu.memory_space<hbm>> -> memref<1x125x80xi32, #tpu.memory_space<hbm>>
      %dma_start3A_28 = tpu.memref_squeeze %dma_start3A_27 : memref<1x125x80xi32, #tpu.memory_space<hbm>> -> memref<125x80xi32, #tpu.memory_space<hbm>>
      tpu.enqueue_dma source(%dma_start3A_28 : memref<125x80xi32, #tpu.memory_space<hbm>>) target(%arg5 : memref<125x80xi32, #tpu.memory_space<vmem>>) target_semaphore(%run_scoped3A : memref<!tpu.dma_semaphore, #tpu.memory_space<semaphore_mem>>)
      %dma_wait3A_29 = arith.constant 0 : i32
      %dma_wait3A_30 = arith.constant 0 : i32
      %dma_wait3A_31 = tpu.memref_slice %arg3[%add3A, %dma_wait3A_29, %dma_wait3A_30] : memref<32x125x80xi32, #tpu.memory_space<hbm>> -> memref<1x125x80xi32, #tpu.memory_space<hbm>>
      %dma_wait3A_32 = tpu.memref_squeeze %dma_wait3A_31 : memref<1x125x80xi32, #tpu.memory_space<hbm>> -> memref<125x80xi32, #tpu.memory_space<hbm>>
      %dma_wait3A_33 = arith.constant 0 : i32
      %dma_wait3A_34 = arith.constant 0 : i32
      %dma_wait3A_35 = tpu.memref_slice %arg3[%add3A, %dma_wait3A_33, %dma_wait3A_34] : memref<32x125x80xi32, #tpu.memory_space<hbm>> -> memref<1x125x80xi32, #tpu.memory_space<hbm>>
      %dma_wait3A_36 = tpu.memref_squeeze %dma_wait3A_35 : memref<1x125x80xi32, #tpu.memory_space<hbm>> -> memref<125x80xi32, #tpu.memory_space<hbm>>
      tpu.wait_dma2 semaphore(%run_scoped3A : memref<!tpu.dma_semaphore, #tpu.memory_space<semaphore_mem>>) src(%dma_wait3A_36 : memref<125x80xi32, #tpu.memory_space<hbm>>) dst(%arg5 : memref<125x80xi32, #tpu.memory_space<vmem>>)
      tpu.yield
    }) : () -> ()
    %dma_start3A = arith.constant 0 : i32
    %dma_start3A_3 = arith.constant 0 : i32
    %dma_start3A_4 = tpu.memref_slice %arg5[%dma_start3A, %dma_start3A_3] : memref<125x80xi32, #tpu.memory_space<vmem>> -> memref<1x80xi32, #tpu.memory_space<vmem>>
    %dma_start3A_5 = tpu.memref_squeeze %dma_start3A_4 : memref<1x80xi32, #tpu.memory_space<vmem>> -> memref<80xi32, #tpu.memory_space<vmem>>
    %dma_start3A_6 = arith.constant 0 : i32
    %dma_start3A_7 = arith.constant 0 : i32
    %dma_start3A_8 = tpu.memref_slice %arg2[%dma_start3A_6, %dma_start3A_7] : memref<10000x256xf32, #tpu.memory_space<hbm>> -> memref<10000x256xf32, #tpu.memory_space<hbm>>
    tpu.enqueue_indirect_dma source(%dma_start3A_8 : memref<10000x256xf32, #tpu.memory_space<hbm>>) target(%arg6 : memref<80x256xf32, #tpu.memory_space<vmem>>) offsets(%dma_start3A_5 : memref<80xi32, #tpu.memory_space<vmem>>) semaphore(%arg8 : memref<!tpu.dma_semaphore, #tpu.memory_space<semaphore_mem>>)
    %scan3A = arith.constant 0 : i32
    %scan3A_9 = arith.constant 62 : i32
    %scan3A_10 = arith.addi %scan3A, %scan3A_9 : i32
    %scan3A_11 = arith.constant 1 : i32
    scf.for %scan3A_21 = %scan3A to %scan3A_10 step %scan3A_11  : i32 {
      %mul3A_22 = arith.constant 1 : i32
      %mul3A_23 = arith.muli %scan3A_21, %mul3A_22 : i32
      %add3A_24 = arith.constant 0 : i32
      %add3A_25 = arith.addi %add3A_24, %mul3A_23 : i32
      %mul3A_26 = arith.constant 2 : i32
      %mul3A_27 = arith.muli %mul3A_26, %add3A_25 : i32
      %dma_wait3A_28 = arith.constant 0 : i32
      %dma_wait3A_29 = tpu.memref_slice %arg5[%mul3A_27, %dma_wait3A_28] : memref<125x80xi32, #tpu.memory_space<vmem>> -> memref<1x80xi32, #tpu.memory_space<vmem>>
      %dma_wait3A_30 = tpu.memref_squeeze %dma_wait3A_29 : memref<1x80xi32, #tpu.memory_space<vmem>> -> memref<80xi32, #tpu.memory_space<vmem>>
      %dma_wait3A_31 = arith.constant 0 : i32
      %dma_wait3A_32 = arith.constant 0 : i32
      %dma_wait3A_33 = tpu.memref_slice %arg2[%dma_wait3A_31, %dma_wait3A_32] : memref<10000x256xf32, #tpu.memory_space<hbm>> -> memref<10000x256xf32, #tpu.memory_space<hbm>>
      tpu.wait_indirect_dma semaphore(%arg8 : memref<!tpu.dma_semaphore, #tpu.memory_space<semaphore_mem>>) src(%dma_wait3A_33 : memref<10000x256xf32, #tpu.memory_space<hbm>>) dst(%arg6 : memref<80x256xf32, #tpu.memory_space<vmem>>)
      %add3A_34 = arith.constant 1 : i32
      %add3A_35 = arith.addi %mul3A_27, %add3A_34 : i32
      %dma_start3A_36 = arith.constant 0 : i32
      %dma_start3A_37 = tpu.memref_slice %arg5[%add3A_35, %dma_start3A_36] : memref<125x80xi32, #tpu.memory_space<vmem>> -> memref<1x80xi32, #tpu.memory_space<vmem>>
      %dma_start3A_38 = tpu.memref_squeeze %dma_start3A_37 : memref<1x80xi32, #tpu.memory_space<vmem>> -> memref<80xi32, #tpu.memory_space<vmem>>
      %dma_start3A_39 = arith.constant 0 : i32
      %dma_start3A_40 = arith.constant 0 : i32
      %dma_start3A_41 = tpu.memref_slice %arg2[%dma_start3A_39, %dma_start3A_40] : memref<10000x256xf32, #tpu.memory_space<hbm>> -> memref<10000x256xf32, #tpu.memory_space<hbm>>
      tpu.enqueue_indirect_dma source(%dma_start3A_41 : memref<10000x256xf32, #tpu.memory_space<hbm>>) target(%arg7 : memref<80x256xf32, #tpu.memory_space<vmem>>) offsets(%dma_start3A_38 : memref<80xi32, #tpu.memory_space<vmem>>) semaphore(%arg9 : memref<!tpu.dma_semaphore, #tpu.memory_space<semaphore_mem>>)
      %mul3A_42 = arith.constant 80 : i32
      %mul3A_43 = arith.muli %mul3A_27, %mul3A_42 : i32
      %add3A_44 = arith.addi %mul3A_2, %mul3A_43 : i32
      "tpu.region"() ({
        %run_scoped3A = tpu.sem_alloc : memref<!tpu.dma_semaphore, #tpu.memory_space<semaphore_mem>>
        %dma_start3A_62 = arith.constant 0 : i32
        %dma_start3A_63 = tpu.memref_slice %arg4[%add3A_44, %dma_start3A_62] : memref<320000x256xf32, #tpu.memory_space<hbm>> -> memref<80x256xf32, #tpu.memory_space<hbm>>
        %dma_start3A_64 = arith.constant 0 : i32
        %dma_start3A_65 = tpu.memref_slice %arg4[%add3A_44, %dma_start3A_64] : memref<320000x256xf32, #tpu.memory_space<hbm>> -> memref<80x256xf32, #tpu.memory_space<hbm>>
        tpu.enqueue_dma source(%arg6 : memref<80x256xf32, #tpu.memory_space<vmem>>) target(%dma_start3A_65 : memref<80x256xf32, #tpu.memory_space<hbm>>) target_semaphore(%run_scoped3A : memref<!tpu.dma_semaphore, #tpu.memory_space<semaphore_mem>>)
        %dma_wait3A_66 = arith.constant 0 : i32
        %dma_wait3A_67 = tpu.memref_slice %arg4[%add3A_44, %dma_wait3A_66] : memref<320000x256xf32, #tpu.memory_space<hbm>> -> memref<80x256xf32, #tpu.memory_space<hbm>>
        %dma_wait3A_68 = arith.constant 0 : i32
        %dma_wait3A_69 = tpu.memref_slice %arg4[%add3A_44, %dma_wait3A_68] : memref<320000x256xf32, #tpu.memory_space<hbm>> -> memref<80x256xf32, #tpu.memory_space<hbm>>
        tpu.wait_dma2 semaphore(%run_scoped3A : memref<!tpu.dma_semaphore, #tpu.memory_space<semaphore_mem>>) src(%arg6 : memref<80x256xf32, #tpu.memory_space<vmem>>) dst(%dma_wait3A_69 : memref<80x256xf32, #tpu.memory_space<hbm>>)
        tpu.yield
      }) : () -> ()
      %add3A_45 = arith.constant 1 : i32
      %add3A_46 = arith.addi %mul3A_27, %add3A_45 : i32
      %dma_wait3A_47 = arith.constant 0 : i32
      %dma_wait3A_48 = tpu.memref_slice %arg5[%add3A_46, %dma_wait3A_47] : memref<125x80xi32, #tpu.memory_space<vmem>> -> memref<1x80xi32, #tpu.memory_space<vmem>>
      %dma_wait3A_49 = tpu.memref_squeeze %dma_wait3A_48 : memref<1x80xi32, #tpu.memory_space<vmem>> -> memref<80xi32, #tpu.memory_space<vmem>>
      %dma_wait3A_50 = arith.constant 0 : i32
      %dma_wait3A_51 = arith.constant 0 : i32
      %dma_wait3A_52 = tpu.memref_slice %arg2[%dma_wait3A_50, %dma_wait3A_51] : memref<10000x256xf32, #tpu.memory_space<hbm>> -> memref<10000x256xf32, #tpu.memory_space<hbm>>
      tpu.wait_indirect_dma semaphore(%arg9 : memref<!tpu.dma_semaphore, #tpu.memory_space<semaphore_mem>>) src(%dma_wait3A_52 : memref<10000x256xf32, #tpu.memory_space<hbm>>) dst(%arg7 : memref<80x256xf32, #tpu.memory_space<vmem>>)
      %add3A_53 = arith.constant 2 : i32
      %add3A_54 = arith.addi %mul3A_27, %add3A_53 : i32
      %lt3A = arith.constant 125 : i32
      %lt3A_55 = arith.cmpi slt, %add3A_54, %lt3A : i32
      %convert_element_type3A = arith.extui %lt3A_55 : i1 to i32
      %cond3A = arith.constant 0 : i32
      %cond3A_56 = arith.cmpi ne, %convert_element_type3A, %cond3A : i32
      scf.if %cond3A_56 {
        %add3A_62 = arith.constant 2 : i32
        %add3A_63 = arith.addi %mul3A_27, %add3A_62 : i32
        %dma_start3A_64 = arith.constant 0 : i32
        %dma_start3A_65 = tpu.memref_slice %arg5[%add3A_63, %dma_start3A_64] : memref<125x80xi32, #tpu.memory_space<vmem>> -> memref<1x80xi32, #tpu.memory_space<vmem>>
        %dma_start3A_66 = tpu.memref_squeeze %dma_start3A_65 : memref<1x80xi32, #tpu.memory_space<vmem>> -> memref<80xi32, #tpu.memory_space<vmem>>
        %dma_start3A_67 = arith.constant 0 : i32
        %dma_start3A_68 = arith.constant 0 : i32
        %dma_start3A_69 = tpu.memref_slice %arg2[%dma_start3A_67, %dma_start3A_68] : memref<10000x256xf32, #tpu.memory_space<hbm>> -> memref<10000x256xf32, #tpu.memory_space<hbm>>
        tpu.enqueue_indirect_dma source(%dma_start3A_69 : memref<10000x256xf32, #tpu.memory_space<hbm>>) target(%arg6 : memref<80x256xf32, #tpu.memory_space<vmem>>) offsets(%dma_start3A_66 : memref<80xi32, #tpu.memory_space<vmem>>) semaphore(%arg8 : memref<!tpu.dma_semaphore, #tpu.memory_space<semaphore_mem>>)
      } else {
      }
      %add3A_57 = arith.constant 1 : i32
      %add3A_58 = arith.addi %mul3A_27, %add3A_57 : i32
      %mul3A_59 = arith.constant 80 : i32
      %mul3A_60 = arith.muli %add3A_58, %mul3A_59 : i32
      %add3A_61 = arith.addi %mul3A_2, %mul3A_60 : i32
      "tpu.region"() ({
        %run_scoped3A = tpu.sem_alloc : memref<!tpu.dma_semaphore, #tpu.memory_space<semaphore_mem>>
        %dma_start3A_62 = arith.constant 0 : i32
        %dma_start3A_63 = tpu.memref_slice %arg4[%add3A_61, %dma_start3A_62] : memref<320000x256xf32, #tpu.memory_space<hbm>> -> memref<80x256xf32, #tpu.memory_space<hbm>>
        %dma_start3A_64 = arith.constant 0 : i32
        %dma_start3A_65 = tpu.memref_slice %arg4[%add3A_61, %dma_start3A_64] : memref<320000x256xf32, #tpu.memory_space<hbm>> -> memref<80x256xf32, #tpu.memory_space<hbm>>
        tpu.enqueue_dma source(%arg7 : memref<80x256xf32, #tpu.memory_space<vmem>>) target(%dma_start3A_65 : memref<80x256xf32, #tpu.memory_space<hbm>>) target_semaphore(%run_scoped3A : memref<!tpu.dma_semaphore, #tpu.memory_space<semaphore_mem>>)
        %dma_wait3A_66 = arith.constant 0 : i32
        %dma_wait3A_67 = tpu.memref_slice %arg4[%add3A_61, %dma_wait3A_66] : memref<320000x256xf32, #tpu.memory_space<hbm>> -> memref<80x256xf32, #tpu.memory_space<hbm>>
        %dma_wait3A_68 = arith.constant 0 : i32
        %dma_wait3A_69 = tpu.memref_slice %arg4[%add3A_61, %dma_wait3A_68] : memref<320000x256xf32, #tpu.memory_space<hbm>> -> memref<80x256xf32, #tpu.memory_space<hbm>>
        tpu.wait_dma2 semaphore(%run_scoped3A : memref<!tpu.dma_semaphore, #tpu.memory_space<semaphore_mem>>) src(%arg7 : memref<80x256xf32, #tpu.memory_space<vmem>>) dst(%dma_wait3A_69 : memref<80x256xf32, #tpu.memory_space<hbm>>)
        tpu.yield
      }) : () -> ()
    }
    %scan3A_12 = arith.constant 62 : i32
    %dma_wait3A = arith.constant 124 : i32
    %dma_wait3A_13 = arith.constant 0 : i32
    %dma_wait3A_14 = tpu.memref_slice %arg5[%dma_wait3A, %dma_wait3A_13] : memref<125x80xi32, #tpu.memory_space<vmem>> -> memref<1x80xi32, #tpu.memory_space<vmem>>
    %dma_wait3A_15 = tpu.memref_squeeze %dma_wait3A_14 : memref<1x80xi32, #tpu.memory_space<vmem>> -> memref<80xi32, #tpu.memory_space<vmem>>
    %dma_wait3A_16 = arith.constant 0 : i32
    %dma_wait3A_17 = arith.constant 0 : i32
    %dma_wait3A_18 = tpu.memref_slice %arg2[%dma_wait3A_16, %dma_wait3A_17] : memref<10000x256xf32, #tpu.memory_space<hbm>> -> memref<10000x256xf32, #tpu.memory_space<hbm>>
    tpu.wait_indirect_dma semaphore(%arg8 : memref<!tpu.dma_semaphore, #tpu.memory_space<semaphore_mem>>) src(%dma_wait3A_18 : memref<10000x256xf32, #tpu.memory_space<hbm>>) dst(%arg6 : memref<80x256xf32, #tpu.memory_space<vmem>>)
    %add3A_19 = arith.constant 9920 : i32
    %add3A_20 = arith.addi %mul3A_2, %add3A_19 : i32
    "tpu.region"() ({
      %run_scoped3A = tpu.sem_alloc : memref<!tpu.dma_semaphore, #tpu.memory_space<semaphore_mem>>
      %dma_start3A_21 = arith.constant 0 : i32
      %dma_start3A_22 = tpu.memref_slice %arg4[%add3A_20, %dma_start3A_21] : memref<320000x256xf32, #tpu.memory_space<hbm>> -> memref<80x256xf32, #tpu.memory_space<hbm>>
      %dma_start3A_23 = arith.constant 0 : i32
      %dma_start3A_24 = tpu.memref_slice %arg4[%add3A_20, %dma_start3A_23] : memref<320000x256xf32, #tpu.memory_space<hbm>> -> memref<80x256xf32, #tpu.memory_space<hbm>>
      tpu.enqueue_dma source(%arg6 : memref<80x256xf32, #tpu.memory_space<vmem>>) target(%dma_start3A_24 : memref<80x256xf32, #tpu.memory_space<hbm>>) target_semaphore(%run_scoped3A : memref<!tpu.dma_semaphore, #tpu.memory_space<semaphore_mem>>)
      %dma_wait3A_25 = arith.constant 0 : i32
      %dma_wait3A_26 = tpu.memref_slice %arg4[%add3A_20, %dma_wait3A_25] : memref<320000x256xf32, #tpu.memory_space<hbm>> -> memref<80x256xf32, #tpu.memory_space<hbm>>
      %dma_wait3A_27 = arith.constant 0 : i32
      %dma_wait3A_28 = tpu.memref_slice %arg4[%add3A_20, %dma_wait3A_27] : memref<320000x256xf32, #tpu.memory_space<hbm>> -> memref<80x256xf32, #tpu.memory_space<hbm>>
      tpu.wait_dma2 semaphore(%run_scoped3A : memref<!tpu.dma_semaphore, #tpu.memory_space<semaphore_mem>>) src(%arg6 : memref<80x256xf32, #tpu.memory_space<vmem>>) dst(%dma_wait3A_28 : memref<80x256xf32, #tpu.memory_space<hbm>>)
      tpu.yield
    }) : () -> ()
    return
  }
}

#map = affine_map<(d0, d1) -> (0, 0)>
#map1 = affine_map<(d0, d1) -> (0)>
#map2 = affine_map<(d0, d1) -> (0, 0, 0)>
module attributes {stable_mosaic.version = 14 : i64} {
  func.func @k(%arg0: i32, %arg1: i32, %arg2: memref<320000x128xf32, #tpu.memory_space<hbm>>, %arg3: memref<320000xi32, #tpu.memory_space<hbm>>, %arg4: memref<10000x128xf32, #tpu.memory_space<hbm>>, %arg5: memref<2x10000x128xf32, #tpu.memory_space<hbm>>, %arg6: memref<80xi32, #tpu.memory_space<vmem>>, %arg7: memref<80xi32, #tpu.memory_space<vmem>>, %arg8: memref<80x128xf32, #tpu.memory_space<vmem>>, %arg9: memref<80x128xf32, #tpu.memory_space<vmem>>, %arg10: memref<10000x128xf32, #tpu.memory_space<vmem_shared>>, %arg11: memref<!tpu.dma_semaphore, #tpu.memory_space<semaphore_mem>>, %arg12: memref<!tpu.dma_semaphore, #tpu.memory_space<semaphore_mem>>, %arg13: memref<!tpu.dma_semaphore, #tpu.memory_space<semaphore_mem>>, %arg14: memref<!tpu.dma_semaphore, #tpu.memory_space<semaphore_mem>>) attributes {dimension_semantics = [#tpu.dimension_semantics<core_parallel>, #tpu.dimension_semantics<subcore_parallel>], iteration_bounds = array<i64: 2, 16>, scalar_prefetch = 0 : i64, scratch_operands = 9 : i64, tpu.core_type = #tpu.core_type<sc_vector_subcore>, window_params = [{transform_indices = #map}, {transform_indices = #map1}, {transform_indices = #map}, {transform_indices = #map2}]} {
    %mul3A = arith.constant 2 : i32
    %mul3A_0 = arith.muli %arg1, %mul3A : i32
    %add3A = arith.addi %mul3A_0, %arg0 : i32
    %mul3A_1 = arith.constant 10000 : i32
    %mul3A_2 = arith.muli %add3A, %mul3A_1 : i32
    %lt3A = arith.constant 15 : i32
    %lt3A_3 = arith.cmpi slt, %arg1, %lt3A : i32
    %convert_element_type3A = arith.extui %lt3A_3 : i1 to i32
    %cond3A = arith.constant 0 : i32
    %cond3A_4 = arith.cmpi ne, %convert_element_type3A, %cond3A : i32
    scf.if %cond3A_4 {
      %mul3A_36 = arith.constant 640 : i32
      %mul3A_37 = arith.muli %arg1, %mul3A_36 : i32
      %mul3A_38 = arith.constant 640 : i32
      %mul3A_39 = arith.muli %arg1, %mul3A_38 : i32
      "tpu.region"() ({
        %run_scoped3A = tpu.sem_alloc : memref<!tpu.dma_semaphore, #tpu.memory_space<semaphore_mem>>
        %dma_start3A_40 = arith.constant 0 : i32
        %dma_start3A_41 = tpu.memref_slice %arg10[%mul3A_39, %dma_start3A_40] : memref<10000x128xf32, #tpu.memory_space<vmem_shared>> -> memref<640x128xf32, #tpu.memory_space<vmem_shared>>
        %dma_start3A_42 = arith.constant 0 : i32
        %dma_start3A_43 = tpu.memref_slice %arg4[%mul3A_37, %dma_start3A_42] : memref<10000x128xf32, #tpu.memory_space<hbm>> -> memref<640x128xf32, #tpu.memory_space<hbm>>
        tpu.enqueue_dma source(%dma_start3A_43 : memref<640x128xf32, #tpu.memory_space<hbm>>) target(%dma_start3A_41 : memref<640x128xf32, #tpu.memory_space<vmem_shared>>) target_semaphore(%run_scoped3A : memref<!tpu.dma_semaphore, #tpu.memory_space<semaphore_mem>>)
        %dma_wait3A_44 = arith.constant 0 : i32
        %dma_wait3A_45 = tpu.memref_slice %arg10[%mul3A_39, %dma_wait3A_44] : memref<10000x128xf32, #tpu.memory_space<vmem_shared>> -> memref<640x128xf32, #tpu.memory_space<vmem_shared>>
        %dma_wait3A_46 = arith.constant 0 : i32
        %dma_wait3A_47 = tpu.memref_slice %arg4[%mul3A_37, %dma_wait3A_46] : memref<10000x128xf32, #tpu.memory_space<hbm>> -> memref<640x128xf32, #tpu.memory_space<hbm>>
        tpu.wait_dma2 semaphore(%run_scoped3A : memref<!tpu.dma_semaphore, #tpu.memory_space<semaphore_mem>>) src(%dma_wait3A_47 : memref<640x128xf32, #tpu.memory_space<hbm>>) dst(%dma_wait3A_45 : memref<640x128xf32, #tpu.memory_space<vmem_shared>>)
        tpu.yield
      }) : () -> ()
    } else {
    }
    %eq3A = arith.constant 15 : i32
    %eq3A_5 = arith.cmpi eq, %arg1, %eq3A : i32
    %convert_element_type3A_6 = arith.extui %eq3A_5 : i1 to i32
    %cond3A_7 = arith.constant 0 : i32
    %cond3A_8 = arith.cmpi ne, %convert_element_type3A_6, %cond3A_7 : i32
    scf.if %cond3A_8 {
      "tpu.region"() ({
        %run_scoped3A = tpu.sem_alloc : memref<!tpu.dma_semaphore, #tpu.memory_space<semaphore_mem>>
        %dma_start3A_36 = arith.constant 9600 : i32
        %dma_start3A_37 = arith.constant 0 : i32
        %dma_start3A_38 = tpu.memref_slice %arg10[%dma_start3A_36, %dma_start3A_37] : memref<10000x128xf32, #tpu.memory_space<vmem_shared>> -> memref<400x128xf32, #tpu.memory_space<vmem_shared>>
        %dma_start3A_39 = arith.constant 9600 : i32
        %dma_start3A_40 = arith.constant 0 : i32
        %dma_start3A_41 = tpu.memref_slice %arg4[%dma_start3A_39, %dma_start3A_40] : memref<10000x128xf32, #tpu.memory_space<hbm>> -> memref<400x128xf32, #tpu.memory_space<hbm>>
        tpu.enqueue_dma source(%dma_start3A_41 : memref<400x128xf32, #tpu.memory_space<hbm>>) target(%dma_start3A_38 : memref<400x128xf32, #tpu.memory_space<vmem_shared>>) target_semaphore(%run_scoped3A : memref<!tpu.dma_semaphore, #tpu.memory_space<semaphore_mem>>)
        %dma_wait3A_42 = arith.constant 9600 : i32
        %dma_wait3A_43 = arith.constant 0 : i32
        %dma_wait3A_44 = tpu.memref_slice %arg10[%dma_wait3A_42, %dma_wait3A_43] : memref<10000x128xf32, #tpu.memory_space<vmem_shared>> -> memref<400x128xf32, #tpu.memory_space<vmem_shared>>
        %dma_wait3A_45 = arith.constant 9600 : i32
        %dma_wait3A_46 = arith.constant 0 : i32
        %dma_wait3A_47 = tpu.memref_slice %arg4[%dma_wait3A_45, %dma_wait3A_46] : memref<10000x128xf32, #tpu.memory_space<hbm>> -> memref<400x128xf32, #tpu.memory_space<hbm>>
        tpu.wait_dma2 semaphore(%run_scoped3A : memref<!tpu.dma_semaphore, #tpu.memory_space<semaphore_mem>>) src(%dma_wait3A_47 : memref<400x128xf32, #tpu.memory_space<hbm>>) dst(%dma_wait3A_44 : memref<400x128xf32, #tpu.memory_space<vmem_shared>>)
        tpu.yield
      }) : () -> ()
    } else {
    }
    %dma_start3A = tpu.memref_slice %arg3[%mul3A_2] : memref<320000xi32, #tpu.memory_space<hbm>> -> memref<80xi32, #tpu.memory_space<hbm>>
    %dma_start3A_9 = tpu.memref_slice %arg3[%mul3A_2] : memref<320000xi32, #tpu.memory_space<hbm>> -> memref<80xi32, #tpu.memory_space<hbm>>
    tpu.enqueue_dma source(%dma_start3A_9 : memref<80xi32, #tpu.memory_space<hbm>>) target(%arg6 : memref<80xi32, #tpu.memory_space<vmem>>) target_semaphore(%arg11 : memref<!tpu.dma_semaphore, #tpu.memory_space<semaphore_mem>>)
    %dma_start3A_10 = arith.constant 0 : i32
    %dma_start3A_11 = tpu.memref_slice %arg2[%mul3A_2, %dma_start3A_10] : memref<320000x128xf32, #tpu.memory_space<hbm>> -> memref<80x128xf32, #tpu.memory_space<hbm>>
    %dma_start3A_12 = arith.constant 0 : i32
    %dma_start3A_13 = tpu.memref_slice %arg2[%mul3A_2, %dma_start3A_12] : memref<320000x128xf32, #tpu.memory_space<hbm>> -> memref<80x128xf32, #tpu.memory_space<hbm>>
    tpu.enqueue_dma source(%dma_start3A_13 : memref<80x128xf32, #tpu.memory_space<hbm>>) target(%arg8 : memref<80x128xf32, #tpu.memory_space<vmem>>) target_semaphore(%arg13 : memref<!tpu.dma_semaphore, #tpu.memory_space<semaphore_mem>>)
    %barrier3A = arith.constant 0 : index
    tpu.barrier barrier_id(%barrier3A)
    %scan3A = arith.constant 0 : i32
    %scan3A_14 = arith.constant 62 : i32
    %scan3A_15 = arith.addi %scan3A, %scan3A_14 : i32
    %scan3A_16 = arith.constant 1 : i32
    scf.for %scan3A_36 = %scan3A to %scan3A_15 step %scan3A_16  : i32 {
      %mul3A_37 = arith.constant 1 : i32
      %mul3A_38 = arith.muli %scan3A_36, %mul3A_37 : i32
      %add3A_39 = arith.constant 0 : i32
      %add3A_40 = arith.addi %add3A_39, %mul3A_38 : i32
      %mul3A_41 = arith.constant 2 : i32
      %mul3A_42 = arith.muli %mul3A_41, %add3A_40 : i32
      %mul3A_43 = arith.constant 80 : i32
      %mul3A_44 = arith.muli %mul3A_42, %mul3A_43 : i32
      %add3A_45 = arith.addi %mul3A_2, %mul3A_44 : i32
      %add3A_46 = arith.constant 1 : i32
      %add3A_47 = arith.addi %mul3A_42, %add3A_46 : i32
      %mul3A_48 = arith.constant 80 : i32
      %mul3A_49 = arith.muli %add3A_47, %mul3A_48 : i32
      %add3A_50 = arith.addi %mul3A_2, %mul3A_49 : i32
      %dma_wait3A_51 = tpu.memref_slice %arg3[%add3A_45] : memref<320000xi32, #tpu.memory_space<hbm>> -> memref<80xi32, #tpu.memory_space<hbm>>
      %dma_wait3A_52 = tpu.memref_slice %arg3[%add3A_45] : memref<320000xi32, #tpu.memory_space<hbm>> -> memref<80xi32, #tpu.memory_space<hbm>>
      tpu.wait_dma2 semaphore(%arg11 : memref<!tpu.dma_semaphore, #tpu.memory_space<semaphore_mem>>) src(%dma_wait3A_52 : memref<80xi32, #tpu.memory_space<hbm>>) dst(%arg6 : memref<80xi32, #tpu.memory_space<vmem>>)
      %dma_wait3A_53 = arith.constant 0 : i32
      %dma_wait3A_54 = tpu.memref_slice %arg2[%add3A_45, %dma_wait3A_53] : memref<320000x128xf32, #tpu.memory_space<hbm>> -> memref<80x128xf32, #tpu.memory_space<hbm>>
      %dma_wait3A_55 = arith.constant 0 : i32
      %dma_wait3A_56 = tpu.memref_slice %arg2[%add3A_45, %dma_wait3A_55] : memref<320000x128xf32, #tpu.memory_space<hbm>> -> memref<80x128xf32, #tpu.memory_space<hbm>>
      tpu.wait_dma2 semaphore(%arg13 : memref<!tpu.dma_semaphore, #tpu.memory_space<semaphore_mem>>) src(%dma_wait3A_56 : memref<80x128xf32, #tpu.memory_space<hbm>>) dst(%arg8 : memref<80x128xf32, #tpu.memory_space<vmem>>)
      %dma_start3A_57 = tpu.memref_slice %arg3[%add3A_50] : memref<320000xi32, #tpu.memory_space<hbm>> -> memref<80xi32, #tpu.memory_space<hbm>>
      %dma_start3A_58 = tpu.memref_slice %arg3[%add3A_50] : memref<320000xi32, #tpu.memory_space<hbm>> -> memref<80xi32, #tpu.memory_space<hbm>>
      tpu.enqueue_dma source(%dma_start3A_58 : memref<80xi32, #tpu.memory_space<hbm>>) target(%arg7 : memref<80xi32, #tpu.memory_space<vmem>>) target_semaphore(%arg12 : memref<!tpu.dma_semaphore, #tpu.memory_space<semaphore_mem>>)
      %dma_start3A_59 = arith.constant 0 : i32
      %dma_start3A_60 = tpu.memref_slice %arg2[%add3A_50, %dma_start3A_59] : memref<320000x128xf32, #tpu.memory_space<hbm>> -> memref<80x128xf32, #tpu.memory_space<hbm>>
      %dma_start3A_61 = arith.constant 0 : i32
      %dma_start3A_62 = tpu.memref_slice %arg2[%add3A_50, %dma_start3A_61] : memref<320000x128xf32, #tpu.memory_space<hbm>> -> memref<80x128xf32, #tpu.memory_space<hbm>>
      tpu.enqueue_dma source(%dma_start3A_62 : memref<80x128xf32, #tpu.memory_space<hbm>>) target(%arg9 : memref<80x128xf32, #tpu.memory_space<vmem>>) target_semaphore(%arg14 : memref<!tpu.dma_semaphore, #tpu.memory_space<semaphore_mem>>)
      "tpu.region"() ({
        %run_scoped3A = tpu.sem_alloc : memref<!tpu.dma_semaphore, #tpu.memory_space<semaphore_mem>>
        %dma_start3A_76 = arith.constant 0 : i32
        %dma_start3A_77 = arith.constant 0 : i32
        %dma_start3A_78 = tpu.memref_slice %arg10[%dma_start3A_76, %dma_start3A_77] : memref<10000x128xf32, #tpu.memory_space<vmem_shared>> -> memref<10000x128xf32, #tpu.memory_space<vmem_shared>>
        tpu.enqueue_indirect_dma source(%arg8 : memref<80x128xf32, #tpu.memory_space<vmem>>) target(%dma_start3A_78 : memref<10000x128xf32, #tpu.memory_space<vmem_shared>>) offsets(%arg6 : memref<80xi32, #tpu.memory_space<vmem>>) semaphore(%run_scoped3A : memref<!tpu.dma_semaphore, #tpu.memory_space<semaphore_mem>>) {add = true}
        %dma_wait3A_79 = arith.constant 0 : i32
        %dma_wait3A_80 = arith.constant 0 : i32
        %dma_wait3A_81 = tpu.memref_slice %arg10[%dma_wait3A_79, %dma_wait3A_80] : memref<10000x128xf32, #tpu.memory_space<vmem_shared>> -> memref<10000x128xf32, #tpu.memory_space<vmem_shared>>
        tpu.wait_indirect_dma semaphore(%run_scoped3A : memref<!tpu.dma_semaphore, #tpu.memory_space<semaphore_mem>>) src(%arg8 : memref<80x128xf32, #tpu.memory_space<vmem>>) dst(%dma_wait3A_81 : memref<10000x128xf32, #tpu.memory_space<vmem_shared>>)
        tpu.yield
      }) : () -> ()
      %dma_wait3A_63 = tpu.memref_slice %arg3[%add3A_50] : memref<320000xi32, #tpu.memory_space<hbm>> -> memref<80xi32, #tpu.memory_space<hbm>>
      %dma_wait3A_64 = tpu.memref_slice %arg3[%add3A_50] : memref<320000xi32, #tpu.memory_space<hbm>> -> memref<80xi32, #tpu.memory_space<hbm>>
      tpu.wait_dma2 semaphore(%arg12 : memref<!tpu.dma_semaphore, #tpu.memory_space<semaphore_mem>>) src(%dma_wait3A_64 : memref<80xi32, #tpu.memory_space<hbm>>) dst(%arg7 : memref<80xi32, #tpu.memory_space<vmem>>)
      %dma_wait3A_65 = arith.constant 0 : i32
      %dma_wait3A_66 = tpu.memref_slice %arg2[%add3A_50, %dma_wait3A_65] : memref<320000x128xf32, #tpu.memory_space<hbm>> -> memref<80x128xf32, #tpu.memory_space<hbm>>
      %dma_wait3A_67 = arith.constant 0 : i32
      %dma_wait3A_68 = tpu.memref_slice %arg2[%add3A_50, %dma_wait3A_67] : memref<320000x128xf32, #tpu.memory_space<hbm>> -> memref<80x128xf32, #tpu.memory_space<hbm>>
      tpu.wait_dma2 semaphore(%arg14 : memref<!tpu.dma_semaphore, #tpu.memory_space<semaphore_mem>>) src(%dma_wait3A_68 : memref<80x128xf32, #tpu.memory_space<hbm>>) dst(%arg9 : memref<80x128xf32, #tpu.memory_space<vmem>>)
      %add3A_69 = arith.constant 2 : i32
      %add3A_70 = arith.addi %mul3A_42, %add3A_69 : i32
      %lt3A_71 = arith.constant 125 : i32
      %lt3A_72 = arith.cmpi slt, %add3A_70, %lt3A_71 : i32
      %convert_element_type3A_73 = arith.extui %lt3A_72 : i1 to i32
      %cond3A_74 = arith.constant 0 : i32
      %cond3A_75 = arith.cmpi ne, %convert_element_type3A_73, %cond3A_74 : i32
      scf.if %cond3A_75 {
        %add3A_76 = arith.constant 2 : i32
        %add3A_77 = arith.addi %mul3A_42, %add3A_76 : i32
        %mul3A_78 = arith.constant 80 : i32
        %mul3A_79 = arith.muli %add3A_77, %mul3A_78 : i32
        %add3A_80 = arith.addi %mul3A_2, %mul3A_79 : i32
        %dma_start3A_81 = tpu.memref_slice %arg3[%add3A_80] : memref<320000xi32, #tpu.memory_space<hbm>> -> memref<80xi32, #tpu.memory_space<hbm>>
        %dma_start3A_82 = tpu.memref_slice %arg3[%add3A_80] : memref<320000xi32, #tpu.memory_space<hbm>> -> memref<80xi32, #tpu.memory_space<hbm>>
        tpu.enqueue_dma source(%dma_start3A_82 : memref<80xi32, #tpu.memory_space<hbm>>) target(%arg6 : memref<80xi32, #tpu.memory_space<vmem>>) target_semaphore(%arg11 : memref<!tpu.dma_semaphore, #tpu.memory_space<semaphore_mem>>)
        %dma_start3A_83 = arith.constant 0 : i32
        %dma_start3A_84 = tpu.memref_slice %arg2[%add3A_80, %dma_start3A_83] : memref<320000x128xf32, #tpu.memory_space<hbm>> -> memref<80x128xf32, #tpu.memory_space<hbm>>
        %dma_start3A_85 = arith.constant 0 : i32
        %dma_start3A_86 = tpu.memref_slice %arg2[%add3A_80, %dma_start3A_85] : memref<320000x128xf32, #tpu.memory_space<hbm>> -> memref<80x128xf32, #tpu.memory_space<hbm>>
        tpu.enqueue_dma source(%dma_start3A_86 : memref<80x128xf32, #tpu.memory_space<hbm>>) target(%arg8 : memref<80x128xf32, #tpu.memory_space<vmem>>) target_semaphore(%arg13 : memref<!tpu.dma_semaphore, #tpu.memory_space<semaphore_mem>>)
      } else {
      }
      "tpu.region"() ({
        %run_scoped3A = tpu.sem_alloc : memref<!tpu.dma_semaphore, #tpu.memory_space<semaphore_mem>>
        %dma_start3A_76 = arith.constant 0 : i32
        %dma_start3A_77 = arith.constant 0 : i32
        %dma_start3A_78 = tpu.memref_slice %arg10[%dma_start3A_76, %dma_start3A_77] : memref<10000x128xf32, #tpu.memory_space<vmem_shared>> -> memref<10000x128xf32, #tpu.memory_space<vmem_shared>>
        tpu.enqueue_indirect_dma source(%arg9 : memref<80x128xf32, #tpu.memory_space<vmem>>) target(%dma_start3A_78 : memref<10000x128xf32, #tpu.memory_space<vmem_shared>>) offsets(%arg7 : memref<80xi32, #tpu.memory_space<vmem>>) semaphore(%run_scoped3A : memref<!tpu.dma_semaphore, #tpu.memory_space<semaphore_mem>>) {add = true}
        %dma_wait3A_79 = arith.constant 0 : i32
        %dma_wait3A_80 = arith.constant 0 : i32
        %dma_wait3A_81 = tpu.memref_slice %arg10[%dma_wait3A_79, %dma_wait3A_80] : memref<10000x128xf32, #tpu.memory_space<vmem_shared>> -> memref<10000x128xf32, #tpu.memory_space<vmem_shared>>
        tpu.wait_indirect_dma semaphore(%run_scoped3A : memref<!tpu.dma_semaphore, #tpu.memory_space<semaphore_mem>>) src(%arg9 : memref<80x128xf32, #tpu.memory_space<vmem>>) dst(%dma_wait3A_81 : memref<10000x128xf32, #tpu.memory_space<vmem_shared>>)
        tpu.yield
      }) : () -> ()
    }
    %scan3A_17 = arith.constant 62 : i32
    %add3A_18 = arith.constant 9920 : i32
    %add3A_19 = arith.addi %mul3A_2, %add3A_18 : i32
    %dma_wait3A = tpu.memref_slice %arg3[%add3A_19] : memref<320000xi32, #tpu.memory_space<hbm>> -> memref<80xi32, #tpu.memory_space<hbm>>
    %dma_wait3A_20 = tpu.memref_slice %arg3[%add3A_19] : memref<320000xi32, #tpu.memory_space<hbm>> -> memref<80xi32, #tpu.memory_space<hbm>>
    tpu.wait_dma2 semaphore(%arg11 : memref<!tpu.dma_semaphore, #tpu.memory_space<semaphore_mem>>) src(%dma_wait3A_20 : memref<80xi32, #tpu.memory_space<hbm>>) dst(%arg6 : memref<80xi32, #tpu.memory_space<vmem>>)
    %dma_wait3A_21 = arith.constant 0 : i32
    %dma_wait3A_22 = tpu.memref_slice %arg2[%add3A_19, %dma_wait3A_21] : memref<320000x128xf32, #tpu.memory_space<hbm>> -> memref<80x128xf32, #tpu.memory_space<hbm>>
    %dma_wait3A_23 = arith.constant 0 : i32
    %dma_wait3A_24 = tpu.memref_slice %arg2[%add3A_19, %dma_wait3A_23] : memref<320000x128xf32, #tpu.memory_space<hbm>> -> memref<80x128xf32, #tpu.memory_space<hbm>>
    tpu.wait_dma2 semaphore(%arg13 : memref<!tpu.dma_semaphore, #tpu.memory_space<semaphore_mem>>) src(%dma_wait3A_24 : memref<80x128xf32, #tpu.memory_space<hbm>>) dst(%arg8 : memref<80x128xf32, #tpu.memory_space<vmem>>)
    "tpu.region"() ({
      %run_scoped3A = tpu.sem_alloc : memref<!tpu.dma_semaphore, #tpu.memory_space<semaphore_mem>>
      %dma_start3A_36 = arith.constant 0 : i32
      %dma_start3A_37 = arith.constant 0 : i32
      %dma_start3A_38 = tpu.memref_slice %arg10[%dma_start3A_36, %dma_start3A_37] : memref<10000x128xf32, #tpu.memory_space<vmem_shared>> -> memref<10000x128xf32, #tpu.memory_space<vmem_shared>>
      tpu.enqueue_indirect_dma source(%arg8 : memref<80x128xf32, #tpu.memory_space<vmem>>) target(%dma_start3A_38 : memref<10000x128xf32, #tpu.memory_space<vmem_shared>>) offsets(%arg6 : memref<80xi32, #tpu.memory_space<vmem>>) semaphore(%run_scoped3A : memref<!tpu.dma_semaphore, #tpu.memory_space<semaphore_mem>>) {add = true}
      %dma_wait3A_39 = arith.constant 0 : i32
      %dma_wait3A_40 = arith.constant 0 : i32
      %dma_wait3A_41 = tpu.memref_slice %arg10[%dma_wait3A_39, %dma_wait3A_40] : memref<10000x128xf32, #tpu.memory_space<vmem_shared>> -> memref<10000x128xf32, #tpu.memory_space<vmem_shared>>
      tpu.wait_indirect_dma semaphore(%run_scoped3A : memref<!tpu.dma_semaphore, #tpu.memory_space<semaphore_mem>>) src(%arg8 : memref<80x128xf32, #tpu.memory_space<vmem>>) dst(%dma_wait3A_41 : memref<10000x128xf32, #tpu.memory_space<vmem_shared>>)
      tpu.yield
    }) : () -> ()
    %barrier3A_25 = arith.constant 0 : index
    tpu.barrier barrier_id(%barrier3A_25)
    %lt3A_26 = arith.constant 15 : i32
    %lt3A_27 = arith.cmpi slt, %arg1, %lt3A_26 : i32
    %convert_element_type3A_28 = arith.extui %lt3A_27 : i1 to i32
    %cond3A_29 = arith.constant 0 : i32
    %cond3A_30 = arith.cmpi ne, %convert_element_type3A_28, %cond3A_29 : i32
    scf.if %cond3A_30 {
      %mul3A_36 = arith.constant 640 : i32
      %mul3A_37 = arith.muli %arg1, %mul3A_36 : i32
      %mul3A_38 = arith.constant 640 : i32
      %mul3A_39 = arith.muli %arg1, %mul3A_38 : i32
      "tpu.region"() ({
        %run_scoped3A = tpu.sem_alloc : memref<!tpu.dma_semaphore, #tpu.memory_space<semaphore_mem>>
        %dma_start3A_40 = arith.constant 0 : i32
        %dma_start3A_41 = tpu.memref_slice %arg5[%arg0, %mul3A_39, %dma_start3A_40] : memref<2x10000x128xf32, #tpu.memory_space<hbm>> -> memref<1x640x128xf32, #tpu.memory_space<hbm>>
        %dma_start3A_42 = tpu.memref_squeeze %dma_start3A_41 : memref<1x640x128xf32, #tpu.memory_space<hbm>> -> memref<640x128xf32, #tpu.memory_space<hbm>>
        %dma_start3A_43 = arith.constant 0 : i32
        %dma_start3A_44 = tpu.memref_slice %arg10[%mul3A_37, %dma_start3A_43] : memref<10000x128xf32, #tpu.memory_space<vmem_shared>> -> memref<640x128xf32, #tpu.memory_space<vmem_shared>>
        tpu.enqueue_dma source(%dma_start3A_44 : memref<640x128xf32, #tpu.memory_space<vmem_shared>>) target(%dma_start3A_42 : memref<640x128xf32, #tpu.memory_space<hbm>>) target_semaphore(%run_scoped3A : memref<!tpu.dma_semaphore, #tpu.memory_space<semaphore_mem>>)
        %dma_wait3A_45 = arith.constant 0 : i32
        %dma_wait3A_46 = tpu.memref_slice %arg5[%arg0, %mul3A_39, %dma_wait3A_45] : memref<2x10000x128xf32, #tpu.memory_space<hbm>> -> memref<1x640x128xf32, #tpu.memory_space<hbm>>
        %dma_wait3A_47 = tpu.memref_squeeze %dma_wait3A_46 : memref<1x640x128xf32, #tpu.memory_space<hbm>> -> memref<640x128xf32, #tpu.memory_space<hbm>>
        %dma_wait3A_48 = arith.constant 0 : i32
        %dma_wait3A_49 = tpu.memref_slice %arg10[%mul3A_37, %dma_wait3A_48] : memref<10000x128xf32, #tpu.memory_space<vmem_shared>> -> memref<640x128xf32, #tpu.memory_space<vmem_shared>>
        tpu.wait_dma2 semaphore(%run_scoped3A : memref<!tpu.dma_semaphore, #tpu.memory_space<semaphore_mem>>) src(%dma_wait3A_49 : memref<640x128xf32, #tpu.memory_space<vmem_shared>>) dst(%dma_wait3A_47 : memref<640x128xf32, #tpu.memory_space<hbm>>)
        tpu.yield
      }) : () -> ()
    } else {
    }
    %eq3A_31 = arith.constant 15 : i32
    %eq3A_32 = arith.cmpi eq, %arg1, %eq3A_31 : i32
    %convert_element_type3A_33 = arith.extui %eq3A_32 : i1 to i32
    %cond3A_34 = arith.constant 0 : i32
    %cond3A_35 = arith.cmpi ne, %convert_element_type3A_33, %cond3A_34 : i32
    scf.if %cond3A_35 {
      "tpu.region"() ({
        %run_scoped3A = tpu.sem_alloc : memref<!tpu.dma_semaphore, #tpu.memory_space<semaphore_mem>>
        %dma_start3A_36 = arith.constant 9600 : i32
        %dma_start3A_37 = arith.constant 0 : i32
        %dma_start3A_38 = tpu.memref_slice %arg5[%arg0, %dma_start3A_36, %dma_start3A_37] : memref<2x10000x128xf32, #tpu.memory_space<hbm>> -> memref<1x400x128xf32, #tpu.memory_space<hbm>>
        %dma_start3A_39 = tpu.memref_squeeze %dma_start3A_38 : memref<1x400x128xf32, #tpu.memory_space<hbm>> -> memref<400x128xf32, #tpu.memory_space<hbm>>
        %dma_start3A_40 = arith.constant 9600 : i32
        %dma_start3A_41 = arith.constant 0 : i32
        %dma_start3A_42 = tpu.memref_slice %arg10[%dma_start3A_40, %dma_start3A_41] : memref<10000x128xf32, #tpu.memory_space<vmem_shared>> -> memref<400x128xf32, #tpu.memory_space<vmem_shared>>
        tpu.enqueue_dma source(%dma_start3A_42 : memref<400x128xf32, #tpu.memory_space<vmem_shared>>) target(%dma_start3A_39 : memref<400x128xf32, #tpu.memory_space<hbm>>) target_semaphore(%run_scoped3A : memref<!tpu.dma_semaphore, #tpu.memory_space<semaphore_mem>>)
        %dma_wait3A_43 = arith.constant 9600 : i32
        %dma_wait3A_44 = arith.constant 0 : i32
        %dma_wait3A_45 = tpu.memref_slice %arg5[%arg0, %dma_wait3A_43, %dma_wait3A_44] : memref<2x10000x128xf32, #tpu.memory_space<hbm>> -> memref<1x400x128xf32, #tpu.memory_space<hbm>>
        %dma_wait3A_46 = tpu.memref_squeeze %dma_wait3A_45 : memref<1x400x128xf32, #tpu.memory_space<hbm>> -> memref<400x128xf32, #tpu.memory_space<hbm>>
        %dma_wait3A_47 = arith.constant 9600 : i32
        %dma_wait3A_48 = arith.constant 0 : i32
        %dma_wait3A_49 = tpu.memref_slice %arg10[%dma_wait3A_47, %dma_wait3A_48] : memref<10000x128xf32, #tpu.memory_space<vmem_shared>> -> memref<400x128xf32, #tpu.memory_space<vmem_shared>>
        tpu.wait_dma2 semaphore(%run_scoped3A : memref<!tpu.dma_semaphore, #tpu.memory_space<semaphore_mem>>) src(%dma_wait3A_49 : memref<400x128xf32, #tpu.memory_space<vmem_shared>>) dst(%dma_wait3A_46 : memref<400x128xf32, #tpu.memory_space<hbm>>)
        tpu.yield
      }) : () -> ()
    } else {
    }
    return
  }
}

#map = affine_map<(d0, d1) -> (0, 0)>
#map1 = affine_map<(d0, d1) -> (0)>
#map2 = affine_map<(d0, d1) -> (0, 0, 0)>
module attributes {stable_mosaic.version = 14 : i64} {
  func.func @k(%arg0: i32, %arg1: i32, %arg2: memref<320000x16xf32, #tpu.memory_space<hbm>>, %arg3: memref<320000xi32, #tpu.memory_space<hbm>>, %arg4: memref<10000x16xf32, #tpu.memory_space<hbm>>, %arg5: memref<2x10000x16xf32, #tpu.memory_space<hbm>>, %arg6: memref<80xi32, #tpu.memory_space<vmem>>, %arg7: memref<80xi32, #tpu.memory_space<vmem>>, %arg8: memref<80x16xf32, #tpu.memory_space<vmem>>, %arg9: memref<80x16xf32, #tpu.memory_space<vmem>>, %arg10: memref<10000x16xf32, #tpu.memory_space<vmem_shared>>, %arg11: memref<!tpu.dma_semaphore, #tpu.memory_space<semaphore_mem>>, %arg12: memref<!tpu.dma_semaphore, #tpu.memory_space<semaphore_mem>>, %arg13: memref<!tpu.dma_semaphore, #tpu.memory_space<semaphore_mem>>, %arg14: memref<!tpu.dma_semaphore, #tpu.memory_space<semaphore_mem>>) attributes {dimension_semantics = [#tpu.dimension_semantics<core_parallel>, #tpu.dimension_semantics<subcore_parallel>], iteration_bounds = array<i64: 2, 16>, scalar_prefetch = 0 : i64, scratch_operands = 9 : i64, tpu.core_type = #tpu.core_type<sc_vector_subcore>, window_params = [{transform_indices = #map}, {transform_indices = #map1}, {transform_indices = #map}, {transform_indices = #map2}]} {
    %mul3A = arith.constant 2 : i32
    %mul3A_0 = arith.muli %arg1, %mul3A : i32
    %add3A = arith.addi %mul3A_0, %arg0 : i32
    %mul3A_1 = arith.constant 10000 : i32
    %mul3A_2 = arith.muli %add3A, %mul3A_1 : i32
    %lt3A = arith.constant 15 : i32
    %lt3A_3 = arith.cmpi slt, %arg1, %lt3A : i32
    %convert_element_type3A = arith.extui %lt3A_3 : i1 to i32
    %cond3A = arith.constant 0 : i32
    %cond3A_4 = arith.cmpi ne, %convert_element_type3A, %cond3A : i32
    scf.if %cond3A_4 {
      %mul3A_36 = arith.constant 640 : i32
      %mul3A_37 = arith.muli %arg1, %mul3A_36 : i32
      %mul3A_38 = arith.constant 640 : i32
      %mul3A_39 = arith.muli %arg1, %mul3A_38 : i32
      "tpu.region"() ({
        %run_scoped3A = tpu.sem_alloc : memref<!tpu.dma_semaphore, #tpu.memory_space<semaphore_mem>>
        %dma_start3A_40 = arith.constant 0 : i32
        %dma_start3A_41 = tpu.memref_slice %arg10[%mul3A_39, %dma_start3A_40] : memref<10000x16xf32, #tpu.memory_space<vmem_shared>> -> memref<640x16xf32, #tpu.memory_space<vmem_shared>>
        %dma_start3A_42 = arith.constant 0 : i32
        %dma_start3A_43 = tpu.memref_slice %arg4[%mul3A_37, %dma_start3A_42] : memref<10000x16xf32, #tpu.memory_space<hbm>> -> memref<640x16xf32, #tpu.memory_space<hbm>>
        tpu.enqueue_dma source(%dma_start3A_43 : memref<640x16xf32, #tpu.memory_space<hbm>>) target(%dma_start3A_41 : memref<640x16xf32, #tpu.memory_space<vmem_shared>>) target_semaphore(%run_scoped3A : memref<!tpu.dma_semaphore, #tpu.memory_space<semaphore_mem>>)
        %dma_wait3A_44 = arith.constant 0 : i32
        %dma_wait3A_45 = tpu.memref_slice %arg10[%mul3A_39, %dma_wait3A_44] : memref<10000x16xf32, #tpu.memory_space<vmem_shared>> -> memref<640x16xf32, #tpu.memory_space<vmem_shared>>
        %dma_wait3A_46 = arith.constant 0 : i32
        %dma_wait3A_47 = tpu.memref_slice %arg4[%mul3A_37, %dma_wait3A_46] : memref<10000x16xf32, #tpu.memory_space<hbm>> -> memref<640x16xf32, #tpu.memory_space<hbm>>
        tpu.wait_dma2 semaphore(%run_scoped3A : memref<!tpu.dma_semaphore, #tpu.memory_space<semaphore_mem>>) src(%dma_wait3A_47 : memref<640x16xf32, #tpu.memory_space<hbm>>) dst(%dma_wait3A_45 : memref<640x16xf32, #tpu.memory_space<vmem_shared>>)
        tpu.yield
      }) : () -> ()
    } else {
    }
    %eq3A = arith.constant 15 : i32
    %eq3A_5 = arith.cmpi eq, %arg1, %eq3A : i32
    %convert_element_type3A_6 = arith.extui %eq3A_5 : i1 to i32
    %cond3A_7 = arith.constant 0 : i32
    %cond3A_8 = arith.cmpi ne, %convert_element_type3A_6, %cond3A_7 : i32
    scf.if %cond3A_8 {
      "tpu.region"() ({
        %run_scoped3A = tpu.sem_alloc : memref<!tpu.dma_semaphore, #tpu.memory_space<semaphore_mem>>
        %dma_start3A_36 = arith.constant 9600 : i32
        %dma_start3A_37 = arith.constant 0 : i32
        %dma_start3A_38 = tpu.memref_slice %arg10[%dma_start3A_36, %dma_start3A_37] : memref<10000x16xf32, #tpu.memory_space<vmem_shared>> -> memref<400x16xf32, #tpu.memory_space<vmem_shared>>
        %dma_start3A_39 = arith.constant 9600 : i32
        %dma_start3A_40 = arith.constant 0 : i32
        %dma_start3A_41 = tpu.memref_slice %arg4[%dma_start3A_39, %dma_start3A_40] : memref<10000x16xf32, #tpu.memory_space<hbm>> -> memref<400x16xf32, #tpu.memory_space<hbm>>
        tpu.enqueue_dma source(%dma_start3A_41 : memref<400x16xf32, #tpu.memory_space<hbm>>) target(%dma_start3A_38 : memref<400x16xf32, #tpu.memory_space<vmem_shared>>) target_semaphore(%run_scoped3A : memref<!tpu.dma_semaphore, #tpu.memory_space<semaphore_mem>>)
        %dma_wait3A_42 = arith.constant 9600 : i32
        %dma_wait3A_43 = arith.constant 0 : i32
        %dma_wait3A_44 = tpu.memref_slice %arg10[%dma_wait3A_42, %dma_wait3A_43] : memref<10000x16xf32, #tpu.memory_space<vmem_shared>> -> memref<400x16xf32, #tpu.memory_space<vmem_shared>>
        %dma_wait3A_45 = arith.constant 9600 : i32
        %dma_wait3A_46 = arith.constant 0 : i32
        %dma_wait3A_47 = tpu.memref_slice %arg4[%dma_wait3A_45, %dma_wait3A_46] : memref<10000x16xf32, #tpu.memory_space<hbm>> -> memref<400x16xf32, #tpu.memory_space<hbm>>
        tpu.wait_dma2 semaphore(%run_scoped3A : memref<!tpu.dma_semaphore, #tpu.memory_space<semaphore_mem>>) src(%dma_wait3A_47 : memref<400x16xf32, #tpu.memory_space<hbm>>) dst(%dma_wait3A_44 : memref<400x16xf32, #tpu.memory_space<vmem_shared>>)
        tpu.yield
      }) : () -> ()
    } else {
    }
    %dma_start3A = tpu.memref_slice %arg3[%mul3A_2] : memref<320000xi32, #tpu.memory_space<hbm>> -> memref<80xi32, #tpu.memory_space<hbm>>
    %dma_start3A_9 = tpu.memref_slice %arg3[%mul3A_2] : memref<320000xi32, #tpu.memory_space<hbm>> -> memref<80xi32, #tpu.memory_space<hbm>>
    tpu.enqueue_dma source(%dma_start3A_9 : memref<80xi32, #tpu.memory_space<hbm>>) target(%arg6 : memref<80xi32, #tpu.memory_space<vmem>>) target_semaphore(%arg11 : memref<!tpu.dma_semaphore, #tpu.memory_space<semaphore_mem>>)
    %dma_start3A_10 = arith.constant 0 : i32
    %dma_start3A_11 = tpu.memref_slice %arg2[%mul3A_2, %dma_start3A_10] : memref<320000x16xf32, #tpu.memory_space<hbm>> -> memref<80x16xf32, #tpu.memory_space<hbm>>
    %dma_start3A_12 = arith.constant 0 : i32
    %dma_start3A_13 = tpu.memref_slice %arg2[%mul3A_2, %dma_start3A_12] : memref<320000x16xf32, #tpu.memory_space<hbm>> -> memref<80x16xf32, #tpu.memory_space<hbm>>
    tpu.enqueue_dma source(%dma_start3A_13 : memref<80x16xf32, #tpu.memory_space<hbm>>) target(%arg8 : memref<80x16xf32, #tpu.memory_space<vmem>>) target_semaphore(%arg13 : memref<!tpu.dma_semaphore, #tpu.memory_space<semaphore_mem>>)
    %barrier3A = arith.constant 0 : index
    tpu.barrier barrier_id(%barrier3A)
    %scan3A = arith.constant 0 : i32
    %scan3A_14 = arith.constant 62 : i32
    %scan3A_15 = arith.addi %scan3A, %scan3A_14 : i32
    %scan3A_16 = arith.constant 1 : i32
    scf.for %scan3A_36 = %scan3A to %scan3A_15 step %scan3A_16  : i32 {
      %mul3A_37 = arith.constant 1 : i32
      %mul3A_38 = arith.muli %scan3A_36, %mul3A_37 : i32
      %add3A_39 = arith.constant 0 : i32
      %add3A_40 = arith.addi %add3A_39, %mul3A_38 : i32
      %mul3A_41 = arith.constant 2 : i32
      %mul3A_42 = arith.muli %mul3A_41, %add3A_40 : i32
      %mul3A_43 = arith.constant 80 : i32
      %mul3A_44 = arith.muli %mul3A_42, %mul3A_43 : i32
      %add3A_45 = arith.addi %mul3A_2, %mul3A_44 : i32
      %add3A_46 = arith.constant 1 : i32
      %add3A_47 = arith.addi %mul3A_42, %add3A_46 : i32
      %mul3A_48 = arith.constant 80 : i32
      %mul3A_49 = arith.muli %add3A_47, %mul3A_48 : i32
      %add3A_50 = arith.addi %mul3A_2, %mul3A_49 : i32
      %dma_wait3A_51 = tpu.memref_slice %arg3[%add3A_45] : memref<320000xi32, #tpu.memory_space<hbm>> -> memref<80xi32, #tpu.memory_space<hbm>>
      %dma_wait3A_52 = tpu.memref_slice %arg3[%add3A_45] : memref<320000xi32, #tpu.memory_space<hbm>> -> memref<80xi32, #tpu.memory_space<hbm>>
      tpu.wait_dma2 semaphore(%arg11 : memref<!tpu.dma_semaphore, #tpu.memory_space<semaphore_mem>>) src(%dma_wait3A_52 : memref<80xi32, #tpu.memory_space<hbm>>) dst(%arg6 : memref<80xi32, #tpu.memory_space<vmem>>)
      %dma_wait3A_53 = arith.constant 0 : i32
      %dma_wait3A_54 = tpu.memref_slice %arg2[%add3A_45, %dma_wait3A_53] : memref<320000x16xf32, #tpu.memory_space<hbm>> -> memref<80x16xf32, #tpu.memory_space<hbm>>
      %dma_wait3A_55 = arith.constant 0 : i32
      %dma_wait3A_56 = tpu.memref_slice %arg2[%add3A_45, %dma_wait3A_55] : memref<320000x16xf32, #tpu.memory_space<hbm>> -> memref<80x16xf32, #tpu.memory_space<hbm>>
      tpu.wait_dma2 semaphore(%arg13 : memref<!tpu.dma_semaphore, #tpu.memory_space<semaphore_mem>>) src(%dma_wait3A_56 : memref<80x16xf32, #tpu.memory_space<hbm>>) dst(%arg8 : memref<80x16xf32, #tpu.memory_space<vmem>>)
      %dma_start3A_57 = tpu.memref_slice %arg3[%add3A_50] : memref<320000xi32, #tpu.memory_space<hbm>> -> memref<80xi32, #tpu.memory_space<hbm>>
      %dma_start3A_58 = tpu.memref_slice %arg3[%add3A_50] : memref<320000xi32, #tpu.memory_space<hbm>> -> memref<80xi32, #tpu.memory_space<hbm>>
      tpu.enqueue_dma source(%dma_start3A_58 : memref<80xi32, #tpu.memory_space<hbm>>) target(%arg7 : memref<80xi32, #tpu.memory_space<vmem>>) target_semaphore(%arg12 : memref<!tpu.dma_semaphore, #tpu.memory_space<semaphore_mem>>)
      %dma_start3A_59 = arith.constant 0 : i32
      %dma_start3A_60 = tpu.memref_slice %arg2[%add3A_50, %dma_start3A_59] : memref<320000x16xf32, #tpu.memory_space<hbm>> -> memref<80x16xf32, #tpu.memory_space<hbm>>
      %dma_start3A_61 = arith.constant 0 : i32
      %dma_start3A_62 = tpu.memref_slice %arg2[%add3A_50, %dma_start3A_61] : memref<320000x16xf32, #tpu.memory_space<hbm>> -> memref<80x16xf32, #tpu.memory_space<hbm>>
      tpu.enqueue_dma source(%dma_start3A_62 : memref<80x16xf32, #tpu.memory_space<hbm>>) target(%arg9 : memref<80x16xf32, #tpu.memory_space<vmem>>) target_semaphore(%arg14 : memref<!tpu.dma_semaphore, #tpu.memory_space<semaphore_mem>>)
      "tpu.region"() ({
        %run_scoped3A = tpu.sem_alloc : memref<!tpu.dma_semaphore, #tpu.memory_space<semaphore_mem>>
        %dma_start3A_76 = arith.constant 0 : i32
        %dma_start3A_77 = arith.constant 0 : i32
        %dma_start3A_78 = tpu.memref_slice %arg10[%dma_start3A_76, %dma_start3A_77] : memref<10000x16xf32, #tpu.memory_space<vmem_shared>> -> memref<10000x16xf32, #tpu.memory_space<vmem_shared>>
        tpu.enqueue_indirect_dma source(%arg8 : memref<80x16xf32, #tpu.memory_space<vmem>>) target(%dma_start3A_78 : memref<10000x16xf32, #tpu.memory_space<vmem_shared>>) offsets(%arg6 : memref<80xi32, #tpu.memory_space<vmem>>) semaphore(%run_scoped3A : memref<!tpu.dma_semaphore, #tpu.memory_space<semaphore_mem>>) {add = true}
        %dma_wait3A_79 = arith.constant 0 : i32
        %dma_wait3A_80 = arith.constant 0 : i32
        %dma_wait3A_81 = tpu.memref_slice %arg10[%dma_wait3A_79, %dma_wait3A_80] : memref<10000x16xf32, #tpu.memory_space<vmem_shared>> -> memref<10000x16xf32, #tpu.memory_space<vmem_shared>>
        tpu.wait_indirect_dma semaphore(%run_scoped3A : memref<!tpu.dma_semaphore, #tpu.memory_space<semaphore_mem>>) src(%arg8 : memref<80x16xf32, #tpu.memory_space<vmem>>) dst(%dma_wait3A_81 : memref<10000x16xf32, #tpu.memory_space<vmem_shared>>)
        tpu.yield
      }) : () -> ()
      %dma_wait3A_63 = tpu.memref_slice %arg3[%add3A_50] : memref<320000xi32, #tpu.memory_space<hbm>> -> memref<80xi32, #tpu.memory_space<hbm>>
      %dma_wait3A_64 = tpu.memref_slice %arg3[%add3A_50] : memref<320000xi32, #tpu.memory_space<hbm>> -> memref<80xi32, #tpu.memory_space<hbm>>
      tpu.wait_dma2 semaphore(%arg12 : memref<!tpu.dma_semaphore, #tpu.memory_space<semaphore_mem>>) src(%dma_wait3A_64 : memref<80xi32, #tpu.memory_space<hbm>>) dst(%arg7 : memref<80xi32, #tpu.memory_space<vmem>>)
      %dma_wait3A_65 = arith.constant 0 : i32
      %dma_wait3A_66 = tpu.memref_slice %arg2[%add3A_50, %dma_wait3A_65] : memref<320000x16xf32, #tpu.memory_space<hbm>> -> memref<80x16xf32, #tpu.memory_space<hbm>>
      %dma_wait3A_67 = arith.constant 0 : i32
      %dma_wait3A_68 = tpu.memref_slice %arg2[%add3A_50, %dma_wait3A_67] : memref<320000x16xf32, #tpu.memory_space<hbm>> -> memref<80x16xf32, #tpu.memory_space<hbm>>
      tpu.wait_dma2 semaphore(%arg14 : memref<!tpu.dma_semaphore, #tpu.memory_space<semaphore_mem>>) src(%dma_wait3A_68 : memref<80x16xf32, #tpu.memory_space<hbm>>) dst(%arg9 : memref<80x16xf32, #tpu.memory_space<vmem>>)
      %add3A_69 = arith.constant 2 : i32
      %add3A_70 = arith.addi %mul3A_42, %add3A_69 : i32
      %lt3A_71 = arith.constant 125 : i32
      %lt3A_72 = arith.cmpi slt, %add3A_70, %lt3A_71 : i32
      %convert_element_type3A_73 = arith.extui %lt3A_72 : i1 to i32
      %cond3A_74 = arith.constant 0 : i32
      %cond3A_75 = arith.cmpi ne, %convert_element_type3A_73, %cond3A_74 : i32
      scf.if %cond3A_75 {
        %add3A_76 = arith.constant 2 : i32
        %add3A_77 = arith.addi %mul3A_42, %add3A_76 : i32
        %mul3A_78 = arith.constant 80 : i32
        %mul3A_79 = arith.muli %add3A_77, %mul3A_78 : i32
        %add3A_80 = arith.addi %mul3A_2, %mul3A_79 : i32
        %dma_start3A_81 = tpu.memref_slice %arg3[%add3A_80] : memref<320000xi32, #tpu.memory_space<hbm>> -> memref<80xi32, #tpu.memory_space<hbm>>
        %dma_start3A_82 = tpu.memref_slice %arg3[%add3A_80] : memref<320000xi32, #tpu.memory_space<hbm>> -> memref<80xi32, #tpu.memory_space<hbm>>
        tpu.enqueue_dma source(%dma_start3A_82 : memref<80xi32, #tpu.memory_space<hbm>>) target(%arg6 : memref<80xi32, #tpu.memory_space<vmem>>) target_semaphore(%arg11 : memref<!tpu.dma_semaphore, #tpu.memory_space<semaphore_mem>>)
        %dma_start3A_83 = arith.constant 0 : i32
        %dma_start3A_84 = tpu.memref_slice %arg2[%add3A_80, %dma_start3A_83] : memref<320000x16xf32, #tpu.memory_space<hbm>> -> memref<80x16xf32, #tpu.memory_space<hbm>>
        %dma_start3A_85 = arith.constant 0 : i32
        %dma_start3A_86 = tpu.memref_slice %arg2[%add3A_80, %dma_start3A_85] : memref<320000x16xf32, #tpu.memory_space<hbm>> -> memref<80x16xf32, #tpu.memory_space<hbm>>
        tpu.enqueue_dma source(%dma_start3A_86 : memref<80x16xf32, #tpu.memory_space<hbm>>) target(%arg8 : memref<80x16xf32, #tpu.memory_space<vmem>>) target_semaphore(%arg13 : memref<!tpu.dma_semaphore, #tpu.memory_space<semaphore_mem>>)
      } else {
      }
      "tpu.region"() ({
        %run_scoped3A = tpu.sem_alloc : memref<!tpu.dma_semaphore, #tpu.memory_space<semaphore_mem>>
        %dma_start3A_76 = arith.constant 0 : i32
        %dma_start3A_77 = arith.constant 0 : i32
        %dma_start3A_78 = tpu.memref_slice %arg10[%dma_start3A_76, %dma_start3A_77] : memref<10000x16xf32, #tpu.memory_space<vmem_shared>> -> memref<10000x16xf32, #tpu.memory_space<vmem_shared>>
        tpu.enqueue_indirect_dma source(%arg9 : memref<80x16xf32, #tpu.memory_space<vmem>>) target(%dma_start3A_78 : memref<10000x16xf32, #tpu.memory_space<vmem_shared>>) offsets(%arg7 : memref<80xi32, #tpu.memory_space<vmem>>) semaphore(%run_scoped3A : memref<!tpu.dma_semaphore, #tpu.memory_space<semaphore_mem>>) {add = true}
        %dma_wait3A_79 = arith.constant 0 : i32
        %dma_wait3A_80 = arith.constant 0 : i32
        %dma_wait3A_81 = tpu.memref_slice %arg10[%dma_wait3A_79, %dma_wait3A_80] : memref<10000x16xf32, #tpu.memory_space<vmem_shared>> -> memref<10000x16xf32, #tpu.memory_space<vmem_shared>>
        tpu.wait_indirect_dma semaphore(%run_scoped3A : memref<!tpu.dma_semaphore, #tpu.memory_space<semaphore_mem>>) src(%arg9 : memref<80x16xf32, #tpu.memory_space<vmem>>) dst(%dma_wait3A_81 : memref<10000x16xf32, #tpu.memory_space<vmem_shared>>)
        tpu.yield
      }) : () -> ()
    }
    %scan3A_17 = arith.constant 62 : i32
    %add3A_18 = arith.constant 9920 : i32
    %add3A_19 = arith.addi %mul3A_2, %add3A_18 : i32
    %dma_wait3A = tpu.memref_slice %arg3[%add3A_19] : memref<320000xi32, #tpu.memory_space<hbm>> -> memref<80xi32, #tpu.memory_space<hbm>>
    %dma_wait3A_20 = tpu.memref_slice %arg3[%add3A_19] : memref<320000xi32, #tpu.memory_space<hbm>> -> memref<80xi32, #tpu.memory_space<hbm>>
    tpu.wait_dma2 semaphore(%arg11 : memref<!tpu.dma_semaphore, #tpu.memory_space<semaphore_mem>>) src(%dma_wait3A_20 : memref<80xi32, #tpu.memory_space<hbm>>) dst(%arg6 : memref<80xi32, #tpu.memory_space<vmem>>)
    %dma_wait3A_21 = arith.constant 0 : i32
    %dma_wait3A_22 = tpu.memref_slice %arg2[%add3A_19, %dma_wait3A_21] : memref<320000x16xf32, #tpu.memory_space<hbm>> -> memref<80x16xf32, #tpu.memory_space<hbm>>
    %dma_wait3A_23 = arith.constant 0 : i32
    %dma_wait3A_24 = tpu.memref_slice %arg2[%add3A_19, %dma_wait3A_23] : memref<320000x16xf32, #tpu.memory_space<hbm>> -> memref<80x16xf32, #tpu.memory_space<hbm>>
    tpu.wait_dma2 semaphore(%arg13 : memref<!tpu.dma_semaphore, #tpu.memory_space<semaphore_mem>>) src(%dma_wait3A_24 : memref<80x16xf32, #tpu.memory_space<hbm>>) dst(%arg8 : memref<80x16xf32, #tpu.memory_space<vmem>>)
    "tpu.region"() ({
      %run_scoped3A = tpu.sem_alloc : memref<!tpu.dma_semaphore, #tpu.memory_space<semaphore_mem>>
      %dma_start3A_36 = arith.constant 0 : i32
      %dma_start3A_37 = arith.constant 0 : i32
      %dma_start3A_38 = tpu.memref_slice %arg10[%dma_start3A_36, %dma_start3A_37] : memref<10000x16xf32, #tpu.memory_space<vmem_shared>> -> memref<10000x16xf32, #tpu.memory_space<vmem_shared>>
      tpu.enqueue_indirect_dma source(%arg8 : memref<80x16xf32, #tpu.memory_space<vmem>>) target(%dma_start3A_38 : memref<10000x16xf32, #tpu.memory_space<vmem_shared>>) offsets(%arg6 : memref<80xi32, #tpu.memory_space<vmem>>) semaphore(%run_scoped3A : memref<!tpu.dma_semaphore, #tpu.memory_space<semaphore_mem>>) {add = true}
      %dma_wait3A_39 = arith.constant 0 : i32
      %dma_wait3A_40 = arith.constant 0 : i32
      %dma_wait3A_41 = tpu.memref_slice %arg10[%dma_wait3A_39, %dma_wait3A_40] : memref<10000x16xf32, #tpu.memory_space<vmem_shared>> -> memref<10000x16xf32, #tpu.memory_space<vmem_shared>>
      tpu.wait_indirect_dma semaphore(%run_scoped3A : memref<!tpu.dma_semaphore, #tpu.memory_space<semaphore_mem>>) src(%arg8 : memref<80x16xf32, #tpu.memory_space<vmem>>) dst(%dma_wait3A_41 : memref<10000x16xf32, #tpu.memory_space<vmem_shared>>)
      tpu.yield
    }) : () -> ()
    %barrier3A_25 = arith.constant 0 : index
    tpu.barrier barrier_id(%barrier3A_25)
    %lt3A_26 = arith.constant 15 : i32
    %lt3A_27 = arith.cmpi slt, %arg1, %lt3A_26 : i32
    %convert_element_type3A_28 = arith.extui %lt3A_27 : i1 to i32
    %cond3A_29 = arith.constant 0 : i32
    %cond3A_30 = arith.cmpi ne, %convert_element_type3A_28, %cond3A_29 : i32
    scf.if %cond3A_30 {
      %mul3A_36 = arith.constant 640 : i32
      %mul3A_37 = arith.muli %arg1, %mul3A_36 : i32
      %mul3A_38 = arith.constant 640 : i32
      %mul3A_39 = arith.muli %arg1, %mul3A_38 : i32
      "tpu.region"() ({
        %run_scoped3A = tpu.sem_alloc : memref<!tpu.dma_semaphore, #tpu.memory_space<semaphore_mem>>
        %dma_start3A_40 = arith.constant 0 : i32
        %dma_start3A_41 = tpu.memref_slice %arg5[%arg0, %mul3A_39, %dma_start3A_40] : memref<2x10000x16xf32, #tpu.memory_space<hbm>> -> memref<1x640x16xf32, #tpu.memory_space<hbm>>
        %dma_start3A_42 = tpu.memref_squeeze %dma_start3A_41 : memref<1x640x16xf32, #tpu.memory_space<hbm>> -> memref<640x16xf32, #tpu.memory_space<hbm>>
        %dma_start3A_43 = arith.constant 0 : i32
        %dma_start3A_44 = tpu.memref_slice %arg10[%mul3A_37, %dma_start3A_43] : memref<10000x16xf32, #tpu.memory_space<vmem_shared>> -> memref<640x16xf32, #tpu.memory_space<vmem_shared>>
        tpu.enqueue_dma source(%dma_start3A_44 : memref<640x16xf32, #tpu.memory_space<vmem_shared>>) target(%dma_start3A_42 : memref<640x16xf32, #tpu.memory_space<hbm>>) target_semaphore(%run_scoped3A : memref<!tpu.dma_semaphore, #tpu.memory_space<semaphore_mem>>)
        %dma_wait3A_45 = arith.constant 0 : i32
        %dma_wait3A_46 = tpu.memref_slice %arg5[%arg0, %mul3A_39, %dma_wait3A_45] : memref<2x10000x16xf32, #tpu.memory_space<hbm>> -> memref<1x640x16xf32, #tpu.memory_space<hbm>>
        %dma_wait3A_47 = tpu.memref_squeeze %dma_wait3A_46 : memref<1x640x16xf32, #tpu.memory_space<hbm>> -> memref<640x16xf32, #tpu.memory_space<hbm>>
        %dma_wait3A_48 = arith.constant 0 : i32
        %dma_wait3A_49 = tpu.memref_slice %arg10[%mul3A_37, %dma_wait3A_48] : memref<10000x16xf32, #tpu.memory_space<vmem_shared>> -> memref<640x16xf32, #tpu.memory_space<vmem_shared>>
        tpu.wait_dma2 semaphore(%run_scoped3A : memref<!tpu.dma_semaphore, #tpu.memory_space<semaphore_mem>>) src(%dma_wait3A_49 : memref<640x16xf32, #tpu.memory_space<vmem_shared>>) dst(%dma_wait3A_47 : memref<640x16xf32, #tpu.memory_space<hbm>>)
        tpu.yield
      }) : () -> ()
    } else {
    }
    %eq3A_31 = arith.constant 15 : i32
    %eq3A_32 = arith.cmpi eq, %arg1, %eq3A_31 : i32
    %convert_element_type3A_33 = arith.extui %eq3A_32 : i1 to i32
    %cond3A_34 = arith.constant 0 : i32
    %cond3A_35 = arith.cmpi ne, %convert_element_type3A_33, %cond3A_34 : i32
    scf.if %cond3A_35 {
      "tpu.region"() ({
        %run_scoped3A = tpu.sem_alloc : memref<!tpu.dma_semaphore, #tpu.memory_space<semaphore_mem>>
        %dma_start3A_36 = arith.constant 9600 : i32
        %dma_start3A_37 = arith.constant 0 : i32
        %dma_start3A_38 = tpu.memref_slice %arg5[%arg0, %dma_start3A_36, %dma_start3A_37] : memref<2x10000x16xf32, #tpu.memory_space<hbm>> -> memref<1x400x16xf32, #tpu.memory_space<hbm>>
        %dma_start3A_39 = tpu.memref_squeeze %dma_start3A_38 : memref<1x400x16xf32, #tpu.memory_space<hbm>> -> memref<400x16xf32, #tpu.memory_space<hbm>>
        %dma_start3A_40 = arith.constant 9600 : i32
        %dma_start3A_41 = arith.constant 0 : i32
        %dma_start3A_42 = tpu.memref_slice %arg10[%dma_start3A_40, %dma_start3A_41] : memref<10000x16xf32, #tpu.memory_space<vmem_shared>> -> memref<400x16xf32, #tpu.memory_space<vmem_shared>>
        tpu.enqueue_dma source(%dma_start3A_42 : memref<400x16xf32, #tpu.memory_space<vmem_shared>>) target(%dma_start3A_39 : memref<400x16xf32, #tpu.memory_space<hbm>>) target_semaphore(%run_scoped3A : memref<!tpu.dma_semaphore, #tpu.memory_space<semaphore_mem>>)
        %dma_wait3A_43 = arith.constant 9600 : i32
        %dma_wait3A_44 = arith.constant 0 : i32
        %dma_wait3A_45 = tpu.memref_slice %arg5[%arg0, %dma_wait3A_43, %dma_wait3A_44] : memref<2x10000x16xf32, #tpu.memory_space<hbm>> -> memref<1x400x16xf32, #tpu.memory_space<hbm>>
        %dma_wait3A_46 = tpu.memref_squeeze %dma_wait3A_45 : memref<1x400x16xf32, #tpu.memory_space<hbm>> -> memref<400x16xf32, #tpu.memory_space<hbm>>
        %dma_wait3A_47 = arith.constant 9600 : i32
        %dma_wait3A_48 = arith.constant 0 : i32
        %dma_wait3A_49 = tpu.memref_slice %arg10[%dma_wait3A_47, %dma_wait3A_48] : memref<10000x16xf32, #tpu.memory_space<vmem_shared>> -> memref<400x16xf32, #tpu.memory_space<vmem_shared>>
        tpu.wait_dma2 semaphore(%run_scoped3A : memref<!tpu.dma_semaphore, #tpu.memory_space<semaphore_mem>>) src(%dma_wait3A_49 : memref<400x16xf32, #tpu.memory_space<vmem_shared>>) dst(%dma_wait3A_46 : memref<400x16xf32, #tpu.memory_space<hbm>>)
        tpu.yield
      }) : () -> ()
    } else {
    }
    return
  }
}

#map = affine_map<(d0, d1) -> (0, 0)>
#map1 = affine_map<(d0, d1) -> (0, 0, 0)>
module attributes {stable_mosaic.version = 14 : i64} {
  func.func @k(%arg0: i32, %arg1: i32, %arg2: memref<10000x256xf32, #tpu.memory_space<hbm>>, %arg3: memref<32x125x80xi32, #tpu.memory_space<hbm>>, %arg4: memref<320000x256xf32, #tpu.memory_space<hbm>>, %arg5: memref<125x80xi32, #tpu.memory_space<vmem>>, %arg6: memref<80x256xf32, #tpu.memory_space<vmem>>, %arg7: memref<80x256xf32, #tpu.memory_space<vmem>>, %arg8: memref<!tpu.dma_semaphore, #tpu.memory_space<semaphore_mem>>, %arg9: memref<!tpu.dma_semaphore, #tpu.memory_space<semaphore_mem>>) attributes {dimension_semantics = [#tpu.dimension_semantics<core_parallel>, #tpu.dimension_semantics<subcore_parallel>], iteration_bounds = array<i64: 2, 16>, scalar_prefetch = 0 : i64, scratch_operands = 5 : i64, tpu.core_type = #tpu.core_type<sc_vector_subcore>, window_params = [{transform_indices = #map}, {transform_indices = #map1}, {transform_indices = #map}]} {
    %mul3A = arith.constant 2 : i32
    %mul3A_0 = arith.muli %arg1, %mul3A : i32
    %add3A = arith.addi %mul3A_0, %arg0 : i32
    %mul3A_1 = arith.constant 10000 : i32
    %mul3A_2 = arith.muli %add3A, %mul3A_1 : i32
    "tpu.region"() ({
      %run_scoped3A = tpu.sem_alloc : memref<!tpu.dma_semaphore, #tpu.memory_space<semaphore_mem>>
      %dma_start3A_21 = arith.constant 0 : i32
      %dma_start3A_22 = arith.constant 0 : i32
      %dma_start3A_23 = tpu.memref_slice %arg3[%add3A, %dma_start3A_21, %dma_start3A_22] : memref<32x125x80xi32, #tpu.memory_space<hbm>> -> memref<1x125x80xi32, #tpu.memory_space<hbm>>
      %dma_start3A_24 = tpu.memref_squeeze %dma_start3A_23 : memref<1x125x80xi32, #tpu.memory_space<hbm>> -> memref<125x80xi32, #tpu.memory_space<hbm>>
      %dma_start3A_25 = arith.constant 0 : i32
      %dma_start3A_26 = arith.constant 0 : i32
      %dma_start3A_27 = tpu.memref_slice %arg3[%add3A, %dma_start3A_25, %dma_start3A_26] : memref<32x125x80xi32, #tpu.memory_space<hbm>> -> memref<1x125x80xi32, #tpu.memory_space<hbm>>
      %dma_start3A_28 = tpu.memref_squeeze %dma_start3A_27 : memref<1x125x80xi32, #tpu.memory_space<hbm>> -> memref<125x80xi32, #tpu.memory_space<hbm>>
      tpu.enqueue_dma source(%dma_start3A_28 : memref<125x80xi32, #tpu.memory_space<hbm>>) target(%arg5 : memref<125x80xi32, #tpu.memory_space<vmem>>) target_semaphore(%run_scoped3A : memref<!tpu.dma_semaphore, #tpu.memory_space<semaphore_mem>>)
      %dma_wait3A_29 = arith.constant 0 : i32
      %dma_wait3A_30 = arith.constant 0 : i32
      %dma_wait3A_31 = tpu.memref_slice %arg3[%add3A, %dma_wait3A_29, %dma_wait3A_30] : memref<32x125x80xi32, #tpu.memory_space<hbm>> -> memref<1x125x80xi32, #tpu.memory_space<hbm>>
      %dma_wait3A_32 = tpu.memref_squeeze %dma_wait3A_31 : memref<1x125x80xi32, #tpu.memory_space<hbm>> -> memref<125x80xi32, #tpu.memory_space<hbm>>
      %dma_wait3A_33 = arith.constant 0 : i32
      %dma_wait3A_34 = arith.constant 0 : i32
      %dma_wait3A_35 = tpu.memref_slice %arg3[%add3A, %dma_wait3A_33, %dma_wait3A_34] : memref<32x125x80xi32, #tpu.memory_space<hbm>> -> memref<1x125x80xi32, #tpu.memory_space<hbm>>
      %dma_wait3A_36 = tpu.memref_squeeze %dma_wait3A_35 : memref<1x125x80xi32, #tpu.memory_space<hbm>> -> memref<125x80xi32, #tpu.memory_space<hbm>>
      tpu.wait_dma2 semaphore(%run_scoped3A : memref<!tpu.dma_semaphore, #tpu.memory_space<semaphore_mem>>) src(%dma_wait3A_36 : memref<125x80xi32, #tpu.memory_space<hbm>>) dst(%arg5 : memref<125x80xi32, #tpu.memory_space<vmem>>)
      tpu.yield
    }) : () -> ()
    %dma_start3A = arith.constant 0 : i32
    %dma_start3A_3 = arith.constant 0 : i32
    %dma_start3A_4 = tpu.memref_slice %arg5[%dma_start3A, %dma_start3A_3] : memref<125x80xi32, #tpu.memory_space<vmem>> -> memref<1x80xi32, #tpu.memory_space<vmem>>
    %dma_start3A_5 = tpu.memref_squeeze %dma_start3A_4 : memref<1x80xi32, #tpu.memory_space<vmem>> -> memref<80xi32, #tpu.memory_space<vmem>>
    %dma_start3A_6 = arith.constant 0 : i32
    %dma_start3A_7 = arith.constant 0 : i32
    %dma_start3A_8 = tpu.memref_slice %arg2[%dma_start3A_6, %dma_start3A_7] : memref<10000x256xf32, #tpu.memory_space<hbm>> -> memref<10000x256xf32, #tpu.memory_space<hbm>>
    tpu.enqueue_indirect_dma source(%dma_start3A_8 : memref<10000x256xf32, #tpu.memory_space<hbm>>) target(%arg6 : memref<80x256xf32, #tpu.memory_space<vmem>>) offsets(%dma_start3A_5 : memref<80xi32, #tpu.memory_space<vmem>>) semaphore(%arg8 : memref<!tpu.dma_semaphore, #tpu.memory_space<semaphore_mem>>)
    %scan3A = arith.constant 0 : i32
    %scan3A_9 = arith.constant 62 : i32
    %scan3A_10 = arith.addi %scan3A, %scan3A_9 : i32
    %scan3A_11 = arith.constant 1 : i32
    scf.for %scan3A_21 = %scan3A to %scan3A_10 step %scan3A_11  : i32 {
      %mul3A_22 = arith.constant 1 : i32
      %mul3A_23 = arith.muli %scan3A_21, %mul3A_22 : i32
      %add3A_24 = arith.constant 0 : i32
      %add3A_25 = arith.addi %add3A_24, %mul3A_23 : i32
      %mul3A_26 = arith.constant 2 : i32
      %mul3A_27 = arith.muli %mul3A_26, %add3A_25 : i32
      %dma_wait3A_28 = arith.constant 0 : i32
      %dma_wait3A_29 = tpu.memref_slice %arg5[%mul3A_27, %dma_wait3A_28] : memref<125x80xi32, #tpu.memory_space<vmem>> -> memref<1x80xi32, #tpu.memory_space<vmem>>
      %dma_wait3A_30 = tpu.memref_squeeze %dma_wait3A_29 : memref<1x80xi32, #tpu.memory_space<vmem>> -> memref<80xi32, #tpu.memory_space<vmem>>
      %dma_wait3A_31 = arith.constant 0 : i32
      %dma_wait3A_32 = arith.constant 0 : i32
      %dma_wait3A_33 = tpu.memref_slice %arg2[%dma_wait3A_31, %dma_wait3A_32] : memref<10000x256xf32, #tpu.memory_space<hbm>> -> memref<10000x256xf32, #tpu.memory_space<hbm>>
      tpu.wait_indirect_dma semaphore(%arg8 : memref<!tpu.dma_semaphore, #tpu.memory_space<semaphore_mem>>) src(%dma_wait3A_33 : memref<10000x256xf32, #tpu.memory_space<hbm>>) dst(%arg6 : memref<80x256xf32, #tpu.memory_space<vmem>>)
      %add3A_34 = arith.constant 1 : i32
      %add3A_35 = arith.addi %mul3A_27, %add3A_34 : i32
      %dma_start3A_36 = arith.constant 0 : i32
      %dma_start3A_37 = tpu.memref_slice %arg5[%add3A_35, %dma_start3A_36] : memref<125x80xi32, #tpu.memory_space<vmem>> -> memref<1x80xi32, #tpu.memory_space<vmem>>
      %dma_start3A_38 = tpu.memref_squeeze %dma_start3A_37 : memref<1x80xi32, #tpu.memory_space<vmem>> -> memref<80xi32, #tpu.memory_space<vmem>>
      %dma_start3A_39 = arith.constant 0 : i32
      %dma_start3A_40 = arith.constant 0 : i32
      %dma_start3A_41 = tpu.memref_slice %arg2[%dma_start3A_39, %dma_start3A_40] : memref<10000x256xf32, #tpu.memory_space<hbm>> -> memref<10000x256xf32, #tpu.memory_space<hbm>>
      tpu.enqueue_indirect_dma source(%dma_start3A_41 : memref<10000x256xf32, #tpu.memory_space<hbm>>) target(%arg7 : memref<80x256xf32, #tpu.memory_space<vmem>>) offsets(%dma_start3A_38 : memref<80xi32, #tpu.memory_space<vmem>>) semaphore(%arg9 : memref<!tpu.dma_semaphore, #tpu.memory_space<semaphore_mem>>)
      %mul3A_42 = arith.constant 80 : i32
      %mul3A_43 = arith.muli %mul3A_27, %mul3A_42 : i32
      %add3A_44 = arith.addi %mul3A_2, %mul3A_43 : i32
      "tpu.region"() ({
        %run_scoped3A = tpu.sem_alloc : memref<!tpu.dma_semaphore, #tpu.memory_space<semaphore_mem>>
        %dma_start3A_62 = arith.constant 0 : i32
        %dma_start3A_63 = tpu.memref_slice %arg4[%add3A_44, %dma_start3A_62] : memref<320000x256xf32, #tpu.memory_space<hbm>> -> memref<80x256xf32, #tpu.memory_space<hbm>>
        %dma_start3A_64 = arith.constant 0 : i32
        %dma_start3A_65 = tpu.memref_slice %arg4[%add3A_44, %dma_start3A_64] : memref<320000x256xf32, #tpu.memory_space<hbm>> -> memref<80x256xf32, #tpu.memory_space<hbm>>
        tpu.enqueue_dma source(%arg6 : memref<80x256xf32, #tpu.memory_space<vmem>>) target(%dma_start3A_65 : memref<80x256xf32, #tpu.memory_space<hbm>>) target_semaphore(%run_scoped3A : memref<!tpu.dma_semaphore, #tpu.memory_space<semaphore_mem>>)
        %dma_wait3A_66 = arith.constant 0 : i32
        %dma_wait3A_67 = tpu.memref_slice %arg4[%add3A_44, %dma_wait3A_66] : memref<320000x256xf32, #tpu.memory_space<hbm>> -> memref<80x256xf32, #tpu.memory_space<hbm>>
        %dma_wait3A_68 = arith.constant 0 : i32
        %dma_wait3A_69 = tpu.memref_slice %arg4[%add3A_44, %dma_wait3A_68] : memref<320000x256xf32, #tpu.memory_space<hbm>> -> memref<80x256xf32, #tpu.memory_space<hbm>>
        tpu.wait_dma2 semaphore(%run_scoped3A : memref<!tpu.dma_semaphore, #tpu.memory_space<semaphore_mem>>) src(%arg6 : memref<80x256xf32, #tpu.memory_space<vmem>>) dst(%dma_wait3A_69 : memref<80x256xf32, #tpu.memory_space<hbm>>)
        tpu.yield
      }) : () -> ()
      %add3A_45 = arith.constant 1 : i32
      %add3A_46 = arith.addi %mul3A_27, %add3A_45 : i32
      %dma_wait3A_47 = arith.constant 0 : i32
      %dma_wait3A_48 = tpu.memref_slice %arg5[%add3A_46, %dma_wait3A_47] : memref<125x80xi32, #tpu.memory_space<vmem>> -> memref<1x80xi32, #tpu.memory_space<vmem>>
      %dma_wait3A_49 = tpu.memref_squeeze %dma_wait3A_48 : memref<1x80xi32, #tpu.memory_space<vmem>> -> memref<80xi32, #tpu.memory_space<vmem>>
      %dma_wait3A_50 = arith.constant 0 : i32
      %dma_wait3A_51 = arith.constant 0 : i32
      %dma_wait3A_52 = tpu.memref_slice %arg2[%dma_wait3A_50, %dma_wait3A_51] : memref<10000x256xf32, #tpu.memory_space<hbm>> -> memref<10000x256xf32, #tpu.memory_space<hbm>>
      tpu.wait_indirect_dma semaphore(%arg9 : memref<!tpu.dma_semaphore, #tpu.memory_space<semaphore_mem>>) src(%dma_wait3A_52 : memref<10000x256xf32, #tpu.memory_space<hbm>>) dst(%arg7 : memref<80x256xf32, #tpu.memory_space<vmem>>)
      %add3A_53 = arith.constant 2 : i32
      %add3A_54 = arith.addi %mul3A_27, %add3A_53 : i32
      %lt3A = arith.constant 125 : i32
      %lt3A_55 = arith.cmpi slt, %add3A_54, %lt3A : i32
      %convert_element_type3A = arith.extui %lt3A_55 : i1 to i32
      %cond3A = arith.constant 0 : i32
      %cond3A_56 = arith.cmpi ne, %convert_element_type3A, %cond3A : i32
      scf.if %cond3A_56 {
        %add3A_62 = arith.constant 2 : i32
        %add3A_63 = arith.addi %mul3A_27, %add3A_62 : i32
        %dma_start3A_64 = arith.constant 0 : i32
        %dma_start3A_65 = tpu.memref_slice %arg5[%add3A_63, %dma_start3A_64] : memref<125x80xi32, #tpu.memory_space<vmem>> -> memref<1x80xi32, #tpu.memory_space<vmem>>
        %dma_start3A_66 = tpu.memref_squeeze %dma_start3A_65 : memref<1x80xi32, #tpu.memory_space<vmem>> -> memref<80xi32, #tpu.memory_space<vmem>>
        %dma_start3A_67 = arith.constant 0 : i32
        %dma_start3A_68 = arith.constant 0 : i32
        %dma_start3A_69 = tpu.memref_slice %arg2[%dma_start3A_67, %dma_start3A_68] : memref<10000x256xf32, #tpu.memory_space<hbm>> -> memref<10000x256xf32, #tpu.memory_space<hbm>>
        tpu.enqueue_indirect_dma source(%dma_start3A_69 : memref<10000x256xf32, #tpu.memory_space<hbm>>) target(%arg6 : memref<80x256xf32, #tpu.memory_space<vmem>>) offsets(%dma_start3A_66 : memref<80xi32, #tpu.memory_space<vmem>>) semaphore(%arg8 : memref<!tpu.dma_semaphore, #tpu.memory_space<semaphore_mem>>)
      } else {
      }
      %add3A_57 = arith.constant 1 : i32
      %add3A_58 = arith.addi %mul3A_27, %add3A_57 : i32
      %mul3A_59 = arith.constant 80 : i32
      %mul3A_60 = arith.muli %add3A_58, %mul3A_59 : i32
      %add3A_61 = arith.addi %mul3A_2, %mul3A_60 : i32
      "tpu.region"() ({
        %run_scoped3A = tpu.sem_alloc : memref<!tpu.dma_semaphore, #tpu.memory_space<semaphore_mem>>
        %dma_start3A_62 = arith.constant 0 : i32
        %dma_start3A_63 = tpu.memref_slice %arg4[%add3A_61, %dma_start3A_62] : memref<320000x256xf32, #tpu.memory_space<hbm>> -> memref<80x256xf32, #tpu.memory_space<hbm>>
        %dma_start3A_64 = arith.constant 0 : i32
        %dma_start3A_65 = tpu.memref_slice %arg4[%add3A_61, %dma_start3A_64] : memref<320000x256xf32, #tpu.memory_space<hbm>> -> memref<80x256xf32, #tpu.memory_space<hbm>>
        tpu.enqueue_dma source(%arg7 : memref<80x256xf32, #tpu.memory_space<vmem>>) target(%dma_start3A_65 : memref<80x256xf32, #tpu.memory_space<hbm>>) target_semaphore(%run_scoped3A : memref<!tpu.dma_semaphore, #tpu.memory_space<semaphore_mem>>)
        %dma_wait3A_66 = arith.constant 0 : i32
        %dma_wait3A_67 = tpu.memref_slice %arg4[%add3A_61, %dma_wait3A_66] : memref<320000x256xf32, #tpu.memory_space<hbm>> -> memref<80x256xf32, #tpu.memory_space<hbm>>
        %dma_wait3A_68 = arith.constant 0 : i32
        %dma_wait3A_69 = tpu.memref_slice %arg4[%add3A_61, %dma_wait3A_68] : memref<320000x256xf32, #tpu.memory_space<hbm>> -> memref<80x256xf32, #tpu.memory_space<hbm>>
        tpu.wait_dma2 semaphore(%run_scoped3A : memref<!tpu.dma_semaphore, #tpu.memory_space<semaphore_mem>>) src(%arg7 : memref<80x256xf32, #tpu.memory_space<vmem>>) dst(%dma_wait3A_69 : memref<80x256xf32, #tpu.memory_space<hbm>>)
        tpu.yield
      }) : () -> ()
    }
    %scan3A_12 = arith.constant 62 : i32
    %dma_wait3A = arith.constant 124 : i32
    %dma_wait3A_13 = arith.constant 0 : i32
    %dma_wait3A_14 = tpu.memref_slice %arg5[%dma_wait3A, %dma_wait3A_13] : memref<125x80xi32, #tpu.memory_space<vmem>> -> memref<1x80xi32, #tpu.memory_space<vmem>>
    %dma_wait3A_15 = tpu.memref_squeeze %dma_wait3A_14 : memref<1x80xi32, #tpu.memory_space<vmem>> -> memref<80xi32, #tpu.memory_space<vmem>>
    %dma_wait3A_16 = arith.constant 0 : i32
    %dma_wait3A_17 = arith.constant 0 : i32
    %dma_wait3A_18 = tpu.memref_slice %arg2[%dma_wait3A_16, %dma_wait3A_17] : memref<10000x256xf32, #tpu.memory_space<hbm>> -> memref<10000x256xf32, #tpu.memory_space<hbm>>
    tpu.wait_indirect_dma semaphore(%arg8 : memref<!tpu.dma_semaphore, #tpu.memory_space<semaphore_mem>>) src(%dma_wait3A_18 : memref<10000x256xf32, #tpu.memory_space<hbm>>) dst(%arg6 : memref<80x256xf32, #tpu.memory_space<vmem>>)
    %add3A_19 = arith.constant 9920 : i32
    %add3A_20 = arith.addi %mul3A_2, %add3A_19 : i32
    "tpu.region"() ({
      %run_scoped3A = tpu.sem_alloc : memref<!tpu.dma_semaphore, #tpu.memory_space<semaphore_mem>>
      %dma_start3A_21 = arith.constant 0 : i32
      %dma_start3A_22 = tpu.memref_slice %arg4[%add3A_20, %dma_start3A_21] : memref<320000x256xf32, #tpu.memory_space<hbm>> -> memref<80x256xf32, #tpu.memory_space<hbm>>
      %dma_start3A_23 = arith.constant 0 : i32
      %dma_start3A_24 = tpu.memref_slice %arg4[%add3A_20, %dma_start3A_23] : memref<320000x256xf32, #tpu.memory_space<hbm>> -> memref<80x256xf32, #tpu.memory_space<hbm>>
      tpu.enqueue_dma source(%arg6 : memref<80x256xf32, #tpu.memory_space<vmem>>) target(%dma_start3A_24 : memref<80x256xf32, #tpu.memory_space<hbm>>) target_semaphore(%run_scoped3A : memref<!tpu.dma_semaphore, #tpu.memory_space<semaphore_mem>>)
      %dma_wait3A_25 = arith.constant 0 : i32
      %dma_wait3A_26 = tpu.memref_slice %arg4[%add3A_20, %dma_wait3A_25] : memref<320000x256xf32, #tpu.memory_space<hbm>> -> memref<80x256xf32, #tpu.memory_space<hbm>>
      %dma_wait3A_27 = arith.constant 0 : i32
      %dma_wait3A_28 = tpu.memref_slice %arg4[%add3A_20, %dma_wait3A_27] : memref<320000x256xf32, #tpu.memory_space<hbm>> -> memref<80x256xf32, #tpu.memory_space<hbm>>
      tpu.wait_dma2 semaphore(%run_scoped3A : memref<!tpu.dma_semaphore, #tpu.memory_space<semaphore_mem>>) src(%arg6 : memref<80x256xf32, #tpu.memory_space<vmem>>) dst(%dma_wait3A_28 : memref<80x256xf32, #tpu.memory_space<hbm>>)
      tpu.yield
    }) : () -> ()
    return
  }
}

#map = affine_map<(d0, d1) -> (0, 0)>
#map1 = affine_map<(d0, d1) -> (0)>
#map2 = affine_map<(d0, d1) -> (0, 0, 0)>
module attributes {stable_mosaic.version = 14 : i64} {
  func.func @k(%arg0: i32, %arg1: i32, %arg2: memref<320000x128xf32, #tpu.memory_space<hbm>>, %arg3: memref<320000xi32, #tpu.memory_space<hbm>>, %arg4: memref<10000x128xf32, #tpu.memory_space<hbm>>, %arg5: memref<2x10000x128xf32, #tpu.memory_space<hbm>>, %arg6: memref<80xi32, #tpu.memory_space<vmem>>, %arg7: memref<80xi32, #tpu.memory_space<vmem>>, %arg8: memref<80x128xf32, #tpu.memory_space<vmem>>, %arg9: memref<80x128xf32, #tpu.memory_space<vmem>>, %arg10: memref<10000x128xf32, #tpu.memory_space<vmem_shared>>, %arg11: memref<!tpu.dma_semaphore, #tpu.memory_space<semaphore_mem>>, %arg12: memref<!tpu.dma_semaphore, #tpu.memory_space<semaphore_mem>>, %arg13: memref<!tpu.dma_semaphore, #tpu.memory_space<semaphore_mem>>, %arg14: memref<!tpu.dma_semaphore, #tpu.memory_space<semaphore_mem>>) attributes {dimension_semantics = [#tpu.dimension_semantics<core_parallel>, #tpu.dimension_semantics<subcore_parallel>], iteration_bounds = array<i64: 2, 16>, scalar_prefetch = 0 : i64, scratch_operands = 9 : i64, tpu.core_type = #tpu.core_type<sc_vector_subcore>, window_params = [{transform_indices = #map}, {transform_indices = #map1}, {transform_indices = #map}, {transform_indices = #map2}]} {
    %mul3A = arith.constant 2 : i32
    %mul3A_0 = arith.muli %arg1, %mul3A : i32
    %add3A = arith.addi %mul3A_0, %arg0 : i32
    %mul3A_1 = arith.constant 10000 : i32
    %mul3A_2 = arith.muli %add3A, %mul3A_1 : i32
    %lt3A = arith.constant 15 : i32
    %lt3A_3 = arith.cmpi slt, %arg1, %lt3A : i32
    %convert_element_type3A = arith.extui %lt3A_3 : i1 to i32
    %cond3A = arith.constant 0 : i32
    %cond3A_4 = arith.cmpi ne, %convert_element_type3A, %cond3A : i32
    scf.if %cond3A_4 {
      %mul3A_36 = arith.constant 640 : i32
      %mul3A_37 = arith.muli %arg1, %mul3A_36 : i32
      %mul3A_38 = arith.constant 640 : i32
      %mul3A_39 = arith.muli %arg1, %mul3A_38 : i32
      "tpu.region"() ({
        %run_scoped3A = tpu.sem_alloc : memref<!tpu.dma_semaphore, #tpu.memory_space<semaphore_mem>>
        %dma_start3A_40 = arith.constant 0 : i32
        %dma_start3A_41 = tpu.memref_slice %arg10[%mul3A_39, %dma_start3A_40] : memref<10000x128xf32, #tpu.memory_space<vmem_shared>> -> memref<640x128xf32, #tpu.memory_space<vmem_shared>>
        %dma_start3A_42 = arith.constant 0 : i32
        %dma_start3A_43 = tpu.memref_slice %arg4[%mul3A_37, %dma_start3A_42] : memref<10000x128xf32, #tpu.memory_space<hbm>> -> memref<640x128xf32, #tpu.memory_space<hbm>>
        tpu.enqueue_dma source(%dma_start3A_43 : memref<640x128xf32, #tpu.memory_space<hbm>>) target(%dma_start3A_41 : memref<640x128xf32, #tpu.memory_space<vmem_shared>>) target_semaphore(%run_scoped3A : memref<!tpu.dma_semaphore, #tpu.memory_space<semaphore_mem>>)
        %dma_wait3A_44 = arith.constant 0 : i32
        %dma_wait3A_45 = tpu.memref_slice %arg10[%mul3A_39, %dma_wait3A_44] : memref<10000x128xf32, #tpu.memory_space<vmem_shared>> -> memref<640x128xf32, #tpu.memory_space<vmem_shared>>
        %dma_wait3A_46 = arith.constant 0 : i32
        %dma_wait3A_47 = tpu.memref_slice %arg4[%mul3A_37, %dma_wait3A_46] : memref<10000x128xf32, #tpu.memory_space<hbm>> -> memref<640x128xf32, #tpu.memory_space<hbm>>
        tpu.wait_dma2 semaphore(%run_scoped3A : memref<!tpu.dma_semaphore, #tpu.memory_space<semaphore_mem>>) src(%dma_wait3A_47 : memref<640x128xf32, #tpu.memory_space<hbm>>) dst(%dma_wait3A_45 : memref<640x128xf32, #tpu.memory_space<vmem_shared>>)
        tpu.yield
      }) : () -> ()
    } else {
    }
    %eq3A = arith.constant 15 : i32
    %eq3A_5 = arith.cmpi eq, %arg1, %eq3A : i32
    %convert_element_type3A_6 = arith.extui %eq3A_5 : i1 to i32
    %cond3A_7 = arith.constant 0 : i32
    %cond3A_8 = arith.cmpi ne, %convert_element_type3A_6, %cond3A_7 : i32
    scf.if %cond3A_8 {
      "tpu.region"() ({
        %run_scoped3A = tpu.sem_alloc : memref<!tpu.dma_semaphore, #tpu.memory_space<semaphore_mem>>
        %dma_start3A_36 = arith.constant 9600 : i32
        %dma_start3A_37 = arith.constant 0 : i32
        %dma_start3A_38 = tpu.memref_slice %arg10[%dma_start3A_36, %dma_start3A_37] : memref<10000x128xf32, #tpu.memory_space<vmem_shared>> -> memref<400x128xf32, #tpu.memory_space<vmem_shared>>
        %dma_start3A_39 = arith.constant 9600 : i32
        %dma_start3A_40 = arith.constant 0 : i32
        %dma_start3A_41 = tpu.memref_slice %arg4[%dma_start3A_39, %dma_start3A_40] : memref<10000x128xf32, #tpu.memory_space<hbm>> -> memref<400x128xf32, #tpu.memory_space<hbm>>
        tpu.enqueue_dma source(%dma_start3A_41 : memref<400x128xf32, #tpu.memory_space<hbm>>) target(%dma_start3A_38 : memref<400x128xf32, #tpu.memory_space<vmem_shared>>) target_semaphore(%run_scoped3A : memref<!tpu.dma_semaphore, #tpu.memory_space<semaphore_mem>>)
        %dma_wait3A_42 = arith.constant 9600 : i32
        %dma_wait3A_43 = arith.constant 0 : i32
        %dma_wait3A_44 = tpu.memref_slice %arg10[%dma_wait3A_42, %dma_wait3A_43] : memref<10000x128xf32, #tpu.memory_space<vmem_shared>> -> memref<400x128xf32, #tpu.memory_space<vmem_shared>>
        %dma_wait3A_45 = arith.constant 9600 : i32
        %dma_wait3A_46 = arith.constant 0 : i32
        %dma_wait3A_47 = tpu.memref_slice %arg4[%dma_wait3A_45, %dma_wait3A_46] : memref<10000x128xf32, #tpu.memory_space<hbm>> -> memref<400x128xf32, #tpu.memory_space<hbm>>
        tpu.wait_dma2 semaphore(%run_scoped3A : memref<!tpu.dma_semaphore, #tpu.memory_space<semaphore_mem>>) src(%dma_wait3A_47 : memref<400x128xf32, #tpu.memory_space<hbm>>) dst(%dma_wait3A_44 : memref<400x128xf32, #tpu.memory_space<vmem_shared>>)
        tpu.yield
      }) : () -> ()
    } else {
    }
    %dma_start3A = tpu.memref_slice %arg3[%mul3A_2] : memref<320000xi32, #tpu.memory_space<hbm>> -> memref<80xi32, #tpu.memory_space<hbm>>
    %dma_start3A_9 = tpu.memref_slice %arg3[%mul3A_2] : memref<320000xi32, #tpu.memory_space<hbm>> -> memref<80xi32, #tpu.memory_space<hbm>>
    tpu.enqueue_dma source(%dma_start3A_9 : memref<80xi32, #tpu.memory_space<hbm>>) target(%arg6 : memref<80xi32, #tpu.memory_space<vmem>>) target_semaphore(%arg11 : memref<!tpu.dma_semaphore, #tpu.memory_space<semaphore_mem>>)
    %dma_start3A_10 = arith.constant 0 : i32
    %dma_start3A_11 = tpu.memref_slice %arg2[%mul3A_2, %dma_start3A_10] : memref<320000x128xf32, #tpu.memory_space<hbm>> -> memref<80x128xf32, #tpu.memory_space<hbm>>
    %dma_start3A_12 = arith.constant 0 : i32
    %dma_start3A_13 = tpu.memref_slice %arg2[%mul3A_2, %dma_start3A_12] : memref<320000x128xf32, #tpu.memory_space<hbm>> -> memref<80x128xf32, #tpu.memory_space<hbm>>
    tpu.enqueue_dma source(%dma_start3A_13 : memref<80x128xf32, #tpu.memory_space<hbm>>) target(%arg8 : memref<80x128xf32, #tpu.memory_space<vmem>>) target_semaphore(%arg13 : memref<!tpu.dma_semaphore, #tpu.memory_space<semaphore_mem>>)
    %barrier3A = arith.constant 0 : index
    tpu.barrier barrier_id(%barrier3A)
    %scan3A = arith.constant 0 : i32
    %scan3A_14 = arith.constant 62 : i32
    %scan3A_15 = arith.addi %scan3A, %scan3A_14 : i32
    %scan3A_16 = arith.constant 1 : i32
    scf.for %scan3A_36 = %scan3A to %scan3A_15 step %scan3A_16  : i32 {
      %mul3A_37 = arith.constant 1 : i32
      %mul3A_38 = arith.muli %scan3A_36, %mul3A_37 : i32
      %add3A_39 = arith.constant 0 : i32
      %add3A_40 = arith.addi %add3A_39, %mul3A_38 : i32
      %mul3A_41 = arith.constant 2 : i32
      %mul3A_42 = arith.muli %mul3A_41, %add3A_40 : i32
      %mul3A_43 = arith.constant 80 : i32
      %mul3A_44 = arith.muli %mul3A_42, %mul3A_43 : i32
      %add3A_45 = arith.addi %mul3A_2, %mul3A_44 : i32
      %add3A_46 = arith.constant 1 : i32
      %add3A_47 = arith.addi %mul3A_42, %add3A_46 : i32
      %mul3A_48 = arith.constant 80 : i32
      %mul3A_49 = arith.muli %add3A_47, %mul3A_48 : i32
      %add3A_50 = arith.addi %mul3A_2, %mul3A_49 : i32
      %dma_wait3A_51 = tpu.memref_slice %arg3[%add3A_45] : memref<320000xi32, #tpu.memory_space<hbm>> -> memref<80xi32, #tpu.memory_space<hbm>>
      %dma_wait3A_52 = tpu.memref_slice %arg3[%add3A_45] : memref<320000xi32, #tpu.memory_space<hbm>> -> memref<80xi32, #tpu.memory_space<hbm>>
      tpu.wait_dma2 semaphore(%arg11 : memref<!tpu.dma_semaphore, #tpu.memory_space<semaphore_mem>>) src(%dma_wait3A_52 : memref<80xi32, #tpu.memory_space<hbm>>) dst(%arg6 : memref<80xi32, #tpu.memory_space<vmem>>)
      %dma_wait3A_53 = arith.constant 0 : i32
      %dma_wait3A_54 = tpu.memref_slice %arg2[%add3A_45, %dma_wait3A_53] : memref<320000x128xf32, #tpu.memory_space<hbm>> -> memref<80x128xf32, #tpu.memory_space<hbm>>
      %dma_wait3A_55 = arith.constant 0 : i32
      %dma_wait3A_56 = tpu.memref_slice %arg2[%add3A_45, %dma_wait3A_55] : memref<320000x128xf32, #tpu.memory_space<hbm>> -> memref<80x128xf32, #tpu.memory_space<hbm>>
      tpu.wait_dma2 semaphore(%arg13 : memref<!tpu.dma_semaphore, #tpu.memory_space<semaphore_mem>>) src(%dma_wait3A_56 : memref<80x128xf32, #tpu.memory_space<hbm>>) dst(%arg8 : memref<80x128xf32, #tpu.memory_space<vmem>>)
      %dma_start3A_57 = tpu.memref_slice %arg3[%add3A_50] : memref<320000xi32, #tpu.memory_space<hbm>> -> memref<80xi32, #tpu.memory_space<hbm>>
      %dma_start3A_58 = tpu.memref_slice %arg3[%add3A_50] : memref<320000xi32, #tpu.memory_space<hbm>> -> memref<80xi32, #tpu.memory_space<hbm>>
      tpu.enqueue_dma source(%dma_start3A_58 : memref<80xi32, #tpu.memory_space<hbm>>) target(%arg7 : memref<80xi32, #tpu.memory_space<vmem>>) target_semaphore(%arg12 : memref<!tpu.dma_semaphore, #tpu.memory_space<semaphore_mem>>)
      %dma_start3A_59 = arith.constant 0 : i32
      %dma_start3A_60 = tpu.memref_slice %arg2[%add3A_50, %dma_start3A_59] : memref<320000x128xf32, #tpu.memory_space<hbm>> -> memref<80x128xf32, #tpu.memory_space<hbm>>
      %dma_start3A_61 = arith.constant 0 : i32
      %dma_start3A_62 = tpu.memref_slice %arg2[%add3A_50, %dma_start3A_61] : memref<320000x128xf32, #tpu.memory_space<hbm>> -> memref<80x128xf32, #tpu.memory_space<hbm>>
      tpu.enqueue_dma source(%dma_start3A_62 : memref<80x128xf32, #tpu.memory_space<hbm>>) target(%arg9 : memref<80x128xf32, #tpu.memory_space<vmem>>) target_semaphore(%arg14 : memref<!tpu.dma_semaphore, #tpu.memory_space<semaphore_mem>>)
      "tpu.region"() ({
        %run_scoped3A = tpu.sem_alloc : memref<!tpu.dma_semaphore, #tpu.memory_space<semaphore_mem>>
        %dma_start3A_76 = arith.constant 0 : i32
        %dma_start3A_77 = arith.constant 0 : i32
        %dma_start3A_78 = tpu.memref_slice %arg10[%dma_start3A_76, %dma_start3A_77] : memref<10000x128xf32, #tpu.memory_space<vmem_shared>> -> memref<10000x128xf32, #tpu.memory_space<vmem_shared>>
        tpu.enqueue_indirect_dma source(%arg8 : memref<80x128xf32, #tpu.memory_space<vmem>>) target(%dma_start3A_78 : memref<10000x128xf32, #tpu.memory_space<vmem_shared>>) offsets(%arg6 : memref<80xi32, #tpu.memory_space<vmem>>) semaphore(%run_scoped3A : memref<!tpu.dma_semaphore, #tpu.memory_space<semaphore_mem>>) {add = true}
        %dma_wait3A_79 = arith.constant 0 : i32
        %dma_wait3A_80 = arith.constant 0 : i32
        %dma_wait3A_81 = tpu.memref_slice %arg10[%dma_wait3A_79, %dma_wait3A_80] : memref<10000x128xf32, #tpu.memory_space<vmem_shared>> -> memref<10000x128xf32, #tpu.memory_space<vmem_shared>>
        tpu.wait_indirect_dma semaphore(%run_scoped3A : memref<!tpu.dma_semaphore, #tpu.memory_space<semaphore_mem>>) src(%arg8 : memref<80x128xf32, #tpu.memory_space<vmem>>) dst(%dma_wait3A_81 : memref<10000x128xf32, #tpu.memory_space<vmem_shared>>)
        tpu.yield
      }) : () -> ()
      %dma_wait3A_63 = tpu.memref_slice %arg3[%add3A_50] : memref<320000xi32, #tpu.memory_space<hbm>> -> memref<80xi32, #tpu.memory_space<hbm>>
      %dma_wait3A_64 = tpu.memref_slice %arg3[%add3A_50] : memref<320000xi32, #tpu.memory_space<hbm>> -> memref<80xi32, #tpu.memory_space<hbm>>
      tpu.wait_dma2 semaphore(%arg12 : memref<!tpu.dma_semaphore, #tpu.memory_space<semaphore_mem>>) src(%dma_wait3A_64 : memref<80xi32, #tpu.memory_space<hbm>>) dst(%arg7 : memref<80xi32, #tpu.memory_space<vmem>>)
      %dma_wait3A_65 = arith.constant 0 : i32
      %dma_wait3A_66 = tpu.memref_slice %arg2[%add3A_50, %dma_wait3A_65] : memref<320000x128xf32, #tpu.memory_space<hbm>> -> memref<80x128xf32, #tpu.memory_space<hbm>>
      %dma_wait3A_67 = arith.constant 0 : i32
      %dma_wait3A_68 = tpu.memref_slice %arg2[%add3A_50, %dma_wait3A_67] : memref<320000x128xf32, #tpu.memory_space<hbm>> -> memref<80x128xf32, #tpu.memory_space<hbm>>
      tpu.wait_dma2 semaphore(%arg14 : memref<!tpu.dma_semaphore, #tpu.memory_space<semaphore_mem>>) src(%dma_wait3A_68 : memref<80x128xf32, #tpu.memory_space<hbm>>) dst(%arg9 : memref<80x128xf32, #tpu.memory_space<vmem>>)
      %add3A_69 = arith.constant 2 : i32
      %add3A_70 = arith.addi %mul3A_42, %add3A_69 : i32
      %lt3A_71 = arith.constant 125 : i32
      %lt3A_72 = arith.cmpi slt, %add3A_70, %lt3A_71 : i32
      %convert_element_type3A_73 = arith.extui %lt3A_72 : i1 to i32
      %cond3A_74 = arith.constant 0 : i32
      %cond3A_75 = arith.cmpi ne, %convert_element_type3A_73, %cond3A_74 : i32
      scf.if %cond3A_75 {
        %add3A_76 = arith.constant 2 : i32
        %add3A_77 = arith.addi %mul3A_42, %add3A_76 : i32
        %mul3A_78 = arith.constant 80 : i32
        %mul3A_79 = arith.muli %add3A_77, %mul3A_78 : i32
        %add3A_80 = arith.addi %mul3A_2, %mul3A_79 : i32
        %dma_start3A_81 = tpu.memref_slice %arg3[%add3A_80] : memref<320000xi32, #tpu.memory_space<hbm>> -> memref<80xi32, #tpu.memory_space<hbm>>
        %dma_start3A_82 = tpu.memref_slice %arg3[%add3A_80] : memref<320000xi32, #tpu.memory_space<hbm>> -> memref<80xi32, #tpu.memory_space<hbm>>
        tpu.enqueue_dma source(%dma_start3A_82 : memref<80xi32, #tpu.memory_space<hbm>>) target(%arg6 : memref<80xi32, #tpu.memory_space<vmem>>) target_semaphore(%arg11 : memref<!tpu.dma_semaphore, #tpu.memory_space<semaphore_mem>>)
        %dma_start3A_83 = arith.constant 0 : i32
        %dma_start3A_84 = tpu.memref_slice %arg2[%add3A_80, %dma_start3A_83] : memref<320000x128xf32, #tpu.memory_space<hbm>> -> memref<80x128xf32, #tpu.memory_space<hbm>>
        %dma_start3A_85 = arith.constant 0 : i32
        %dma_start3A_86 = tpu.memref_slice %arg2[%add3A_80, %dma_start3A_85] : memref<320000x128xf32, #tpu.memory_space<hbm>> -> memref<80x128xf32, #tpu.memory_space<hbm>>
        tpu.enqueue_dma source(%dma_start3A_86 : memref<80x128xf32, #tpu.memory_space<hbm>>) target(%arg8 : memref<80x128xf32, #tpu.memory_space<vmem>>) target_semaphore(%arg13 : memref<!tpu.dma_semaphore, #tpu.memory_space<semaphore_mem>>)
      } else {
      }
      "tpu.region"() ({
        %run_scoped3A = tpu.sem_alloc : memref<!tpu.dma_semaphore, #tpu.memory_space<semaphore_mem>>
        %dma_start3A_76 = arith.constant 0 : i32
        %dma_start3A_77 = arith.constant 0 : i32
        %dma_start3A_78 = tpu.memref_slice %arg10[%dma_start3A_76, %dma_start3A_77] : memref<10000x128xf32, #tpu.memory_space<vmem_shared>> -> memref<10000x128xf32, #tpu.memory_space<vmem_shared>>
        tpu.enqueue_indirect_dma source(%arg9 : memref<80x128xf32, #tpu.memory_space<vmem>>) target(%dma_start3A_78 : memref<10000x128xf32, #tpu.memory_space<vmem_shared>>) offsets(%arg7 : memref<80xi32, #tpu.memory_space<vmem>>) semaphore(%run_scoped3A : memref<!tpu.dma_semaphore, #tpu.memory_space<semaphore_mem>>) {add = true}
        %dma_wait3A_79 = arith.constant 0 : i32
        %dma_wait3A_80 = arith.constant 0 : i32
        %dma_wait3A_81 = tpu.memref_slice %arg10[%dma_wait3A_79, %dma_wait3A_80] : memref<10000x128xf32, #tpu.memory_space<vmem_shared>> -> memref<10000x128xf32, #tpu.memory_space<vmem_shared>>
        tpu.wait_indirect_dma semaphore(%run_scoped3A : memref<!tpu.dma_semaphore, #tpu.memory_space<semaphore_mem>>) src(%arg9 : memref<80x128xf32, #tpu.memory_space<vmem>>) dst(%dma_wait3A_81 : memref<10000x128xf32, #tpu.memory_space<vmem_shared>>)
        tpu.yield
      }) : () -> ()
    }
    %scan3A_17 = arith.constant 62 : i32
    %add3A_18 = arith.constant 9920 : i32
    %add3A_19 = arith.addi %mul3A_2, %add3A_18 : i32
    %dma_wait3A = tpu.memref_slice %arg3[%add3A_19] : memref<320000xi32, #tpu.memory_space<hbm>> -> memref<80xi32, #tpu.memory_space<hbm>>
    %dma_wait3A_20 = tpu.memref_slice %arg3[%add3A_19] : memref<320000xi32, #tpu.memory_space<hbm>> -> memref<80xi32, #tpu.memory_space<hbm>>
    tpu.wait_dma2 semaphore(%arg11 : memref<!tpu.dma_semaphore, #tpu.memory_space<semaphore_mem>>) src(%dma_wait3A_20 : memref<80xi32, #tpu.memory_space<hbm>>) dst(%arg6 : memref<80xi32, #tpu.memory_space<vmem>>)
    %dma_wait3A_21 = arith.constant 0 : i32
    %dma_wait3A_22 = tpu.memref_slice %arg2[%add3A_19, %dma_wait3A_21] : memref<320000x128xf32, #tpu.memory_space<hbm>> -> memref<80x128xf32, #tpu.memory_space<hbm>>
    %dma_wait3A_23 = arith.constant 0 : i32
    %dma_wait3A_24 = tpu.memref_slice %arg2[%add3A_19, %dma_wait3A_23] : memref<320000x128xf32, #tpu.memory_space<hbm>> -> memref<80x128xf32, #tpu.memory_space<hbm>>
    tpu.wait_dma2 semaphore(%arg13 : memref<!tpu.dma_semaphore, #tpu.memory_space<semaphore_mem>>) src(%dma_wait3A_24 : memref<80x128xf32, #tpu.memory_space<hbm>>) dst(%arg8 : memref<80x128xf32, #tpu.memory_space<vmem>>)
    "tpu.region"() ({
      %run_scoped3A = tpu.sem_alloc : memref<!tpu.dma_semaphore, #tpu.memory_space<semaphore_mem>>
      %dma_start3A_36 = arith.constant 0 : i32
      %dma_start3A_37 = arith.constant 0 : i32
      %dma_start3A_38 = tpu.memref_slice %arg10[%dma_start3A_36, %dma_start3A_37] : memref<10000x128xf32, #tpu.memory_space<vmem_shared>> -> memref<10000x128xf32, #tpu.memory_space<vmem_shared>>
      tpu.enqueue_indirect_dma source(%arg8 : memref<80x128xf32, #tpu.memory_space<vmem>>) target(%dma_start3A_38 : memref<10000x128xf32, #tpu.memory_space<vmem_shared>>) offsets(%arg6 : memref<80xi32, #tpu.memory_space<vmem>>) semaphore(%run_scoped3A : memref<!tpu.dma_semaphore, #tpu.memory_space<semaphore_mem>>) {add = true}
      %dma_wait3A_39 = arith.constant 0 : i32
      %dma_wait3A_40 = arith.constant 0 : i32
      %dma_wait3A_41 = tpu.memref_slice %arg10[%dma_wait3A_39, %dma_wait3A_40] : memref<10000x128xf32, #tpu.memory_space<vmem_shared>> -> memref<10000x128xf32, #tpu.memory_space<vmem_shared>>
      tpu.wait_indirect_dma semaphore(%run_scoped3A : memref<!tpu.dma_semaphore, #tpu.memory_space<semaphore_mem>>) src(%arg8 : memref<80x128xf32, #tpu.memory_space<vmem>>) dst(%dma_wait3A_41 : memref<10000x128xf32, #tpu.memory_space<vmem_shared>>)
      tpu.yield
    }) : () -> ()
    %barrier3A_25 = arith.constant 0 : index
    tpu.barrier barrier_id(%barrier3A_25)
    %lt3A_26 = arith.constant 15 : i32
    %lt3A_27 = arith.cmpi slt, %arg1, %lt3A_26 : i32
    %convert_element_type3A_28 = arith.extui %lt3A_27 : i1 to i32
    %cond3A_29 = arith.constant 0 : i32
    %cond3A_30 = arith.cmpi ne, %convert_element_type3A_28, %cond3A_29 : i32
    scf.if %cond3A_30 {
      %mul3A_36 = arith.constant 640 : i32
      %mul3A_37 = arith.muli %arg1, %mul3A_36 : i32
      %mul3A_38 = arith.constant 640 : i32
      %mul3A_39 = arith.muli %arg1, %mul3A_38 : i32
      "tpu.region"() ({
        %run_scoped3A = tpu.sem_alloc : memref<!tpu.dma_semaphore, #tpu.memory_space<semaphore_mem>>
        %dma_start3A_40 = arith.constant 0 : i32
        %dma_start3A_41 = tpu.memref_slice %arg5[%arg0, %mul3A_39, %dma_start3A_40] : memref<2x10000x128xf32, #tpu.memory_space<hbm>> -> memref<1x640x128xf32, #tpu.memory_space<hbm>>
        %dma_start3A_42 = tpu.memref_squeeze %dma_start3A_41 : memref<1x640x128xf32, #tpu.memory_space<hbm>> -> memref<640x128xf32, #tpu.memory_space<hbm>>
        %dma_start3A_43 = arith.constant 0 : i32
        %dma_start3A_44 = tpu.memref_slice %arg10[%mul3A_37, %dma_start3A_43] : memref<10000x128xf32, #tpu.memory_space<vmem_shared>> -> memref<640x128xf32, #tpu.memory_space<vmem_shared>>
        tpu.enqueue_dma source(%dma_start3A_44 : memref<640x128xf32, #tpu.memory_space<vmem_shared>>) target(%dma_start3A_42 : memref<640x128xf32, #tpu.memory_space<hbm>>) target_semaphore(%run_scoped3A : memref<!tpu.dma_semaphore, #tpu.memory_space<semaphore_mem>>)
        %dma_wait3A_45 = arith.constant 0 : i32
        %dma_wait3A_46 = tpu.memref_slice %arg5[%arg0, %mul3A_39, %dma_wait3A_45] : memref<2x10000x128xf32, #tpu.memory_space<hbm>> -> memref<1x640x128xf32, #tpu.memory_space<hbm>>
        %dma_wait3A_47 = tpu.memref_squeeze %dma_wait3A_46 : memref<1x640x128xf32, #tpu.memory_space<hbm>> -> memref<640x128xf32, #tpu.memory_space<hbm>>
        %dma_wait3A_48 = arith.constant 0 : i32
        %dma_wait3A_49 = tpu.memref_slice %arg10[%mul3A_37, %dma_wait3A_48] : memref<10000x128xf32, #tpu.memory_space<vmem_shared>> -> memref<640x128xf32, #tpu.memory_space<vmem_shared>>
        tpu.wait_dma2 semaphore(%run_scoped3A : memref<!tpu.dma_semaphore, #tpu.memory_space<semaphore_mem>>) src(%dma_wait3A_49 : memref<640x128xf32, #tpu.memory_space<vmem_shared>>) dst(%dma_wait3A_47 : memref<640x128xf32, #tpu.memory_space<hbm>>)
        tpu.yield
      }) : () -> ()
    } else {
    }
    %eq3A_31 = arith.constant 15 : i32
    %eq3A_32 = arith.cmpi eq, %arg1, %eq3A_31 : i32
    %convert_element_type3A_33 = arith.extui %eq3A_32 : i1 to i32
    %cond3A_34 = arith.constant 0 : i32
    %cond3A_35 = arith.cmpi ne, %convert_element_type3A_33, %cond3A_34 : i32
    scf.if %cond3A_35 {
      "tpu.region"() ({
        %run_scoped3A = tpu.sem_alloc : memref<!tpu.dma_semaphore, #tpu.memory_space<semaphore_mem>>
        %dma_start3A_36 = arith.constant 9600 : i32
        %dma_start3A_37 = arith.constant 0 : i32
        %dma_start3A_38 = tpu.memref_slice %arg5[%arg0, %dma_start3A_36, %dma_start3A_37] : memref<2x10000x128xf32, #tpu.memory_space<hbm>> -> memref<1x400x128xf32, #tpu.memory_space<hbm>>
        %dma_start3A_39 = tpu.memref_squeeze %dma_start3A_38 : memref<1x400x128xf32, #tpu.memory_space<hbm>> -> memref<400x128xf32, #tpu.memory_space<hbm>>
        %dma_start3A_40 = arith.constant 9600 : i32
        %dma_start3A_41 = arith.constant 0 : i32
        %dma_start3A_42 = tpu.memref_slice %arg10[%dma_start3A_40, %dma_start3A_41] : memref<10000x128xf32, #tpu.memory_space<vmem_shared>> -> memref<400x128xf32, #tpu.memory_space<vmem_shared>>
        tpu.enqueue_dma source(%dma_start3A_42 : memref<400x128xf32, #tpu.memory_space<vmem_shared>>) target(%dma_start3A_39 : memref<400x128xf32, #tpu.memory_space<hbm>>) target_semaphore(%run_scoped3A : memref<!tpu.dma_semaphore, #tpu.memory_space<semaphore_mem>>)
        %dma_wait3A_43 = arith.constant 9600 : i32
        %dma_wait3A_44 = arith.constant 0 : i32
        %dma_wait3A_45 = tpu.memref_slice %arg5[%arg0, %dma_wait3A_43, %dma_wait3A_44] : memref<2x10000x128xf32, #tpu.memory_space<hbm>> -> memref<1x400x128xf32, #tpu.memory_space<hbm>>
        %dma_wait3A_46 = tpu.memref_squeeze %dma_wait3A_45 : memref<1x400x128xf32, #tpu.memory_space<hbm>> -> memref<400x128xf32, #tpu.memory_space<hbm>>
        %dma_wait3A_47 = arith.constant 9600 : i32
        %dma_wait3A_48 = arith.constant 0 : i32
        %dma_wait3A_49 = tpu.memref_slice %arg10[%dma_wait3A_47, %dma_wait3A_48] : memref<10000x128xf32, #tpu.memory_space<vmem_shared>> -> memref<400x128xf32, #tpu.memory_space<vmem_shared>>
        tpu.wait_dma2 semaphore(%run_scoped3A : memref<!tpu.dma_semaphore, #tpu.memory_space<semaphore_mem>>) src(%dma_wait3A_49 : memref<400x128xf32, #tpu.memory_space<vmem_shared>>) dst(%dma_wait3A_46 : memref<400x128xf32, #tpu.memory_space<hbm>>)
        tpu.yield
      }) : () -> ()
    } else {
    }
    return
  }
}

#map = affine_map<(d0, d1) -> (0, 0)>
#map1 = affine_map<(d0, d1) -> (0)>
#map2 = affine_map<(d0, d1) -> (0, 0, 0)>
module attributes {stable_mosaic.version = 14 : i64} {
  func.func @k(%arg0: i32, %arg1: i32, %arg2: memref<320000x16xf32, #tpu.memory_space<hbm>>, %arg3: memref<320000xi32, #tpu.memory_space<hbm>>, %arg4: memref<10000x16xf32, #tpu.memory_space<hbm>>, %arg5: memref<2x10000x16xf32, #tpu.memory_space<hbm>>, %arg6: memref<80xi32, #tpu.memory_space<vmem>>, %arg7: memref<80xi32, #tpu.memory_space<vmem>>, %arg8: memref<80x16xf32, #tpu.memory_space<vmem>>, %arg9: memref<80x16xf32, #tpu.memory_space<vmem>>, %arg10: memref<10000x16xf32, #tpu.memory_space<vmem_shared>>, %arg11: memref<!tpu.dma_semaphore, #tpu.memory_space<semaphore_mem>>, %arg12: memref<!tpu.dma_semaphore, #tpu.memory_space<semaphore_mem>>, %arg13: memref<!tpu.dma_semaphore, #tpu.memory_space<semaphore_mem>>, %arg14: memref<!tpu.dma_semaphore, #tpu.memory_space<semaphore_mem>>) attributes {dimension_semantics = [#tpu.dimension_semantics<core_parallel>, #tpu.dimension_semantics<subcore_parallel>], iteration_bounds = array<i64: 2, 16>, scalar_prefetch = 0 : i64, scratch_operands = 9 : i64, tpu.core_type = #tpu.core_type<sc_vector_subcore>, window_params = [{transform_indices = #map}, {transform_indices = #map1}, {transform_indices = #map}, {transform_indices = #map2}]} {
    %mul3A = arith.constant 2 : i32
    %mul3A_0 = arith.muli %arg1, %mul3A : i32
    %add3A = arith.addi %mul3A_0, %arg0 : i32
    %mul3A_1 = arith.constant 10000 : i32
    %mul3A_2 = arith.muli %add3A, %mul3A_1 : i32
    %lt3A = arith.constant 15 : i32
    %lt3A_3 = arith.cmpi slt, %arg1, %lt3A : i32
    %convert_element_type3A = arith.extui %lt3A_3 : i1 to i32
    %cond3A = arith.constant 0 : i32
    %cond3A_4 = arith.cmpi ne, %convert_element_type3A, %cond3A : i32
    scf.if %cond3A_4 {
      %mul3A_36 = arith.constant 640 : i32
      %mul3A_37 = arith.muli %arg1, %mul3A_36 : i32
      %mul3A_38 = arith.constant 640 : i32
      %mul3A_39 = arith.muli %arg1, %mul3A_38 : i32
      "tpu.region"() ({
        %run_scoped3A = tpu.sem_alloc : memref<!tpu.dma_semaphore, #tpu.memory_space<semaphore_mem>>
        %dma_start3A_40 = arith.constant 0 : i32
        %dma_start3A_41 = tpu.memref_slice %arg10[%mul3A_39, %dma_start3A_40] : memref<10000x16xf32, #tpu.memory_space<vmem_shared>> -> memref<640x16xf32, #tpu.memory_space<vmem_shared>>
        %dma_start3A_42 = arith.constant 0 : i32
        %dma_start3A_43 = tpu.memref_slice %arg4[%mul3A_37, %dma_start3A_42] : memref<10000x16xf32, #tpu.memory_space<hbm>> -> memref<640x16xf32, #tpu.memory_space<hbm>>
        tpu.enqueue_dma source(%dma_start3A_43 : memref<640x16xf32, #tpu.memory_space<hbm>>) target(%dma_start3A_41 : memref<640x16xf32, #tpu.memory_space<vmem_shared>>) target_semaphore(%run_scoped3A : memref<!tpu.dma_semaphore, #tpu.memory_space<semaphore_mem>>)
        %dma_wait3A_44 = arith.constant 0 : i32
        %dma_wait3A_45 = tpu.memref_slice %arg10[%mul3A_39, %dma_wait3A_44] : memref<10000x16xf32, #tpu.memory_space<vmem_shared>> -> memref<640x16xf32, #tpu.memory_space<vmem_shared>>
        %dma_wait3A_46 = arith.constant 0 : i32
        %dma_wait3A_47 = tpu.memref_slice %arg4[%mul3A_37, %dma_wait3A_46] : memref<10000x16xf32, #tpu.memory_space<hbm>> -> memref<640x16xf32, #tpu.memory_space<hbm>>
        tpu.wait_dma2 semaphore(%run_scoped3A : memref<!tpu.dma_semaphore, #tpu.memory_space<semaphore_mem>>) src(%dma_wait3A_47 : memref<640x16xf32, #tpu.memory_space<hbm>>) dst(%dma_wait3A_45 : memref<640x16xf32, #tpu.memory_space<vmem_shared>>)
        tpu.yield
      }) : () -> ()
    } else {
    }
    %eq3A = arith.constant 15 : i32
    %eq3A_5 = arith.cmpi eq, %arg1, %eq3A : i32
    %convert_element_type3A_6 = arith.extui %eq3A_5 : i1 to i32
    %cond3A_7 = arith.constant 0 : i32
    %cond3A_8 = arith.cmpi ne, %convert_element_type3A_6, %cond3A_7 : i32
    scf.if %cond3A_8 {
      "tpu.region"() ({
        %run_scoped3A = tpu.sem_alloc : memref<!tpu.dma_semaphore, #tpu.memory_space<semaphore_mem>>
        %dma_start3A_36 = arith.constant 9600 : i32
        %dma_start3A_37 = arith.constant 0 : i32
        %dma_start3A_38 = tpu.memref_slice %arg10[%dma_start3A_36, %dma_start3A_37] : memref<10000x16xf32, #tpu.memory_space<vmem_shared>> -> memref<400x16xf32, #tpu.memory_space<vmem_shared>>
        %dma_start3A_39 = arith.constant 9600 : i32
        %dma_start3A_40 = arith.constant 0 : i32
        %dma_start3A_41 = tpu.memref_slice %arg4[%dma_start3A_39, %dma_start3A_40] : memref<10000x16xf32, #tpu.memory_space<hbm>> -> memref<400x16xf32, #tpu.memory_space<hbm>>
        tpu.enqueue_dma source(%dma_start3A_41 : memref<400x16xf32, #tpu.memory_space<hbm>>) target(%dma_start3A_38 : memref<400x16xf32, #tpu.memory_space<vmem_shared>>) target_semaphore(%run_scoped3A : memref<!tpu.dma_semaphore, #tpu.memory_space<semaphore_mem>>)
        %dma_wait3A_42 = arith.constant 9600 : i32
        %dma_wait3A_43 = arith.constant 0 : i32
        %dma_wait3A_44 = tpu.memref_slice %arg10[%dma_wait3A_42, %dma_wait3A_43] : memref<10000x16xf32, #tpu.memory_space<vmem_shared>> -> memref<400x16xf32, #tpu.memory_space<vmem_shared>>
        %dma_wait3A_45 = arith.constant 9600 : i32
        %dma_wait3A_46 = arith.constant 0 : i32
        %dma_wait3A_47 = tpu.memref_slice %arg4[%dma_wait3A_45, %dma_wait3A_46] : memref<10000x16xf32, #tpu.memory_space<hbm>> -> memref<400x16xf32, #tpu.memory_space<hbm>>
        tpu.wait_dma2 semaphore(%run_scoped3A : memref<!tpu.dma_semaphore, #tpu.memory_space<semaphore_mem>>) src(%dma_wait3A_47 : memref<400x16xf32, #tpu.memory_space<hbm>>) dst(%dma_wait3A_44 : memref<400x16xf32, #tpu.memory_space<vmem_shared>>)
        tpu.yield
      }) : () -> ()
    } else {
    }
    %dma_start3A = tpu.memref_slice %arg3[%mul3A_2] : memref<320000xi32, #tpu.memory_space<hbm>> -> memref<80xi32, #tpu.memory_space<hbm>>
    %dma_start3A_9 = tpu.memref_slice %arg3[%mul3A_2] : memref<320000xi32, #tpu.memory_space<hbm>> -> memref<80xi32, #tpu.memory_space<hbm>>
    tpu.enqueue_dma source(%dma_start3A_9 : memref<80xi32, #tpu.memory_space<hbm>>) target(%arg6 : memref<80xi32, #tpu.memory_space<vmem>>) target_semaphore(%arg11 : memref<!tpu.dma_semaphore, #tpu.memory_space<semaphore_mem>>)
    %dma_start3A_10 = arith.constant 0 : i32
    %dma_start3A_11 = tpu.memref_slice %arg2[%mul3A_2, %dma_start3A_10] : memref<320000x16xf32, #tpu.memory_space<hbm>> -> memref<80x16xf32, #tpu.memory_space<hbm>>
    %dma_start3A_12 = arith.constant 0 : i32
    %dma_start3A_13 = tpu.memref_slice %arg2[%mul3A_2, %dma_start3A_12] : memref<320000x16xf32, #tpu.memory_space<hbm>> -> memref<80x16xf32, #tpu.memory_space<hbm>>
    tpu.enqueue_dma source(%dma_start3A_13 : memref<80x16xf32, #tpu.memory_space<hbm>>) target(%arg8 : memref<80x16xf32, #tpu.memory_space<vmem>>) target_semaphore(%arg13 : memref<!tpu.dma_semaphore, #tpu.memory_space<semaphore_mem>>)
    %barrier3A = arith.constant 0 : index
    tpu.barrier barrier_id(%barrier3A)
    %scan3A = arith.constant 0 : i32
    %scan3A_14 = arith.constant 62 : i32
    %scan3A_15 = arith.addi %scan3A, %scan3A_14 : i32
    %scan3A_16 = arith.constant 1 : i32
    scf.for %scan3A_36 = %scan3A to %scan3A_15 step %scan3A_16  : i32 {
      %mul3A_37 = arith.constant 1 : i32
      %mul3A_38 = arith.muli %scan3A_36, %mul3A_37 : i32
      %add3A_39 = arith.constant 0 : i32
      %add3A_40 = arith.addi %add3A_39, %mul3A_38 : i32
      %mul3A_41 = arith.constant 2 : i32
      %mul3A_42 = arith.muli %mul3A_41, %add3A_40 : i32
      %mul3A_43 = arith.constant 80 : i32
      %mul3A_44 = arith.muli %mul3A_42, %mul3A_43 : i32
      %add3A_45 = arith.addi %mul3A_2, %mul3A_44 : i32
      %add3A_46 = arith.constant 1 : i32
      %add3A_47 = arith.addi %mul3A_42, %add3A_46 : i32
      %mul3A_48 = arith.constant 80 : i32
      %mul3A_49 = arith.muli %add3A_47, %mul3A_48 : i32
      %add3A_50 = arith.addi %mul3A_2, %mul3A_49 : i32
      %dma_wait3A_51 = tpu.memref_slice %arg3[%add3A_45] : memref<320000xi32, #tpu.memory_space<hbm>> -> memref<80xi32, #tpu.memory_space<hbm>>
      %dma_wait3A_52 = tpu.memref_slice %arg3[%add3A_45] : memref<320000xi32, #tpu.memory_space<hbm>> -> memref<80xi32, #tpu.memory_space<hbm>>
      tpu.wait_dma2 semaphore(%arg11 : memref<!tpu.dma_semaphore, #tpu.memory_space<semaphore_mem>>) src(%dma_wait3A_52 : memref<80xi32, #tpu.memory_space<hbm>>) dst(%arg6 : memref<80xi32, #tpu.memory_space<vmem>>)
      %dma_wait3A_53 = arith.constant 0 : i32
      %dma_wait3A_54 = tpu.memref_slice %arg2[%add3A_45, %dma_wait3A_53] : memref<320000x16xf32, #tpu.memory_space<hbm>> -> memref<80x16xf32, #tpu.memory_space<hbm>>
      %dma_wait3A_55 = arith.constant 0 : i32
      %dma_wait3A_56 = tpu.memref_slice %arg2[%add3A_45, %dma_wait3A_55] : memref<320000x16xf32, #tpu.memory_space<hbm>> -> memref<80x16xf32, #tpu.memory_space<hbm>>
      tpu.wait_dma2 semaphore(%arg13 : memref<!tpu.dma_semaphore, #tpu.memory_space<semaphore_mem>>) src(%dma_wait3A_56 : memref<80x16xf32, #tpu.memory_space<hbm>>) dst(%arg8 : memref<80x16xf32, #tpu.memory_space<vmem>>)
      %dma_start3A_57 = tpu.memref_slice %arg3[%add3A_50] : memref<320000xi32, #tpu.memory_space<hbm>> -> memref<80xi32, #tpu.memory_space<hbm>>
      %dma_start3A_58 = tpu.memref_slice %arg3[%add3A_50] : memref<320000xi32, #tpu.memory_space<hbm>> -> memref<80xi32, #tpu.memory_space<hbm>>
      tpu.enqueue_dma source(%dma_start3A_58 : memref<80xi32, #tpu.memory_space<hbm>>) target(%arg7 : memref<80xi32, #tpu.memory_space<vmem>>) target_semaphore(%arg12 : memref<!tpu.dma_semaphore, #tpu.memory_space<semaphore_mem>>)
      %dma_start3A_59 = arith.constant 0 : i32
      %dma_start3A_60 = tpu.memref_slice %arg2[%add3A_50, %dma_start3A_59] : memref<320000x16xf32, #tpu.memory_space<hbm>> -> memref<80x16xf32, #tpu.memory_space<hbm>>
      %dma_start3A_61 = arith.constant 0 : i32
      %dma_start3A_62 = tpu.memref_slice %arg2[%add3A_50, %dma_start3A_61] : memref<320000x16xf32, #tpu.memory_space<hbm>> -> memref<80x16xf32, #tpu.memory_space<hbm>>
      tpu.enqueue_dma source(%dma_start3A_62 : memref<80x16xf32, #tpu.memory_space<hbm>>) target(%arg9 : memref<80x16xf32, #tpu.memory_space<vmem>>) target_semaphore(%arg14 : memref<!tpu.dma_semaphore, #tpu.memory_space<semaphore_mem>>)
      "tpu.region"() ({
        %run_scoped3A = tpu.sem_alloc : memref<!tpu.dma_semaphore, #tpu.memory_space<semaphore_mem>>
        %dma_start3A_76 = arith.constant 0 : i32
        %dma_start3A_77 = arith.constant 0 : i32
        %dma_start3A_78 = tpu.memref_slice %arg10[%dma_start3A_76, %dma_start3A_77] : memref<10000x16xf32, #tpu.memory_space<vmem_shared>> -> memref<10000x16xf32, #tpu.memory_space<vmem_shared>>
        tpu.enqueue_indirect_dma source(%arg8 : memref<80x16xf32, #tpu.memory_space<vmem>>) target(%dma_start3A_78 : memref<10000x16xf32, #tpu.memory_space<vmem_shared>>) offsets(%arg6 : memref<80xi32, #tpu.memory_space<vmem>>) semaphore(%run_scoped3A : memref<!tpu.dma_semaphore, #tpu.memory_space<semaphore_mem>>) {add = true}
        %dma_wait3A_79 = arith.constant 0 : i32
        %dma_wait3A_80 = arith.constant 0 : i32
        %dma_wait3A_81 = tpu.memref_slice %arg10[%dma_wait3A_79, %dma_wait3A_80] : memref<10000x16xf32, #tpu.memory_space<vmem_shared>> -> memref<10000x16xf32, #tpu.memory_space<vmem_shared>>
        tpu.wait_indirect_dma semaphore(%run_scoped3A : memref<!tpu.dma_semaphore, #tpu.memory_space<semaphore_mem>>) src(%arg8 : memref<80x16xf32, #tpu.memory_space<vmem>>) dst(%dma_wait3A_81 : memref<10000x16xf32, #tpu.memory_space<vmem_shared>>)
        tpu.yield
      }) : () -> ()
      %dma_wait3A_63 = tpu.memref_slice %arg3[%add3A_50] : memref<320000xi32, #tpu.memory_space<hbm>> -> memref<80xi32, #tpu.memory_space<hbm>>
      %dma_wait3A_64 = tpu.memref_slice %arg3[%add3A_50] : memref<320000xi32, #tpu.memory_space<hbm>> -> memref<80xi32, #tpu.memory_space<hbm>>
      tpu.wait_dma2 semaphore(%arg12 : memref<!tpu.dma_semaphore, #tpu.memory_space<semaphore_mem>>) src(%dma_wait3A_64 : memref<80xi32, #tpu.memory_space<hbm>>) dst(%arg7 : memref<80xi32, #tpu.memory_space<vmem>>)
      %dma_wait3A_65 = arith.constant 0 : i32
      %dma_wait3A_66 = tpu.memref_slice %arg2[%add3A_50, %dma_wait3A_65] : memref<320000x16xf32, #tpu.memory_space<hbm>> -> memref<80x16xf32, #tpu.memory_space<hbm>>
      %dma_wait3A_67 = arith.constant 0 : i32
      %dma_wait3A_68 = tpu.memref_slice %arg2[%add3A_50, %dma_wait3A_67] : memref<320000x16xf32, #tpu.memory_space<hbm>> -> memref<80x16xf32, #tpu.memory_space<hbm>>
      tpu.wait_dma2 semaphore(%arg14 : memref<!tpu.dma_semaphore, #tpu.memory_space<semaphore_mem>>) src(%dma_wait3A_68 : memref<80x16xf32, #tpu.memory_space<hbm>>) dst(%arg9 : memref<80x16xf32, #tpu.memory_space<vmem>>)
      %add3A_69 = arith.constant 2 : i32
      %add3A_70 = arith.addi %mul3A_42, %add3A_69 : i32
      %lt3A_71 = arith.constant 125 : i32
      %lt3A_72 = arith.cmpi slt, %add3A_70, %lt3A_71 : i32
      %convert_element_type3A_73 = arith.extui %lt3A_72 : i1 to i32
      %cond3A_74 = arith.constant 0 : i32
      %cond3A_75 = arith.cmpi ne, %convert_element_type3A_73, %cond3A_74 : i32
      scf.if %cond3A_75 {
        %add3A_76 = arith.constant 2 : i32
        %add3A_77 = arith.addi %mul3A_42, %add3A_76 : i32
        %mul3A_78 = arith.constant 80 : i32
        %mul3A_79 = arith.muli %add3A_77, %mul3A_78 : i32
        %add3A_80 = arith.addi %mul3A_2, %mul3A_79 : i32
        %dma_start3A_81 = tpu.memref_slice %arg3[%add3A_80] : memref<320000xi32, #tpu.memory_space<hbm>> -> memref<80xi32, #tpu.memory_space<hbm>>
        %dma_start3A_82 = tpu.memref_slice %arg3[%add3A_80] : memref<320000xi32, #tpu.memory_space<hbm>> -> memref<80xi32, #tpu.memory_space<hbm>>
        tpu.enqueue_dma source(%dma_start3A_82 : memref<80xi32, #tpu.memory_space<hbm>>) target(%arg6 : memref<80xi32, #tpu.memory_space<vmem>>) target_semaphore(%arg11 : memref<!tpu.dma_semaphore, #tpu.memory_space<semaphore_mem>>)
        %dma_start3A_83 = arith.constant 0 : i32
        %dma_start3A_84 = tpu.memref_slice %arg2[%add3A_80, %dma_start3A_83] : memref<320000x16xf32, #tpu.memory_space<hbm>> -> memref<80x16xf32, #tpu.memory_space<hbm>>
        %dma_start3A_85 = arith.constant 0 : i32
        %dma_start3A_86 = tpu.memref_slice %arg2[%add3A_80, %dma_start3A_85] : memref<320000x16xf32, #tpu.memory_space<hbm>> -> memref<80x16xf32, #tpu.memory_space<hbm>>
        tpu.enqueue_dma source(%dma_start3A_86 : memref<80x16xf32, #tpu.memory_space<hbm>>) target(%arg8 : memref<80x16xf32, #tpu.memory_space<vmem>>) target_semaphore(%arg13 : memref<!tpu.dma_semaphore, #tpu.memory_space<semaphore_mem>>)
      } else {
      }
      "tpu.region"() ({
        %run_scoped3A = tpu.sem_alloc : memref<!tpu.dma_semaphore, #tpu.memory_space<semaphore_mem>>
        %dma_start3A_76 = arith.constant 0 : i32
        %dma_start3A_77 = arith.constant 0 : i32
        %dma_start3A_78 = tpu.memref_slice %arg10[%dma_start3A_76, %dma_start3A_77] : memref<10000x16xf32, #tpu.memory_space<vmem_shared>> -> memref<10000x16xf32, #tpu.memory_space<vmem_shared>>
        tpu.enqueue_indirect_dma source(%arg9 : memref<80x16xf32, #tpu.memory_space<vmem>>) target(%dma_start3A_78 : memref<10000x16xf32, #tpu.memory_space<vmem_shared>>) offsets(%arg7 : memref<80xi32, #tpu.memory_space<vmem>>) semaphore(%run_scoped3A : memref<!tpu.dma_semaphore, #tpu.memory_space<semaphore_mem>>) {add = true}
        %dma_wait3A_79 = arith.constant 0 : i32
        %dma_wait3A_80 = arith.constant 0 : i32
        %dma_wait3A_81 = tpu.memref_slice %arg10[%dma_wait3A_79, %dma_wait3A_80] : memref<10000x16xf32, #tpu.memory_space<vmem_shared>> -> memref<10000x16xf32, #tpu.memory_space<vmem_shared>>
        tpu.wait_indirect_dma semaphore(%run_scoped3A : memref<!tpu.dma_semaphore, #tpu.memory_space<semaphore_mem>>) src(%arg9 : memref<80x16xf32, #tpu.memory_space<vmem>>) dst(%dma_wait3A_81 : memref<10000x16xf32, #tpu.memory_space<vmem_shared>>)
        tpu.yield
      }) : () -> ()
    }
    %scan3A_17 = arith.constant 62 : i32
    %add3A_18 = arith.constant 9920 : i32
    %add3A_19 = arith.addi %mul3A_2, %add3A_18 : i32
    %dma_wait3A = tpu.memref_slice %arg3[%add3A_19] : memref<320000xi32, #tpu.memory_space<hbm>> -> memref<80xi32, #tpu.memory_space<hbm>>
    %dma_wait3A_20 = tpu.memref_slice %arg3[%add3A_19] : memref<320000xi32, #tpu.memory_space<hbm>> -> memref<80xi32, #tpu.memory_space<hbm>>
    tpu.wait_dma2 semaphore(%arg11 : memref<!tpu.dma_semaphore, #tpu.memory_space<semaphore_mem>>) src(%dma_wait3A_20 : memref<80xi32, #tpu.memory_space<hbm>>) dst(%arg6 : memref<80xi32, #tpu.memory_space<vmem>>)
    %dma_wait3A_21 = arith.constant 0 : i32
    %dma_wait3A_22 = tpu.memref_slice %arg2[%add3A_19, %dma_wait3A_21] : memref<320000x16xf32, #tpu.memory_space<hbm>> -> memref<80x16xf32, #tpu.memory_space<hbm>>
    %dma_wait3A_23 = arith.constant 0 : i32
    %dma_wait3A_24 = tpu.memref_slice %arg2[%add3A_19, %dma_wait3A_23] : memref<320000x16xf32, #tpu.memory_space<hbm>> -> memref<80x16xf32, #tpu.memory_space<hbm>>
    tpu.wait_dma2 semaphore(%arg13 : memref<!tpu.dma_semaphore, #tpu.memory_space<semaphore_mem>>) src(%dma_wait3A_24 : memref<80x16xf32, #tpu.memory_space<hbm>>) dst(%arg8 : memref<80x16xf32, #tpu.memory_space<vmem>>)
    "tpu.region"() ({
      %run_scoped3A = tpu.sem_alloc : memref<!tpu.dma_semaphore, #tpu.memory_space<semaphore_mem>>
      %dma_start3A_36 = arith.constant 0 : i32
      %dma_start3A_37 = arith.constant 0 : i32
      %dma_start3A_38 = tpu.memref_slice %arg10[%dma_start3A_36, %dma_start3A_37] : memref<10000x16xf32, #tpu.memory_space<vmem_shared>> -> memref<10000x16xf32, #tpu.memory_space<vmem_shared>>
      tpu.enqueue_indirect_dma source(%arg8 : memref<80x16xf32, #tpu.memory_space<vmem>>) target(%dma_start3A_38 : memref<10000x16xf32, #tpu.memory_space<vmem_shared>>) offsets(%arg6 : memref<80xi32, #tpu.memory_space<vmem>>) semaphore(%run_scoped3A : memref<!tpu.dma_semaphore, #tpu.memory_space<semaphore_mem>>) {add = true}
      %dma_wait3A_39 = arith.constant 0 : i32
      %dma_wait3A_40 = arith.constant 0 : i32
      %dma_wait3A_41 = tpu.memref_slice %arg10[%dma_wait3A_39, %dma_wait3A_40] : memref<10000x16xf32, #tpu.memory_space<vmem_shared>> -> memref<10000x16xf32, #tpu.memory_space<vmem_shared>>
      tpu.wait_indirect_dma semaphore(%run_scoped3A : memref<!tpu.dma_semaphore, #tpu.memory_space<semaphore_mem>>) src(%arg8 : memref<80x16xf32, #tpu.memory_space<vmem>>) dst(%dma_wait3A_41 : memref<10000x16xf32, #tpu.memory_space<vmem_shared>>)
      tpu.yield
    }) : () -> ()
    %barrier3A_25 = arith.constant 0 : index
    tpu.barrier barrier_id(%barrier3A_25)
    %lt3A_26 = arith.constant 15 : i32
    %lt3A_27 = arith.cmpi slt, %arg1, %lt3A_26 : i32
    %convert_element_type3A_28 = arith.extui %lt3A_27 : i1 to i32
    %cond3A_29 = arith.constant 0 : i32
    %cond3A_30 = arith.cmpi ne, %convert_element_type3A_28, %cond3A_29 : i32
    scf.if %cond3A_30 {
      %mul3A_36 = arith.constant 640 : i32
      %mul3A_37 = arith.muli %arg1, %mul3A_36 : i32
      %mul3A_38 = arith.constant 640 : i32
      %mul3A_39 = arith.muli %arg1, %mul3A_38 : i32
      "tpu.region"() ({
        %run_scoped3A = tpu.sem_alloc : memref<!tpu.dma_semaphore, #tpu.memory_space<semaphore_mem>>
        %dma_start3A_40 = arith.constant 0 : i32
        %dma_start3A_41 = tpu.memref_slice %arg5[%arg0, %mul3A_39, %dma_start3A_40] : memref<2x10000x16xf32, #tpu.memory_space<hbm>> -> memref<1x640x16xf32, #tpu.memory_space<hbm>>
        %dma_start3A_42 = tpu.memref_squeeze %dma_start3A_41 : memref<1x640x16xf32, #tpu.memory_space<hbm>> -> memref<640x16xf32, #tpu.memory_space<hbm>>
        %dma_start3A_43 = arith.constant 0 : i32
        %dma_start3A_44 = tpu.memref_slice %arg10[%mul3A_37, %dma_start3A_43] : memref<10000x16xf32, #tpu.memory_space<vmem_shared>> -> memref<640x16xf32, #tpu.memory_space<vmem_shared>>
        tpu.enqueue_dma source(%dma_start3A_44 : memref<640x16xf32, #tpu.memory_space<vmem_shared>>) target(%dma_start3A_42 : memref<640x16xf32, #tpu.memory_space<hbm>>) target_semaphore(%run_scoped3A : memref<!tpu.dma_semaphore, #tpu.memory_space<semaphore_mem>>)
        %dma_wait3A_45 = arith.constant 0 : i32
        %dma_wait3A_46 = tpu.memref_slice %arg5[%arg0, %mul3A_39, %dma_wait3A_45] : memref<2x10000x16xf32, #tpu.memory_space<hbm>> -> memref<1x640x16xf32, #tpu.memory_space<hbm>>
        %dma_wait3A_47 = tpu.memref_squeeze %dma_wait3A_46 : memref<1x640x16xf32, #tpu.memory_space<hbm>> -> memref<640x16xf32, #tpu.memory_space<hbm>>
        %dma_wait3A_48 = arith.constant 0 : i32
        %dma_wait3A_49 = tpu.memref_slice %arg10[%mul3A_37, %dma_wait3A_48] : memref<10000x16xf32, #tpu.memory_space<vmem_shared>> -> memref<640x16xf32, #tpu.memory_space<vmem_shared>>
        tpu.wait_dma2 semaphore(%run_scoped3A : memref<!tpu.dma_semaphore, #tpu.memory_space<semaphore_mem>>) src(%dma_wait3A_49 : memref<640x16xf32, #tpu.memory_space<vmem_shared>>) dst(%dma_wait3A_47 : memref<640x16xf32, #tpu.memory_space<hbm>>)
        tpu.yield
      }) : () -> ()
    } else {
    }
    %eq3A_31 = arith.constant 15 : i32
    %eq3A_32 = arith.cmpi eq, %arg1, %eq3A_31 : i32
    %convert_element_type3A_33 = arith.extui %eq3A_32 : i1 to i32
    %cond3A_34 = arith.constant 0 : i32
    %cond3A_35 = arith.cmpi ne, %convert_element_type3A_33, %cond3A_34 : i32
    scf.if %cond3A_35 {
      "tpu.region"() ({
        %run_scoped3A = tpu.sem_alloc : memref<!tpu.dma_semaphore, #tpu.memory_space<semaphore_mem>>
        %dma_start3A_36 = arith.constant 9600 : i32
        %dma_start3A_37 = arith.constant 0 : i32
        %dma_start3A_38 = tpu.memref_slice %arg5[%arg0, %dma_start3A_36, %dma_start3A_37] : memref<2x10000x16xf32, #tpu.memory_space<hbm>> -> memref<1x400x16xf32, #tpu.memory_space<hbm>>
        %dma_start3A_39 = tpu.memref_squeeze %dma_start3A_38 : memref<1x400x16xf32, #tpu.memory_space<hbm>> -> memref<400x16xf32, #tpu.memory_space<hbm>>
        %dma_start3A_40 = arith.constant 9600 : i32
        %dma_start3A_41 = arith.constant 0 : i32
        %dma_start3A_42 = tpu.memref_slice %arg10[%dma_start3A_40, %dma_start3A_41] : memref<10000x16xf32, #tpu.memory_space<vmem_shared>> -> memref<400x16xf32, #tpu.memory_space<vmem_shared>>
        tpu.enqueue_dma source(%dma_start3A_42 : memref<400x16xf32, #tpu.memory_space<vmem_shared>>) target(%dma_start3A_39 : memref<400x16xf32, #tpu.memory_space<hbm>>) target_semaphore(%run_scoped3A : memref<!tpu.dma_semaphore, #tpu.memory_space<semaphore_mem>>)
        %dma_wait3A_43 = arith.constant 9600 : i32
        %dma_wait3A_44 = arith.constant 0 : i32
        %dma_wait3A_45 = tpu.memref_slice %arg5[%arg0, %dma_wait3A_43, %dma_wait3A_44] : memref<2x10000x16xf32, #tpu.memory_space<hbm>> -> memref<1x400x16xf32, #tpu.memory_space<hbm>>
        %dma_wait3A_46 = tpu.memref_squeeze %dma_wait3A_45 : memref<1x400x16xf32, #tpu.memory_space<hbm>> -> memref<400x16xf32, #tpu.memory_space<hbm>>
        %dma_wait3A_47 = arith.constant 9600 : i32
        %dma_wait3A_48 = arith.constant 0 : i32
        %dma_wait3A_49 = tpu.memref_slice %arg10[%dma_wait3A_47, %dma_wait3A_48] : memref<10000x16xf32, #tpu.memory_space<vmem_shared>> -> memref<400x16xf32, #tpu.memory_space<vmem_shared>>
        tpu.wait_dma2 semaphore(%run_scoped3A : memref<!tpu.dma_semaphore, #tpu.memory_space<semaphore_mem>>) src(%dma_wait3A_49 : memref<400x16xf32, #tpu.memory_space<vmem_shared>>) dst(%dma_wait3A_46 : memref<400x16xf32, #tpu.memory_space<hbm>>)
        tpu.yield
      }) : () -> ()
    } else {
    }
    return
  }
}

module attributes {stable_mosaic.version = 14 : i64} {
  func.func @_embed_body(%arg0: i32, %arg1: memref<2000x1xi32, #tpu.memory_space<vmem>>, %arg2: memref<2000x1xi32, #tpu.memory_space<vmem>>, %arg3: memref<10x128xf32, #tpu.memory_space<vmem>>, %arg4: memref<6x128xf32, #tpu.memory_space<vmem>>, %arg5: memref<1x128xf32, #tpu.memory_space<vmem>>, %arg6: memref<128x128xf32, #tpu.memory_space<vmem>>, %arg7: memref<2000x128xf32, #tpu.memory_space<vmem>>, %arg8: memref<2000x256xf32, #tpu.memory_space<vmem>>) attributes {dimension_semantics = [#tpu.dimension_semantics<arbitrary>], iteration_bounds = array<i64: 5>, scalar_prefetch = 0 : i64, scratch_operands = 0 : i64, tpu.core_type = #tpu.core_type<tc>, window_params = [{transform_indices = @transform_0, window_bounds = array<i64: 2000, 1>}, {transform_indices = @transform_1, window_bounds = array<i64: 2000, 1>}, {pipeline_mode = #tpu.pipeline_mode<synchronous>, transform_indices = @transform_2, window_bounds = array<i64: 10, 128>}, {pipeline_mode = #tpu.pipeline_mode<synchronous>, transform_indices = @transform_3, window_bounds = array<i64: 6, 128>}, {pipeline_mode = #tpu.pipeline_mode<synchronous>, transform_indices = @transform_4, window_bounds = array<i64: 1, 128>}, {pipeline_mode = #tpu.pipeline_mode<synchronous>, transform_indices = @transform_5, window_bounds = array<i64: 128, 128>}, {transform_indices = @transform_6, window_bounds = array<i64: 2000, 128>}, {transform_indices = @transform_7, window_bounds = array<i64: 2000, 256>}]} {
    %get3A = arith.constant 0 : index
    %get3A_0 = arith.constant 0 : index
    %get3A_1 = vector.load %arg1[%get3A, %get3A_0] : memref<2000x1xi32, #tpu.memory_space<vmem>>, vector<2000x1xi32>
    %iota3A = tpu.iota {dimensions = array<i32: 1>} : vector<1x10xi32>
    %eq3A = vector.broadcast %get3A_1 : vector<2000x1xi32> to vector<2000x10xi32>
    %eq3A_2 = vector.broadcast %iota3A : vector<1x10xi32> to vector<2000x10xi32>
    %eq3A_3 = arith.cmpi eq, %eq3A, %eq3A_2 : vector<2000x10xi32>
    %convert_element_type3A = arith.extui %eq3A_3 : vector<2000x10xi1> to vector<2000x10xi32>
    %convert_element_type3A_4 = arith.sitofp %convert_element_type3A : vector<2000x10xi32> to vector<2000x10xf32>
    %get3A_5 = arith.constant 0 : index
    %get3A_6 = arith.constant 0 : index
    %get3A_7 = vector.load %arg2[%get3A_5, %get3A_6] : memref<2000x1xi32, #tpu.memory_space<vmem>>, vector<2000x1xi32>
    %iota3A_8 = tpu.iota {dimensions = array<i32: 1>} : vector<1x6xi32>
    %eq3A_9 = vector.broadcast %get3A_7 : vector<2000x1xi32> to vector<2000x6xi32>
    %eq3A_10 = vector.broadcast %iota3A_8 : vector<1x6xi32> to vector<2000x6xi32>
    %eq3A_11 = arith.cmpi eq, %eq3A_9, %eq3A_10 : vector<2000x6xi32>
    %convert_element_type3A_12 = arith.extui %eq3A_11 : vector<2000x6xi1> to vector<2000x6xi32>
    %convert_element_type3A_13 = arith.sitofp %convert_element_type3A_12 : vector<2000x6xi32> to vector<2000x6xf32>
    %get3A_14 = arith.constant 0 : index
    %get3A_15 = arith.constant 0 : index
    %get3A_16 = vector.load %arg3[%get3A_14, %get3A_15] : memref<10x128xf32, #tpu.memory_space<vmem>>, vector<10x128xf32>
    %dot_general3A = arith.constant dense<0.000000e+00> : vector<2000x128xf32>
    %dot_general3A_17 = tpu.matmul %convert_element_type3A_4, %get3A_16, %dot_general3A {dimension_numbers = #tpu.dot_dimension_numbers<[1], [0], [0], [1], [0, 0, 1, 1], [], []>, transpose_lhs_hint = false} : vector<2000x10xf32>, vector<10x128xf32>, vector<2000x128xf32> -> vector<2000x128xf32>
    %get3A_18 = arith.constant 0 : index
    %get3A_19 = arith.constant 0 : index
    %get3A_20 = vector.load %arg4[%get3A_18, %get3A_19] : memref<6x128xf32, #tpu.memory_space<vmem>>, vector<6x128xf32>
    %dot_general3A_21 = arith.constant dense<0.000000e+00> : vector<2000x128xf32>
    %dot_general3A_22 = tpu.matmul %convert_element_type3A_13, %get3A_20, %dot_general3A_21 {dimension_numbers = #tpu.dot_dimension_numbers<[1], [0], [0], [1], [0, 0, 1, 1], [], []>, transpose_lhs_hint = false} : vector<2000x6xf32>, vector<6x128xf32>, vector<2000x128xf32> -> vector<2000x128xf32>
    %add3A = arith.addf %dot_general3A_17, %dot_general3A_22 : vector<2000x128xf32>
    %get3A_23 = arith.constant 0 : index
    %get3A_24 = arith.constant 0 : index
    %get3A_25 = vector.load %arg5[%get3A_23, %get3A_24] : memref<1x128xf32, #tpu.memory_space<vmem>>, vector<1x128xf32>
    %add3A_26 = vector.broadcast %get3A_25 : vector<1x128xf32> to vector<2000x128xf32>
    %add3A_27 = arith.addf %add3A, %add3A_26 : vector<2000x128xf32>
    %max3A = arith.constant 0.000000e+00 : f32
    %max3A_28 = vector.broadcast %max3A : f32 to vector<2000x128xf32>
    %max3A_29 = arith.maximumf %add3A_27, %max3A_28 : vector<2000x128xf32>
    %swap3A = arith.constant 0 : index
    %swap3A_30 = arith.constant 0 : index
    %swap3A_31 = vector.load %arg7[%swap3A, %swap3A_30] : memref<2000x128xf32, #tpu.memory_space<vmem>>, vector<2000x128xf32>
    tpu.vector_store %arg7[%swap3A, %swap3A_30], %max3A_29 {strides = array<i32>} : memref<2000x128xf32, #tpu.memory_space<vmem>>, vector<2000x128xf32>,
    %get3A_32 = arith.constant 0 : index
    %get3A_33 = arith.constant 0 : index
    %get3A_34 = vector.load %arg6[%get3A_32, %get3A_33] : memref<128x128xf32, #tpu.memory_space<vmem>>, vector<128x128xf32>
    %dot_general3A_35 = arith.constant dense<0.000000e+00> : vector<2000x128xf32>
    %dot_general3A_36 = tpu.matmul %max3A_29, %get3A_34, %dot_general3A_35 {dimension_numbers = #tpu.dot_dimension_numbers<[1], [0], [0], [1], [0, 0, 1, 1], [], []>, transpose_lhs_hint = false} : vector<2000x128xf32>, vector<128x128xf32>, vector<2000x128xf32> -> vector<2000x128xf32>
    %broadcast_in_dim3A = arith.constant 0.000000e+00 : f32
    %broadcast_in_dim3A_37 = vector.broadcast %broadcast_in_dim3A : f32 to vector<2000x128xf32>
    %concatenate3A = tpu.concatenate %dot_general3A_36, %broadcast_in_dim3A_37 in 1 : vector<2000x128xf32>, vector<2000x128xf32> -> vector<2000x256xf32>
    %swap3A_38 = arith.constant 0 : index
    %swap3A_39 = arith.constant 0 : index
    %swap3A_40 = vector.load %arg8[%swap3A_38, %swap3A_39] : memref<2000x256xf32, #tpu.memory_space<vmem>>, vector<2000x256xf32>
    tpu.vector_store %arg8[%swap3A_38, %swap3A_39], %concatenate3A {strides = array<i32>} : memref<2000x256xf32, #tpu.memory_space<vmem>>, vector<2000x256xf32>,
    return
  }
  func.func @transform_0(%arg0: i32) -> (i32, i32) {
    %c0_i32 = arith.constant 0 : i32
    %c0_i32_0 = arith.constant 0 : i32
    return %arg0, %c0_i32 : i32, i32
  }
  func.func @transform_1(%arg0: i32) -> (i32, i32) {
    %c0_i32 = arith.constant 0 : i32
    %c0_i32_0 = arith.constant 0 : i32
    return %arg0, %c0_i32 : i32, i32
  }
  func.func @transform_2(%arg0: i32) -> (i32, i32) {
    %c0_i32 = arith.constant 0 : i32
    %c0_i32_0 = arith.constant 0 : i32
    %c0_i32_1 = arith.constant 0 : i32
    return %c0_i32, %c0_i32_0 : i32, i32
  }
  func.func @transform_3(%arg0: i32) -> (i32, i32) {
    %c0_i32 = arith.constant 0 : i32
    %c0_i32_0 = arith.constant 0 : i32
    %c0_i32_1 = arith.constant 0 : i32
    return %c0_i32, %c0_i32_0 : i32, i32
  }
  func.func @transform_4(%arg0: i32) -> (i32, i32) {
    %c0_i32 = arith.constant 0 : i32
    %c0_i32_0 = arith.constant 0 : i32
    %c0_i32_1 = arith.constant 0 : i32
    return %c0_i32, %c0_i32_0 : i32, i32
  }
  func.func @transform_5(%arg0: i32) -> (i32, i32) {
    %c0_i32 = arith.constant 0 : i32
    %c0_i32_0 = arith.constant 0 : i32
    %c0_i32_1 = arith.constant 0 : i32
    return %c0_i32, %c0_i32_0 : i32, i32
  }
  func.func @transform_6(%arg0: i32) -> (i32, i32) {
    %c0_i32 = arith.constant 0 : i32
    %c0_i32_0 = arith.constant 0 : i32
    return %arg0, %c0_i32 : i32, i32
  }
  func.func @transform_7(%arg0: i32) -> (i32, i32) {
    %c0_i32 = arith.constant 0 : i32
    %c0_i32_0 = arith.constant 0 : i32
    return %arg0, %c0_i32 : i32, i32
  }
}

module attributes {stable_mosaic.version = 14 : i64} {
  func.func @_edge_static_body(%arg0: i32, %arg1: memref<2000x128xf32, #tpu.memory_space<vmem>>, %arg2: memref<2000x128xf32, #tpu.memory_space<vmem>>, %arg3: memref<2000x1xi32, #tpu.memory_space<vmem>>, %arg4: memref<2000x32xf32, #tpu.memory_space<vmem>>) attributes {dimension_semantics = [#tpu.dimension_semantics<arbitrary>], iteration_bounds = array<i64: 160>, scalar_prefetch = 0 : i64, scratch_operands = 0 : i64, tpu.core_type = #tpu.core_type<tc>, window_params = [{transform_indices = @transform_0, window_bounds = array<i64: 2000, 128>}, {transform_indices = @transform_1, window_bounds = array<i64: 2000, 128>}, {transform_indices = @transform_2, window_bounds = array<i64: 2000, 1>}, {transform_indices = @transform_3, window_bounds = array<i64: 2000, 32>}]} {
    %get3A = arith.constant 0 : index
    %get3A_0 = arith.constant 0 : index
    %get3A_1 = vector.load %arg1[%get3A, %get3A_0] : memref<2000x128xf32, #tpu.memory_space<vmem>>, vector<2000x3xf32>
    %get3A_2 = arith.constant 0 : index
    %get3A_3 = arith.constant 0 : index
    %get3A_4 = vector.load %arg2[%get3A_2, %get3A_3] : memref<2000x128xf32, #tpu.memory_space<vmem>>, vector<2000x3xf32>
    %sub3A = arith.subf %get3A_1, %get3A_4 : vector<2000x3xf32>
    %mul3A = arith.mulf %sub3A, %sub3A : vector<2000x3xf32>
    %reduce_sum3A = arith.constant dense<0.000000e+00> : vector<2000xf32>
    %reduce_sum3A_5 = vector.multi_reduction <add>, %mul3A, %reduce_sum3A [1] : vector<2000x3xf32> to vector<2000xf32>
    %broadcast_in_dim3A = vector.shape_cast %reduce_sum3A_5 : vector<2000xf32> to vector<2000x1xf32>
    %add3A = arith.constant 9.99999993E-9 : f32
    %add3A_6 = vector.broadcast %add3A : f32 to vector<2000x1xf32>
    %add3A_7 = arith.addf %broadcast_in_dim3A, %add3A_6 : vector<2000x1xf32>
    %sqrt3A = math.sqrt %add3A_7 : vector<2000x1xf32>
    %div3A = vector.broadcast %sqrt3A : vector<2000x1xf32> to vector<2000x3xf32>
    %div3A_8 = arith.divf %sub3A, %div3A : vector<2000x3xf32>
    %iota3A = tpu.iota {dimensions = array<i32: 1>} : vector<1x10xi32>
    %convert_element_type3A = arith.sitofp %iota3A : vector<1x10xi32> to vector<1x10xf32>
    %mul3A_9 = arith.constant 3.55555558 : f32
    %mul3A_10 = vector.broadcast %mul3A_9 : f32 to vector<1x10xf32>
    %mul3A_11 = arith.mulf %convert_element_type3A, %mul3A_10 : vector<1x10xf32>
    %sub3A_12 = vector.broadcast %sqrt3A : vector<2000x1xf32> to vector<2000x10xf32>
    %sub3A_13 = vector.broadcast %mul3A_11 : vector<1x10xf32> to vector<2000x10xf32>
    %sub3A_14 = arith.subf %sub3A_12, %sub3A_13 : vector<2000x10xf32>
    %div3A_15 = arith.constant 3.200000e+00 : f32
    %div3A_16 = vector.broadcast %div3A_15 : f32 to vector<2000x10xf32>
    %div3A_17 = arith.divf %sub3A_14, %div3A_16 : vector<2000x10xf32>
    %integer_pow3A = arith.mulf %div3A_17, %div3A_17 : vector<2000x10xf32>
    %neg3A = arith.constant 0.000000e+00 : f32
    %neg3A_18 = vector.broadcast %neg3A : f32 to vector<2000x10xf32>
    %neg3A_19 = arith.subf %neg3A_18, %integer_pow3A : vector<2000x10xf32>
    %exp3A = math.exp %neg3A_19 : vector<2000x10xf32>
    %get3A_20 = arith.constant 0 : index
    %get3A_21 = arith.constant 0 : index
    %get3A_22 = vector.load %arg3[%get3A_20, %get3A_21] : memref<2000x1xi32, #tpu.memory_space<vmem>>, vector<2000x1xi32>
    %iota3A_23 = tpu.iota {dimensions = array<i32: 1>} : vector<1x5xi32>
    %eq3A = vector.broadcast %get3A_22 : vector<2000x1xi32> to vector<2000x5xi32>
    %eq3A_24 = vector.broadcast %iota3A_23 : vector<1x5xi32> to vector<2000x5xi32>
    %eq3A_25 = arith.cmpi eq, %eq3A, %eq3A_24 : vector<2000x5xi32>
    %convert_element_type3A_26 = arith.extui %eq3A_25 : vector<2000x5xi1> to vector<2000x5xi32>
    %convert_element_type3A_27 = arith.sitofp %convert_element_type3A_26 : vector<2000x5xi32> to vector<2000x5xf32>
    %broadcast_in_dim3A_28 = arith.constant 0.000000e+00 : f32
    %broadcast_in_dim3A_29 = vector.broadcast %broadcast_in_dim3A_28 : f32 to vector<2000x14xf32>
    %concatenate3A = tpu.concatenate %exp3A, %convert_element_type3A_27, %div3A_8, %broadcast_in_dim3A_29 in 1 : vector<2000x10xf32>, vector<2000x5xf32>, vector<2000x3xf32>, vector<2000x14xf32> -> vector<2000x32xf32>
    %swap3A = arith.constant 0 : index
    %swap3A_30 = arith.constant 0 : index
    %swap3A_31 = vector.load %arg4[%swap3A, %swap3A_30] : memref<2000x32xf32, #tpu.memory_space<vmem>>, vector<2000x32xf32>
    tpu.vector_store %arg4[%swap3A, %swap3A_30], %concatenate3A {strides = array<i32>} : memref<2000x32xf32, #tpu.memory_space<vmem>>, vector<2000x32xf32>,
    return
  }
  func.func @transform_0(%arg0: i32) -> (i32, i32) {
    %c0_i32 = arith.constant 0 : i32
    %c0_i32_0 = arith.constant 0 : i32
    return %arg0, %c0_i32 : i32, i32
  }
  func.func @transform_1(%arg0: i32) -> (i32, i32) {
    %add3A = arith.constant 160 : i32
    %add3A_0 = arith.addi %arg0, %add3A : i32
    %c0_i32 = arith.constant 0 : i32
    %c0_i32_1 = arith.constant 0 : i32
    return %add3A_0, %c0_i32 : i32, i32
  }
  func.func @transform_2(%arg0: i32) -> (i32, i32) {
    %c0_i32 = arith.constant 0 : i32
    %c0_i32_0 = arith.constant 0 : i32
    return %arg0, %c0_i32 : i32, i32
  }
  func.func @transform_3(%arg0: i32) -> (i32, i32) {
    %c0_i32 = arith.constant 0 : i32
    %c0_i32_0 = arith.constant 0 : i32
    return %arg0, %c0_i32 : i32, i32
  }
}

module attributes {stable_mosaic.version = 14 : i64} {
  func.func @_edge_body(%arg0: i32, %arg1: memref<2000x256xf32, #tpu.memory_space<vmem>>, %arg2: memref<2000x32xf32, #tpu.memory_space<vmem>>, %arg3: memref<15x128xf32, #tpu.memory_space<vmem>>, %arg4: memref<1x128xf32, #tpu.memory_space<vmem>>, %arg5: memref<12x15xf32, #tpu.memory_space<vmem>>, %arg6: memref<3x15xf32, #tpu.memory_space<vmem>>, %arg7: memref<15x5xf32, #tpu.memory_space<vmem>>, %arg8: memref<5x128xf32, #tpu.memory_space<vmem>>, %arg9: memref<128x4xf32, #tpu.memory_space<vmem>>, %arg10: memref<1x4xf32, #tpu.memory_space<vmem>>, %arg11: memref<15x12xf32, #tpu.memory_space<vmem>>, %arg12: memref<4x12xf32, #tpu.memory_space<vmem>>, %arg13: memref<2000x128xf32, #tpu.memory_space<vmem>>, %arg14: memref<2000x16xf32, #tpu.memory_space<vmem>>) attributes {dimension_semantics = [#tpu.dimension_semantics<arbitrary>], iteration_bounds = array<i64: 160>, scalar_prefetch = 0 : i64, scratch_operands = 0 : i64, tpu.core_type = #tpu.core_type<tc>, window_params = [{transform_indices = @transform_0, window_bounds = array<i64: 2000, 256>}, {transform_indices = @transform_1, window_bounds = array<i64: 2000, 32>}, {pipeline_mode = #tpu.pipeline_mode<synchronous>, transform_indices = @transform_2, window_bounds = array<i64: 15, 128>}, {pipeline_mode = #tpu.pipeline_mode<synchronous>, transform_indices = @transform_3, window_bounds = array<i64: 1, 128>}, {pipeline_mode = #tpu.pipeline_mode<synchronous>, transform_indices = @transform_4, window_bounds = array<i64: 12, 15>}, {pipeline_mode = #tpu.pipeline_mode<synchronous>, transform_indices = @transform_5, window_bounds = array<i64: 3, 15>}, {pipeline_mode = #tpu.pipeline_mode<synchronous>, transform_indices = @transform_6, window_bounds = array<i64: 15, 5>}, {pipeline_mode = #tpu.pipeline_mode<synchronous>, transform_indices = @transform_7, window_bounds = array<i64: 5, 128>}, {pipeline_mode = #tpu.pipeline_mode<synchronous>, transform_indices = @transform_8, window_bounds = array<i64: 128, 4>}, {pipeline_mode = #tpu.pipeline_mode<synchronous>, transform_indices = @transform_9, window_bounds = array<i64: 1, 4>}, {pipeline_mode = #tpu.pipeline_mode<synchronous>, transform_indices = @transform_10, window_bounds = array<i64: 15, 12>}, {pipeline_mode = #tpu.pipeline_mode<synchronous>, transform_indices = @transform_11, window_bounds = array<i64: 4, 12>}, {transform_indices = @transform_12, window_bounds = array<i64: 2000, 128>}, {transform_indices = @transform_13, window_bounds = array<i64: 2000, 16>}]} {
    %get3A = arith.constant 0 : index
    %get3A_0 = arith.constant 0 : index
    %get3A_1 = vector.load %arg1[%get3A, %get3A_0] : memref<2000x256xf32, #tpu.memory_space<vmem>>, vector<2000x256xf32>
    %get3A_2 = arith.constant 0 : index
    %get3A_3 = arith.constant 0 : index
    %get3A_4 = vector.load %arg2[%get3A_2, %get3A_3] : memref<2000x32xf32, #tpu.memory_space<vmem>>, vector<2000x32xf32>
    %slice3A = vector.extract_strided_slice %get3A_1 {offsets = [0, 0], sizes = [2000, 128], strides = [1, 1]} : vector<2000x256xf32> to vector<2000x128xf32>
    %slice3A_5 = vector.extract_strided_slice %get3A_4 {offsets = [0, 0], sizes = [2000, 15], strides = [1, 1]} : vector<2000x32xf32> to vector<2000x15xf32>
    %get3A_6 = arith.constant 0 : index
    %get3A_7 = arith.constant 0 : index
    %get3A_8 = vector.load %arg3[%get3A_6, %get3A_7] : memref<15x128xf32, #tpu.memory_space<vmem>>, vector<15x128xf32>
    %dot_general3A = arith.constant dense<0.000000e+00> : vector<2000x128xf32>
    %dot_general3A_9 = tpu.matmul %slice3A_5, %get3A_8, %dot_general3A {dimension_numbers = #tpu.dot_dimension_numbers<[1], [0], [0], [1], [0, 0, 1, 1], [], []>, transpose_lhs_hint = false} : vector<2000x15xf32>, vector<15x128xf32>, vector<2000x128xf32> -> vector<2000x128xf32>
    %add3A = arith.addf %slice3A, %dot_general3A_9 : vector<2000x128xf32>
    %get3A_10 = arith.constant 0 : index
    %get3A_11 = arith.constant 0 : index
    %get3A_12 = vector.load %arg4[%get3A_10, %get3A_11] : memref<1x128xf32, #tpu.memory_space<vmem>>, vector<1x128xf32>
    %add3A_13 = vector.broadcast %get3A_12 : vector<1x128xf32> to vector<2000x128xf32>
    %add3A_14 = arith.addf %add3A, %add3A_13 : vector<2000x128xf32>
    %slice3A_15 = vector.extract_strided_slice %get3A_1 {offsets = [0, 128], sizes = [2000, 12], strides = [1, 1]} : vector<2000x256xf32> to vector<2000x12xf32>
    %get3A_16 = arith.constant 0 : index
    %get3A_17 = arith.constant 0 : index
    %get3A_18 = vector.load %arg5[%get3A_16, %get3A_17] : memref<12x15xf32, #tpu.memory_space<vmem>>, vector<12x15xf32>
    %dot_general3A_19 = arith.constant dense<0.000000e+00> : vector<2000x15xf32>
    %dot_general3A_20 = tpu.matmul %slice3A_15, %get3A_18, %dot_general3A_19 {dimension_numbers = #tpu.dot_dimension_numbers<[1], [0], [0], [1], [0, 0, 1, 1], [], []>, transpose_lhs_hint = false} : vector<2000x12xf32>, vector<12x15xf32>, vector<2000x15xf32> -> vector<2000x15xf32>
    %slice3A_21 = vector.extract_strided_slice %get3A_4 {offsets = [0, 15], sizes = [2000, 3], strides = [1, 1]} : vector<2000x32xf32> to vector<2000x3xf32>
    %get3A_22 = arith.constant 0 : index
    %get3A_23 = arith.constant 0 : index
    %get3A_24 = vector.load %arg6[%get3A_22, %get3A_23] : memref<3x15xf32, #tpu.memory_space<vmem>>, vector<3x15xf32>
    %dot_general3A_25 = arith.constant dense<0.000000e+00> : vector<2000x15xf32>
    %dot_general3A_26 = tpu.matmul %slice3A_21, %get3A_24, %dot_general3A_25 {dimension_numbers = #tpu.dot_dimension_numbers<[1], [0], [0], [1], [0, 0, 1, 1], [], []>, transpose_lhs_hint = false} : vector<2000x3xf32>, vector<3x15xf32>, vector<2000x15xf32> -> vector<2000x15xf32>
    %add3A_27 = arith.addf %dot_general3A_20, %dot_general3A_26 : vector<2000x15xf32>
    %mul3A = arith.mulf %add3A_27, %add3A_27 : vector<2000x15xf32>
    %get3A_28 = arith.constant 0 : index
    %get3A_29 = arith.constant 0 : index
    %get3A_30 = vector.load %arg7[%get3A_28, %get3A_29] : memref<15x5xf32, #tpu.memory_space<vmem>>, vector<15x5xf32>
    %dot_general3A_31 = arith.constant dense<0.000000e+00> : vector<2000x5xf32>
    %dot_general3A_32 = tpu.matmul %mul3A, %get3A_30, %dot_general3A_31 {dimension_numbers = #tpu.dot_dimension_numbers<[1], [0], [0], [1], [0, 0, 1, 1], [], []>, transpose_lhs_hint = false} : vector<2000x15xf32>, vector<15x5xf32>, vector<2000x5xf32> -> vector<2000x5xf32>
    %add3A_33 = arith.constant 9.99999993E-9 : f32
    %add3A_34 = vector.broadcast %add3A_33 : f32 to vector<2000x5xf32>
    %add3A_35 = arith.addf %dot_general3A_32, %add3A_34 : vector<2000x5xf32>
    %sqrt3A = math.sqrt %add3A_35 : vector<2000x5xf32>
    %get3A_36 = arith.constant 0 : index
    %get3A_37 = arith.constant 0 : index
    %get3A_38 = vector.load %arg8[%get3A_36, %get3A_37] : memref<5x128xf32, #tpu.memory_space<vmem>>, vector<5x128xf32>
    %dot_general3A_39 = arith.constant dense<0.000000e+00> : vector<2000x128xf32>
    %dot_general3A_40 = tpu.matmul %sqrt3A, %get3A_38, %dot_general3A_39 {dimension_numbers = #tpu.dot_dimension_numbers<[1], [0], [0], [1], [0, 0, 1, 1], [], []>, transpose_lhs_hint = false} : vector<2000x5xf32>, vector<5x128xf32>, vector<2000x128xf32> -> vector<2000x128xf32>
    %add3A_41 = arith.addf %add3A_14, %dot_general3A_40 : vector<2000x128xf32>
    %max3A = arith.constant 0.000000e+00 : f32
    %max3A_42 = vector.broadcast %max3A : f32 to vector<2000x128xf32>
    %max3A_43 = arith.maximumf %add3A_41, %max3A_42 : vector<2000x128xf32>
    %get3A_44 = arith.constant 0 : index
    %get3A_45 = arith.constant 0 : index
    %get3A_46 = vector.load %arg9[%get3A_44, %get3A_45] : memref<128x4xf32, #tpu.memory_space<vmem>>, vector<128x4xf32>
    %dot_general3A_47 = arith.constant dense<0.000000e+00> : vector<2000x4xf32>
    %dot_general3A_48 = tpu.matmul %max3A_43, %get3A_46, %dot_general3A_47 {dimension_numbers = #tpu.dot_dimension_numbers<[1], [0], [0], [1], [0, 0, 1, 1], [], []>, transpose_lhs_hint = false} : vector<2000x128xf32>, vector<128x4xf32>, vector<2000x4xf32> -> vector<2000x4xf32>
    %get3A_49 = arith.constant 0 : index
    %get3A_50 = arith.constant 0 : index
    %get3A_51 = vector.load %arg10[%get3A_49, %get3A_50] : memref<1x4xf32, #tpu.memory_space<vmem>>, vector<1x4xf32>
    %add3A_52 = vector.broadcast %get3A_51 : vector<1x4xf32> to vector<2000x4xf32>
    %add3A_53 = arith.addf %dot_general3A_48, %add3A_52 : vector<2000x4xf32>
    %logistic3A = arith.negf %add3A_53 : vector<2000x4xf32>
    %logistic3A_54 = math.exp %logistic3A : vector<2000x4xf32>
    %logistic3A_55 = arith.constant 1.000000e+00 : f32
    %logistic3A_56 = vector.broadcast %logistic3A_55 : f32 to vector<2000x4xf32>
    %logistic3A_57 = arith.addf %logistic3A_56, %logistic3A_54 : vector<2000x4xf32>
    %logistic3A_58 = arith.divf %logistic3A_56, %logistic3A_57 : vector<2000x4xf32>
    %get3A_59 = arith.constant 0 : index
    %get3A_60 = arith.constant 0 : index
    %get3A_61 = vector.load %arg11[%get3A_59, %get3A_60] : memref<15x12xf32, #tpu.memory_space<vmem>>, vector<15x12xf32>
    %dot_general3A_62 = arith.constant dense<0.000000e+00> : vector<2000x12xf32>
    %dot_general3A_63 = tpu.matmul %add3A_27, %get3A_61, %dot_general3A_62 {dimension_numbers = #tpu.dot_dimension_numbers<[1], [0], [0], [1], [0, 0, 1, 1], [], []>, transpose_lhs_hint = false} : vector<2000x15xf32>, vector<15x12xf32>, vector<2000x12xf32> -> vector<2000x12xf32>
    %get3A_64 = arith.constant 0 : index
    %get3A_65 = arith.constant 0 : index
    %get3A_66 = vector.load %arg12[%get3A_64, %get3A_65] : memref<4x12xf32, #tpu.memory_space<vmem>>, vector<4x12xf32>
    %dot_general3A_67 = arith.constant dense<0.000000e+00> : vector<2000x12xf32>
    %dot_general3A_68 = tpu.matmul %logistic3A_58, %get3A_66, %dot_general3A_67 {dimension_numbers = #tpu.dot_dimension_numbers<[1], [0], [0], [1], [0, 0, 1, 1], [], []>, transpose_lhs_hint = false} : vector<2000x4xf32>, vector<4x12xf32>, vector<2000x12xf32> -> vector<2000x12xf32>
    %mul3A_69 = arith.mulf %dot_general3A_63, %dot_general3A_68 : vector<2000x12xf32>
    %swap3A = arith.constant 0 : index
    %swap3A_70 = arith.constant 0 : index
    %swap3A_71 = vector.load %arg13[%swap3A, %swap3A_70] : memref<2000x128xf32, #tpu.memory_space<vmem>>, vector<2000x128xf32>
    tpu.vector_store %arg13[%swap3A, %swap3A_70], %max3A_43 {strides = array<i32>} : memref<2000x128xf32, #tpu.memory_space<vmem>>, vector<2000x128xf32>,
    %broadcast_in_dim3A = arith.constant 1.000000e+00 : f32
    %broadcast_in_dim3A_72 = vector.broadcast %broadcast_in_dim3A : f32 to vector<2000x1xf32>
    %broadcast_in_dim3A_73 = arith.constant 0.000000e+00 : f32
    %broadcast_in_dim3A_74 = vector.broadcast %broadcast_in_dim3A_73 : f32 to vector<2000x3xf32>
    %concatenate3A = tpu.concatenate %mul3A_69, %broadcast_in_dim3A_72, %broadcast_in_dim3A_74 in 1 : vector<2000x12xf32>, vector<2000x1xf32>, vector<2000x3xf32> -> vector<2000x16xf32>
    %swap3A_75 = arith.constant 0 : index
    %swap3A_76 = arith.constant 0 : index
    %swap3A_77 = vector.load %arg14[%swap3A_75, %swap3A_76] : memref<2000x16xf32, #tpu.memory_space<vmem>>, vector<2000x16xf32>
    tpu.vector_store %arg14[%swap3A_75, %swap3A_76], %concatenate3A {strides = array<i32>} : memref<2000x16xf32, #tpu.memory_space<vmem>>, vector<2000x16xf32>,
    return
  }
  func.func @transform_0(%arg0: i32) -> (i32, i32) {
    %c0_i32 = arith.constant 0 : i32
    %c0_i32_0 = arith.constant 0 : i32
    return %arg0, %c0_i32 : i32, i32
  }
  func.func @transform_1(%arg0: i32) -> (i32, i32) {
    %c0_i32 = arith.constant 0 : i32
    %c0_i32_0 = arith.constant 0 : i32
    return %arg0, %c0_i32 : i32, i32
  }
  func.func @transform_2(%arg0: i32) -> (i32, i32) {
    %c0_i32 = arith.constant 0 : i32
    %c0_i32_0 = arith.constant 0 : i32
    %c0_i32_1 = arith.constant 0 : i32
    return %c0_i32, %c0_i32_0 : i32, i32
  }
  func.func @transform_3(%arg0: i32) -> (i32, i32) {
    %c0_i32 = arith.constant 0 : i32
    %c0_i32_0 = arith.constant 0 : i32
    %c0_i32_1 = arith.constant 0 : i32
    return %c0_i32, %c0_i32_0 : i32, i32
  }
  func.func @transform_4(%arg0: i32) -> (i32, i32) {
    %c0_i32 = arith.constant 0 : i32
    %c0_i32_0 = arith.constant 0 : i32
    %c0_i32_1 = arith.constant 0 : i32
    return %c0_i32, %c0_i32_0 : i32, i32
  }
  func.func @transform_5(%arg0: i32) -> (i32, i32) {
    %c0_i32 = arith.constant 0 : i32
    %c0_i32_0 = arith.constant 0 : i32
    %c0_i32_1 = arith.constant 0 : i32
    return %c0_i32, %c0_i32_0 : i32, i32
  }
  func.func @transform_6(%arg0: i32) -> (i32, i32) {
    %c0_i32 = arith.constant 0 : i32
    %c0_i32_0 = arith.constant 0 : i32
    %c0_i32_1 = arith.constant 0 : i32
    return %c0_i32, %c0_i32_0 : i32, i32
  }
  func.func @transform_7(%arg0: i32) -> (i32, i32) {
    %c0_i32 = arith.constant 0 : i32
    %c0_i32_0 = arith.constant 0 : i32
    %c0_i32_1 = arith.constant 0 : i32
    return %c0_i32, %c0_i32_0 : i32, i32
  }
  func.func @transform_8(%arg0: i32) -> (i32, i32) {
    %c0_i32 = arith.constant 0 : i32
    %c0_i32_0 = arith.constant 0 : i32
    %c0_i32_1 = arith.constant 0 : i32
    return %c0_i32, %c0_i32_0 : i32, i32
  }
  func.func @transform_9(%arg0: i32) -> (i32, i32) {
    %c0_i32 = arith.constant 0 : i32
    %c0_i32_0 = arith.constant 0 : i32
    %c0_i32_1 = arith.constant 0 : i32
    return %c0_i32, %c0_i32_0 : i32, i32
  }
  func.func @transform_10(%arg0: i32) -> (i32, i32) {
    %c0_i32 = arith.constant 0 : i32
    %c0_i32_0 = arith.constant 0 : i32
    %c0_i32_1 = arith.constant 0 : i32
    return %c0_i32, %c0_i32_0 : i32, i32
  }
  func.func @transform_11(%arg0: i32) -> (i32, i32) {
    %c0_i32 = arith.constant 0 : i32
    %c0_i32_0 = arith.constant 0 : i32
    %c0_i32_1 = arith.constant 0 : i32
    return %c0_i32, %c0_i32_0 : i32, i32
  }
  func.func @transform_12(%arg0: i32) -> (i32, i32) {
    %c0_i32 = arith.constant 0 : i32
    %c0_i32_0 = arith.constant 0 : i32
    return %arg0, %c0_i32 : i32, i32
  }
  func.func @transform_13(%arg0: i32) -> (i32, i32) {
    %c0_i32 = arith.constant 0 : i32
    %c0_i32_0 = arith.constant 0 : i32
    return %arg0, %c0_i32 : i32, i32
  }
}

module attributes {stable_mosaic.version = 14 : i64} {
  func.func @_update_body(%arg0: i32, %arg1: memref<2x2000x128xf32, #tpu.memory_space<vmem>>, %arg2: memref<2x2000x16xf32, #tpu.memory_space<vmem>>, %arg3: memref<2000x128xf32, #tpu.memory_space<vmem>>, %arg4: memref<2000x12xf32, #tpu.memory_space<vmem>>, %arg5: memref<128x128xf32, #tpu.memory_space<vmem>>, %arg6: memref<2000x128xf32, #tpu.memory_space<vmem>>, %arg7: memref<2000x12xf32, #tpu.memory_space<vmem>>, %arg8: memref<2000x256xf32, #tpu.memory_space<vmem>>) attributes {dimension_semantics = [#tpu.dimension_semantics<arbitrary>], iteration_bounds = array<i64: 5>, scalar_prefetch = 0 : i64, scratch_operands = 0 : i64, tpu.core_type = #tpu.core_type<tc>, window_params = [{transform_indices = @transform_0, window_bounds = array<i64: 2, 2000, 128>}, {transform_indices = @transform_1, window_bounds = array<i64: 2, 2000, 16>}, {transform_indices = @transform_2, window_bounds = array<i64: 2000, 128>}, {transform_indices = @transform_3, window_bounds = array<i64: 2000, 12>}, {pipeline_mode = #tpu.pipeline_mode<synchronous>, transform_indices = @transform_4, window_bounds = array<i64: 128, 128>}, {transform_indices = @transform_5, window_bounds = array<i64: 2000, 128>}, {transform_indices = @transform_6, window_bounds = array<i64: 2000, 12>}, {transform_indices = @transform_7, window_bounds = array<i64: 2000, 256>}]} {
    %get3A = arith.constant 0 : index
    %get3A_0 = arith.constant 0 : index
    %get3A_1 = arith.constant 0 : index
    %get3A_2 = vector.load %arg1[%get3A, %get3A_0, %get3A_1] : memref<2x2000x128xf32, #tpu.memory_space<vmem>>, vector<1x2000x128xf32>
    %get3A_3 = vector.shape_cast %get3A_2 : vector<1x2000x128xf32> to vector<2000x128xf32>
    %get3A_4 = arith.constant 1 : index
    %get3A_5 = arith.constant 0 : index
    %get3A_6 = arith.constant 0 : index
    %get3A_7 = vector.load %arg1[%get3A_4, %get3A_5, %get3A_6] : memref<2x2000x128xf32, #tpu.memory_space<vmem>>, vector<1x2000x128xf32>
    %get3A_8 = vector.shape_cast %get3A_7 : vector<1x2000x128xf32> to vector<2000x128xf32>
    %add3A = arith.addf %get3A_3, %get3A_8 : vector<2000x128xf32>
    %get3A_9 = arith.constant 0 : index
    %get3A_10 = arith.constant 0 : index
    %get3A_11 = arith.constant 0 : index
    %get3A_12 = vector.load %arg2[%get3A_9, %get3A_10, %get3A_11] : memref<2x2000x16xf32, #tpu.memory_space<vmem>>, vector<1x2000x16xf32>
    %get3A_13 = vector.shape_cast %get3A_12 : vector<1x2000x16xf32> to vector<2000x16xf32>
    %get3A_14 = arith.constant 1 : index
    %get3A_15 = arith.constant 0 : index
    %get3A_16 = arith.constant 0 : index
    %get3A_17 = vector.load %arg2[%get3A_14, %get3A_15, %get3A_16] : memref<2x2000x16xf32, #tpu.memory_space<vmem>>, vector<1x2000x16xf32>
    %get3A_18 = vector.shape_cast %get3A_17 : vector<1x2000x16xf32> to vector<2000x16xf32>
    %add3A_19 = arith.addf %get3A_13, %get3A_18 : vector<2000x16xf32>
    %slice3A = vector.extract_strided_slice %add3A_19 {offsets = [0, 12], sizes = [2000, 1], strides = [1, 1]} : vector<2000x16xf32> to vector<2000x1xf32>
    %max3A = arith.constant 1.000000e+00 : f32
    %max3A_20 = vector.broadcast %max3A : f32 to vector<2000x1xf32>
    %max3A_21 = arith.maximumf %slice3A, %max3A_20 : vector<2000x1xf32>
    %get3A_22 = arith.constant 0 : index
    %get3A_23 = arith.constant 0 : index
    %get3A_24 = vector.load %arg3[%get3A_22, %get3A_23] : memref<2000x128xf32, #tpu.memory_space<vmem>>, vector<2000x128xf32>
    %div3A = vector.broadcast %max3A_21 : vector<2000x1xf32> to vector<2000x128xf32>
    %div3A_25 = arith.divf %add3A, %div3A : vector<2000x128xf32>
    %add3A_26 = arith.addf %get3A_24, %div3A_25 : vector<2000x128xf32>
    %get3A_27 = arith.constant 0 : index
    %get3A_28 = arith.constant 0 : index
    %get3A_29 = vector.load %arg4[%get3A_27, %get3A_28] : memref<2000x12xf32, #tpu.memory_space<vmem>>, vector<2000x12xf32>
    %slice3A_30 = vector.extract_strided_slice %add3A_19 {offsets = [0, 0], sizes = [2000, 12], strides = [1, 1]} : vector<2000x16xf32> to vector<2000x12xf32>
    %div3A_31 = vector.broadcast %max3A_21 : vector<2000x1xf32> to vector<2000x12xf32>
    %div3A_32 = arith.divf %slice3A_30, %div3A_31 : vector<2000x12xf32>
    %add3A_33 = arith.addf %get3A_29, %div3A_32 : vector<2000x12xf32>
    %swap3A = arith.constant 0 : index
    %swap3A_34 = arith.constant 0 : index
    %swap3A_35 = vector.load %arg6[%swap3A, %swap3A_34] : memref<2000x128xf32, #tpu.memory_space<vmem>>, vector<2000x128xf32>
    tpu.vector_store %arg6[%swap3A, %swap3A_34], %add3A_26 {strides = array<i32>} : memref<2000x128xf32, #tpu.memory_space<vmem>>, vector<2000x128xf32>,
    %swap3A_36 = arith.constant 0 : index
    %swap3A_37 = arith.constant 0 : index
    %swap3A_38 = vector.load %arg7[%swap3A_36, %swap3A_37] : memref<2000x12xf32, #tpu.memory_space<vmem>>, vector<2000x12xf32>
    tpu.vector_store %arg7[%swap3A_36, %swap3A_37], %add3A_33 {strides = array<i32>} : memref<2000x12xf32, #tpu.memory_space<vmem>>, vector<2000x12xf32>,
    %get3A_39 = arith.constant 0 : index
    %get3A_40 = arith.constant 0 : index
    %get3A_41 = vector.load %arg5[%get3A_39, %get3A_40] : memref<128x128xf32, #tpu.memory_space<vmem>>, vector<128x128xf32>
    %dot_general3A = arith.constant dense<0.000000e+00> : vector<2000x128xf32>
    %dot_general3A_42 = tpu.matmul %add3A_26, %get3A_41, %dot_general3A {dimension_numbers = #tpu.dot_dimension_numbers<[1], [0], [0], [1], [0, 0, 1, 1], [], []>, transpose_lhs_hint = false} : vector<2000x128xf32>, vector<128x128xf32>, vector<2000x128xf32> -> vector<2000x128xf32>
    %broadcast_in_dim3A = arith.constant 0.000000e+00 : f32
    %broadcast_in_dim3A_43 = vector.broadcast %broadcast_in_dim3A : f32 to vector<2000x116xf32>
    %concatenate3A = tpu.concatenate %dot_general3A_42, %add3A_33, %broadcast_in_dim3A_43 in 1 : vector<2000x128xf32>, vector<2000x12xf32>, vector<2000x116xf32> -> vector<2000x256xf32>
    %swap3A_44 = arith.constant 0 : index
    %swap3A_45 = arith.constant 0 : index
    %swap3A_46 = vector.load %arg8[%swap3A_44, %swap3A_45] : memref<2000x256xf32, #tpu.memory_space<vmem>>, vector<2000x256xf32>
    tpu.vector_store %arg8[%swap3A_44, %swap3A_45], %concatenate3A {strides = array<i32>} : memref<2000x256xf32, #tpu.memory_space<vmem>>, vector<2000x256xf32>,
    return
  }
  func.func @transform_0(%arg0: i32) -> (i32, i32, i32) {
    %c0_i32 = arith.constant 0 : i32
    %c0_i32_0 = arith.constant 0 : i32
    %c0_i32_1 = arith.constant 0 : i32
    return %c0_i32, %arg0, %c0_i32_0 : i32, i32, i32
  }
  func.func @transform_1(%arg0: i32) -> (i32, i32, i32) {
    %c0_i32 = arith.constant 0 : i32
    %c0_i32_0 = arith.constant 0 : i32
    %c0_i32_1 = arith.constant 0 : i32
    return %c0_i32, %arg0, %c0_i32_0 : i32, i32, i32
  }
  func.func @transform_2(%arg0: i32) -> (i32, i32) {
    %c0_i32 = arith.constant 0 : i32
    %c0_i32_0 = arith.constant 0 : i32
    return %arg0, %c0_i32 : i32, i32
  }
  func.func @transform_3(%arg0: i32) -> (i32, i32) {
    %c0_i32 = arith.constant 0 : i32
    %c0_i32_0 = arith.constant 0 : i32
    return %arg0, %c0_i32 : i32, i32
  }
  func.func @transform_4(%arg0: i32) -> (i32, i32) {
    %c0_i32 = arith.constant 0 : i32
    %c0_i32_0 = arith.constant 0 : i32
    %c0_i32_1 = arith.constant 0 : i32
    return %c0_i32, %c0_i32_0 : i32, i32
  }
  func.func @transform_5(%arg0: i32) -> (i32, i32) {
    %c0_i32 = arith.constant 0 : i32
    %c0_i32_0 = arith.constant 0 : i32
    return %arg0, %c0_i32 : i32, i32
  }
  func.func @transform_6(%arg0: i32) -> (i32, i32) {
    %c0_i32 = arith.constant 0 : i32
    %c0_i32_0 = arith.constant 0 : i32
    return %arg0, %c0_i32 : i32, i32
  }
  func.func @transform_7(%arg0: i32) -> (i32, i32) {
    %c0_i32 = arith.constant 0 : i32
    %c0_i32_0 = arith.constant 0 : i32
    return %arg0, %c0_i32 : i32, i32
  }
}

module attributes {stable_mosaic.version = 14 : i64} {
  func.func @_update_body(%arg0: i32, %arg1: memref<2x2000x128xf32, #tpu.memory_space<vmem>>, %arg2: memref<2x2000x16xf32, #tpu.memory_space<vmem>>, %arg3: memref<2000x128xf32, #tpu.memory_space<vmem>>, %arg4: memref<2000x12xf32, #tpu.memory_space<vmem>>, %arg5: memref<128x128xf32, #tpu.memory_space<vmem>>, %arg6: memref<2000x128xf32, #tpu.memory_space<vmem>>, %arg7: memref<2000x12xf32, #tpu.memory_space<vmem>>, %arg8: memref<2000x256xf32, #tpu.memory_space<vmem>>) attributes {dimension_semantics = [#tpu.dimension_semantics<arbitrary>], iteration_bounds = array<i64: 5>, scalar_prefetch = 0 : i64, scratch_operands = 0 : i64, tpu.core_type = #tpu.core_type<tc>, window_params = [{transform_indices = @transform_0, window_bounds = array<i64: 2, 2000, 128>}, {transform_indices = @transform_1, window_bounds = array<i64: 2, 2000, 16>}, {transform_indices = @transform_2, window_bounds = array<i64: 2000, 128>}, {transform_indices = @transform_3, window_bounds = array<i64: 2000, 12>}, {pipeline_mode = #tpu.pipeline_mode<synchronous>, transform_indices = @transform_4, window_bounds = array<i64: 128, 128>}, {transform_indices = @transform_5, window_bounds = array<i64: 2000, 128>}, {transform_indices = @transform_6, window_bounds = array<i64: 2000, 12>}, {transform_indices = @transform_7, window_bounds = array<i64: 2000, 256>}]} {
    %get3A = arith.constant 0 : index
    %get3A_0 = arith.constant 0 : index
    %get3A_1 = arith.constant 0 : index
    %get3A_2 = vector.load %arg1[%get3A, %get3A_0, %get3A_1] : memref<2x2000x128xf32, #tpu.memory_space<vmem>>, vector<1x2000x128xf32>
    %get3A_3 = vector.shape_cast %get3A_2 : vector<1x2000x128xf32> to vector<2000x128xf32>
    %get3A_4 = arith.constant 1 : index
    %get3A_5 = arith.constant 0 : index
    %get3A_6 = arith.constant 0 : index
    %get3A_7 = vector.load %arg1[%get3A_4, %get3A_5, %get3A_6] : memref<2x2000x128xf32, #tpu.memory_space<vmem>>, vector<1x2000x128xf32>
    %get3A_8 = vector.shape_cast %get3A_7 : vector<1x2000x128xf32> to vector<2000x128xf32>
    %add3A = arith.addf %get3A_3, %get3A_8 : vector<2000x128xf32>
    %get3A_9 = arith.constant 0 : index
    %get3A_10 = arith.constant 0 : index
    %get3A_11 = arith.constant 0 : index
    %get3A_12 = vector.load %arg2[%get3A_9, %get3A_10, %get3A_11] : memref<2x2000x16xf32, #tpu.memory_space<vmem>>, vector<1x2000x16xf32>
    %get3A_13 = vector.shape_cast %get3A_12 : vector<1x2000x16xf32> to vector<2000x16xf32>
    %get3A_14 = arith.constant 1 : index
    %get3A_15 = arith.constant 0 : index
    %get3A_16 = arith.constant 0 : index
    %get3A_17 = vector.load %arg2[%get3A_14, %get3A_15, %get3A_16] : memref<2x2000x16xf32, #tpu.memory_space<vmem>>, vector<1x2000x16xf32>
    %get3A_18 = vector.shape_cast %get3A_17 : vector<1x2000x16xf32> to vector<2000x16xf32>
    %add3A_19 = arith.addf %get3A_13, %get3A_18 : vector<2000x16xf32>
    %slice3A = vector.extract_strided_slice %add3A_19 {offsets = [0, 12], sizes = [2000, 1], strides = [1, 1]} : vector<2000x16xf32> to vector<2000x1xf32>
    %max3A = arith.constant 1.000000e+00 : f32
    %max3A_20 = vector.broadcast %max3A : f32 to vector<2000x1xf32>
    %max3A_21 = arith.maximumf %slice3A, %max3A_20 : vector<2000x1xf32>
    %get3A_22 = arith.constant 0 : index
    %get3A_23 = arith.constant 0 : index
    %get3A_24 = vector.load %arg3[%get3A_22, %get3A_23] : memref<2000x128xf32, #tpu.memory_space<vmem>>, vector<2000x128xf32>
    %div3A = vector.broadcast %max3A_21 : vector<2000x1xf32> to vector<2000x128xf32>
    %div3A_25 = arith.divf %add3A, %div3A : vector<2000x128xf32>
    %add3A_26 = arith.addf %get3A_24, %div3A_25 : vector<2000x128xf32>
    %get3A_27 = arith.constant 0 : index
    %get3A_28 = arith.constant 0 : index
    %get3A_29 = vector.load %arg4[%get3A_27, %get3A_28] : memref<2000x12xf32, #tpu.memory_space<vmem>>, vector<2000x12xf32>
    %slice3A_30 = vector.extract_strided_slice %add3A_19 {offsets = [0, 0], sizes = [2000, 12], strides = [1, 1]} : vector<2000x16xf32> to vector<2000x12xf32>
    %div3A_31 = vector.broadcast %max3A_21 : vector<2000x1xf32> to vector<2000x12xf32>
    %div3A_32 = arith.divf %slice3A_30, %div3A_31 : vector<2000x12xf32>
    %add3A_33 = arith.addf %get3A_29, %div3A_32 : vector<2000x12xf32>
    %swap3A = arith.constant 0 : index
    %swap3A_34 = arith.constant 0 : index
    %swap3A_35 = vector.load %arg6[%swap3A, %swap3A_34] : memref<2000x128xf32, #tpu.memory_space<vmem>>, vector<2000x128xf32>
    tpu.vector_store %arg6[%swap3A, %swap3A_34], %add3A_26 {strides = array<i32>} : memref<2000x128xf32, #tpu.memory_space<vmem>>, vector<2000x128xf32>,
    %swap3A_36 = arith.constant 0 : index
    %swap3A_37 = arith.constant 0 : index
    %swap3A_38 = vector.load %arg7[%swap3A_36, %swap3A_37] : memref<2000x12xf32, #tpu.memory_space<vmem>>, vector<2000x12xf32>
    tpu.vector_store %arg7[%swap3A_36, %swap3A_37], %add3A_33 {strides = array<i32>} : memref<2000x12xf32, #tpu.memory_space<vmem>>, vector<2000x12xf32>,
    %get3A_39 = arith.constant 0 : index
    %get3A_40 = arith.constant 0 : index
    %get3A_41 = vector.load %arg5[%get3A_39, %get3A_40] : memref<128x128xf32, #tpu.memory_space<vmem>>, vector<128x128xf32>
    %dot_general3A = arith.constant dense<0.000000e+00> : vector<2000x128xf32>
    %dot_general3A_42 = tpu.matmul %add3A_26, %get3A_41, %dot_general3A {dimension_numbers = #tpu.dot_dimension_numbers<[1], [0], [0], [1], [0, 0, 1, 1], [], []>, transpose_lhs_hint = false} : vector<2000x128xf32>, vector<128x128xf32>, vector<2000x128xf32> -> vector<2000x128xf32>
    %broadcast_in_dim3A = arith.constant 0.000000e+00 : f32
    %broadcast_in_dim3A_43 = vector.broadcast %broadcast_in_dim3A : f32 to vector<2000x116xf32>
    %concatenate3A = tpu.concatenate %dot_general3A_42, %add3A_33, %broadcast_in_dim3A_43 in 1 : vector<2000x128xf32>, vector<2000x12xf32>, vector<2000x116xf32> -> vector<2000x256xf32>
    %swap3A_44 = arith.constant 0 : index
    %swap3A_45 = arith.constant 0 : index
    %swap3A_46 = vector.load %arg8[%swap3A_44, %swap3A_45] : memref<2000x256xf32, #tpu.memory_space<vmem>>, vector<2000x256xf32>
    tpu.vector_store %arg8[%swap3A_44, %swap3A_45], %concatenate3A {strides = array<i32>} : memref<2000x256xf32, #tpu.memory_space<vmem>>, vector<2000x256xf32>,
    return
  }
  func.func @transform_0(%arg0: i32) -> (i32, i32, i32) {
    %c0_i32 = arith.constant 0 : i32
    %c0_i32_0 = arith.constant 0 : i32
    %c0_i32_1 = arith.constant 0 : i32
    return %c0_i32, %arg0, %c0_i32_0 : i32, i32, i32
  }
  func.func @transform_1(%arg0: i32) -> (i32, i32, i32) {
    %c0_i32 = arith.constant 0 : i32
    %c0_i32_0 = arith.constant 0 : i32
    %c0_i32_1 = arith.constant 0 : i32
    return %c0_i32, %arg0, %c0_i32_0 : i32, i32, i32
  }
  func.func @transform_2(%arg0: i32) -> (i32, i32) {
    %c0_i32 = arith.constant 0 : i32
    %c0_i32_0 = arith.constant 0 : i32
    return %arg0, %c0_i32 : i32, i32
  }
  func.func @transform_3(%arg0: i32) -> (i32, i32) {
    %c0_i32 = arith.constant 0 : i32
    %c0_i32_0 = arith.constant 0 : i32
    return %arg0, %c0_i32 : i32, i32
  }
  func.func @transform_4(%arg0: i32) -> (i32, i32) {
    %c0_i32 = arith.constant 0 : i32
    %c0_i32_0 = arith.constant 0 : i32
    %c0_i32_1 = arith.constant 0 : i32
    return %c0_i32, %c0_i32_0 : i32, i32
  }
  func.func @transform_5(%arg0: i32) -> (i32, i32) {
    %c0_i32 = arith.constant 0 : i32
    %c0_i32_0 = arith.constant 0 : i32
    return %arg0, %c0_i32 : i32, i32
  }
  func.func @transform_6(%arg0: i32) -> (i32, i32) {
    %c0_i32 = arith.constant 0 : i32
    %c0_i32_0 = arith.constant 0 : i32
    return %arg0, %c0_i32 : i32, i32
  }
  func.func @transform_7(%arg0: i32) -> (i32, i32) {
    %c0_i32 = arith.constant 0 : i32
    %c0_i32_0 = arith.constant 0 : i32
    return %arg0, %c0_i32 : i32, i32
  }
}

module attributes {stable_mosaic.version = 14 : i64} {
  func.func @_final_body(%arg0: i32, %arg1: memref<2x2000x128xf32, #tpu.memory_space<vmem>>, %arg2: memref<2x2000x16xf32, #tpu.memory_space<vmem>>, %arg3: memref<2000x128xf32, #tpu.memory_space<vmem>>, %arg4: memref<128x16xf32, #tpu.memory_space<vmem>>, %arg5: memref<1x16xf32, #tpu.memory_space<vmem>>, %arg6: memref<16x8xf32, #tpu.memory_space<vmem>>, %arg7: memref<1x8xf32, #tpu.memory_space<vmem>>, %arg8: memref<2000x8xf32, #tpu.memory_space<vmem>>) attributes {dimension_semantics = [#tpu.dimension_semantics<arbitrary>], iteration_bounds = array<i64: 5>, scalar_prefetch = 0 : i64, scratch_operands = 0 : i64, tpu.core_type = #tpu.core_type<tc>, window_params = [{transform_indices = @transform_0, window_bounds = array<i64: 2, 2000, 128>}, {transform_indices = @transform_1, window_bounds = array<i64: 2, 2000, 16>}, {transform_indices = @transform_2, window_bounds = array<i64: 2000, 128>}, {pipeline_mode = #tpu.pipeline_mode<synchronous>, transform_indices = @transform_3, window_bounds = array<i64: 128, 16>}, {pipeline_mode = #tpu.pipeline_mode<synchronous>, transform_indices = @transform_4, window_bounds = array<i64: 1, 16>}, {pipeline_mode = #tpu.pipeline_mode<synchronous>, transform_indices = @transform_5, window_bounds = array<i64: 16, 8>}, {pipeline_mode = #tpu.pipeline_mode<synchronous>, transform_indices = @transform_6, window_bounds = array<i64: 1, 8>}, {transform_indices = @transform_7, window_bounds = array<i64: 2000, 8>}]} {
    %get3A = arith.constant 0 : index
    %get3A_0 = arith.constant 0 : index
    %get3A_1 = arith.constant 0 : index
    %get3A_2 = vector.load %arg1[%get3A, %get3A_0, %get3A_1] : memref<2x2000x128xf32, #tpu.memory_space<vmem>>, vector<1x2000x128xf32>
    %get3A_3 = vector.shape_cast %get3A_2 : vector<1x2000x128xf32> to vector<2000x128xf32>
    %get3A_4 = arith.constant 1 : index
    %get3A_5 = arith.constant 0 : index
    %get3A_6 = arith.constant 0 : index
    %get3A_7 = vector.load %arg1[%get3A_4, %get3A_5, %get3A_6] : memref<2x2000x128xf32, #tpu.memory_space<vmem>>, vector<1x2000x128xf32>
    %get3A_8 = vector.shape_cast %get3A_7 : vector<1x2000x128xf32> to vector<2000x128xf32>
    %add3A = arith.addf %get3A_3, %get3A_8 : vector<2000x128xf32>
    %get3A_9 = arith.constant 0 : index
    %get3A_10 = arith.constant 0 : index
    %get3A_11 = arith.constant 0 : index
    %get3A_12 = vector.load %arg2[%get3A_9, %get3A_10, %get3A_11] : memref<2x2000x16xf32, #tpu.memory_space<vmem>>, vector<1x2000x16xf32>
    %get3A_13 = vector.shape_cast %get3A_12 : vector<1x2000x16xf32> to vector<2000x16xf32>
    %get3A_14 = arith.constant 1 : index
    %get3A_15 = arith.constant 0 : index
    %get3A_16 = arith.constant 0 : index
    %get3A_17 = vector.load %arg2[%get3A_14, %get3A_15, %get3A_16] : memref<2x2000x16xf32, #tpu.memory_space<vmem>>, vector<1x2000x16xf32>
    %get3A_18 = vector.shape_cast %get3A_17 : vector<1x2000x16xf32> to vector<2000x16xf32>
    %add3A_19 = arith.addf %get3A_13, %get3A_18 : vector<2000x16xf32>
    %slice3A = vector.extract_strided_slice %add3A_19 {offsets = [0, 12], sizes = [2000, 1], strides = [1, 1]} : vector<2000x16xf32> to vector<2000x1xf32>
    %max3A = arith.constant 1.000000e+00 : f32
    %max3A_20 = vector.broadcast %max3A : f32 to vector<2000x1xf32>
    %max3A_21 = arith.maximumf %slice3A, %max3A_20 : vector<2000x1xf32>
    %get3A_22 = arith.constant 0 : index
    %get3A_23 = arith.constant 0 : index
    %get3A_24 = vector.load %arg3[%get3A_22, %get3A_23] : memref<2000x128xf32, #tpu.memory_space<vmem>>, vector<2000x128xf32>
    %div3A = vector.broadcast %max3A_21 : vector<2000x1xf32> to vector<2000x128xf32>
    %div3A_25 = arith.divf %add3A, %div3A : vector<2000x128xf32>
    %add3A_26 = arith.addf %get3A_24, %div3A_25 : vector<2000x128xf32>
    %get3A_27 = arith.constant 0 : index
    %get3A_28 = arith.constant 0 : index
    %get3A_29 = vector.load %arg4[%get3A_27, %get3A_28] : memref<128x16xf32, #tpu.memory_space<vmem>>, vector<128x16xf32>
    %dot_general3A = arith.constant dense<0.000000e+00> : vector<2000x16xf32>
    %dot_general3A_30 = tpu.matmul %add3A_26, %get3A_29, %dot_general3A {dimension_numbers = #tpu.dot_dimension_numbers<[1], [0], [0], [1], [0, 0, 1, 1], [], []>, transpose_lhs_hint = false} : vector<2000x128xf32>, vector<128x16xf32>, vector<2000x16xf32> -> vector<2000x16xf32>
    %get3A_31 = arith.constant 0 : index
    %get3A_32 = arith.constant 0 : index
    %get3A_33 = vector.load %arg5[%get3A_31, %get3A_32] : memref<1x16xf32, #tpu.memory_space<vmem>>, vector<1x16xf32>
    %add3A_34 = vector.broadcast %get3A_33 : vector<1x16xf32> to vector<2000x16xf32>
    %add3A_35 = arith.addf %dot_general3A_30, %add3A_34 : vector<2000x16xf32>
    %max3A_36 = arith.constant 0.000000e+00 : f32
    %max3A_37 = vector.broadcast %max3A_36 : f32 to vector<2000x16xf32>
    %max3A_38 = arith.maximumf %add3A_35, %max3A_37 : vector<2000x16xf32>
    %get3A_39 = arith.constant 0 : index
    %get3A_40 = arith.constant 0 : index
    %get3A_41 = vector.load %arg6[%get3A_39, %get3A_40] : memref<16x8xf32, #tpu.memory_space<vmem>>, vector<16x8xf32>
    %dot_general3A_42 = arith.constant dense<0.000000e+00> : vector<2000x8xf32>
    %dot_general3A_43 = tpu.matmul %max3A_38, %get3A_41, %dot_general3A_42 {dimension_numbers = #tpu.dot_dimension_numbers<[1], [0], [0], [1], [0, 0, 1, 1], [], []>, transpose_lhs_hint = false} : vector<2000x16xf32>, vector<16x8xf32>, vector<2000x8xf32> -> vector<2000x8xf32>
    %get3A_44 = arith.constant 0 : index
    %get3A_45 = arith.constant 0 : index
    %get3A_46 = vector.load %arg7[%get3A_44, %get3A_45] : memref<1x8xf32, #tpu.memory_space<vmem>>, vector<1x8xf32>
    %add3A_47 = vector.broadcast %get3A_46 : vector<1x8xf32> to vector<2000x8xf32>
    %add3A_48 = arith.addf %dot_general3A_43, %add3A_47 : vector<2000x8xf32>
    %swap3A = arith.constant 0 : index
    %swap3A_49 = arith.constant 0 : index
    %swap3A_50 = vector.load %arg8[%swap3A, %swap3A_49] : memref<2000x8xf32, #tpu.memory_space<vmem>>, vector<2000x8xf32>
    tpu.vector_store %arg8[%swap3A, %swap3A_49], %add3A_48 {strides = array<i32>} : memref<2000x8xf32, #tpu.memory_space<vmem>>, vector<2000x8xf32>,
    return
  }
  func.func @transform_0(%arg0: i32) -> (i32, i32, i32) {
    %c0_i32 = arith.constant 0 : i32
    %c0_i32_0 = arith.constant 0 : i32
    %c0_i32_1 = arith.constant 0 : i32
    return %c0_i32, %arg0, %c0_i32_0 : i32, i32, i32
  }
  func.func @transform_1(%arg0: i32) -> (i32, i32, i32) {
    %c0_i32 = arith.constant 0 : i32
    %c0_i32_0 = arith.constant 0 : i32
    %c0_i32_1 = arith.constant 0 : i32
    return %c0_i32, %arg0, %c0_i32_0 : i32, i32, i32
  }
  func.func @transform_2(%arg0: i32) -> (i32, i32) {
    %c0_i32 = arith.constant 0 : i32
    %c0_i32_0 = arith.constant 0 : i32
    return %arg0, %c0_i32 : i32, i32
  }
  func.func @transform_3(%arg0: i32) -> (i32, i32) {
    %c0_i32 = arith.constant 0 : i32
    %c0_i32_0 = arith.constant 0 : i32
    %c0_i32_1 = arith.constant 0 : i32
    return %c0_i32, %c0_i32_0 : i32, i32
  }
  func.func @transform_4(%arg0: i32) -> (i32, i32) {
    %c0_i32 = arith.constant 0 : i32
    %c0_i32_0 = arith.constant 0 : i32
    %c0_i32_1 = arith.constant 0 : i32
    return %c0_i32, %c0_i32_0 : i32, i32
  }
  func.func @transform_5(%arg0: i32) -> (i32, i32) {
    %c0_i32 = arith.constant 0 : i32
    %c0_i32_0 = arith.constant 0 : i32
    %c0_i32_1 = arith.constant 0 : i32
    return %c0_i32, %c0_i32_0 : i32, i32
  }
  func.func @transform_6(%arg0: i32) -> (i32, i32) {
    %c0_i32 = arith.constant 0 : i32
    %c0_i32_0 = arith.constant 0 : i32
    %c0_i32_1 = arith.constant 0 : i32
    return %c0_i32, %c0_i32_0 : i32, i32
  }
  func.func @transform_7(%arg0: i32) -> (i32, i32) {
    %c0_i32 = arith.constant 0 : i32
    %c0_i32_0 = arith.constant 0 : i32
    return %arg0, %c0_i32 : i32, i32
  }
}

</mosaic_0001>

<sc_bundles>
// kernel: kernel.20.cloned.1.call-start
scs
__scs_entry_jumppad:
0x0: {  	(pc) =	sbr.rel $0x88, $3  }
0x1: {  	(tag) =	ssettag $0x0;
	lr =	simm.s32 $0x1  }
0x2: {  	[smem:$0x3F8D] =	sst lr;
	_ =	strace $0xD0000000  }
0x3: {  	_ = 	snop  }
0x4: {  	_ = 	snop  }
0x5: {  	_ = 	snop  }
0x6: {  	_ = 	snop  }
0x7: {  	_ = 	snop  }
__scs_overlays_trampoline_lowered:
0x8: {  	[smem:$0x3F9C] =	sst s0  }
0x9: {  	[smem:$0x3F9D] =	sst s1  }
0xa: {  	[smem:$0x3F9E] =	sst s2  }
0xb: {  	[smem:$0x3F9F] =	sst s3  }
0xc: {  	[smem:$0x3FA0] =	sst s4  }
0xd: {  	[smem:$0x3FA1] =	sst s5  }
0xe: {  	[smem:$0x3FA2] =	sst s6  }
0xf: {  	[smem:$0x3FA3] =	sst s7  }
0x10: {  	[smem:$0x3FA4] =	sst s8  }
0x11: {  	[smem:$0x3FA5] =	sst s9;
	s0 =	simm.s32 @!p0 $0x0  }
0x12: {  	s1 =	sld [smem:$0x3F8B];
	s0 =	simm.s32 @p0 $0x1  }
0x13: {  	[smem:$0x3FA6] =	sst s0;
	s0 =	simm.s32 @!p1 $0x0  }
0x14: {  	s2 =	sld [smem:$0x3F8A];
	s0 =	simm.s32 @p1 $0x1  }
0x15: {  	[smem:$0x3FA7] =	sst s0;
	s0 =	simm.s32 @!p2 $0x0  }
0x16: {  	s3 =	sld [smem:$0x3FDB];
	s0 =	simm.s32 @p2 $0x1  }
0x17: {  	s4 =	simm.s32 $0x1BF5;
	[smem:$0x3FA9] =	sst s0  }
0x18: {  	s0 =	sld [smem:$0x3F8C];
	_ =	swait.ge [sflag:s4], $0x0  }
0x19: {  	s7 =	sld [smem:$0x3F8D]  }
0x1a: {  	s8 =	sadd.s32 $0xFFFFE003, lr  }
0x1b: {  	s9 =	sadd.s32 $0xFFFFFEF7, lr;
	s5 =	simm.s32 $0xFFFFFFFF;
	p2 =	slt.u32 s8, $0xFFFFF086  }
0x1c: {  	p1 =	slt.u32 s9, $0xF7A;
	s5 =	simm.s32 @!p2 $0x0  }
0x1d: {  	s5 =	simm.s32 @p1 $0x1;
	p0 =	seq.s32 s7, s2  }
0x1e: {  	s7 =	smul.u32 @!p0 $0xF7A, s2;
	p2 =	seq.s32 @!p0 s5, $0x0  }
0x1f: {  	s9 =	smul.u32 $0xF7A, s1;
	s8 =	simm.s32 @!p0 $0x1BF5;
	p2 =	por !p2, p0  }
0x20: {  	[sflag:s8] =	ssyncset.s32 @!p0 $0xFFFFF086;
	s6 =	sadd.s32 @!p0 s3, s7;
	s7 =	simm.s32 @!p0 $0x108  }
0x21: {  	s3 =	sadd.s32 s3, s9;
	s6 =	sadd.s32 @!p0 $0x88, s6;
	s7 =	simm.s32 @p2 $0x1082  }
0x22: {  	[simem:s7], [sflag:s8] =	dma.local @!p0 [hbm:s6], $0xF7A  }
0x23: {  	s9 =	sor.u32 $0xD0000000, s2;
	s6 =	simm.s32 $0x108;
	_ =	swait.ge @!p0 [sflag:s8], $0x0  }
0x24: {  	s3 =	sadd.s32 $0x88, s3;
	s6 =	simm.s32 @!p1 $0x1082;
	[sflag:s4] =	ssyncset.s32 $0xFFFFF086  }
0x25: {  	[simem:s6], [sflag:s4] =	dma.local [hbm:s3], $0xF7A  }
0x26: {  	[smem:$0x3F8D] =	sst s1;
	(tag) =	ssettag s2;
	_ =	strace s9  }
0x27: {  	s1 =	sld [smem:$0x3F9D]  }
0x28: {  	s2 =	sld [smem:$0x3F9E]  }
0x29: {  	s4 =	sld [smem:$0x3FA0]  }
0x2a: {  	p0 =	seq.s32 s5, $0x0;
	s5 =	sld [smem:$0x3FA1]  }
0x2b: {  	s6 =	sld [smem:$0x3FA2]  }
0x2c: {  	s7 =	sld [smem:$0x3FA3]  }
0x2d: {  	s3 =	simm.s32 $0x108;
	s8 =	sld [smem:$0x3FA4]  }
0x2e: {  	s3 =	simm.s32 @!p0 $0x1082;
	s9 =	sld [smem:$0x3FA5]  }
0x2f: {  	lr =	sadd.s32 s0, s3;
	s0 =	sld [smem:$0x3F9C]  }
0x30: {  	s3 =	sld [smem:$0x3F9F]  }
0x31: {  	[smem:$0x3FA8] =	sst s10  }
0x32: {  	s10 =	sld [smem:$0x3FA6];
	_ =	sdelay $0x3  }
0x33: {  	p0 =	seq.s32 s10, $0x1;
	s10 =	sld [smem:$0x3FA8];
	_ =	sdelay $0x3  }
0x34: {  	[smem:$0x3FA8] =	sst s10  }
0x35: {  	s10 =	sld [smem:$0x3FA7];
	_ =	sdelay $0x3  }
0x36: {  	p1 =	seq.s32 s10, $0x1;
	s10 =	sld [smem:$0x3FA8];
	_ =	sdelay $0x3  }
0x37: {  	[smem:$0x3FA8] =	sst s10  }
0x38: {  	s10 =	sld [smem:$0x3FA9]  }
0x39: {  	_ = 	snop;
	(pc) =	sbr.ind lr, $3  }
0x3a: {  	_ = 	snop  }
0x3b: {  	_ = 	snop  }
0x3c: {  	p2 =	seq.s32 s10, $0x1;
	s10 =	sld [smem:$0x3FA8]  }
0x3d: {  	_ =	shalt  }
0x3e: {  	_ =	shalt  }
0x3f: {  	_ =	shalt  }
0x40: {  	_ =	shalt  }
0x41: {  	_ =	shalt  }
0x42: {  	_ =	shalt  }
0x43: {  	_ =	shalt  }
0x44: {  	_ =	shalt  }
0x45: {  	_ =	shalt  }
0x46: {  	_ =	shalt  }
0x47: {  	_ =	shalt  }
0x48: {  	_ =	shalt  }
0x49: {  	_ =	shalt  }
0x4a: {  	_ =	shalt  }
0x4b: {  	_ =	shalt  }
0x4c: {  	_ =	shalt  }
0x4d: {  	_ =	shalt  }
0x4e: {  	_ =	shalt  }
0x4f: {  	_ =	shalt  }
0x50: {  	_ =	shalt  }
0x51: {  	_ =	shalt  }
0x52: {  	_ =	shalt  }
0x53: {  	_ =	shalt  }
0x54: {  	_ =	shalt  }
0x55: {  	_ =	shalt  }
0x56: {  	_ =	shalt  }
0x57: {  	_ =	shalt  }
0x58: {  	_ =	shalt  }
0x59: {  	_ =	shalt  }
0x5a: {  	_ =	shalt  }
0x5b: {  	_ =	shalt  }
0x5c: {  	_ =	shalt  }
0x5d: {  	_ =	shalt  }
0x5e: {  	_ =	shalt  }
0x5f: {  	_ =	shalt  }
0x60: {  	_ =	shalt  }
0x61: {  	_ =	shalt  }
0x62: {  	_ =	shalt  }
0x63: {  	_ =	shalt  }
0x64: {  	_ =	shalt  }
0x65: {  	_ =	shalt  }
0x66: {  	_ =	shalt  }
0x67: {  	_ =	shalt  }
0x68: {  	_ =	shalt  }
0x69: {  	_ =	shalt  }
0x6a: {  	_ =	shalt  }
0x6b: {  	_ =	shalt  }
0x6c: {  	_ =	shalt  }
0x6d: {  	_ =	shalt  }
0x6e: {  	_ =	shalt  }
0x6f: {  	_ =	shalt  }
0x70: {  	_ =	shalt  }
0x71: {  	_ =	shalt  }
0x72: {  	_ =	shalt  }
0x73: {  	_ =	shalt  }
0x74: {  	_ =	shalt  }
0x75: {  	_ =	shalt  }
0x76: {  	_ =	shalt  }
0x77: {  	_ =	shalt  }
0x78: {  	_ =	shalt  }
0x79: {  	_ =	shalt  }
0x7a: {  	_ =	shalt  }
0x7b: {  	_ =	shalt  }
0x7c: {  	_ =	shalt  }
0x7d: {  	_ =	shalt  }
0x7e: {  	_ =	shalt  }
0x7f: {  	_ =	shalt  }
0x80: {  	_ =	shalt  }
0x81: {  	_ =	shalt  }
0x82: {  	_ =	shalt  }
0x83: {  	_ =	shalt  }
0x84: {  	_ =	shalt  }
0x85: {  	_ =	shalt  }
0x86: {  	_ =	shalt  }
0x87: {  	_ =	shalt  }
.Lfunc_end0:
.L_simem_size_0:
called_computation_lowered:
.L_overlay_start_0:
0x88: {  	s2 =	sld [smem:$0x3FD9]  }
0x89: {  	s3 =	sld [smem:$0x3FFE];
	_ =	sdelay $0x1  }
0x8a: {  	s1 =	srdreg.scid  }
0x8b: {  	s0 =	sand.u32 $0x1, s1  }
0x8c: {  	s16 =	sshll.u32 s0, $0xA;
	s2 =	sadd.s32 s3, s2  }
0x8d: {  	s2 =	sadd.s32 s2, s16  }
0x8e: {  	[smem:$0x3FB4] =	sst s2  }
0x8f: {  	_ = 	snop  }
0x90: {  	(tm) =	ssettm $0x1  }
0x91: {  	s17 =	sld [smem:$0x3FFB];
	_ =	sdelay $0x3  }
0x92: {  	_ =	strace s17  }
0x93: {  	s2 =	sld [smem:$0x3FFC];
	_ =	sdelay $0x3  }
0x94: {  	_ =	strace s2  }
0x95: {  	s2 =	sld [smem:$0x3FFD];
	_ =	sdelay $0x3  }
0x96: {  	_ =	strace s2  }
0x97: {  	_ =	strace $0x8FFFFFFF  }
0x98: {  	s18 =	sld [smem:$0x3FDB];
	_ =	sdelay $0x1  }
0x99: {  	s19 =	simm.s32 $_scs_section_size  }
0x9a: {  	s4 =	simm.s32 $_size__tile_overlayer_lowered;
	s5 =	simm.s32 $_tile_overlayer_lowered  }
0x9b: {  	s22 =	simm.s32 $0x1BFF;
	s21 =	sshll.u32 s5, $0x1;
	s2 =	sadd.s32 s19, s18  }
0x9c: {  	s6 =	simm.s32 $0x0;
	s20 =	sshll.u32 s4, $0x1;
	s4 =	sadd.s32 s21, s2  }
0x9d: {  	[timem:s6], [sflag:s22] =	dma.local [hbm:s4], s20  }
0x9e: {  	_ =	swait.ge [sflag:s22], s20  }
0x9f: {  	s3 =	ssub.s32 $0x0, s20;
	[sflag:s22] =	ssyncset.done $0x0  }
0xa0: {  	[sflag:s22] =	ssyncadd.s32 s3;
	_ =	sdelay $0x1  }
0xa1: {  	s23 =	simm.s32 $0x1B8B  }
0xa2: {  	_ =	swait.ge [sflag:s23], $0x1  }
0xa3: {  	[sflag:s23] =	ssyncset.done $0x0  }
0xa4: {  	s25 =	simm.s32 $0x1B8E;
	s24 =	sld [smem:$0x3FFE];
	[sflag:s23] =	ssyncadd.s32 $0xFFFFFFFF  }
0xa5: {  	s26 =	simm.s32 $execute0_lowered;
	[smem:$0x3FD2] =	sst s25  }
0xa6: {  	s4 =	sshll.u32 s26, $0x1;
	_ =	strace $0x80000046;
	[dreg:$0x1] =	wrdreg $0xFFFFFFFF  }
0xa7: {  	s28 =	simm.s32 $_size_execute0_lowered;
	s2 =	sadd.s32 s2, s4;
	[dreg:$0x0] =	wrdreg $0x0  }
0xa8: {  	s4 =	sshll.u32 s28, $0x1;
	[dreg:$0x2] =	wrdreg s2  }
0xa9: {  	[dreg:$0x3] =	wrdreg s4  }
0xaa: {  	[dreg:$0x4] =	wrdreg $0xC0  }
0xab: {  	_ =	task [dreg:s6], $0x5FFFF  }
0xac: {  	[dreg:$0x1] =	wrdreg $0xFFFFFFFF  }
0xad: {  	[dreg:$0x0] =	wrdreg $0x60  }
0xae: {  	[dreg:$0x2] =	wrdreg s24  }
0xaf: {  	[dreg:$0x3] =	wrdreg $0x9  }
0xb0: {  	_ =	task.clear_ibuf [dreg:s6], $0x4FFFF;
	_ =	strace $0x90000046  }
0xb1: {  	s29 =	simm.s32 $0x9;
	_ =	strace $0x80000048  }
0xb2: {  	_ =	swait.ge [sflag:s29], $0x1  }
0xb3: {  	[sflag:s29] =	ssyncadd.s32 $0xFFFFFFFF  }
0xb4: {  	_ =	strace $0x90000048  }
0xb5: {  	_ =	sfence  }
0xb6: {  	s30 =	sld [smem:$0x0];
	_ =	sdelay $0x2  }
0xb7: {  	s31 =	sshll.u32 s1, $0xD;
	s1 =	sshrl.u32 s1, $0x2  }
0xb8: {  	s3 =	sand.u32 $0x4000, s31;
	s1 =	sadd.s32 s1, s30  }
0xb9: {  	s0 =	sor.u32 s3, s0;
	s1 =	sshll.u32 s1, $0x11  }
0xba: {  	s0 =	sor.u32 s1, s0  }
0xbb: {  	s0 =	sadd.s32 $0x8F2B, s0  }
0xbc: {  	[sflag:s0] =	ssyncadd.remote.s32 $0x1  }
0xbd: {  	_ =	sfence.sel $0xFFFF  }
0xbe: {  	[dreg:$0x0] =	wrdreg $0xFFFFFFFF;
	(pc) =	sbr.abs _section_cstart, $3  }
0xbf: {  	[dreg:$0x1] =	wrdreg $0xFFFFFFFF  }
0xc0: {  	_ =	task.clear_ibuf [dreg:s6], $0x2FFFF;
	_ =	strace $0x9FFFFFFF  }
0xc1: {  	(tm) =	ssettm $0x7FFFFFFF  }
tec
execute0_lowered:
.L_overlay_start_1:
0x0: {  	(tag) =	ssettag $0x1  }
0x1: {  	s4 =	rddreg [dreg:$0x0]  }
0x2: {  	s0 =	rddreg [dreg:$0x1]  }
0x3: {  	s3 =	srdreg.scid;
	s1 =	stileid.u32;
	s2 =	simm.s32 $0x0  }
0x4: {  	s11 =	simm.s32 $0x8000;
	s12 =	simm.s32 $0x1;
	s13 =	simm.s32 $0xA800  }
0x5: {  	s14 =	simm.s32 $0x2;
	s15 =	simm.s32 $0x7C80;
	s16 =	simm.s32 $0x0  }
0x6: {  	s6 =	sand.u32 $0x1, s3;
	s25 =	sshll.u32 s1, $0x1;
	[smem:$0x7FF] =	sst s2  }
0x7: {  	s3 =	sadd.s32 $0x40400, s4;
	s9 =	sadd.s32 $0x67600, s4;
	s29 =	smul.u32 $0x9C400, s1  }
0x8: {  	s5 =	sor.u32 s6, s25;
	_ =	strace $0x80000047;
	s8 =	ssub.s32 $0x2, s6  }
0x9: {  	s31 =	smul.u32 $0x4E200, s6;
	s7 =	sshll.u32 s5, $0xC;
	s26 =	sshrl.u32 s8, $0x1  }
0xa: {  	s10 =	smul.u32 $0x4E200, s5;
	s7 =	sadd.s32 s7, s4;
	s28 =	ssub.s32 s8, s26  }
0xb: {  	s8 =	sadd.s32 s29, s9;
	s4 =	sadd.s32 $0x20400, s7;
	s5 =	smax.u32 s28, $0x1  }
0xc: {  	s30 =	sadd.s32 s9, s10;
	s8 =	sadd.s32 s31, s8;
	s9 =	simm.s32 $0x3  }
0xd: {  	s10 =	simm.s32 $0x50;
	s6 =	sadd.s32 $0x4D800, s30;
	s7 =	sadd.s32 $0x4DD00, s30  }
.LBB2_1:
0xe: {  	[tilespmem:s2], [sflag:$0x3] =	stream.linear.gather [hbm4b:s4+s2], $0x7D00, $0x38;
	[tilespmem:$0xD000] =	vst v63  }
0xf: {  	_ =	swait.ge [sflag:s9], $0x7D00  }
0x10: {  	[sflag:s9] =	ssyncset.done $0x0  }
0x11: {  	[sflag:s9] =	ssyncadd.s32 $0xFFFF8300  }
0x12: {  	[tilespmem:s11], [sflag:$0x1] =	stream.indirect.gather [hbm4b:s3+s10], $0x80, s2, s10, $0xb8;
	[tilespmem:$0xD000] =	vst v63  }
0x13: {  	_ =	swait.ge [sflag:s12], $0x2800  }
0x14: {  	[sflag:s12] =	ssyncset.done $0x0  }
0x15: {  	s17 =	simm.s32 $0x80;
	[sflag:s12] =	ssyncadd.s32 $0xFFFFD800  }
0x16: {  	[tilespmem:s13], [sflag:$0x2] =	stream.indirect.gather [hbm4b:s3+s10], $0x80, s17, s10, $0xb8;
	[tilespmem:$0xD000] =	vst v63  }
0x17: {  	s18 =	sadd.s32 $0x0, s8  }
0x18: {  	[hbm4b:s18+s2] =	stream.linear.scatter [tilespmem:s11], [sflag:$0x3], $0x2800, $0x38;
	[tilespmem:$0xD000] =	vst v63  }
0x19: {  	_ =	swait.ge [sflag:s9], $0x2800  }
0x1a: {  	[sflag:s9] =	ssyncset.done $0x0  }
0x1b: {  	[sflag:s9] =	ssyncadd.s32 $0xFFFFD800  }
0x1c: {  	_ =	swait.ge [sflag:s14], $0x2800  }
0x1d: {  	[sflag:s14] =	ssyncset.done $0x0  }
0x1e: {  	s19 =	simm.s32 $0x100;
	[sflag:s14] =	ssyncadd.s32 $0xFFFFD800  }
0x1f: {  	[tilespmem:s11], [sflag:$0x1] =	stream.indirect.gather [hbm4b:s3+s10], $0x80, s19, s10, $0xb8;
	[tilespmem:$0xD000] =	vst v63  }
0x20: {  	s18 =	sadd.s32 $0x500, s18  }
0x21: {  	[hbm4b:s18+s2] =	stream.linear.scatter [tilespmem:s13], [sflag:$0x3], $0x2800, $0x38;
	[tilespmem:$0xD000] =	vst v63  }
0x22: {  	_ =	swait.ge [sflag:s9], $0x2800  }
0x23: {  	s18 =	simm.s32 $0xA00;
	[sflag:s9] =	ssyncset.done $0x0  }
.LBB2_2:
0x24: {  	p0 =	sne.s32 s18, $0x4CE00;
	[sflag:s9] =	ssyncadd.s32 $0xFFFFD800;
	s17 =	sadd.s32 $0x100, s17  }
0x25: {  	s19 =	smov.u32 s18;
	s18 =	sadd.s32 $0xA00, s18  }
0x26: {  	_ =	swait.ge [sflag:s12], $0x2800  }
0x27: {  	[sflag:s12] =	ssyncset.done $0x0  }
0x28: {  	[sflag:s12] =	ssyncadd.s32 $0xFFFFD800  }
0x29: {  	[tilespmem:s13], [sflag:$0x2] =	stream.indirect.gather [hbm4b:s3+s10], $0x80, s17, s10, $0xb8;
	[tilespmem:$0xD000] =	vst v63  }
0x2a: {  	s19 =	sadd.s32 s19, s8  }
0x2b: {  	[hbm4b:s19+s2] =	stream.linear.scatter [tilespmem:s11], [sflag:$0x3], $0x2800, $0x38;
	[tilespmem:$0xD000] =	vst v63  }
0x2c: {  	_ =	swait.ge [sflag:s9], $0x2800  }
0x2d: {  	[sflag:s9] =	ssyncset.done $0x0  }
0x2e: {  	[sflag:s9] =	ssyncadd.s32 $0xFFFFD800  }
0x2f: {  	_ =	swait.ge [sflag:s14], $0x2800  }
0x30: {  	[sflag:s14] =	ssyncset.done $0x0  }
0x31: {  	s20 =	sadd.s32 $0x80, s17;
	[sflag:s14] =	ssyncadd.s32 $0xFFFFD800  }
0x32: {  	[tilespmem:s11], [sflag:$0x1] =	stream.indirect.gather [hbm4b:s3+s10], $0x80, s20, s10, $0xb8;
	[tilespmem:$0xD000] =	vst v63  }
.Ltmp0:
0x33: {  	_ = 	snop;
	(pc) =	sbr.rel @p0 .LBB2_2-.Ltmp0, $4  }
0x34: {  	s19 =	sadd.s32 $0x500, s19  }
0x35: {  	[hbm4b:s19+s2] =	stream.linear.scatter [tilespmem:s13], [sflag:$0x3], $0x2800, $0x38;
	[tilespmem:$0xD000] =	vst v63  }
0x36: {  	_ =	swait.ge [sflag:s9], $0x2800  }
0x37: {  	[sflag:s9] =	ssyncset.done $0x0  }
0x38: {  	[sflag:s9] =	ssyncadd.s32 $0xFFFFD800  }
0x39: {  	_ =	swait.ge [sflag:s12], $0x2800  }
0x3a: {  	[sflag:s12] =	ssyncset.done $0x0  }
0x3b: {  	[sflag:s12] =	ssyncadd.s32 $0xFFFFD800  }
0x3c: {  	[tilespmem:s13], [sflag:$0x2] =	stream.indirect.gather [hbm4b:s3+s10], $0x80, s15, s10, $0xb8;
	[tilespmem:$0xD000] =	vst v63  }
0x3d: {  	_ = 	snop  }
0x3e: {  	[hbm4b:s6+s2] =	stream.linear.scatter [tilespmem:s11], [sflag:$0x3], $0x2800, $0x38;
	[tilespmem:$0xD000] =	vst v63  }
0x3f: {  	_ =	swait.ge [sflag:s9], $0x2800  }
0x40: {  	[sflag:s9] =	ssyncset.done $0x0  }
0x41: {  	[sflag:s9] =	ssyncadd.s32 $0xFFFFD800  }
0x42: {  	s16 =	sadd.s32 $0x1, s16;
	_ =	swait.ge [sflag:s14], $0x2800  }
0x43: {  	p0 =	sne.s32 s16, s5;
	[sflag:s14] =	ssyncset.done $0x0  }
.Ltmp1:
0x44: {  	[sflag:s14] =	ssyncadd.s32 $0xFFFFD800;
	(pc) =	sbr.rel @p0 .LBB2_1-.Ltmp1, $4  }
0x45: {  	[hbm4b:s7+s2] =	stream.linear.scatter [tilespmem:s13], [sflag:$0x3], $0x2800, $0x38;
	[tilespmem:$0xD000] =	vst v63  }
0x46: {  	_ =	swait.ge [sflag:s9], $0x2800  }
0x47: {  	[sflag:s9] =	ssyncset.done $0x0  }
0x48: {  	[sflag:s9] =	ssyncadd.s32 $0xFFFFD800  }
0x49: {  	_ =	sfence.sel $0x180000  }
0x4a: {  	[bflag:$0x0] =	sbarrier.arrive $0xFFFF  }
0x4b: {  	p0 =	sne.s32 s1, $0x0;
	_ =	strace $0x90000047  }
0x4c: {  	s0 =	sadd.s32 @!p0 $0x100000, s0;
	[bflag:$0x2] =	sbarrier.arrive $0xFFFF  }
0x4d: {  	[sflag:s0] =	ssyncadd.tile.s32 @!p0 $0x1;
	_ =	shalt  }
.Lfunc_end2:
_tile_overlayer_lowered:
.L_overlay_start_2:
0x4e: {  	(tag) =	ssettag $0x2  }
0x4f: {  	s0 =	rddreg [dreg:$0x0];
	s2 =	stileid.u32  }
0x50: {  	s1 =	rddreg [dreg:$0x1];
	p0 =	sne.s32 s2, $0x0  }
0x51: {  	s3 =	rddreg [dreg:$0x2];
	[bflag:$0x3] =	sbarrier.arrive $0xFFFF;
	s2 =	simm.s32 @!p0 $0x1C03  }
0x52: {  	[timem:s3], [sflag:s2] =	dma.local @!p0 [hbm:s0], s1  }
0x53: {  	s0 =	simm.s32 @!p0 $0x3  }
0x54: {  	_ =	swait.ge @!p0 [sflag:s0], s1  }
0x55: {  	s1 =	ssub.s32 @!p0 $0x0, s1;
	[sflag:s0] =	ssyncset.done @!p0 $0x0  }
0x56: {  	[sflag:s0] =	ssyncadd.s32 @!p0 s1  }
0x57: {  	[bflag:$0x3] =	sbarrier.arrive $0xFFFF  }
0x58: {  	_ =	shalt  }

// kernel: kernel.23.cloned.1.call-start
scs
__scs_entry_jumppad:
0x0: {  	(pc) =	sbr.rel $0x88, $3  }
0x1: {  	(tag) =	ssettag $0x0;
	lr =	simm.s32 $0x1  }
0x2: {  	[smem:$0x3F8D] =	sst lr;
	_ =	strace $0xD0000000  }
0x3: {  	_ = 	snop  }
0x4: {  	_ = 	snop  }
0x5: {  	_ = 	snop  }
0x6: {  	_ = 	snop  }
0x7: {  	_ = 	snop  }
__scs_overlays_trampoline_lowered:
0x8: {  	[smem:$0x3F9C] =	sst s0  }
0x9: {  	[smem:$0x3F9D] =	sst s1  }
0xa: {  	[smem:$0x3F9E] =	sst s2  }
0xb: {  	[smem:$0x3F9F] =	sst s3  }
0xc: {  	[smem:$0x3FA0] =	sst s4  }
0xd: {  	[smem:$0x3FA1] =	sst s5  }
0xe: {  	[smem:$0x3FA2] =	sst s6  }
0xf: {  	[smem:$0x3FA3] =	sst s7  }
0x10: {  	[smem:$0x3FA4] =	sst s8  }
0x11: {  	[smem:$0x3FA5] =	sst s9;
	s0 =	simm.s32 @!p0 $0x0  }
0x12: {  	s1 =	sld [smem:$0x3F8B];
	s0 =	simm.s32 @p0 $0x1  }
0x13: {  	[smem:$0x3FA6] =	sst s0;
	s0 =	simm.s32 @!p1 $0x0  }
0x14: {  	s2 =	sld [smem:$0x3F8A];
	s0 =	simm.s32 @p1 $0x1  }
0x15: {  	[smem:$0x3FA7] =	sst s0;
	s0 =	simm.s32 @!p2 $0x0  }
0x16: {  	s3 =	sld [smem:$0x3FDB];
	s0 =	simm.s32 @p2 $0x1  }
0x17: {  	s4 =	simm.s32 $0x1BF5;
	[smem:$0x3FA9] =	sst s0  }
0x18: {  	s0 =	sld [smem:$0x3F8C];
	_ =	swait.ge [sflag:s4], $0x0  }
0x19: {  	s7 =	sld [smem:$0x3F8D]  }
0x1a: {  	s8 =	sadd.s32 $0xFFFFE003, lr  }
0x1b: {  	s9 =	sadd.s32 $0xFFFFFEF7, lr;
	s5 =	simm.s32 $0xFFFFFFFF;
	p2 =	slt.u32 s8, $0xFFFFF086  }
0x1c: {  	p1 =	slt.u32 s9, $0xF7A;
	s5 =	simm.s32 @!p2 $0x0  }
0x1d: {  	s5 =	simm.s32 @p1 $0x1;
	p0 =	seq.s32 s7, s2  }
0x1e: {  	s7 =	smul.u32 @!p0 $0xF7A, s2;
	p2 =	seq.s32 @!p0 s5, $0x0  }
0x1f: {  	s9 =	smul.u32 $0xF7A, s1;
	s8 =	simm.s32 @!p0 $0x1BF5;
	p2 =	por !p2, p0  }
0x20: {  	[sflag:s8] =	ssyncset.s32 @!p0 $0xFFFFF086;
	s6 =	sadd.s32 @!p0 s3, s7;
	s7 =	simm.s32 @!p0 $0x108  }
0x21: {  	s3 =	sadd.s32 s3, s9;
	s6 =	sadd.s32 @!p0 $0x88, s6;
	s7 =	simm.s32 @p2 $0x1082  }
0x22: {  	[simem:s7], [sflag:s8] =	dma.local @!p0 [hbm:s6], $0xF7A  }
0x23: {  	s9 =	sor.u32 $0xD0000000, s2;
	s6 =	simm.s32 $0x108;
	_ =	swait.ge @!p0 [sflag:s8], $0x0  }
0x24: {  	s3 =	sadd.s32 $0x88, s3;
	s6 =	simm.s32 @!p1 $0x1082;
	[sflag:s4] =	ssyncset.s32 $0xFFFFF086  }
0x25: {  	[simem:s6], [sflag:s4] =	dma.local [hbm:s3], $0xF7A  }
0x26: {  	[smem:$0x3F8D] =	sst s1;
	(tag) =	ssettag s2;
	_ =	strace s9  }
0x27: {  	s1 =	sld [smem:$0x3F9D]  }
0x28: {  	s2 =	sld [smem:$0x3F9E]  }
0x29: {  	s4 =	sld [smem:$0x3FA0]  }
0x2a: {  	p0 =	seq.s32 s5, $0x0;
	s5 =	sld [smem:$0x3FA1]  }
0x2b: {  	s6 =	sld [smem:$0x3FA2]  }
0x2c: {  	s7 =	sld [smem:$0x3FA3]  }
0x2d: {  	s3 =	simm.s32 $0x108;
	s8 =	sld [smem:$0x3FA4]  }
0x2e: {  	s3 =	simm.s32 @!p0 $0x1082;
	s9 =	sld [smem:$0x3FA5]  }
0x2f: {  	lr =	sadd.s32 s0, s3;
	s0 =	sld [smem:$0x3F9C]  }
0x30: {  	s3 =	sld [smem:$0x3F9F]  }
0x31: {  	[smem:$0x3FA8] =	sst s10  }
0x32: {  	s10 =	sld [smem:$0x3FA6];
	_ =	sdelay $0x3  }
0x33: {  	p0 =	seq.s32 s10, $0x1;
	s10 =	sld [smem:$0x3FA8];
	_ =	sdelay $0x3  }
0x34: {  	[smem:$0x3FA8] =	sst s10  }
0x35: {  	s10 =	sld [smem:$0x3FA7];
	_ =	sdelay $0x3  }
0x36: {  	p1 =	seq.s32 s10, $0x1;
	s10 =	sld [smem:$0x3FA8];
	_ =	sdelay $0x3  }
0x37: {  	[smem:$0x3FA8] =	sst s10  }
0x38: {  	s10 =	sld [smem:$0x3FA9]  }
0x39: {  	_ = 	snop;
	(pc) =	sbr.ind lr, $3  }
0x3a: {  	_ = 	snop  }
0x3b: {  	_ = 	snop  }
0x3c: {  	p2 =	seq.s32 s10, $0x1;
	s10 =	sld [smem:$0x3FA8]  }
0x3d: {  	_ =	shalt  }
0x3e: {  	_ =	shalt  }
0x3f: {  	_ =	shalt  }
0x40: {  	_ =	shalt  }
0x41: {  	_ =	shalt  }
0x42: {  	_ =	shalt  }
0x43: {  	_ =	shalt  }
0x44: {  	_ =	shalt  }
0x45: {  	_ =	shalt  }
0x46: {  	_ =	shalt  }
0x47: {  	_ =	shalt  }
0x48: {  	_ =	shalt  }
0x49: {  	_ =	shalt  }
0x4a: {  	_ =	shalt  }
0x4b: {  	_ =	shalt  }
0x4c: {  	_ =	shalt  }
0x4d: {  	_ =	shalt  }
0x4e: {  	_ =	shalt  }
0x4f: {  	_ =	shalt  }
0x50: {  	_ =	shalt  }
0x51: {  	_ =	shalt  }
0x52: {  	_ =	shalt  }
0x53: {  	_ =	shalt  }
0x54: {  	_ =	shalt  }
0x55: {  	_ =	shalt  }
0x56: {  	_ =	shalt  }
0x57: {  	_ =	shalt  }
0x58: {  	_ =	shalt  }
0x59: {  	_ =	shalt  }
0x5a: {  	_ =	shalt  }
0x5b: {  	_ =	shalt  }
0x5c: {  	_ =	shalt  }
0x5d: {  	_ =	shalt  }
0x5e: {  	_ =	shalt  }
0x5f: {  	_ =	shalt  }
0x60: {  	_ =	shalt  }
0x61: {  	_ =	shalt  }
0x62: {  	_ =	shalt  }
0x63: {  	_ =	shalt  }
0x64: {  	_ =	shalt  }
0x65: {  	_ =	shalt  }
0x66: {  	_ =	shalt  }
0x67: {  	_ =	shalt  }
0x68: {  	_ =	shalt  }
0x69: {  	_ =	shalt  }
0x6a: {  	_ =	shalt  }
0x6b: {  	_ =	shalt  }
0x6c: {  	_ =	shalt  }
0x6d: {  	_ =	shalt  }
0x6e: {  	_ =	shalt  }
0x6f: {  	_ =	shalt  }
0x70: {  	_ =	shalt  }
0x71: {  	_ =	shalt  }
0x72: {  	_ =	shalt  }
0x73: {  	_ =	shalt  }
0x74: {  	_ =	shalt  }
0x75: {  	_ =	shalt  }
0x76: {  	_ =	shalt  }
0x77: {  	_ =	shalt  }
0x78: {  	_ =	shalt  }
0x79: {  	_ =	shalt  }
0x7a: {  	_ =	shalt  }
0x7b: {  	_ =	shalt  }
0x7c: {  	_ =	shalt  }
0x7d: {  	_ =	shalt  }
0x7e: {  	_ =	shalt  }
0x7f: {  	_ =	shalt  }
0x80: {  	_ =	shalt  }
0x81: {  	_ =	shalt  }
0x82: {  	_ =	shalt  }
0x83: {  	_ =	shalt  }
0x84: {  	_ =	shalt  }
0x85: {  	_ =	shalt  }
0x86: {  	_ =	shalt  }
0x87: {  	_ =	shalt  }
.Lfunc_end0:
.L_simem_size_0:
called_computation.1_lowered:
.L_overlay_start_0:
0x88: {  	s2 =	sld [smem:$0x3FD9]  }
0x89: {  	s3 =	sld [smem:$0x3FFE];
	_ =	sdelay $0x1  }
0x8a: {  	s1 =	srdreg.scid  }
0x8b: {  	s0 =	sand.u32 $0x1, s1  }
0x8c: {  	s16 =	sshll.u32 s0, $0xA;
	s2 =	sadd.s32 s3, s2  }
0x8d: {  	s2 =	sadd.s32 s2, s16  }
0x8e: {  	[smem:$0x3FB4] =	sst s2  }
0x8f: {  	_ = 	snop  }
0x90: {  	(tm) =	ssettm $0x1  }
0x91: {  	s17 =	sld [smem:$0x3FFB];
	_ =	sdelay $0x3  }
0x92: {  	_ =	strace s17  }
0x93: {  	s2 =	sld [smem:$0x3FFC];
	_ =	sdelay $0x3  }
0x94: {  	_ =	strace s2  }
0x95: {  	s2 =	sld [smem:$0x3FFD];
	_ =	sdelay $0x3  }
0x96: {  	_ =	strace s2  }
0x97: {  	_ =	strace $0x8FFFFFFF  }
0x98: {  	s18 =	sld [smem:$0x3FDB];
	_ =	sdelay $0x1  }
0x99: {  	s19 =	simm.s32 $_scs_section_size  }
0x9a: {  	s4 =	simm.s32 $_size__tile_overlayer_lowered;
	s5 =	simm.s32 $_tile_overlayer_lowered  }
0x9b: {  	s22 =	simm.s32 $0x1BFF;
	s21 =	sshll.u32 s5, $0x1;
	s2 =	sadd.s32 s19, s18  }
0x9c: {  	s6 =	simm.s32 $0x0;
	s20 =	sshll.u32 s4, $0x1;
	s4 =	sadd.s32 s21, s2  }
0x9d: {  	[timem:s6], [sflag:s22] =	dma.local [hbm:s4], s20  }
0x9e: {  	_ =	swait.ge [sflag:s22], s20  }
0x9f: {  	s3 =	ssub.s32 $0x0, s20;
	[sflag:s22] =	ssyncset.done $0x0  }
0xa0: {  	[sflag:s22] =	ssyncadd.s32 s3;
	_ =	sdelay $0x1  }
0xa1: {  	s23 =	simm.s32 $0x1B8B  }
0xa2: {  	_ =	swait.ge [sflag:s23], $0x1  }
0xa3: {  	[sflag:s23] =	ssyncset.done $0x0  }
0xa4: {  	s25 =	simm.s32 $0x1B8E;
	s24 =	sld [smem:$0x3FFE];
	[sflag:s23] =	ssyncadd.s32 $0xFFFFFFFF  }
0xa5: {  	s26 =	simm.s32 $execute0_lowered;
	[smem:$0x3FD2] =	sst s25  }
0xa6: {  	s4 =	sshll.u32 s26, $0x1;
	_ =	strace $0x80000049;
	[dreg:$0x1] =	wrdreg $0xFFFFFFFF  }
0xa7: {  	s28 =	simm.s32 $_size_execute0_lowered;
	s2 =	sadd.s32 s2, s4;
	[dreg:$0x0] =	wrdreg $0x0  }
0xa8: {  	s4 =	sshll.u32 s28, $0x1;
	[dreg:$0x2] =	wrdreg s2  }
0xa9: {  	[dreg:$0x3] =	wrdreg s4  }
0xaa: {  	[dreg:$0x4] =	wrdreg $0xC0  }
0xab: {  	_ =	task [dreg:s6], $0x5FFFF  }
0xac: {  	[dreg:$0x1] =	wrdreg $0xFFFFFFFF  }
0xad: {  	[dreg:$0x0] =	wrdreg $0x60  }
0xae: {  	[dreg:$0x2] =	wrdreg s24  }
0xaf: {  	[dreg:$0x3] =	wrdreg $0x9  }
0xb0: {  	_ =	task.clear_ibuf [dreg:s6], $0x4FFFF;
	_ =	strace $0x90000049  }
0xb1: {  	s29 =	simm.s32 $0x9;
	_ =	strace $0x8000004B  }
0xb2: {  	_ =	swait.ge [sflag:s29], $0x1  }
0xb3: {  	[sflag:s29] =	ssyncadd.s32 $0xFFFFFFFF  }
0xb4: {  	_ =	strace $0x9000004B  }
0xb5: {  	_ =	sfence  }
0xb6: {  	s30 =	sld [smem:$0x0];
	_ =	sdelay $0x2  }
0xb7: {  	s31 =	sshll.u32 s1, $0xD;
	s1 =	sshrl.u32 s1, $0x2  }
0xb8: {  	s3 =	sand.u32 $0x4000, s31;
	s1 =	sadd.s32 s1, s30  }
0xb9: {  	s0 =	sor.u32 s3, s0;
	s1 =	sshll.u32 s1, $0x11  }
0xba: {  	s0 =	sor.u32 s1, s0  }
0xbb: {  	s0 =	sadd.s32 $0x8F2B, s0  }
0xbc: {  	[sflag:s0] =	ssyncadd.remote.s32 $0x1  }
0xbd: {  	_ =	sfence.sel $0xFFFF  }
0xbe: {  	[dreg:$0x0] =	wrdreg $0xFFFFFFFF;
	(pc) =	sbr.abs _section_cstart, $3  }
0xbf: {  	[dreg:$0x1] =	wrdreg $0xFFFFFFFF  }
0xc0: {  	_ =	task.clear_ibuf [dreg:s6], $0x2FFFF;
	_ =	strace $0x9FFFFFFF  }
0xc1: {  	(tm) =	ssettm $0x7FFFFFFF  }
tec
execute0_lowered:
.L_overlay_start_1:
0x0: {  	(tag) =	ssettag $0x1  }
0x1: {  	s0 =	rddreg [dreg:$0x0]  }
0x2: {  	s2 =	simm.s32 $0x0;
	s1 =	srdreg.scid;
	s7 =	stileid.u32  }
0x3: {  	s9 =	simm.s32 $0x4800;
	s10 =	simm.s32 $0x5000;
	s11 =	simm.s32 $0x5800  }
0x4: {  	s12 =	simm.s32 $0x6000;
	s13 =	simm.s32 $0x6800;
	s14 =	simm.s32 $0x7000  }
0x5: {  	s15 =	simm.s32 $0x7800;
	s16 =	simm.s32 $0x8000;
	s17 =	simm.s32 $0x8800  }
0x6: {  	s18 =	simm.s32 $0x1;
	s19 =	simm.s32 $0x9000;
	s20 =	simm.s32 $0x9800  }
0x7: {  	s21 =	simm.s32 $0xA000;
	s22 =	simm.s32 $0xA800;
	s23 =	simm.s32 $0xB000  }
0x8: {  	s24 =	simm.s32 $0xB800;
	s25 =	simm.s32 $0xC000;
	s26 =	simm.s32 $0xC800  }
0x9: {  	s28 =	simm.s32 $0xD000;
	s29 =	simm.s32 $0xD800;
	s30 =	simm.s32 $0x2  }
0xa: {  	s31 =	simm.s32 $0x0;
	[smem:$0x7FF] =	sst s2;
	s1 =	sand.u32 $0x1, s1  }
0xb: {  	s3 =	sshll.u32 s7, $0x1;
	s7 =	smul.u32 $0x9C400, s7;
	_ =	strace $0x8000004A  }
0xc: {  	s4 =	sor.u32 s1, s3;
	s6 =	ssub.s32 $0x2, s1;
	s1 =	smul.u32 $0x4E200, s1  }
0xd: {  	s3 =	sadd.s32 $0xA3B600, s0;
	s5 =	sshll.u32 s4, $0xB;
	s4 =	smul.u32 $0x271000, s4  }
0xe: {  	s8 =	sshrl.u32 s6, $0x1;
	s5 =	sadd.s32 s5, s0;
	s0 =	sadd.s32 $0xAB0A00, s0  }
0xf: {  	s6 =	ssub.s32 s6, s8;
	s8 =	simm.s32 $0x4000;
	s4 =	sshrl.u32 s4, $0x3  }
0x10: {  	v2 =	vlaneseq.u32;
	s7 =	sadd.s32 s7, s0;
	s5 =	sadd.s32 $0xA2B600, s5;
	s6 =	smax.u32 s6, $0x1  }
0x11: {  	vm0 =	vmmov $0xffff;
	v1 =	vshrl.u32 v2, $0x3;
	[dreg:$0x3] =	wrdreg s5;
	s0 =	sadd.s32 s0, s4;
	s1 =	sadd.s32 s1, s7  }
0x12: {  	v0 =	vand.u32 $0x7, v2;
	v2 =	vor.u32 $0x8, v2;
	v1 =	vmul.u32 $0x8, v1;
	s7 =	simm.s32 $0x3;
	s5 =	sadd.s32 $0x4D800, s0;
	[dreg:$0x2] =	wrdreg s1  }
.LBB2_1:
0x13: {  	s0 =	rddreg [dreg:$0x3]  }
0x14: {  	[tilespmem:s2], [sflag:$0x3] =	stream.linear.gather [hbm4b:s0+s2], $0x3E80, $0x38;
	[tilespmem:$0xE000] =	vst v63  }
0x15: {  	_ =	swait.ge [sflag:s7], $0x3E80  }
0x16: {  	[sflag:s7] =	ssyncset.done $0x0  }
0x17: {  	[sflag:s7] =	ssyncadd.s32 $0xFFFFC180  }
0x18: {  	v3 =	vld [tilespmem:$0x0];
	_ =	sdelay $0x4  }
0x19: {  	v4 =	vshll.u32 v3, $0x1  }
0x1a: {  	v3 =	vand.u32 $0x7, v3;
	v4 =	vand.u32 $0xFFFFFFF0, v4  }
0x1b: {  	v3 =	vor.u32 v3, v4  }
0x1c: {  	v4 =	vperm.xlane v3, v0;
	_ =	sdelay $0x1  }
0x1d: {  	v3 =	vperm.xlane v3, v2;
	v4 =	vadd.s32 v1, v4;
	_ =	sdelay $0x1  }
0x1e: {  	v3 =	vadd.s32 v1, v3;
	_ =	sdelay $0x2  }
0x1f: {  	[tilespmem:s8], [sflag:$0x1] =	stream.indirect_vreg.gather [hbm4b:s3+s2], $0x80, v4, vm0, $0xb8;
	[tilespmem:$0xE000] =	vst v63  }
0x20: {  	_ = 	snop  }
0x21: {  	[tilespmem:s9], [sflag:$0x1] =	stream.indirect_vreg.gather [hbm4b:s3+s2], $0x80, v3, vm0, $0xb8;
	[tilespmem:$0xE000] =	vst v63  }
0x22: {  	v3 =	vld [tilespmem:$0x10];
	_ =	sdelay $0x4  }
0x23: {  	v60 =	vshll.u32 v3, $0x1  }
0x24: {  	v3 =	vand.u32 $0x7, v3;
	v4 =	vand.u32 $0xFFFFFFF0, v60  }
0x25: {  	v3 =	vor.u32 v3, v4  }
0x26: {  	v4 =	vperm.xlane v3, v0;
	_ =	sdelay $0x1  }
0x27: {  	v3 =	vperm.xlane v3, v2;
	v4 =	vadd.s32 v1, v4;
	_ =	sdelay $0x1  }
0x28: {  	v3 =	vadd.s32 v1, v3;
	_ =	sdelay $0x2  }
0x29: {  	[tilespmem:s10], [sflag:$0x1] =	stream.indirect_vreg.gather [hbm4b:s3+s2], $0x80, v4, vm0, $0xb8;
	[tilespmem:$0xE000] =	vst v63  }
0x2a: {  	_ = 	snop  }
0x2b: {  	[tilespmem:s11], [sflag:$0x1] =	stream.indirect_vreg.gather [hbm4b:s3+s2], $0x80, v3, vm0, $0xb8;
	[tilespmem:$0xE000] =	vst v63  }
0x2c: {  	v3 =	vld [tilespmem:$0x20];
	_ =	sdelay $0x4  }
0x2d: {  	v61 =	vshll.u32 v3, $0x1  }
0x2e: {  	v3 =	vand.u32 $0x7, v3;
	v4 =	vand.u32 $0xFFFFFFF0, v61  }
0x2f: {  	v3 =	vor.u32 v3, v4  }
0x30: {  	v4 =	vperm.xlane v3, v0;
	_ =	sdelay $0x1  }
0x31: {  	v3 =	vperm.xlane v3, v2;
	v4 =	vadd.s32 v1, v4;
	_ =	sdelay $0x1  }
0x32: {  	v3 =	vadd.s32 v1, v3;
	_ =	sdelay $0x2  }
0x33: {  	[tilespmem:s12], [sflag:$0x1] =	stream.indirect_vreg.gather [hbm4b:s3+s2], $0x80, v4, vm0, $0xb8;
	[tilespmem:$0xE000] =	vst v63  }
0x34: {  	_ = 	snop  }
0x35: {  	[tilespmem:s13], [sflag:$0x1] =	stream.indirect_vreg.gather [hbm4b:s3+s2], $0x80, v3, vm0, $0xb8;
	[tilespmem:$0xE000] =	vst v63  }
0x36: {  	v3 =	vld [tilespmem:$0x30];
	_ =	sdelay $0x4  }
0x37: {  	v62 =	vshll.u32 v3, $0x1  }
0x38: {  	v3 =	vand.u32 $0x7, v3;
	v4 =	vand.u32 $0xFFFFFFF0, v62  }
0x39: {  	v3 =	vor.u32 v3, v4  }
0x3a: {  	v4 =	vperm.xlane v3, v0;
	_ =	sdelay $0x1  }
0x3b: {  	v3 =	vperm.xlane v3, v2;
	v4 =	vadd.s32 v1, v4;
	_ =	sdelay $0x1  }
0x3c: {  	v3 =	vadd.s32 v1, v3;
	_ =	sdelay $0x2  }
0x3d: {  	[tilespmem:s14], [sflag:$0x1] =	stream.indirect_vreg.gather [hbm4b:s3+s2], $0x80, v4, vm0, $0xb8;
	[tilespmem:$0xE000] =	vst v63  }
0x3e: {  	_ = 	snop  }
0x3f: {  	[tilespmem:s15], [sflag:$0x1] =	stream.indirect_vreg.gather [hbm4b:s3+s2], $0x80, v3, vm0, $0xb8;
	[tilespmem:$0xE000] =	vst v63  }
0x40: {  	v3 =	vld [tilespmem:$0x40];
	_ =	sdelay $0x4  }
0x41: {  	v63 =	vshll.u32 v3, $0x1  }
0x42: {  	v3 =	vand.u32 $0x7, v3;
	v4 =	vand.u32 $0xFFFFFFF0, v63  }
0x43: {  	v3 =	vor.u32 v3, v4  }
0x44: {  	v4 =	vperm.xlane v3, v0;
	_ =	sdelay $0x1  }
0x45: {  	v3 =	vperm.xlane v3, v2;
	v4 =	vadd.s32 v1, v4;
	_ =	sdelay $0x1  }
0x46: {  	v3 =	vadd.s32 v1, v3;
	_ =	sdelay $0x2  }
0x47: {  	[tilespmem:s16], [sflag:$0x1] =	stream.indirect_vreg.gather [hbm4b:s3+s2], $0x80, v4, vm0, $0xb8;
	[tilespmem:$0xE000] =	vst v63  }
0x48: {  	s1 =	simm.s32 $0x0;
	s0 =	simm.s32 $0xA0  }
0x49: {  	[tilespmem:s17], [sflag:$0x1] =	stream.indirect_vreg.gather [hbm4b:s3+s2], $0x80, v3, vm0, $0xb8;
	[tilespmem:$0xE000] =	vst v63  }
.LBB2_2:
0x4a: {  	_ =	swait.ge [sflag:s18], $0x5000  }
0x4b: {  	[sflag:s18] =	ssyncset.done $0x0  }
0x4c: {  	[sflag:s18] =	ssyncadd.s32 $0xFFFFB000  }
0x4d: {  	v3 =	vld [tilespmem:s0+$0xFFFFFFE0];
	_ =	sdelay $0x4  }
0x4e: {  	v4 =	vshll.u32 v3, $0x1  }
0x4f: {  	v3 =	vand.u32 $0x7, v3;
	v4 =	vand.u32 $0xFFFFFFF0, v4  }
0x50: {  	v3 =	vor.u32 v3, v4  }
0x51: {  	v4 =	vperm.xlane v3, v0;
	_ =	sdelay $0x1  }
0x52: {  	v3 =	vperm.xlane v3, v2;
	v4 =	vadd.s32 v1, v4;
	_ =	sdelay $0x1  }
0x53: {  	v3 =	vadd.s32 v1, v3;
	_ =	sdelay $0x2  }
0x54: {  	[tilespmem:s19], [sflag:$0x2] =	stream.indirect_vreg.gather [hbm4b:s3+s2], $0x80, v4, vm0, $0xb8;
	[tilespmem:$0xE000] =	vst v63  }
0x55: {  	_ = 	snop  }
0x56: {  	[tilespmem:s20], [sflag:$0x2] =	stream.indirect_vreg.gather [hbm4b:s3+s2], $0x80, v3, vm0, $0xb8;
	[tilespmem:$0xE000] =	vst v63  }
0x57: {  	v3 =	vld [tilespmem:s0+$0xFFFFFFF0];
	_ =	sdelay $0x4  }
0x58: {  	v55 =	vshll.u32 v3, $0x1  }
0x59: {  	v3 =	vand.u32 $0x7, v3;
	v4 =	vand.u32 $0xFFFFFFF0, v55  }
0x5a: {  	v3 =	vor.u32 v3, v4  }
0x5b: {  	v4 =	vperm.xlane v3, v0;
	_ =	sdelay $0x1  }
0x5c: {  	v3 =	vperm.xlane v3, v2;
	v4 =	vadd.s32 v1, v4;
	_ =	sdelay $0x1  }
0x5d: {  	v3 =	vadd.s32 v1, v3;
	_ =	sdelay $0x2  }
0x5e: {  	[tilespmem:s21], [sflag:$0x2] =	stream.indirect_vreg.gather [hbm4b:s3+s2], $0x80, v4, vm0, $0xb8;
	[tilespmem:$0xE000] =	vst v63  }
0x5f: {  	_ = 	snop  }
0x60: {  	[tilespmem:s22], [sflag:$0x2] =	stream.indirect_vreg.gather [hbm4b:s3+s2], $0x80, v3, vm0, $0xb8;
	[tilespmem:$0xE000] =	vst v63  }
0x61: {  	v3 =	vld [tilespmem:s0+$0x0];
	_ =	sdelay $0x4  }
0x62: {  	v56 =	vshll.u32 v3, $0x1  }
0x63: {  	v3 =	vand.u32 $0x7, v3;
	v4 =	vand.u32 $0xFFFFFFF0, v56  }
0x64: {  	v3 =	vor.u32 v3, v4  }
0x65: {  	v4 =	vperm.xlane v3, v0;
	_ =	sdelay $0x1  }
0x66: {  	v3 =	vperm.xlane v3, v2;
	v4 =	vadd.s32 v1, v4;
	_ =	sdelay $0x1  }
0x67: {  	v3 =	vadd.s32 v1, v3;
	_ =	sdelay $0x2  }
0x68: {  	[tilespmem:s23], [sflag:$0x2] =	stream.indirect_vreg.gather [hbm4b:s3+s2], $0x80, v4, vm0, $0xb8;
	[tilespmem:$0xE000] =	vst v63  }
0x69: {  	_ = 	snop  }
0x6a: {  	[tilespmem:s24], [sflag:$0x2] =	stream.indirect_vreg.gather [hbm4b:s3+s2], $0x80, v3, vm0, $0xb8;
	[tilespmem:$0xE000] =	vst v63  }
0x6b: {  	v3 =	vld [tilespmem:s0+$0x10];
	_ =	sdelay $0x4  }
0x6c: {  	v57 =	vshll.u32 v3, $0x1  }
0x6d: {  	v3 =	vand.u32 $0x7, v3;
	v4 =	vand.u32 $0xFFFFFFF0, v57  }
0x6e: {  	v3 =	vor.u32 v3, v4  }
0x6f: {  	v4 =	vperm.xlane v3, v0;
	_ =	sdelay $0x1  }
0x70: {  	v3 =	vperm.xlane v3, v2;
	v4 =	vadd.s32 v1, v4;
	_ =	sdelay $0x1  }
0x71: {  	v3 =	vadd.s32 v1, v3;
	_ =	sdelay $0x2  }
0x72: {  	[tilespmem:s25], [sflag:$0x2] =	stream.indirect_vreg.gather [hbm4b:s3+s2], $0x80, v4, vm0, $0xb8;
	[tilespmem:$0xE000] =	vst v63  }
0x73: {  	_ = 	snop  }
0x74: {  	[tilespmem:s26], [sflag:$0x2] =	stream.indirect_vreg.gather [hbm4b:s3+s2], $0x80, v3, vm0, $0xb8;
	[tilespmem:$0xE000] =	vst v63  }
0x75: {  	v3 =	vld [tilespmem:s0+$0x20];
	_ =	sdelay $0x4  }
0x76: {  	v58 =	vshll.u32 v3, $0x1  }
0x77: {  	v3 =	vand.u32 $0x7, v3;
	v4 =	vand.u32 $0xFFFFFFF0, v58  }
0x78: {  	v3 =	vor.u32 v3, v4  }
0x79: {  	v4 =	vperm.xlane v3, v0;
	_ =	sdelay $0x1  }
0x7a: {  	v3 =	vperm.xlane v3, v2;
	v4 =	vadd.s32 v1, v4;
	_ =	sdelay $0x1  }
0x7b: {  	v3 =	vadd.s32 v1, v3;
	_ =	sdelay $0x2  }
0x7c: {  	[tilespmem:s28], [sflag:$0x2] =	stream.indirect_vreg.gather [hbm4b:s3+s2], $0x80, v4, vm0, $0xb8;
	[tilespmem:$0xE000] =	vst v63  }
0x7d: {  	s4 =	rddreg [dreg:$0x2]  }
0x7e: {  	[tilespmem:s29], [sflag:$0x2] =	stream.indirect_vreg.gather [hbm4b:s3+s2], $0x80, v3, vm0, $0xb8;
	[tilespmem:$0xE000] =	vst v63  }
0x7f: {  	s4 =	sadd.s32 s1, s4  }
0x80: {  	[hbm4b:s4+s2] =	stream.linear.scatter [tilespmem:s8], [sflag:$0x3], $0x5000, $0x38;
	[tilespmem:$0xE000] =	vst v63  }
0x81: {  	_ =	swait.ge [sflag:s7], $0x5000  }
0x82: {  	[sflag:s7] =	ssyncset.done $0x0  }
0x83: {  	[sflag:s7] =	ssyncadd.s32 $0xFFFFB000  }
0x84: {  	_ =	swait.ge [sflag:s30], $0x5000  }
0x85: {  	[sflag:s30] =	ssyncset.done $0x0  }
0x86: {  	[sflag:s30] =	ssyncadd.s32 $0xFFFFB000  }
0x87: {  	v3 =	vld [tilespmem:s0+$0x60];
	_ =	sdelay $0x4  }
0x88: {  	v59 =	vshll.u32 v3, $0x1  }
0x89: {  	v3 =	vand.u32 $0x7, v3;
	v4 =	vand.u32 $0xFFFFFFF0, v59  }
0x8a: {  	v3 =	vor.u32 v3, v4  }
0x8b: {  	v4 =	vperm.xlane v3, v0;
	_ =	sdelay $0x1  }
0x8c: {  	v3 =	vperm.xlane v3, v2;
	v4 =	vadd.s32 v1, v4;
	_ =	sdelay $0x1  }
0x8d: {  	v3 =	vadd.s32 v1, v3;
	_ =	sdelay $0x2  }
0x8e: {  	[tilespmem:s8], [sflag:$0x1] =	stream.indirect_vreg.gather [hbm4b:s3+s2], $0x80, v4, vm0, $0xb8;
	[tilespmem:$0xE000] =	vst v63  }
0x8f: {  	_ = 	snop  }
0x90: {  	[tilespmem:s9], [sflag:$0x1] =	stream.indirect_vreg.gather [hbm4b:s3+s2], $0x80, v3, vm0, $0xb8;
	[tilespmem:$0xE000] =	vst v63  }
0x91: {  	v3 =	vld [tilespmem:s0+$0x70];
	_ =	sdelay $0x4  }
0x92: {  	v60 =	vshll.u32 v3, $0x1  }
0x93: {  	v3 =	vand.u32 $0x7, v3;
	v4 =	vand.u32 $0xFFFFFFF0, v60  }
0x94: {  	v3 =	vor.u32 v3, v4  }
0x95: {  	v4 =	vperm.xlane v3, v0;
	_ =	sdelay $0x1  }
0x96: {  	v3 =	vperm.xlane v3, v2;
	v4 =	vadd.s32 v1, v4;
	_ =	sdelay $0x1  }
0x97: {  	v3 =	vadd.s32 v1, v3;
	_ =	sdelay $0x2  }
0x98: {  	[tilespmem:s10], [sflag:$0x1] =	stream.indirect_vreg.gather [hbm4b:s3+s2], $0x80, v4, vm0, $0xb8;
	[tilespmem:$0xE000] =	vst v63  }
0x99: {  	_ = 	snop  }
0x9a: {  	[tilespmem:s11], [sflag:$0x1] =	stream.indirect_vreg.gather [hbm4b:s3+s2], $0x80, v3, vm0, $0xb8;
	[tilespmem:$0xE000] =	vst v63  }
0x9b: {  	v3 =	vld [tilespmem:s0+$0x80];
	_ =	sdelay $0x4  }
0x9c: {  	v61 =	vshll.u32 v3, $0x1  }
0x9d: {  	v3 =	vand.u32 $0x7, v3;
	v4 =	vand.u32 $0xFFFFFFF0, v61  }
0x9e: {  	v3 =	vor.u32 v3, v4  }
0x9f: {  	v4 =	vperm.xlane v3, v0;
	_ =	sdelay $0x1  }
0xa0: {  	v3 =	vperm.xlane v3, v2;
	v4 =	vadd.s32 v1, v4;
	_ =	sdelay $0x1  }
0xa1: {  	v3 =	vadd.s32 v1, v3;
	_ =	sdelay $0x2  }
0xa2: {  	[tilespmem:s12], [sflag:$0x1] =	stream.indirect_vreg.gather [hbm4b:s3+s2], $0x80, v4, vm0, $0xb8;
	[tilespmem:$0xE000] =	vst v63  }
0xa3: {  	_ = 	snop  }
0xa4: {  	[tilespmem:s13], [sflag:$0x1] =	stream.indirect_vreg.gather [hbm4b:s3+s2], $0x80, v3, vm0, $0xb8;
	[tilespmem:$0xE000] =	vst v63  }
0xa5: {  	v3 =	vld [tilespmem:s0+$0x90];
	_ =	sdelay $0x4  }
0xa6: {  	v62 =	vshll.u32 v3, $0x1  }
0xa7: {  	v3 =	vand.u32 $0x7, v3;
	v4 =	vand.u32 $0xFFFFFFF0, v62  }
0xa8: {  	v3 =	vor.u32 v3, v4  }
0xa9: {  	v4 =	vperm.xlane v3, v0;
	_ =	sdelay $0x1  }
0xaa: {  	v3 =	vperm.xlane v3, v2;
	v4 =	vadd.s32 v1, v4;
	_ =	sdelay $0x1  }
0xab: {  	v3 =	vadd.s32 v1, v3;
	_ =	sdelay $0x2  }
0xac: {  	[tilespmem:s14], [sflag:$0x1] =	stream.indirect_vreg.gather [hbm4b:s3+s2], $0x80, v4, vm0, $0xb8;
	[tilespmem:$0xE000] =	vst v63  }
0xad: {  	_ = 	snop  }
0xae: {  	[tilespmem:s15], [sflag:$0x1] =	stream.indirect_vreg.gather [hbm4b:s3+s2], $0x80, v3, vm0, $0xb8;
	[tilespmem:$0xE000] =	vst v63  }
0xaf: {  	v3 =	vld [tilespmem:s0+$0xA0];
	_ =	sdelay $0x4  }
0xb0: {  	v63 =	vshll.u32 v3, $0x1  }
0xb1: {  	v3 =	vand.u32 $0x7, v3;
	v4 =	vand.u32 $0xFFFFFFF0, v63  }
0xb2: {  	v3 =	vor.u32 v3, v4  }
0xb3: {  	v4 =	vperm.xlane v3, v0;
	_ =	sdelay $0x1  }
0xb4: {  	v3 =	vperm.xlane v3, v2;
	v4 =	vadd.s32 v1, v4;
	_ =	sdelay $0x1  }
0xb5: {  	v3 =	vadd.s32 v1, v3;
	_ =	sdelay $0x2  }
0xb6: {  	[tilespmem:s16], [sflag:$0x1] =	stream.indirect_vreg.gather [hbm4b:s3+s2], $0x80, v4, vm0, $0xb8;
	[tilespmem:$0xE000] =	vst v63  }
0xb7: {  	p0 =	sne.s32 s1, $0x4C400  }
0xb8: {  	[tilespmem:s17], [sflag:$0x1] =	stream.indirect_vreg.gather [hbm4b:s3+s2], $0x80, v3, vm0, $0xb8;
	[tilespmem:$0xE000] =	vst v63  }
.Ltmp0:
0xb9: {  	s4 =	sadd.s32 $0xA00, s4;
	(pc) =	sbr.rel @p0 .LBB2_2-.Ltmp0, $4  }
0xba: {  	[hbm4b:s4+s2] =	stream.linear.scatter [tilespmem:s19], [sflag:$0x3], $0x5000, $0x38;
	[tilespmem:$0xE000] =	vst v63  }
0xbb: {  	_ =	swait.ge [sflag:s7], $0x5000  }
0xbc: {  	[sflag:s7] =	ssyncset.done $0x0  }
0xbd: {  	s1 =	sadd.s32 $0x1400, s1;
	s0 =	sadd.s32 $0x100, s0;
	[sflag:s7] =	ssyncadd.s32 $0xFFFFB000  }
0xbe: {  	_ =	swait.ge [sflag:s18], $0x5000;
	s31 =	sadd.s32 $0x1, s31  }
0xbf: {  	[sflag:s18] =	ssyncset.done $0x0;
	p0 =	sne.s32 s31, s6  }
.Ltmp1:
0xc0: {  	[sflag:s18] =	ssyncadd.s32 $0xFFFFB000;
	(pc) =	sbr.rel @p0 .LBB2_1-.Ltmp1, $4  }
0xc1: {  	[hbm4b:s5+s2] =	stream.linear.scatter [tilespmem:s8], [sflag:$0x3], $0x5000, $0x38;
	[tilespmem:$0xE000] =	vst v63  }
0xc2: {  	_ =	swait.ge [sflag:s7], $0x5000  }
0xc3: {  	[sflag:s7] =	ssyncset.done $0x0  }
0xc4: {  	[sflag:s7] =	ssyncadd.s32 $0xFFFFB000  }
0xc5: {  	_ =	sfence.sel $0x180000  }
0xc6: {  	[bflag:$0x0] =	sbarrier.arrive $0xFFFF  }
0xc7: {  	_ =	strace $0x9000004A  }
0xc8: {  	s0 =	stileid.u32;
	[bflag:$0x2] =	sbarrier.arrive $0xFFFF  }
0xc9: {  	p0 =	sne.s32 s0, $0x0;
	s0 =	rddreg [dreg:$0x1]  }
0xca: {  	s0 =	sadd.s32 @!p0 $0x100000, s0  }
0xcb: {  	[sflag:s0] =	ssyncadd.tile.s32 @!p0 $0x1;
	_ =	shalt  }
.Lfunc_end2:
_tile_overlayer_lowered:
.L_overlay_start_2:
0xcc: {  	(tag) =	ssettag $0x2  }
0xcd: {  	s0 =	rddreg [dreg:$0x0];
	s2 =	stileid.u32  }
0xce: {  	s1 =	rddreg [dreg:$0x1];
	p0 =	sne.s32 s2, $0x0  }
0xcf: {  	s3 =	rddreg [dreg:$0x2];
	[bflag:$0x3] =	sbarrier.arrive $0xFFFF;
	s2 =	simm.s32 @!p0 $0x1C03  }
0xd0: {  	[timem:s3], [sflag:s2] =	dma.local @!p0 [hbm:s0], s1  }
0xd1: {  	s0 =	simm.s32 @!p0 $0x3  }
0xd2: {  	_ =	swait.ge @!p0 [sflag:s0], s1  }
0xd3: {  	s1 =	ssub.s32 @!p0 $0x0, s1;
	[sflag:s0] =	ssyncset.done @!p0 $0x0  }
0xd4: {  	[sflag:s0] =	ssyncadd.s32 @!p0 s1  }
0xd5: {  	[bflag:$0x3] =	sbarrier.arrive $0xFFFF  }
0xd6: {  	_ =	shalt  }

// kernel: kernel.26.cloned.1.call-start
scs
__scs_entry_jumppad:
0x0: {  	(pc) =	sbr.rel $0x88, $3  }
0x1: {  	(tag) =	ssettag $0x0;
	lr =	simm.s32 $0x1  }
0x2: {  	[smem:$0x3F8D] =	sst lr;
	_ =	strace $0xD0000000  }
0x3: {  	_ = 	snop  }
0x4: {  	_ = 	snop  }
0x5: {  	_ = 	snop  }
0x6: {  	_ = 	snop  }
0x7: {  	_ = 	snop  }
__scs_overlays_trampoline_lowered:
0x8: {  	[smem:$0x3F9C] =	sst s0  }
0x9: {  	[smem:$0x3F9D] =	sst s1  }
0xa: {  	[smem:$0x3F9E] =	sst s2  }
0xb: {  	[smem:$0x3F9F] =	sst s3  }
0xc: {  	[smem:$0x3FA0] =	sst s4  }
0xd: {  	[smem:$0x3FA1] =	sst s5  }
0xe: {  	[smem:$0x3FA2] =	sst s6  }
0xf: {  	[smem:$0x3FA3] =	sst s7  }
0x10: {  	[smem:$0x3FA4] =	sst s8  }
0x11: {  	[smem:$0x3FA5] =	sst s9;
	s0 =	simm.s32 @!p0 $0x0  }
0x12: {  	s1 =	sld [smem:$0x3F8B];
	s0 =	simm.s32 @p0 $0x1  }
0x13: {  	[smem:$0x3FA6] =	sst s0;
	s0 =	simm.s32 @!p1 $0x0  }
0x14: {  	s2 =	sld [smem:$0x3F8A];
	s0 =	simm.s32 @p1 $0x1  }
0x15: {  	[smem:$0x3FA7] =	sst s0;
	s0 =	simm.s32 @!p2 $0x0  }
0x16: {  	s3 =	sld [smem:$0x3FDB];
	s0 =	simm.s32 @p2 $0x1  }
0x17: {  	s4 =	simm.s32 $0x1BF5;
	[smem:$0x3FA9] =	sst s0  }
0x18: {  	s0 =	sld [smem:$0x3F8C];
	_ =	swait.ge [sflag:s4], $0x0  }
0x19: {  	s7 =	sld [smem:$0x3F8D]  }
0x1a: {  	s8 =	sadd.s32 $0xFFFFE003, lr  }
0x1b: {  	s9 =	sadd.s32 $0xFFFFFEF7, lr;
	s5 =	simm.s32 $0xFFFFFFFF;
	p2 =	slt.u32 s8, $0xFFFFF086  }
0x1c: {  	p1 =	slt.u32 s9, $0xF7A;
	s5 =	simm.s32 @!p2 $0x0  }
0x1d: {  	s5 =	simm.s32 @p1 $0x1;
	p0 =	seq.s32 s7, s2  }
0x1e: {  	s7 =	smul.u32 @!p0 $0xF7A, s2;
	p2 =	seq.s32 @!p0 s5, $0x0  }
0x1f: {  	s9 =	smul.u32 $0xF7A, s1;
	s8 =	simm.s32 @!p0 $0x1BF5;
	p2 =	por !p2, p0  }
0x20: {  	[sflag:s8] =	ssyncset.s32 @!p0 $0xFFFFF086;
	s6 =	sadd.s32 @!p0 s3, s7;
	s7 =	simm.s32 @!p0 $0x108  }
0x21: {  	s3 =	sadd.s32 s3, s9;
	s6 =	sadd.s32 @!p0 $0x88, s6;
	s7 =	simm.s32 @p2 $0x1082  }
0x22: {  	[simem:s7], [sflag:s8] =	dma.local @!p0 [hbm:s6], $0xF7A  }
0x23: {  	s9 =	sor.u32 $0xD0000000, s2;
	s6 =	simm.s32 $0x108;
	_ =	swait.ge @!p0 [sflag:s8], $0x0  }
0x24: {  	s3 =	sadd.s32 $0x88, s3;
	s6 =	simm.s32 @!p1 $0x1082;
	[sflag:s4] =	ssyncset.s32 $0xFFFFF086  }
0x25: {  	[simem:s6], [sflag:s4] =	dma.local [hbm:s3], $0xF7A  }
0x26: {  	[smem:$0x3F8D] =	sst s1;
	(tag) =	ssettag s2;
	_ =	strace s9  }
0x27: {  	s1 =	sld [smem:$0x3F9D]  }
0x28: {  	s2 =	sld [smem:$0x3F9E]  }
0x29: {  	s4 =	sld [smem:$0x3FA0]  }
0x2a: {  	p0 =	seq.s32 s5, $0x0;
	s5 =	sld [smem:$0x3FA1]  }
0x2b: {  	s6 =	sld [smem:$0x3FA2]  }
0x2c: {  	s7 =	sld [smem:$0x3FA3]  }
0x2d: {  	s3 =	simm.s32 $0x108;
	s8 =	sld [smem:$0x3FA4]  }
0x2e: {  	s3 =	simm.s32 @!p0 $0x1082;
	s9 =	sld [smem:$0x3FA5]  }
0x2f: {  	lr =	sadd.s32 s0, s3;
	s0 =	sld [smem:$0x3F9C]  }
0x30: {  	s3 =	sld [smem:$0x3F9F]  }
0x31: {  	[smem:$0x3FA8] =	sst s10  }
0x32: {  	s10 =	sld [smem:$0x3FA6];
	_ =	sdelay $0x3  }
0x33: {  	p0 =	seq.s32 s10, $0x1;
	s10 =	sld [smem:$0x3FA8];
	_ =	sdelay $0x3  }
0x34: {  	[smem:$0x3FA8] =	sst s10  }
0x35: {  	s10 =	sld [smem:$0x3FA7];
	_ =	sdelay $0x3  }
0x36: {  	p1 =	seq.s32 s10, $0x1;
	s10 =	sld [smem:$0x3FA8];
	_ =	sdelay $0x3  }
0x37: {  	[smem:$0x3FA8] =	sst s10  }
0x38: {  	s10 =	sld [smem:$0x3FA9]  }
0x39: {  	_ = 	snop;
	(pc) =	sbr.ind lr, $3  }
0x3a: {  	_ = 	snop  }
0x3b: {  	_ = 	snop  }
0x3c: {  	p2 =	seq.s32 s10, $0x1;
	s10 =	sld [smem:$0x3FA8]  }
0x3d: {  	_ =	shalt  }
0x3e: {  	_ =	shalt  }
0x3f: {  	_ =	shalt  }
0x40: {  	_ =	shalt  }
0x41: {  	_ =	shalt  }
0x42: {  	_ =	shalt  }
0x43: {  	_ =	shalt  }
0x44: {  	_ =	shalt  }
0x45: {  	_ =	shalt  }
0x46: {  	_ =	shalt  }
0x47: {  	_ =	shalt  }
0x48: {  	_ =	shalt  }
0x49: {  	_ =	shalt  }
0x4a: {  	_ =	shalt  }
0x4b: {  	_ =	shalt  }
0x4c: {  	_ =	shalt  }
0x4d: {  	_ =	shalt  }
0x4e: {  	_ =	shalt  }
0x4f: {  	_ =	shalt  }
0x50: {  	_ =	shalt  }
0x51: {  	_ =	shalt  }
0x52: {  	_ =	shalt  }
0x53: {  	_ =	shalt  }
0x54: {  	_ =	shalt  }
0x55: {  	_ =	shalt  }
0x56: {  	_ =	shalt  }
0x57: {  	_ =	shalt  }
0x58: {  	_ =	shalt  }
0x59: {  	_ =	shalt  }
0x5a: {  	_ =	shalt  }
0x5b: {  	_ =	shalt  }
0x5c: {  	_ =	shalt  }
0x5d: {  	_ =	shalt  }
0x5e: {  	_ =	shalt  }
0x5f: {  	_ =	shalt  }
0x60: {  	_ =	shalt  }
0x61: {  	_ =	shalt  }
0x62: {  	_ =	shalt  }
0x63: {  	_ =	shalt  }
0x64: {  	_ =	shalt  }
0x65: {  	_ =	shalt  }
0x66: {  	_ =	shalt  }
0x67: {  	_ =	shalt  }
0x68: {  	_ =	shalt  }
0x69: {  	_ =	shalt  }
0x6a: {  	_ =	shalt  }
0x6b: {  	_ =	shalt  }
0x6c: {  	_ =	shalt  }
0x6d: {  	_ =	shalt  }
0x6e: {  	_ =	shalt  }
0x6f: {  	_ =	shalt  }
0x70: {  	_ =	shalt  }
0x71: {  	_ =	shalt  }
0x72: {  	_ =	shalt  }
0x73: {  	_ =	shalt  }
0x74: {  	_ =	shalt  }
0x75: {  	_ =	shalt  }
0x76: {  	_ =	shalt  }
0x77: {  	_ =	shalt  }
0x78: {  	_ =	shalt  }
0x79: {  	_ =	shalt  }
0x7a: {  	_ =	shalt  }
0x7b: {  	_ =	shalt  }
0x7c: {  	_ =	shalt  }
0x7d: {  	_ =	shalt  }
0x7e: {  	_ =	shalt  }
0x7f: {  	_ =	shalt  }
0x80: {  	_ =	shalt  }
0x81: {  	_ =	shalt  }
0x82: {  	_ =	shalt  }
0x83: {  	_ =	shalt  }
0x84: {  	_ =	shalt  }
0x85: {  	_ =	shalt  }
0x86: {  	_ =	shalt  }
0x87: {  	_ =	shalt  }
.Lfunc_end0:
.L_simem_size_0:
called_computation.2_lowered:
.L_overlay_start_0:
0x88: {  	s2 =	sld [smem:$0x3FD9]  }
0x89: {  	s3 =	sld [smem:$0x3FFE];
	_ =	sdelay $0x1  }
0x8a: {  	s1 =	srdreg.scid  }
0x8b: {  	s0 =	sand.u32 $0x1, s1  }
0x8c: {  	s16 =	sshll.u32 s0, $0xA;
	s2 =	sadd.s32 s3, s2  }
0x8d: {  	s2 =	sadd.s32 s2, s16  }
0x8e: {  	[smem:$0x3FB4] =	sst s2  }
0x8f: {  	_ = 	snop  }
0x90: {  	(tm) =	ssettm $0x1  }
0x91: {  	s17 =	sld [smem:$0x3FFB];
	_ =	sdelay $0x3  }
0x92: {  	_ =	strace s17  }
0x93: {  	s2 =	sld [smem:$0x3FFC];
	_ =	sdelay $0x3  }
0x94: {  	_ =	strace s2  }
0x95: {  	s2 =	sld [smem:$0x3FFD];
	_ =	sdelay $0x3  }
0x96: {  	_ =	strace s2  }
0x97: {  	_ =	strace $0x8FFFFFFF  }
0x98: {  	s18 =	sld [smem:$0x3FDB];
	_ =	sdelay $0x1  }
0x99: {  	s19 =	simm.s32 $_scs_section_size  }
0x9a: {  	s4 =	simm.s32 $_size__tile_overlayer_lowered;
	s5 =	simm.s32 $_tile_overlayer_lowered  }
0x9b: {  	s22 =	simm.s32 $0x1BFF;
	s21 =	sshll.u32 s5, $0x1;
	s2 =	sadd.s32 s19, s18  }
0x9c: {  	s6 =	simm.s32 $0x0;
	s20 =	sshll.u32 s4, $0x1;
	s4 =	sadd.s32 s21, s2  }
0x9d: {  	[timem:s6], [sflag:s22] =	dma.local [hbm:s4], s20  }
0x9e: {  	_ =	swait.ge [sflag:s22], s20  }
0x9f: {  	s3 =	ssub.s32 $0x0, s20;
	[sflag:s22] =	ssyncset.done $0x0  }
0xa0: {  	[sflag:s22] =	ssyncadd.s32 s3;
	_ =	sdelay $0x1  }
0xa1: {  	s23 =	simm.s32 $0x1B8B  }
0xa2: {  	_ =	swait.ge [sflag:s23], $0x1  }
0xa3: {  	[sflag:s23] =	ssyncset.done $0x0  }
0xa4: {  	s25 =	simm.s32 $0x1B8E;
	s24 =	sld [smem:$0x3FFE];
	[sflag:s23] =	ssyncadd.s32 $0xFFFFFFFF  }
0xa5: {  	s26 =	simm.s32 $execute0_lowered;
	[smem:$0x3FD2] =	sst s25  }
0xa6: {  	s4 =	sshll.u32 s26, $0x1;
	_ =	strace $0x8000004C;
	[dreg:$0x1] =	wrdreg $0xFFFFFFFF  }
0xa7: {  	s28 =	simm.s32 $_size_execute0_lowered;
	s2 =	sadd.s32 s2, s4;
	[dreg:$0x0] =	wrdreg $0x0  }
0xa8: {  	s4 =	sshll.u32 s28, $0x1;
	[dreg:$0x2] =	wrdreg s2  }
0xa9: {  	[dreg:$0x3] =	wrdreg s4  }
0xaa: {  	[dreg:$0x4] =	wrdreg $0xC0  }
0xab: {  	_ =	task [dreg:s6], $0x5FFFF  }
0xac: {  	[dreg:$0x1] =	wrdreg $0xFFFFFFFF  }
0xad: {  	[dreg:$0x0] =	wrdreg $0x60  }
0xae: {  	[dreg:$0x2] =	wrdreg s24  }
0xaf: {  	[dreg:$0x3] =	wrdreg $0x51000  }
0xb0: {  	[dreg:$0x4] =	wrdreg $0x9  }
0xb1: {  	_ =	task.clear_ibuf [dreg:s6], $0x5FFFF;
	_ =	strace $0x9000004C  }
0xb2: {  	s29 =	simm.s32 $0x9;
	_ =	strace $0x8000004E  }
0xb3: {  	_ =	swait.ge [sflag:s29], $0x1  }
0xb4: {  	[sflag:s29] =	ssyncadd.s32 $0xFFFFFFFF  }
0xb5: {  	_ =	strace $0x9000004E  }
0xb6: {  	_ =	sfence  }
0xb7: {  	s30 =	sld [smem:$0x0];
	_ =	sdelay $0x2  }
0xb8: {  	s31 =	sshll.u32 s1, $0xD;
	s1 =	sshrl.u32 s1, $0x2  }
0xb9: {  	s3 =	sand.u32 $0x4000, s31;
	s1 =	sadd.s32 s1, s30  }
0xba: {  	s0 =	sor.u32 s3, s0;
	s1 =	sshll.u32 s1, $0x11  }
0xbb: {  	s0 =	sor.u32 s1, s0  }
0xbc: {  	s0 =	sadd.s32 $0x8F2B, s0  }
0xbd: {  	[sflag:s0] =	ssyncadd.remote.s32 $0x1  }
0xbe: {  	_ =	sfence.sel $0xFFFF  }
0xbf: {  	[dreg:$0x0] =	wrdreg $0xFFFFFFFF;
	(pc) =	sbr.abs _section_cstart, $3  }
0xc0: {  	[dreg:$0x1] =	wrdreg $0xFFFFFFFF  }
0xc1: {  	_ =	task.clear_ibuf [dreg:s6], $0x2FFFF;
	_ =	strace $0x9FFFFFFF  }
0xc2: {  	(tm) =	ssettm $0x7FFFFFFF  }
0xc3: {  	_ =	shalt  }
tec
execute0_lowered:
.L_overlay_start_1:
0x0: {  	(tag) =	ssettag $0x1  }
0x1: {  	s1 =	stileid.u32  }
0x2: {  	s6 =	rddreg [dreg:$0x0];
	s5 =	smul.u32 $0x2800, s1  }
0x3: {  	s2 =	rddreg [dreg:$0x1];
	s12 =	smul.u32 $0x50000, s1  }
0x4: {  	s3 =	simm.s32 $0x0;
	s4 =	srdreg.scid;
	s23 =	smul.u32 $0x14000, s1  }
0x5: {  	s28 =	simm.s32 $0x0;
	[smem:$0x7FF] =	sst s3;
	s18 =	smul.u32 $0x4E200, s1  }
0x6: {  	s9 =	sand.u32 $0x1, s4;
	s10 =	sadd.s32 $0x1474A00, s6;
	s25 =	smul.u32 $0x4E20, s1  }
0x7: {  	s20 =	sshll.u32 s1, $0x1;
	s4 =	sadd.s32 $0x16600, s6;
	s22 =	smul.u32 $0x138800, s9  }
0x8: {  	s13 =	sadd.s32 $0x502400, s6;
	s16 =	sadd.s32 $0x12C000, s2;
	s19 =	smul.u32 $0x27100, s9  }
0x9: {  	p0 =	seq.s32 s1, $0xF;
	s7 =	sor.u32 s9, s20;
	s20 =	smul.u32 $0x2710, s9  }
0xa: {  	_ =	strace $0x8000004D;
	s11 =	ssub.s32 $0x2, s9;
	s8 =	smul.u32 $0x2710, s7  }
0xb: {  	s5 =	sadd.s32 s5, s6;
	s14 =	sshrl.u32 s11, $0x1;
	s15 =	smul.u32 $0x27100, s7  }
0xc: {  	s21 =	sshrl.u32 s12, $0x2;
	s6 =	sadd.s32 $0xA60E00, s6;
	s26 =	sadd.s32 s18, s10  }
0xd: {  	s18 =	simm.s32 $0x100;
	s11 =	ssub.s32 s11, s14;
	s17 =	sadd.s32 s21, s2  }
0xe: {  	s5 =	sadd.s32 $0xA3B600, s5;
	s14 =	sadd.s32 s23, s22;
	s12 =	sshrl.u32 s22, $0x3  }
0xf: {  	s29 =	sadd.s32 s19, s26;
	s30 =	sadd.s32 s20, s25;
	s19 =	simm.s32 $0x1  }
0x10: {  	s20 =	simm.s32 $0x3;
	s21 =	simm.s32 $0x80;
	s22 =	simm.s32 $0x2900  }
0x11: {  	s23 =	simm.s32 $0x50;
	s25 =	simm.s32 $0x2;
	s26 =	simm.s32 $0x4  }
0x12: {  	s24 =	sshrl.u32 s8, $0x3;
	s8 =	sadd.s32 s10, s15;
	s14 =	sshrl.u32 s14, $0x3  }
0x13: {  	s12 =	sadd.s32 s13, s12;
	s11 =	smax.u32 s11, $0x1;
	s31 =	sadd.s32 $0x50, s30  }
0x14: {  	s15 =	sshrl.u32 @p0 s16, $0x3;
	s16 =	sshll.u32 @!p0 s1, $0x6;
	s17 =	sshrl.u32 @!p0 s17, $0x3  }
0x15: {  	s7 =	sadd.s32 s4, s24;
	s9 =	sadd.s32 s13, s14;
	s10 =	sadd.s32 $0x25800, s12  }
0x16: {  	s12 =	sadd.s32 $0xA00, s29;
	s13 =	sadd.s32 $0xA0, s30;
	s14 =	sshrl.u32 s31, $0x3  }
0x17: {  	s16 =	sor.u32 @!p0 $0x1C05, s16;
	s24 =	simm.s32 $0x5;
	s14 =	sadd.s32 s14, s4  }
.LBB2_1:
0x18: {  	s29 =	simm.s32 @p0 $0x1FC5  }
0x19: {  	[spmem:s15], [sflag:s29] =	dma.local @p0 [hbm:s6], $0x1900  }
0x1a: {  	s29 =	simm.s32 @p0 $0x5  }
0x1b: {  	_ =	swait.ge @p0 [sflag:s29], $0x1900  }
0x1c: {  	[sflag:s29] =	ssyncset.done @p0 $0x0  }
0x1d: {  	[sflag:s29] =	ssyncadd.s32 @p0 $0xFFFFE700;
	s29 =	simm.s32 @!p0 $0x5  }
0x1e: {  	[spmem:s17], [sflag:s16] =	dma.local @!p0 [hbm:s5], $0x2800  }
0x1f: {  	_ =	swait.ge @!p0 [sflag:s29], $0x2800  }
0x20: {  	[sflag:s29] =	ssyncset.done @!p0 $0x0  }
0x21: {  	[sflag:s29] =	ssyncadd.s32 @!p0 $0xFFFFD800  }
0x22: {  	[tilespmem:s3], [sflag:$0x1] =	stream.linear.gather [hbm4b:s7+s3], $0x50, $0x38;
	[tilespmem:$0x18980] =	vst v63  }
0x23: {  	_ = 	snop  }
0x24: {  	[tilespmem:s18], [sflag:$0x3] =	stream.linear.gather [hbm4b:s8+s3], $0x2800, $0x38;
	[tilespmem:$0x18980] =	vst v63  }
0x25: {  	[bflag:$0x0] =	sbarrier.arrive $0xFFFF  }
0x26: {  	_ =	swait.ge [sflag:s19], $0x50  }
0x27: {  	[sflag:s19] =	ssyncset.done $0x0  }
0x28: {  	[sflag:s19] =	ssyncadd.s32 $0xFFFFFFB0  }
0x29: {  	_ =	swait.ge [sflag:s20], $0x2800  }
0x2a: {  	[sflag:s20] =	ssyncset.done $0x0  }
0x2b: {  	s29 =	sadd.s32 $0x0, s14;
	[sflag:s20] =	ssyncadd.s32 $0xFFFFD800  }
0x2c: {  	[tilespmem:s21], [sflag:$0x2] =	stream.linear.gather [hbm4b:s29+s3], $0x50, $0x38;
	[tilespmem:$0x18980] =	vst v63  }
0x2d: {  	s29 =	sadd.s32 $0xFFFFFB00, s12  }
0x2e: {  	[tilespmem:s22], [sflag:$0x4] =	stream.linear.gather [hbm4b:s29+s3], $0x2800, $0x38;
	[tilespmem:$0x18980] =	vst v63  }
0x2f: {  	_ = 	snop  }
0x30: {  	[spmem:s2] =	stream.indirect.scatter.add.f32 [tilespmem:s18], [sflag:$0x5], $0x80, s3, s23, $0xb8;
	[tilespmem:$0x18980] =	vst v63  }
0x31: {  	_ =	swait.ge [sflag:s24], $0x2800  }
0x32: {  	[sflag:s24] =	ssyncset.done $0x0  }
0x33: {  	[sflag:s24] =	ssyncadd.s32 $0xFFFFD800  }
0x34: {  	_ =	swait.ge [sflag:s25], $0x50  }
0x35: {  	[sflag:s25] =	ssyncset.done $0x0  }
0x36: {  	[sflag:s25] =	ssyncadd.s32 $0xFFFFFFB0  }
0x37: {  	_ =	swait.ge [sflag:s26], $0x2800  }
0x38: {  	s29 =	sshrl.u32 s13, $0x3;
	[sflag:s26] =	ssyncset.done $0x0  }
0x39: {  	s29 =	sadd.s32 s4, s29;
	[sflag:s26] =	ssyncadd.s32 $0xFFFFD800  }
0x3a: {  	[tilespmem:s3], [sflag:$0x1] =	stream.linear.gather [hbm4b:s29+s3], $0x50, $0x38;
	[tilespmem:$0x18980] =	vst v63  }
0x3b: {  	_ = 	snop  }
0x3c: {  	[tilespmem:s18], [sflag:$0x3] =	stream.linear.gather [hbm4b:s12+s3], $0x2800, $0x38;
	[tilespmem:$0x18980] =	vst v63  }
0x3d: {  	_ = 	snop  }
0x3e: {  	[spmem:s2] =	stream.indirect.scatter.add.f32 [tilespmem:s22], [sflag:$0x5], $0x80, s21, s23, $0xb8;
	[tilespmem:$0x18980] =	vst v63  }
0x3f: {  	s30 =	smov.u32 s12;
	_ =	swait.ge [sflag:s24], $0x2800  }
0x40: {  	s31 =	smov.u32 s13;
	s29 =	simm.s32 $0x14;
	[sflag:s24] =	ssyncset.done $0x0  }
.LBB2_2:
0x41: {  	[sflag:s24] =	ssyncadd.s32 $0xFFFFD800;
	s30 =	sadd.s32 $0xA00, s30;
	s31 =	sadd.s32 $0xA0, s31  }
0x42: {  	p1 =	sne.s32 s29, $0x4C4;
	s0 =	smov.u32 s29;
	s29 =	sadd.s32 $0x14, s29  }
0x43: {  	_ =	swait.ge [sflag:s19], $0x50  }
0x44: {  	[sflag:s19] =	ssyncset.done $0x0  }
0x45: {  	[sflag:s19] =	ssyncadd.s32 $0xFFFFFFB0  }
0x46: {  	_ =	swait.ge [sflag:s20], $0x2800  }
0x47: {  	[sflag:s20] =	ssyncset.done $0x0  }
0x48: {  	s0 =	sadd.s32 s0, s14;
	[sflag:s20] =	ssyncadd.s32 $0xFFFFD800  }
0x49: {  	[tilespmem:s21], [sflag:$0x2] =	stream.linear.gather [hbm4b:s0+s3], $0x50, $0x38;
	[tilespmem:$0x18980] =	vst v63  }
0x4a: {  	s0 =	sadd.s32 $0xFFFFFB00, s30  }
0x4b: {  	[tilespmem:s22], [sflag:$0x4] =	stream.linear.gather [hbm4b:s0+s3], $0x2800, $0x38;
	[tilespmem:$0x18980] =	vst v63  }
0x4c: {  	_ = 	snop  }
0x4d: {  	[spmem:s2] =	stream.indirect.scatter.add.f32 [tilespmem:s18], [sflag:$0x5], $0x80, s3, s23, $0xb8;
	[tilespmem:$0x18980] =	vst v63  }
0x4e: {  	_ =	swait.ge [sflag:s24], $0x2800  }
0x4f: {  	[sflag:s24] =	ssyncset.done $0x0  }
0x50: {  	[sflag:s24] =	ssyncadd.s32 $0xFFFFD800  }
0x51: {  	_ =	swait.ge [sflag:s25], $0x50  }
0x52: {  	[sflag:s25] =	ssyncset.done $0x0  }
0x53: {  	[sflag:s25] =	ssyncadd.s32 $0xFFFFFFB0  }
0x54: {  	_ =	swait.ge [sflag:s26], $0x2800  }
0x55: {  	s0 =	sshrl.u32 s31, $0x3;
	[sflag:s26] =	ssyncset.done $0x0  }
0x56: {  	s0 =	sadd.s32 s4, s0;
	[sflag:s26] =	ssyncadd.s32 $0xFFFFD800  }
0x57: {  	[tilespmem:s3], [sflag:$0x1] =	stream.linear.gather [hbm4b:s0+s3], $0x50, $0x38;
	[tilespmem:$0x18980] =	vst v63  }
0x58: {  	_ = 	snop  }
0x59: {  	[tilespmem:s18], [sflag:$0x3] =	stream.linear.gather [hbm4b:s30+s3], $0x2800, $0x38;
	[tilespmem:$0x18980] =	vst v63  }
.Ltmp0:
0x5a: {  	_ = 	snop;
	(pc) =	sbr.rel @p1 .LBB2_2-.Ltmp0, $4  }
0x5b: {  	_ = 	snop  }
0x5c: {  	[spmem:s2] =	stream.indirect.scatter.add.f32 [tilespmem:s22], [sflag:$0x5], $0x80, s21, s23, $0xb8;
	[tilespmem:$0x18980] =	vst v63  }
0x5d: {  	_ =	swait.ge [sflag:s24], $0x2800  }
0x5e: {  	[sflag:s24] =	ssyncset.done $0x0  }
0x5f: {  	[sflag:s24] =	ssyncadd.s32 $0xFFFFD800  }
0x60: {  	_ =	swait.ge [sflag:s19], $0x50  }
0x61: {  	[sflag:s19] =	ssyncset.done $0x0  }
0x62: {  	[sflag:s19] =	ssyncadd.s32 $0xFFFFFFB0  }
0x63: {  	_ =	swait.ge [sflag:s20], $0x2800  }
0x64: {  	[sflag:s20] =	ssyncset.done $0x0  }
0x65: {  	[sflag:s20] =	ssyncadd.s32 $0xFFFFD800  }
0x66: {  	[spmem:s2] =	stream.indirect.scatter.add.f32 [tilespmem:s18], [sflag:$0x5], $0x80, s3, s23, $0xb8;
	[tilespmem:$0x18980] =	vst v63  }
0x67: {  	_ =	swait.ge [sflag:s24], $0x2800  }
0x68: {  	[sflag:s24] =	ssyncset.done $0x0  }
0x69: {  	[sflag:s24] =	ssyncadd.s32 $0xFFFFD800  }
0x6a: {  	s0 =	simm.s32 @p0 $0x1FC5;
	[bflag:$0x0] =	sbarrier.arrive $0xFFFF  }
0x6b: {  	[hbm:s10], [sflag:s0] =	dma.local @p0 [spmem:s15], $0x1900  }
0x6c: {  	s0 =	simm.s32 @p0 $0x5  }
0x6d: {  	s28 =	sadd.s32 $0x1, s28;
	_ =	swait.ge @p0 [sflag:s0], $0x1900  }
0x6e: {  	p1 =	sne.s32 s28, s11;
	[sflag:s0] =	ssyncset.done @p0 $0x0  }
.Ltmp1:
0x6f: {  	[sflag:s0] =	ssyncadd.s32 @p0 $0xFFFFE700;
	s0 =	simm.s32 @!p0 $0x5;
	(pc) =	sbr.rel @p1 .LBB2_1-.Ltmp1, $4  }
0x70: {  	[hbm:s9], [sflag:s16] =	dma.local @!p0 [spmem:s17], $0x2800  }
0x71: {  	_ =	swait.ge @!p0 [sflag:s0], $0x2800  }
0x72: {  	[sflag:s0] =	ssyncset.done @!p0 $0x0  }
0x73: {  	[sflag:s0] =	ssyncadd.s32 @!p0 $0xFFFFD800  }
0x74: {  	_ =	sfence.sel $0x180000  }
0x75: {  	[bflag:$0x0] =	sbarrier.arrive $0xFFFF  }
0x76: {  	_ =	strace $0x9000004D  }
0x77: {  	[bflag:$0x2] =	sbarrier.arrive $0xFFFF  }
0x78: {  	p0 =	sne.s32 s1, $0x0;
	s0 =	rddreg [dreg:$0x2]  }
0x79: {  	s0 =	sadd.s32 @!p0 $0x100000, s0  }
0x7a: {  	[sflag:s0] =	ssyncadd.tile.s32 @!p0 $0x1;
	_ =	shalt  }
.Lfunc_end2:
_tile_overlayer_lowered:
.L_overlay_start_2:
0x7b: {  	(tag) =	ssettag $0x2  }
0x7c: {  	s0 =	rddreg [dreg:$0x0];
	s2 =	stileid.u32  }
0x7d: {  	s1 =	rddreg [dreg:$0x1];
	p0 =	sne.s32 s2, $0x0  }
0x7e: {  	s3 =	rddreg [dreg:$0x2];
	[bflag:$0x3] =	sbarrier.arrive $0xFFFF;
	s2 =	simm.s32 @!p0 $0x1C05  }
0x7f: {  	[timem:s3], [sflag:s2] =	dma.local @!p0 [hbm:s0], s1  }
0x80: {  	s0 =	simm.s32 @!p0 $0x5  }
0x81: {  	_ =	swait.ge @!p0 [sflag:s0], s1  }
0x82: {  	s1 =	ssub.s32 @!p0 $0x0, s1;
	[sflag:s0] =	ssyncset.done @!p0 $0x0  }
0x83: {  	[sflag:s0] =	ssyncadd.s32 @!p0 s1  }
0x84: {  	[bflag:$0x3] =	sbarrier.arrive $0xFFFF  }
0x85: {  	_ =	shalt  }

// kernel: kernel.29.cloned.1.call-start
scs
__scs_entry_jumppad:
0x0: {  	(pc) =	sbr.rel $0x88, $3  }
0x1: {  	(tag) =	ssettag $0x0;
	lr =	simm.s32 $0x1  }
0x2: {  	[smem:$0x3F8D] =	sst lr;
	_ =	strace $0xD0000000  }
0x3: {  	_ = 	snop  }
0x4: {  	_ = 	snop  }
0x5: {  	_ = 	snop  }
0x6: {  	_ = 	snop  }
0x7: {  	_ = 	snop  }
__scs_overlays_trampoline_lowered:
0x8: {  	[smem:$0x3F9C] =	sst s0  }
0x9: {  	[smem:$0x3F9D] =	sst s1  }
0xa: {  	[smem:$0x3F9E] =	sst s2  }
0xb: {  	[smem:$0x3F9F] =	sst s3  }
0xc: {  	[smem:$0x3FA0] =	sst s4  }
0xd: {  	[smem:$0x3FA1] =	sst s5  }
0xe: {  	[smem:$0x3FA2] =	sst s6  }
0xf: {  	[smem:$0x3FA3] =	sst s7  }
0x10: {  	[smem:$0x3FA4] =	sst s8  }
0x11: {  	[smem:$0x3FA5] =	sst s9;
	s0 =	simm.s32 @!p0 $0x0  }
0x12: {  	s1 =	sld [smem:$0x3F8B];
	s0 =	simm.s32 @p0 $0x1  }
0x13: {  	[smem:$0x3FA6] =	sst s0;
	s0 =	simm.s32 @!p1 $0x0  }
0x14: {  	s2 =	sld [smem:$0x3F8A];
	s0 =	simm.s32 @p1 $0x1  }
0x15: {  	[smem:$0x3FA7] =	sst s0;
	s0 =	simm.s32 @!p2 $0x0  }
0x16: {  	s3 =	sld [smem:$0x3FDB];
	s0 =	simm.s32 @p2 $0x1  }
0x17: {  	s4 =	simm.s32 $0x1BF5;
	[smem:$0x3FA9] =	sst s0  }
0x18: {  	s0 =	sld [smem:$0x3F8C];
	_ =	swait.ge [sflag:s4], $0x0  }
0x19: {  	s7 =	sld [smem:$0x3F8D]  }
0x1a: {  	s8 =	sadd.s32 $0xFFFFE003, lr  }
0x1b: {  	s9 =	sadd.s32 $0xFFFFFEF7, lr;
	s5 =	simm.s32 $0xFFFFFFFF;
	p2 =	slt.u32 s8, $0xFFFFF086  }
0x1c: {  	p1 =	slt.u32 s9, $0xF7A;
	s5 =	simm.s32 @!p2 $0x0  }
0x1d: {  	s5 =	simm.s32 @p1 $0x1;
	p0 =	seq.s32 s7, s2  }
0x1e: {  	s7 =	smul.u32 @!p0 $0xF7A, s2;
	p2 =	seq.s32 @!p0 s5, $0x0  }
0x1f: {  	s9 =	smul.u32 $0xF7A, s1;
	s8 =	simm.s32 @!p0 $0x1BF5;
	p2 =	por !p2, p0  }
0x20: {  	[sflag:s8] =	ssyncset.s32 @!p0 $0xFFFFF086;
	s6 =	sadd.s32 @!p0 s3, s7;
	s7 =	simm.s32 @!p0 $0x108  }
0x21: {  	s3 =	sadd.s32 s3, s9;
	s6 =	sadd.s32 @!p0 $0x88, s6;
	s7 =	simm.s32 @p2 $0x1082  }
0x22: {  	[simem:s7], [sflag:s8] =	dma.local @!p0 [hbm:s6], $0xF7A  }
0x23: {  	s9 =	sor.u32 $0xD0000000, s2;
	s6 =	simm.s32 $0x108;
	_ =	swait.ge @!p0 [sflag:s8], $0x0  }
0x24: {  	s3 =	sadd.s32 $0x88, s3;
	s6 =	simm.s32 @!p1 $0x1082;
	[sflag:s4] =	ssyncset.s32 $0xFFFFF086  }
0x25: {  	[simem:s6], [sflag:s4] =	dma.local [hbm:s3], $0xF7A  }
0x26: {  	[smem:$0x3F8D] =	sst s1;
	(tag) =	ssettag s2;
	_ =	strace s9  }
0x27: {  	s1 =	sld [smem:$0x3F9D]  }
0x28: {  	s2 =	sld [smem:$0x3F9E]  }
0x29: {  	s4 =	sld [smem:$0x3FA0]  }
0x2a: {  	p0 =	seq.s32 s5, $0x0;
	s5 =	sld [smem:$0x3FA1]  }
0x2b: {  	s6 =	sld [smem:$0x3FA2]  }
0x2c: {  	s7 =	sld [smem:$0x3FA3]  }
0x2d: {  	s3 =	simm.s32 $0x108;
	s8 =	sld [smem:$0x3FA4]  }
0x2e: {  	s3 =	simm.s32 @!p0 $0x1082;
	s9 =	sld [smem:$0x3FA5]  }
0x2f: {  	lr =	sadd.s32 s0, s3;
	s0 =	sld [smem:$0x3F9C]  }
0x30: {  	s3 =	sld [smem:$0x3F9F]  }
0x31: {  	[smem:$0x3FA8] =	sst s10  }
0x32: {  	s10 =	sld [smem:$0x3FA6];
	_ =	sdelay $0x3  }
0x33: {  	p0 =	seq.s32 s10, $0x1;
	s10 =	sld [smem:$0x3FA8];
	_ =	sdelay $0x3  }
0x34: {  	[smem:$0x3FA8] =	sst s10  }
0x35: {  	s10 =	sld [smem:$0x3FA7];
	_ =	sdelay $0x3  }
0x36: {  	p1 =	seq.s32 s10, $0x1;
	s10 =	sld [smem:$0x3FA8];
	_ =	sdelay $0x3  }
0x37: {  	[smem:$0x3FA8] =	sst s10  }
0x38: {  	s10 =	sld [smem:$0x3FA9]  }
0x39: {  	_ = 	snop;
	(pc) =	sbr.ind lr, $3  }
0x3a: {  	_ = 	snop  }
0x3b: {  	_ = 	snop  }
0x3c: {  	p2 =	seq.s32 s10, $0x1;
	s10 =	sld [smem:$0x3FA8]  }
0x3d: {  	_ =	shalt  }
0x3e: {  	_ =	shalt  }
0x3f: {  	_ =	shalt  }
0x40: {  	_ =	shalt  }
0x41: {  	_ =	shalt  }
0x42: {  	_ =	shalt  }
0x43: {  	_ =	shalt  }
0x44: {  	_ =	shalt  }
0x45: {  	_ =	shalt  }
0x46: {  	_ =	shalt  }
0x47: {  	_ =	shalt  }
0x48: {  	_ =	shalt  }
0x49: {  	_ =	shalt  }
0x4a: {  	_ =	shalt  }
0x4b: {  	_ =	shalt  }
0x4c: {  	_ =	shalt  }
0x4d: {  	_ =	shalt  }
0x4e: {  	_ =	shalt  }
0x4f: {  	_ =	shalt  }
0x50: {  	_ =	shalt  }
0x51: {  	_ =	shalt  }
0x52: {  	_ =	shalt  }
0x53: {  	_ =	shalt  }
0x54: {  	_ =	shalt  }
0x55: {  	_ =	shalt  }
0x56: {  	_ =	shalt  }
0x57: {  	_ =	shalt  }
0x58: {  	_ =	shalt  }
0x59: {  	_ =	shalt  }
0x5a: {  	_ =	shalt  }
0x5b: {  	_ =	shalt  }
0x5c: {  	_ =	shalt  }
0x5d: {  	_ =	shalt  }
0x5e: {  	_ =	shalt  }
0x5f: {  	_ =	shalt  }
0x60: {  	_ =	shalt  }
0x61: {  	_ =	shalt  }
0x62: {  	_ =	shalt  }
0x63: {  	_ =	shalt  }
0x64: {  	_ =	shalt  }
0x65: {  	_ =	shalt  }
0x66: {  	_ =	shalt  }
0x67: {  	_ =	shalt  }
0x68: {  	_ =	shalt  }
0x69: {  	_ =	shalt  }
0x6a: {  	_ =	shalt  }
0x6b: {  	_ =	shalt  }
0x6c: {  	_ =	shalt  }
0x6d: {  	_ =	shalt  }
0x6e: {  	_ =	shalt  }
0x6f: {  	_ =	shalt  }
0x70: {  	_ =	shalt  }
0x71: {  	_ =	shalt  }
0x72: {  	_ =	shalt  }
0x73: {  	_ =	shalt  }
0x74: {  	_ =	shalt  }
0x75: {  	_ =	shalt  }
0x76: {  	_ =	shalt  }
0x77: {  	_ =	shalt  }
0x78: {  	_ =	shalt  }
0x79: {  	_ =	shalt  }
0x7a: {  	_ =	shalt  }
0x7b: {  	_ =	shalt  }
0x7c: {  	_ =	shalt  }
0x7d: {  	_ =	shalt  }
0x7e: {  	_ =	shalt  }
0x7f: {  	_ =	shalt  }
0x80: {  	_ =	shalt  }
0x81: {  	_ =	shalt  }
0x82: {  	_ =	shalt  }
0x83: {  	_ =	shalt  }
0x84: {  	_ =	shalt  }
0x85: {  	_ =	shalt  }
0x86: {  	_ =	shalt  }
0x87: {  	_ =	shalt  }
.Lfunc_end0:
.L_simem_size_0:
called_computation.3_lowered:
.L_overlay_start_0:
0x88: {  	s2 =	sld [smem:$0x3FD9]  }
0x89: {  	s3 =	sld [smem:$0x3FFE];
	_ =	sdelay $0x1  }
0x8a: {  	s1 =	srdreg.scid  }
0x8b: {  	s0 =	sand.u32 $0x1, s1  }
0x8c: {  	s16 =	sshll.u32 s0, $0xA;
	s2 =	sadd.s32 s3, s2  }
0x8d: {  	s2 =	sadd.s32 s2, s16  }
0x8e: {  	[smem:$0x3FB4] =	sst s2  }
0x8f: {  	_ = 	snop  }
0x90: {  	(tm) =	ssettm $0x1  }
0x91: {  	s17 =	sld [smem:$0x3FFB];
	_ =	sdelay $0x3  }
0x92: {  	_ =	strace s17  }
0x93: {  	s2 =	sld [smem:$0x3FFC];
	_ =	sdelay $0x3  }
0x94: {  	_ =	strace s2  }
0x95: {  	s2 =	sld [smem:$0x3FFD];
	_ =	sdelay $0x3  }
0x96: {  	_ =	strace s2  }
0x97: {  	_ =	strace $0x8FFFFFFF  }
0x98: {  	s18 =	sld [smem:$0x3FDB];
	_ =	sdelay $0x1  }
0x99: {  	s19 =	simm.s32 $_scs_section_size  }
0x9a: {  	s4 =	simm.s32 $_size__tile_overlayer_lowered;
	s5 =	simm.s32 $_tile_overlayer_lowered  }
0x9b: {  	s22 =	simm.s32 $0x1BFF;
	s21 =	sshll.u32 s5, $0x1;
	s2 =	sadd.s32 s19, s18  }
0x9c: {  	s6 =	simm.s32 $0x0;
	s20 =	sshll.u32 s4, $0x1;
	s4 =	sadd.s32 s21, s2  }
0x9d: {  	[timem:s6], [sflag:s22] =	dma.local [hbm:s4], s20  }
0x9e: {  	_ =	swait.ge [sflag:s22], s20  }
0x9f: {  	s3 =	ssub.s32 $0x0, s20;
	[sflag:s22] =	ssyncset.done $0x0  }
0xa0: {  	[sflag:s22] =	ssyncadd.s32 s3;
	_ =	sdelay $0x1  }
0xa1: {  	s23 =	simm.s32 $0x1B8B  }
0xa2: {  	_ =	swait.ge [sflag:s23], $0x1  }
0xa3: {  	[sflag:s23] =	ssyncset.done $0x0  }
0xa4: {  	s25 =	simm.s32 $0x1B8E;
	s24 =	sld [smem:$0x3FFE];
	[sflag:s23] =	ssyncadd.s32 $0xFFFFFFFF  }
0xa5: {  	s26 =	simm.s32 $execute0_lowered;
	[smem:$0x3FD2] =	sst s25  }
0xa6: {  	s4 =	sshll.u32 s26, $0x1;
	_ =	strace $0x8000004F;
	[dreg:$0x1] =	wrdreg $0xFFFFFFFF  }
0xa7: {  	s28 =	simm.s32 $_size_execute0_lowered;
	s2 =	sadd.s32 s2, s4;
	[dreg:$0x0] =	wrdreg $0x0  }
0xa8: {  	s4 =	sshll.u32 s28, $0x1;
	[dreg:$0x2] =	wrdreg s2  }
0xa9: {  	[dreg:$0x3] =	wrdreg s4  }
0xaa: {  	[dreg:$0x4] =	wrdreg $0xC0  }
0xab: {  	_ =	task [dreg:s6], $0x5FFFF  }
0xac: {  	[dreg:$0x1] =	wrdreg $0xFFFFFFFF  }
0xad: {  	[dreg:$0x0] =	wrdreg $0x60  }
0xae: {  	[dreg:$0x2] =	wrdreg s24  }
0xaf: {  	[dreg:$0x3] =	wrdreg $0xAA00  }
0xb0: {  	[dreg:$0x4] =	wrdreg $0x9  }
0xb1: {  	_ =	task.clear_ibuf [dreg:s6], $0x5FFFF;
	_ =	strace $0x9000004F  }
0xb2: {  	s29 =	simm.s32 $0x9;
	_ =	strace $0x80000051  }
0xb3: {  	_ =	swait.ge [sflag:s29], $0x1  }
0xb4: {  	[sflag:s29] =	ssyncadd.s32 $0xFFFFFFFF  }
0xb5: {  	_ =	strace $0x90000051  }
0xb6: {  	_ =	sfence  }
0xb7: {  	s30 =	sld [smem:$0x0];
	_ =	sdelay $0x2  }
0xb8: {  	s31 =	sshll.u32 s1, $0xD;
	s1 =	sshrl.u32 s1, $0x2  }
0xb9: {  	s3 =	sand.u32 $0x4000, s31;
	s1 =	sadd.s32 s1, s30  }
0xba: {  	s0 =	sor.u32 s3, s0;
	s1 =	sshll.u32 s1, $0x11  }
0xbb: {  	s0 =	sor.u32 s1, s0  }
0xbc: {  	s0 =	sadd.s32 $0x8F2B, s0  }
0xbd: {  	[sflag:s0] =	ssyncadd.remote.s32 $0x1  }
0xbe: {  	_ =	sfence.sel $0xFFFF  }
0xbf: {  	[dreg:$0x0] =	wrdreg $0xFFFFFFFF;
	(pc) =	sbr.abs _section_cstart, $3  }
0xc0: {  	[dreg:$0x1] =	wrdreg $0xFFFFFFFF  }
0xc1: {  	_ =	task.clear_ibuf [dreg:s6], $0x2FFFF;
	_ =	strace $0x9FFFFFFF  }
0xc2: {  	(tm) =	ssettm $0x7FFFFFFF  }
0xc3: {  	_ =	shalt  }
tec
execute0_lowered:
.L_overlay_start_1:
0x0: {  	(tag) =	ssettag $0x1  }
0x1: {  	s6 =	rddreg [dreg:$0x0]  }
0x2: {  	s1 =	rddreg [dreg:$0x1];
	s3 =	simm.s32 $0x0;
	s0 =	stileid.u32  }
0x3: {  	s4 =	srdreg.scid;
	s20 =	simm.s32 $0x1;
	s21 =	simm.s32 $0x3  }
0x4: {  	s22 =	simm.s32 $0x50;
	s28 =	simm.s32 $0x0;
	[smem:$0x7FF] =	sst s3  }
0x5: {  	s9 =	smul.u32 $0x2800, s0;
	s7 =	sand.u32 $0x1, s4;
	s14 =	sadd.s32 $0x550600, s6  }
0x6: {  	s5 =	sshll.u32 s0, $0x1;
	s4 =	sadd.s32 $0x16600, s6;
	s15 =	sadd.s32 $0xA67800, s6  }
0x7: {  	s16 =	smul.u32 $0x4E20, s0;
	s17 =	sadd.s32 $0x25800, s1;
	p0 =	seq.s32 s0, $0xF  }
0x8: {  	_ =	strace $0x80000050;
	s5 =	sor.u32 s7, s5;
	s23 =	smul.u32 $0x27100, s7  }
0x9: {  	s10 =	ssub.s32 $0x2, s7;
	s25 =	smul.u32 $0x2710, s7;
	s19 =	sshll.u32 @!p0 s0, $0x6  }
0xa: {  	s8 =	sshrl.u32 s9, $0x3;
	s11 =	smul.u32 $0x2710, s5;
	s12 =	sshrl.u32 s10, $0x1  }
0xb: {  	s13 =	smul.u32 $0x4E20, s5;
	s18 =	sadd.s32 s9, s1;
	s8 =	sadd.s32 s8, s6  }
0xc: {  	s12 =	ssub.s32 s10, s12;
	s6 =	sadd.s32 $0xA67300, s6;
	s9 =	sadd.s32 s9, s23  }
0xd: {  	s10 =	sshrl.u32 s23, $0x3;
	s16 =	sadd.s32 s25, s16;
	s18 =	sshrl.u32 @!p0 s18, $0x3  }
0xe: {  	s23 =	simm.s32 $0x5A0;
	s25 =	simm.s32 $0x2;
	s5 =	sadd.s32 $0xA62800, s8  }
0xf: {  	s24 =	sshrl.u32 s11, $0x3;
	s8 =	sadd.s32 s14, s13;
	s26 =	sshrl.u32 s9, $0x3  }
0x10: {  	s29 =	sadd.s32 s15, s10;
	s9 =	sadd.s32 $0xA0, s16;
	s12 =	smax.u32 s12, $0x1  }
0x11: {  	s31 =	sadd.s32 $0x50, s16;
	s7 =	sadd.s32 s4, s24;
	s10 =	sadd.s32 s15, s26  }
0x12: {  	s11 =	sadd.s32 $0x4B00, s29;
	s30 =	sshll.u32 s9, $0x1;
	s16 =	sshll.u32 s31, $0x1  }
0x13: {  	s15 =	sshrl.u32 s31, $0x3;
	s24 =	simm.s32 $0x5;
	s26 =	simm.s32 $0x4  }
0x14: {  	s13 =	sadd.s32 s30, s14;
	s14 =	sadd.s32 s16, s14;
	s15 =	sadd.s32 s15, s4  }
0x15: {  	s16 =	sshrl.u32 @p0 s17, $0x3;
	s17 =	sor.u32 @!p0 $0x1C05, s19;
	s19 =	simm.s32 $0xA0  }
.LBB2_1:
0x16: {  	s29 =	simm.s32 @p0 $0x1FC5  }
0x17: {  	[spmem:s16], [sflag:s29] =	dma.local @p0 [hbm:s6], $0x320  }
0x18: {  	s29 =	simm.s32 @p0 $0x5  }
0x19: {  	_ =	swait.ge @p0 [sflag:s29], $0x320  }
0x1a: {  	[sflag:s29] =	ssyncset.done @p0 $0x0  }
0x1b: {  	[sflag:s29] =	ssyncadd.s32 @p0 $0xFFFFFCE0;
	s29 =	simm.s32 @!p0 $0x5  }
0x1c: {  	[spmem:s18], [sflag:s17] =	dma.local @!p0 [hbm:s5], $0x500  }
0x1d: {  	_ =	swait.ge @!p0 [sflag:s29], $0x500  }
0x1e: {  	[sflag:s29] =	ssyncset.done @!p0 $0x0  }
0x1f: {  	[sflag:s29] =	ssyncadd.s32 @!p0 $0xFFFFFB00  }
0x20: {  	[tilespmem:s3], [sflag:$0x1] =	stream.linear.gather [hbm4b:s7+s3], $0x50, $0x38;
	[tilespmem:$0x31B0] =	vst v63  }
0x21: {  	_ = 	snop  }
0x22: {  	[tilespmem:s19], [sflag:$0x3] =	stream.linear.gather [hbm4b:s8+s3], $0x500, $0x38;
	[tilespmem:$0x31B0] =	vst v63  }
0x23: {  	[bflag:$0x0] =	sbarrier.arrive $0xFFFF  }
0x24: {  	_ =	swait.ge [sflag:s20], $0x50  }
0x25: {  	[sflag:s20] =	ssyncset.done $0x0  }
0x26: {  	[sflag:s20] =	ssyncadd.s32 $0xFFFFFFB0  }
0x27: {  	_ =	swait.ge [sflag:s21], $0x500  }
0x28: {  	[sflag:s21] =	ssyncset.done $0x0  }
0x29: {  	[sflag:s21] =	ssyncadd.s32 $0xFFFFFB00  }
0x2a: {  	[tilespmem:s22], [sflag:$0x2] =	stream.linear.gather [hbm4b:s15+s3], $0x50, $0x38;
	[tilespmem:$0x31B0] =	vst v63  }
0x2b: {  	s29 =	sadd.s32 $0x0, s14  }
0x2c: {  	[tilespmem:s23], [sflag:$0x4] =	stream.linear.gather [hbm4b:s29+s3], $0x500, $0x38;
	[tilespmem:$0x31B0] =	vst v63  }
0x2d: {  	_ = 	snop  }
0x2e: {  	[spmem:s1] =	stream.indirect.scatter.add.f32 [tilespmem:s19], [sflag:$0x5], $0x10, s3, s22, $0xb8;
	[tilespmem:$0x31B0] =	vst v63  }
0x2f: {  	_ =	swait.ge [sflag:s24], $0x500  }
0x30: {  	[sflag:s24] =	ssyncset.done $0x0  }
0x31: {  	[sflag:s24] =	ssyncadd.s32 $0xFFFFFB00  }
0x32: {  	_ =	swait.ge [sflag:s25], $0x50  }
0x33: {  	[sflag:s25] =	ssyncset.done $0x0  }
0x34: {  	[sflag:s25] =	ssyncadd.s32 $0xFFFFFFB0  }
0x35: {  	_ =	swait.ge [sflag:s26], $0x500  }
0x36: {  	s29 =	sshrl.u32 s9, $0x3;
	[sflag:s26] =	ssyncset.done $0x0  }
0x37: {  	s29 =	sadd.s32 s4, s29;
	[sflag:s26] =	ssyncadd.s32 $0xFFFFFB00  }
0x38: {  	[tilespmem:s3], [sflag:$0x1] =	stream.linear.gather [hbm4b:s29+s3], $0x50, $0x38;
	[tilespmem:$0x31B0] =	vst v63  }
0x39: {  	s29 =	sadd.s32 $0x0, s13  }
0x3a: {  	[tilespmem:s19], [sflag:$0x3] =	stream.linear.gather [hbm4b:s29+s3], $0x500, $0x38;
	[tilespmem:$0x31B0] =	vst v63  }
0x3b: {  	_ = 	snop  }
0x3c: {  	[spmem:s1] =	stream.indirect.scatter.add.f32 [tilespmem:s23], [sflag:$0x5], $0x10, s22, s22, $0xb8;
	[tilespmem:$0x31B0] =	vst v63  }
0x3d: {  	s30 =	smov.u32 s9;
	_ =	swait.ge [sflag:s24], $0x500  }
0x3e: {  	s31 =	smov.u32 s15;
	s29 =	simm.s32 $0x140;
	[sflag:s24] =	ssyncset.done $0x0  }
.LBB2_2:
0x3f: {  	[sflag:s24] =	ssyncadd.s32 $0xFFFFFB00;
	s30 =	sadd.s32 $0xA0, s30;
	s31 =	sadd.s32 $0x14, s31  }
0x40: {  	p1 =	sne.s32 s29, $0x4C40;
	s0 =	smov.u32 s29;
	s29 =	sadd.s32 $0x140, s29  }
0x41: {  	_ =	swait.ge [sflag:s20], $0x50  }
0x42: {  	[sflag:s20] =	ssyncset.done $0x0  }
0x43: {  	[sflag:s20] =	ssyncadd.s32 $0xFFFFFFB0  }
0x44: {  	_ =	swait.ge [sflag:s21], $0x500  }
0x45: {  	[sflag:s21] =	ssyncset.done $0x0  }
0x46: {  	[sflag:s21] =	ssyncadd.s32 $0xFFFFFB00  }
0x47: {  	[tilespmem:s22], [sflag:$0x2] =	stream.linear.gather [hbm4b:s31+s3], $0x50, $0x38;
	[tilespmem:$0x31B0] =	vst v63  }
0x48: {  	s2 =	sadd.s32 s0, s14  }
0x49: {  	[tilespmem:s23], [sflag:$0x4] =	stream.linear.gather [hbm4b:s2+s3], $0x500, $0x38;
	[tilespmem:$0x31B0] =	vst v63  }
0x4a: {  	_ = 	snop  }
0x4b: {  	[spmem:s1] =	stream.indirect.scatter.add.f32 [tilespmem:s19], [sflag:$0x5], $0x10, s3, s22, $0xb8;
	[tilespmem:$0x31B0] =	vst v63  }
0x4c: {  	_ =	swait.ge [sflag:s24], $0x500  }
0x4d: {  	[sflag:s24] =	ssyncset.done $0x0  }
0x4e: {  	[sflag:s24] =	ssyncadd.s32 $0xFFFFFB00  }
0x4f: {  	_ =	swait.ge [sflag:s25], $0x50  }
0x50: {  	[sflag:s25] =	ssyncset.done $0x0  }
0x51: {  	[sflag:s25] =	ssyncadd.s32 $0xFFFFFFB0  }
0x52: {  	_ =	swait.ge [sflag:s26], $0x500  }
0x53: {  	s2 =	sshrl.u32 s30, $0x3;
	[sflag:s26] =	ssyncset.done $0x0  }
0x54: {  	s2 =	sadd.s32 s4, s2;
	[sflag:s26] =	ssyncadd.s32 $0xFFFFFB00  }
0x55: {  	[tilespmem:s3], [sflag:$0x1] =	stream.linear.gather [hbm4b:s2+s3], $0x50, $0x38;
	[tilespmem:$0x31B0] =	vst v63  }
0x56: {  	s0 =	sadd.s32 s0, s13  }
0x57: {  	[tilespmem:s19], [sflag:$0x3] =	stream.linear.gather [hbm4b:s0+s3], $0x500, $0x38;
	[tilespmem:$0x31B0] =	vst v63  }
.Ltmp0:
0x58: {  	_ = 	snop;
	(pc) =	sbr.rel @p1 .LBB2_2-.Ltmp0, $4  }
0x59: {  	_ = 	snop  }
0x5a: {  	[spmem:s1] =	stream.indirect.scatter.add.f32 [tilespmem:s23], [sflag:$0x5], $0x10, s22, s22, $0xb8;
	[tilespmem:$0x31B0] =	vst v63  }
0x5b: {  	_ =	swait.ge [sflag:s24], $0x500  }
0x5c: {  	[sflag:s24] =	ssyncset.done $0x0  }
0x5d: {  	[sflag:s24] =	ssyncadd.s32 $0xFFFFFB00  }
0x5e: {  	_ =	swait.ge [sflag:s20], $0x50  }
0x5f: {  	[sflag:s20] =	ssyncset.done $0x0  }
0x60: {  	[sflag:s20] =	ssyncadd.s32 $0xFFFFFFB0  }
0x61: {  	_ =	swait.ge [sflag:s21], $0x500  }
0x62: {  	[sflag:s21] =	ssyncset.done $0x0  }
0x63: {  	[sflag:s21] =	ssyncadd.s32 $0xFFFFFB00  }
0x64: {  	[spmem:s1] =	stream.indirect.scatter.add.f32 [tilespmem:s19], [sflag:$0x5], $0x10, s3, s22, $0xb8;
	[tilespmem:$0x31B0] =	vst v63  }
0x65: {  	_ =	swait.ge [sflag:s24], $0x500  }
0x66: {  	[sflag:s24] =	ssyncset.done $0x0  }
0x67: {  	[sflag:s24] =	ssyncadd.s32 $0xFFFFFB00  }
0x68: {  	s0 =	simm.s32 @p0 $0x1FC5;
	[bflag:$0x0] =	sbarrier.arrive $0xFFFF  }
0x69: {  	[hbm:s11], [sflag:s0] =	dma.local @p0 [spmem:s16], $0x320  }
0x6a: {  	s0 =	simm.s32 @p0 $0x5  }
0x6b: {  	s28 =	sadd.s32 $0x1, s28;
	_ =	swait.ge @p0 [sflag:s0], $0x320  }
0x6c: {  	p1 =	sne.s32 s28, s12;
	[sflag:s0] =	ssyncset.done @p0 $0x0  }
.Ltmp1:
0x6d: {  	[sflag:s0] =	ssyncadd.s32 @p0 $0xFFFFFCE0;
	s0 =	simm.s32 @!p0 $0x5;
	(pc) =	sbr.rel @p1 .LBB2_1-.Ltmp1, $4  }
0x6e: {  	[hbm:s10], [sflag:s17] =	dma.local @!p0 [spmem:s18], $0x500  }
0x6f: {  	_ =	swait.ge @!p0 [sflag:s0], $0x500  }
0x70: {  	[sflag:s0] =	ssyncset.done @!p0 $0x0  }
0x71: {  	[sflag:s0] =	ssyncadd.s32 @!p0 $0xFFFFFB00  }
0x72: {  	_ =	sfence.sel $0x180000  }
0x73: {  	[bflag:$0x0] =	sbarrier.arrive $0xFFFF  }
0x74: {  	_ =	strace $0x90000050  }
0x75: {  	s0 =	stileid.u32;
	[bflag:$0x2] =	sbarrier.arrive $0xFFFF  }
0x76: {  	p0 =	sne.s32 s0, $0x0;
	s0 =	rddreg [dreg:$0x2]  }
0x77: {  	s0 =	sadd.s32 @!p0 $0x100000, s0  }
0x78: {  	[sflag:s0] =	ssyncadd.tile.s32 @!p0 $0x1;
	_ =	shalt  }
.Lfunc_end2:
_tile_overlayer_lowered:
.L_overlay_start_2:
0x79: {  	(tag) =	ssettag $0x2  }
0x7a: {  	s0 =	rddreg [dreg:$0x0];
	s2 =	stileid.u32  }
0x7b: {  	s1 =	rddreg [dreg:$0x1];
	p0 =	sne.s32 s2, $0x0  }
0x7c: {  	s3 =	rddreg [dreg:$0x2];
	[bflag:$0x3] =	sbarrier.arrive $0xFFFF;
	s2 =	simm.s32 @!p0 $0x1C05  }
0x7d: {  	[timem:s3], [sflag:s2] =	dma.local @!p0 [hbm:s0], s1  }
0x7e: {  	s0 =	simm.s32 @!p0 $0x5  }
0x7f: {  	_ =	swait.ge @!p0 [sflag:s0], s1  }
0x80: {  	s1 =	ssub.s32 @!p0 $0x0, s1;
	[sflag:s0] =	ssyncset.done @!p0 $0x0  }
0x81: {  	[sflag:s0] =	ssyncadd.s32 @!p0 s1  }
0x82: {  	[bflag:$0x3] =	sbarrier.arrive $0xFFFF  }
0x83: {  	_ =	shalt  }

// kernel: kernel.32.cloned.1.call-start
scs
__scs_entry_jumppad:
0x0: {  	(pc) =	sbr.rel $0x88, $3  }
0x1: {  	(tag) =	ssettag $0x0;
	lr =	simm.s32 $0x1  }
0x2: {  	[smem:$0x3F8D] =	sst lr;
	_ =	strace $0xD0000000  }
0x3: {  	_ = 	snop  }
0x4: {  	_ = 	snop  }
0x5: {  	_ = 	snop  }
0x6: {  	_ = 	snop  }
0x7: {  	_ = 	snop  }
__scs_overlays_trampoline_lowered:
0x8: {  	[smem:$0x3F9C] =	sst s0  }
0x9: {  	[smem:$0x3F9D] =	sst s1  }
0xa: {  	[smem:$0x3F9E] =	sst s2  }
0xb: {  	[smem:$0x3F9F] =	sst s3  }
0xc: {  	[smem:$0x3FA0] =	sst s4  }
0xd: {  	[smem:$0x3FA1] =	sst s5  }
0xe: {  	[smem:$0x3FA2] =	sst s6  }
0xf: {  	[smem:$0x3FA3] =	sst s7  }
0x10: {  	[smem:$0x3FA4] =	sst s8  }
0x11: {  	[smem:$0x3FA5] =	sst s9;
	s0 =	simm.s32 @!p0 $0x0  }
0x12: {  	s1 =	sld [smem:$0x3F8B];
	s0 =	simm.s32 @p0 $0x1  }
0x13: {  	[smem:$0x3FA6] =	sst s0;
	s0 =	simm.s32 @!p1 $0x0  }
0x14: {  	s2 =	sld [smem:$0x3F8A];
	s0 =	simm.s32 @p1 $0x1  }
0x15: {  	[smem:$0x3FA7] =	sst s0;
	s0 =	simm.s32 @!p2 $0x0  }
0x16: {  	s3 =	sld [smem:$0x3FDB];
	s0 =	simm.s32 @p2 $0x1  }
0x17: {  	s4 =	simm.s32 $0x1BF5;
	[smem:$0x3FA9] =	sst s0  }
0x18: {  	s0 =	sld [smem:$0x3F8C];
	_ =	swait.ge [sflag:s4], $0x0  }
0x19: {  	s7 =	sld [smem:$0x3F8D]  }
0x1a: {  	s8 =	sadd.s32 $0xFFFFE003, lr  }
0x1b: {  	s9 =	sadd.s32 $0xFFFFFEF7, lr;
	s5 =	simm.s32 $0xFFFFFFFF;
	p2 =	slt.u32 s8, $0xFFFFF086  }
0x1c: {  	p1 =	slt.u32 s9, $0xF7A;
	s5 =	simm.s32 @!p2 $0x0  }
0x1d: {  	s5 =	simm.s32 @p1 $0x1;
	p0 =	seq.s32 s7, s2  }
0x1e: {  	s7 =	smul.u32 @!p0 $0xF7A, s2;
	p2 =	seq.s32 @!p0 s5, $0x0  }
0x1f: {  	s9 =	smul.u32 $0xF7A, s1;
	s8 =	simm.s32 @!p0 $0x1BF5;
	p2 =	por !p2, p0  }
0x20: {  	[sflag:s8] =	ssyncset.s32 @!p0 $0xFFFFF086;
	s6 =	sadd.s32 @!p0 s3, s7;
	s7 =	simm.s32 @!p0 $0x108  }
0x21: {  	s3 =	sadd.s32 s3, s9;
	s6 =	sadd.s32 @!p0 $0x88, s6;
	s7 =	simm.s32 @p2 $0x1082  }
0x22: {  	[simem:s7], [sflag:s8] =	dma.local @!p0 [hbm:s6], $0xF7A  }
0x23: {  	s9 =	sor.u32 $0xD0000000, s2;
	s6 =	simm.s32 $0x108;
	_ =	swait.ge @!p0 [sflag:s8], $0x0  }
0x24: {  	s3 =	sadd.s32 $0x88, s3;
	s6 =	simm.s32 @!p1 $0x1082;
	[sflag:s4] =	ssyncset.s32 $0xFFFFF086  }
0x25: {  	[simem:s6], [sflag:s4] =	dma.local [hbm:s3], $0xF7A  }
0x26: {  	[smem:$0x3F8D] =	sst s1;
	(tag) =	ssettag s2;
	_ =	strace s9  }
0x27: {  	s1 =	sld [smem:$0x3F9D]  }
0x28: {  	s2 =	sld [smem:$0x3F9E]  }
0x29: {  	s4 =	sld [smem:$0x3FA0]  }
0x2a: {  	p0 =	seq.s32 s5, $0x0;
	s5 =	sld [smem:$0x3FA1]  }
0x2b: {  	s6 =	sld [smem:$0x3FA2]  }
0x2c: {  	s7 =	sld [smem:$0x3FA3]  }
0x2d: {  	s3 =	simm.s32 $0x108;
	s8 =	sld [smem:$0x3FA4]  }
0x2e: {  	s3 =	simm.s32 @!p0 $0x1082;
	s9 =	sld [smem:$0x3FA5]  }
0x2f: {  	lr =	sadd.s32 s0, s3;
	s0 =	sld [smem:$0x3F9C]  }
0x30: {  	s3 =	sld [smem:$0x3F9F]  }
0x31: {  	[smem:$0x3FA8] =	sst s10  }
0x32: {  	s10 =	sld [smem:$0x3FA6];
	_ =	sdelay $0x3  }
0x33: {  	p0 =	seq.s32 s10, $0x1;
	s10 =	sld [smem:$0x3FA8];
	_ =	sdelay $0x3  }
0x34: {  	[smem:$0x3FA8] =	sst s10  }
0x35: {  	s10 =	sld [smem:$0x3FA7];
	_ =	sdelay $0x3  }
0x36: {  	p1 =	seq.s32 s10, $0x1;
	s10 =	sld [smem:$0x3FA8];
	_ =	sdelay $0x3  }
0x37: {  	[smem:$0x3FA8] =	sst s10  }
0x38: {  	s10 =	sld [smem:$0x3FA9]  }
0x39: {  	_ = 	snop;
	(pc) =	sbr.ind lr, $3  }
0x3a: {  	_ = 	snop  }
0x3b: {  	_ = 	snop  }
0x3c: {  	p2 =	seq.s32 s10, $0x1;
	s10 =	sld [smem:$0x3FA8]  }
0x3d: {  	_ =	shalt  }
0x3e: {  	_ =	shalt  }
0x3f: {  	_ =	shalt  }
0x40: {  	_ =	shalt  }
0x41: {  	_ =	shalt  }
0x42: {  	_ =	shalt  }
0x43: {  	_ =	shalt  }
0x44: {  	_ =	shalt  }
0x45: {  	_ =	shalt  }
0x46: {  	_ =	shalt  }
0x47: {  	_ =	shalt  }
0x48: {  	_ =	shalt  }
0x49: {  	_ =	shalt  }
0x4a: {  	_ =	shalt  }
0x4b: {  	_ =	shalt  }
0x4c: {  	_ =	shalt  }
0x4d: {  	_ =	shalt  }
0x4e: {  	_ =	shalt  }
0x4f: {  	_ =	shalt  }
0x50: {  	_ =	shalt  }
0x51: {  	_ =	shalt  }
0x52: {  	_ =	shalt  }
0x53: {  	_ =	shalt  }
0x54: {  	_ =	shalt  }
0x55: {  	_ =	shalt  }
0x56: {  	_ =	shalt  }
0x57: {  	_ =	shalt  }
0x58: {  	_ =	shalt  }
0x59: {  	_ =	shalt  }
0x5a: {  	_ =	shalt  }
0x5b: {  	_ =	shalt  }
0x5c: {  	_ =	shalt  }
0x5d: {  	_ =	shalt  }
0x5e: {  	_ =	shalt  }
0x5f: {  	_ =	shalt  }
0x60: {  	_ =	shalt  }
0x61: {  	_ =	shalt  }
0x62: {  	_ =	shalt  }
0x63: {  	_ =	shalt  }
0x64: {  	_ =	shalt  }
0x65: {  	_ =	shalt  }
0x66: {  	_ =	shalt  }
0x67: {  	_ =	shalt  }
0x68: {  	_ =	shalt  }
0x69: {  	_ =	shalt  }
0x6a: {  	_ =	shalt  }
0x6b: {  	_ =	shalt  }
0x6c: {  	_ =	shalt  }
0x6d: {  	_ =	shalt  }
0x6e: {  	_ =	shalt  }
0x6f: {  	_ =	shalt  }
0x70: {  	_ =	shalt  }
0x71: {  	_ =	shalt  }
0x72: {  	_ =	shalt  }
0x73: {  	_ =	shalt  }
0x74: {  	_ =	shalt  }
0x75: {  	_ =	shalt  }
0x76: {  	_ =	shalt  }
0x77: {  	_ =	shalt  }
0x78: {  	_ =	shalt  }
0x79: {  	_ =	shalt  }
0x7a: {  	_ =	shalt  }
0x7b: {  	_ =	shalt  }
0x7c: {  	_ =	shalt  }
0x7d: {  	_ =	shalt  }
0x7e: {  	_ =	shalt  }
0x7f: {  	_ =	shalt  }
0x80: {  	_ =	shalt  }
0x81: {  	_ =	shalt  }
0x82: {  	_ =	shalt  }
0x83: {  	_ =	shalt  }
0x84: {  	_ =	shalt  }
0x85: {  	_ =	shalt  }
0x86: {  	_ =	shalt  }
0x87: {  	_ =	shalt  }
.Lfunc_end0:
.L_simem_size_0:
called_computation.4_lowered:
.L_overlay_start_0:
0x88: {  	s2 =	sld [smem:$0x3FD9]  }
0x89: {  	s3 =	sld [smem:$0x3FFE];
	_ =	sdelay $0x1  }
0x8a: {  	s1 =	srdreg.scid  }
0x8b: {  	s0 =	sand.u32 $0x1, s1  }
0x8c: {  	s16 =	sshll.u32 s0, $0xA;
	s2 =	sadd.s32 s3, s2  }
0x8d: {  	s2 =	sadd.s32 s2, s16  }
0x8e: {  	[smem:$0x3FB4] =	sst s2  }
0x8f: {  	_ = 	snop  }
0x90: {  	(tm) =	ssettm $0x1  }
0x91: {  	s17 =	sld [smem:$0x3FFB];
	_ =	sdelay $0x3  }
0x92: {  	_ =	strace s17  }
0x93: {  	s2 =	sld [smem:$0x3FFC];
	_ =	sdelay $0x3  }
0x94: {  	_ =	strace s2  }
0x95: {  	s2 =	sld [smem:$0x3FFD];
	_ =	sdelay $0x3  }
0x96: {  	_ =	strace s2  }
0x97: {  	_ =	strace $0x8FFFFFFF  }
0x98: {  	s18 =	sld [smem:$0x3FDB];
	_ =	sdelay $0x1  }
0x99: {  	s19 =	simm.s32 $_scs_section_size  }
0x9a: {  	s4 =	simm.s32 $_size__tile_overlayer_lowered;
	s5 =	simm.s32 $_tile_overlayer_lowered  }
0x9b: {  	s22 =	simm.s32 $0x1BFF;
	s21 =	sshll.u32 s5, $0x1;
	s2 =	sadd.s32 s19, s18  }
0x9c: {  	s6 =	simm.s32 $0x0;
	s20 =	sshll.u32 s4, $0x1;
	s4 =	sadd.s32 s21, s2  }
0x9d: {  	[timem:s6], [sflag:s22] =	dma.local [hbm:s4], s20  }
0x9e: {  	_ =	swait.ge [sflag:s22], s20  }
0x9f: {  	s3 =	ssub.s32 $0x0, s20;
	[sflag:s22] =	ssyncset.done $0x0  }
0xa0: {  	[sflag:s22] =	ssyncadd.s32 s3;
	_ =	sdelay $0x1  }
0xa1: {  	s23 =	simm.s32 $0x1B8B  }
0xa2: {  	_ =	swait.ge [sflag:s23], $0x1  }
0xa3: {  	[sflag:s23] =	ssyncset.done $0x0  }
0xa4: {  	s25 =	simm.s32 $0x1B8E;
	s24 =	sld [smem:$0x3FFE];
	[sflag:s23] =	ssyncadd.s32 $0xFFFFFFFF  }
0xa5: {  	s26 =	simm.s32 $execute0_lowered;
	[smem:$0x3FD2] =	sst s25  }
0xa6: {  	s4 =	sshll.u32 s26, $0x1;
	_ =	strace $0x80000052;
	[dreg:$0x1] =	wrdreg $0xFFFFFFFF  }
0xa7: {  	s28 =	simm.s32 $_size_execute0_lowered;
	s2 =	sadd.s32 s2, s4;
	[dreg:$0x0] =	wrdreg $0x0  }
0xa8: {  	s4 =	sshll.u32 s28, $0x1;
	[dreg:$0x2] =	wrdreg s2  }
0xa9: {  	[dreg:$0x3] =	wrdreg s4  }
0xaa: {  	[dreg:$0x4] =	wrdreg $0xC0  }
0xab: {  	_ =	task [dreg:s6], $0x5FFFF  }
0xac: {  	[dreg:$0x1] =	wrdreg $0xFFFFFFFF  }
0xad: {  	[dreg:$0x0] =	wrdreg $0x60  }
0xae: {  	[dreg:$0x2] =	wrdreg s24  }
0xaf: {  	[dreg:$0x3] =	wrdreg $0x9  }
0xb0: {  	_ =	task.clear_ibuf [dreg:s6], $0x4FFFF;
	_ =	strace $0x90000052  }
0xb1: {  	s29 =	simm.s32 $0x9;
	_ =	strace $0x80000054  }
0xb2: {  	_ =	swait.ge [sflag:s29], $0x1  }
0xb3: {  	[sflag:s29] =	ssyncadd.s32 $0xFFFFFFFF  }
0xb4: {  	_ =	strace $0x90000054  }
0xb5: {  	_ =	sfence  }
0xb6: {  	s30 =	sld [smem:$0x0];
	_ =	sdelay $0x2  }
0xb7: {  	s31 =	sshll.u32 s1, $0xD;
	s1 =	sshrl.u32 s1, $0x2  }
0xb8: {  	s3 =	sand.u32 $0x4000, s31;
	s1 =	sadd.s32 s1, s30  }
0xb9: {  	s0 =	sor.u32 s3, s0;
	s1 =	sshll.u32 s1, $0x11  }
0xba: {  	s0 =	sor.u32 s1, s0  }
0xbb: {  	s0 =	sadd.s32 $0x8F2B, s0  }
0xbc: {  	[sflag:s0] =	ssyncadd.remote.s32 $0x1  }
0xbd: {  	_ =	sfence.sel $0xFFFF  }
0xbe: {  	[dreg:$0x0] =	wrdreg $0xFFFFFFFF;
	(pc) =	sbr.abs _section_cstart, $3  }
0xbf: {  	[dreg:$0x1] =	wrdreg $0xFFFFFFFF  }
0xc0: {  	_ =	task.clear_ibuf [dreg:s6], $0x2FFFF;
	_ =	strace $0x9FFFFFFF  }
0xc1: {  	(tm) =	ssettm $0x7FFFFFFF  }
tec
execute0_lowered:
.L_overlay_start_1:
0x0: {  	(tag) =	ssettag $0x1  }
0x1: {  	s0 =	rddreg [dreg:$0x0]  }
0x2: {  	s2 =	simm.s32 $0x0;
	s1 =	srdreg.scid;
	s7 =	stileid.u32  }
0x3: {  	s9 =	simm.s32 $0x4800;
	s10 =	simm.s32 $0x5000;
	s11 =	simm.s32 $0x5800  }
0x4: {  	s12 =	simm.s32 $0x6000;
	s13 =	simm.s32 $0x6800;
	s14 =	simm.s32 $0x7000  }
0x5: {  	s15 =	simm.s32 $0x7800;
	s16 =	simm.s32 $0x8000;
	s17 =	simm.s32 $0x8800  }
0x6: {  	s18 =	simm.s32 $0x1;
	s19 =	simm.s32 $0x9000;
	s20 =	simm.s32 $0x9800  }
0x7: {  	s21 =	simm.s32 $0xA000;
	s22 =	simm.s32 $0xA800;
	s23 =	simm.s32 $0xB000  }
0x8: {  	s24 =	simm.s32 $0xB800;
	s25 =	simm.s32 $0xC000;
	s26 =	simm.s32 $0xC800  }
0x9: {  	s28 =	simm.s32 $0xD000;
	s29 =	simm.s32 $0xD800;
	s30 =	simm.s32 $0x2  }
0xa: {  	s31 =	simm.s32 $0x0;
	[smem:$0x7FF] =	sst s2;
	s1 =	sand.u32 $0x1, s1  }
0xb: {  	s3 =	sshll.u32 s7, $0x1;
	s7 =	smul.u32 $0x9C400, s7;
	_ =	strace $0x80000053  }
0xc: {  	s4 =	sor.u32 s1, s3;
	s6 =	ssub.s32 $0x2, s1;
	s1 =	smul.u32 $0x4E200, s1  }
0xd: {  	s3 =	sadd.s32 $0x59E800, s0;
	s5 =	sshll.u32 s4, $0xB;
	s4 =	smul.u32 $0x271000, s4  }
0xe: {  	s8 =	sshrl.u32 s6, $0x1;
	s5 =	sadd.s32 s5, s0;
	s0 =	sadd.s32 $0xA67800, s0  }
0xf: {  	s6 =	ssub.s32 s6, s8;
	s8 =	simm.s32 $0x4000;
	s4 =	sshrl.u32 s4, $0x3  }
0x10: {  	v2 =	vlaneseq.u32;
	s7 =	sadd.s32 s7, s0;
	s5 =	sadd.s32 $0xA2B600, s5;
	s6 =	smax.u32 s6, $0x1  }
0x11: {  	vm0 =	vmmov $0xffff;
	v1 =	vshrl.u32 v2, $0x3;
	[dreg:$0x3] =	wrdreg s5;
	s0 =	sadd.s32 s0, s4;
	s1 =	sadd.s32 s1, s7  }
0x12: {  	v0 =	vand.u32 $0x7, v2;
	v2 =	vor.u32 $0x8, v2;
	v1 =	vmul.u32 $0x8, v1;
	s7 =	simm.s32 $0x3;
	s5 =	sadd.s32 $0x4D800, s0;
	[dreg:$0x2] =	wrdreg s1  }
.LBB2_1:
0x13: {  	s0 =	rddreg [dreg:$0x3]  }
0x14: {  	[tilespmem:s2], [sflag:$0x3] =	stream.linear.gather [hbm4b:s0+s2], $0x3E80, $0x38;
	[tilespmem:$0xE000] =	vst v63  }
0x15: {  	_ =	swait.ge [sflag:s7], $0x3E80  }
0x16: {  	[sflag:s7] =	ssyncset.done $0x0  }
0x17: {  	[sflag:s7] =	ssyncadd.s32 $0xFFFFC180  }
0x18: {  	v3 =	vld [tilespmem:$0x0];
	_ =	sdelay $0x4  }
0x19: {  	v4 =	vshll.u32 v3, $0x1  }
0x1a: {  	v3 =	vand.u32 $0x7, v3;
	v4 =	vand.u32 $0xFFFFFFF0, v4  }
0x1b: {  	v3 =	vor.u32 v3, v4  }
0x1c: {  	v4 =	vperm.xlane v3, v0;
	_ =	sdelay $0x1  }
0x1d: {  	v3 =	vperm.xlane v3, v2;
	v4 =	vadd.s32 v1, v4;
	_ =	sdelay $0x1  }
0x1e: {  	v3 =	vadd.s32 v1, v3;
	_ =	sdelay $0x2  }
0x1f: {  	[tilespmem:s8], [sflag:$0x1] =	stream.indirect_vreg.gather [hbm4b:s3+s2], $0x80, v4, vm0, $0xb8;
	[tilespmem:$0xE000] =	vst v63  }
0x20: {  	_ = 	snop  }
0x21: {  	[tilespmem:s9], [sflag:$0x1] =	stream.indirect_vreg.gather [hbm4b:s3+s2], $0x80, v3, vm0, $0xb8;
	[tilespmem:$0xE000] =	vst v63  }
0x22: {  	v3 =	vld [tilespmem:$0x10];
	_ =	sdelay $0x4  }
0x23: {  	v60 =	vshll.u32 v3, $0x1  }
0x24: {  	v3 =	vand.u32 $0x7, v3;
	v4 =	vand.u32 $0xFFFFFFF0, v60  }
0x25: {  	v3 =	vor.u32 v3, v4  }
0x26: {  	v4 =	vperm.xlane v3, v0;
	_ =	sdelay $0x1  }
0x27: {  	v3 =	vperm.xlane v3, v2;
	v4 =	vadd.s32 v1, v4;
	_ =	sdelay $0x1  }
0x28: {  	v3 =	vadd.s32 v1, v3;
	_ =	sdelay $0x2  }
0x29: {  	[tilespmem:s10], [sflag:$0x1] =	stream.indirect_vreg.gather [hbm4b:s3+s2], $0x80, v4, vm0, $0xb8;
	[tilespmem:$0xE000] =	vst v63  }
0x2a: {  	_ = 	snop  }
0x2b: {  	[tilespmem:s11], [sflag:$0x1] =	stream.indirect_vreg.gather [hbm4b:s3+s2], $0x80, v3, vm0, $0xb8;
	[tilespmem:$0xE000] =	vst v63  }
0x2c: {  	v3 =	vld [tilespmem:$0x20];
	_ =	sdelay $0x4  }
0x2d: {  	v61 =	vshll.u32 v3, $0x1  }
0x2e: {  	v3 =	vand.u32 $0x7, v3;
	v4 =	vand.u32 $0xFFFFFFF0, v61  }
0x2f: {  	v3 =	vor.u32 v3, v4  }
0x30: {  	v4 =	vperm.xlane v3, v0;
	_ =	sdelay $0x1  }
0x31: {  	v3 =	vperm.xlane v3, v2;
	v4 =	vadd.s32 v1, v4;
	_ =	sdelay $0x1  }
0x32: {  	v3 =	vadd.s32 v1, v3;
	_ =	sdelay $0x2  }
0x33: {  	[tilespmem:s12], [sflag:$0x1] =	stream.indirect_vreg.gather [hbm4b:s3+s2], $0x80, v4, vm0, $0xb8;
	[tilespmem:$0xE000] =	vst v63  }
0x34: {  	_ = 	snop  }
0x35: {  	[tilespmem:s13], [sflag:$0x1] =	stream.indirect_vreg.gather [hbm4b:s3+s2], $0x80, v3, vm0, $0xb8;
	[tilespmem:$0xE000] =	vst v63  }
0x36: {  	v3 =	vld [tilespmem:$0x30];
	_ =	sdelay $0x4  }
0x37: {  	v62 =	vshll.u32 v3, $0x1  }
0x38: {  	v3 =	vand.u32 $0x7, v3;
	v4 =	vand.u32 $0xFFFFFFF0, v62  }
0x39: {  	v3 =	vor.u32 v3, v4  }
0x3a: {  	v4 =	vperm.xlane v3, v0;
	_ =	sdelay $0x1  }
0x3b: {  	v3 =	vperm.xlane v3, v2;
	v4 =	vadd.s32 v1, v4;
	_ =	sdelay $0x1  }
0x3c: {  	v3 =	vadd.s32 v1, v3;
	_ =	sdelay $0x2  }
0x3d: {  	[tilespmem:s14], [sflag:$0x1] =	stream.indirect_vreg.gather [hbm4b:s3+s2], $0x80, v4, vm0, $0xb8;
	[tilespmem:$0xE000] =	vst v63  }
0x3e: {  	_ = 	snop  }
0x3f: {  	[tilespmem:s15], [sflag:$0x1] =	stream.indirect_vreg.gather [hbm4b:s3+s2], $0x80, v3, vm0, $0xb8;
	[tilespmem:$0xE000] =	vst v63  }
0x40: {  	v3 =	vld [tilespmem:$0x40];
	_ =	sdelay $0x4  }
0x41: {  	v63 =	vshll.u32 v3, $0x1  }
0x42: {  	v3 =	vand.u32 $0x7, v3;
	v4 =	vand.u32 $0xFFFFFFF0, v63  }
0x43: {  	v3 =	vor.u32 v3, v4  }
0x44: {  	v4 =	vperm.xlane v3, v0;
	_ =	sdelay $0x1  }
0x45: {  	v3 =	vperm.xlane v3, v2;
	v4 =	vadd.s32 v1, v4;
	_ =	sdelay $0x1  }
0x46: {  	v3 =	vadd.s32 v1, v3;
	_ =	sdelay $0x2  }
0x47: {  	[tilespmem:s16], [sflag:$0x1] =	stream.indirect_vreg.gather [hbm4b:s3+s2], $0x80, v4, vm0, $0xb8;
	[tilespmem:$0xE000] =	vst v63  }
0x48: {  	s1 =	simm.s32 $0x0;
	s0 =	simm.s32 $0xA0  }
0x49: {  	[tilespmem:s17], [sflag:$0x1] =	stream.indirect_vreg.gather [hbm4b:s3+s2], $0x80, v3, vm0, $0xb8;
	[tilespmem:$0xE000] =	vst v63  }
.LBB2_2:
0x4a: {  	_ =	swait.ge [sflag:s18], $0x5000  }
0x4b: {  	[sflag:s18] =	ssyncset.done $0x0  }
0x4c: {  	[sflag:s18] =	ssyncadd.s32 $0xFFFFB000  }
0x4d: {  	v3 =	vld [tilespmem:s0+$0xFFFFFFE0];
	_ =	sdelay $0x4  }
0x4e: {  	v4 =	vshll.u32 v3, $0x1  }
0x4f: {  	v3 =	vand.u32 $0x7, v3;
	v4 =	vand.u32 $0xFFFFFFF0, v4  }
0x50: {  	v3 =	vor.u32 v3, v4  }
0x51: {  	v4 =	vperm.xlane v3, v0;
	_ =	sdelay $0x1  }
0x52: {  	v3 =	vperm.xlane v3, v2;
	v4 =	vadd.s32 v1, v4;
	_ =	sdelay $0x1  }
0x53: {  	v3 =	vadd.s32 v1, v3;
	_ =	sdelay $0x2  }
0x54: {  	[tilespmem:s19], [sflag:$0x2] =	stream.indirect_vreg.gather [hbm4b:s3+s2], $0x80, v4, vm0, $0xb8;
	[tilespmem:$0xE000] =	vst v63  }
0x55: {  	_ = 	snop  }
0x56: {  	[tilespmem:s20], [sflag:$0x2] =	stream.indirect_vreg.gather [hbm4b:s3+s2], $0x80, v3, vm0, $0xb8;
	[tilespmem:$0xE000] =	vst v63  }
0x57: {  	v3 =	vld [tilespmem:s0+$0xFFFFFFF0];
	_ =	sdelay $0x4  }
0x58: {  	v55 =	vshll.u32 v3, $0x1  }
0x59: {  	v3 =	vand.u32 $0x7, v3;
	v4 =	vand.u32 $0xFFFFFFF0, v55  }
0x5a: {  	v3 =	vor.u32 v3, v4  }
0x5b: {  	v4 =	vperm.xlane v3, v0;
	_ =	sdelay $0x1  }
0x5c: {  	v3 =	vperm.xlane v3, v2;
	v4 =	vadd.s32 v1, v4;
	_ =	sdelay $0x1  }
0x5d: {  	v3 =	vadd.s32 v1, v3;
	_ =	sdelay $0x2  }
0x5e: {  	[tilespmem:s21], [sflag:$0x2] =	stream.indirect_vreg.gather [hbm4b:s3+s2], $0x80, v4, vm0, $0xb8;
	[tilespmem:$0xE000] =	vst v63  }
0x5f: {  	_ = 	snop  }
0x60: {  	[tilespmem:s22], [sflag:$0x2] =	stream.indirect_vreg.gather [hbm4b:s3+s2], $0x80, v3, vm0, $0xb8;
	[tilespmem:$0xE000] =	vst v63  }
0x61: {  	v3 =	vld [tilespmem:s0+$0x0];
	_ =	sdelay $0x4  }
0x62: {  	v56 =	vshll.u32 v3, $0x1  }
0x63: {  	v3 =	vand.u32 $0x7, v3;
	v4 =	vand.u32 $0xFFFFFFF0, v56  }
0x64: {  	v3 =	vor.u32 v3, v4  }
0x65: {  	v4 =	vperm.xlane v3, v0;
	_ =	sdelay $0x1  }
0x66: {  	v3 =	vperm.xlane v3, v2;
	v4 =	vadd.s32 v1, v4;
	_ =	sdelay $0x1  }
0x67: {  	v3 =	vadd.s32 v1, v3;
	_ =	sdelay $0x2  }
0x68: {  	[tilespmem:s23], [sflag:$0x2] =	stream.indirect_vreg.gather [hbm4b:s3+s2], $0x80, v4, vm0, $0xb8;
	[tilespmem:$0xE000] =	vst v63  }
0x69: {  	_ = 	snop  }
0x6a: {  	[tilespmem:s24], [sflag:$0x2] =	stream.indirect_vreg.gather [hbm4b:s3+s2], $0x80, v3, vm0, $0xb8;
	[tilespmem:$0xE000] =	vst v63  }
0x6b: {  	v3 =	vld [tilespmem:s0+$0x10];
	_ =	sdelay $0x4  }
0x6c: {  	v57 =	vshll.u32 v3, $0x1  }
0x6d: {  	v3 =	vand.u32 $0x7, v3;
	v4 =	vand.u32 $0xFFFFFFF0, v57  }
0x6e: {  	v3 =	vor.u32 v3, v4  }
0x6f: {  	v4 =	vperm.xlane v3, v0;
	_ =	sdelay $0x1  }
0x70: {  	v3 =	vperm.xlane v3, v2;
	v4 =	vadd.s32 v1, v4;
	_ =	sdelay $0x1  }
0x71: {  	v3 =	vadd.s32 v1, v3;
	_ =	sdelay $0x2  }
0x72: {  	[tilespmem:s25], [sflag:$0x2] =	stream.indirect_vreg.gather [hbm4b:s3+s2], $0x80, v4, vm0, $0xb8;
	[tilespmem:$0xE000] =	vst v63  }
0x73: {  	_ = 	snop  }
0x74: {  	[tilespmem:s26], [sflag:$0x2] =	stream.indirect_vreg.gather [hbm4b:s3+s2], $0x80, v3, vm0, $0xb8;
	[tilespmem:$0xE000] =	vst v63  }
0x75: {  	v3 =	vld [tilespmem:s0+$0x20];
	_ =	sdelay $0x4  }
0x76: {  	v58 =	vshll.u32 v3, $0x1  }
0x77: {  	v3 =	vand.u32 $0x7, v3;
	v4 =	vand.u32 $0xFFFFFFF0, v58  }
0x78: {  	v3 =	vor.u32 v3, v4  }
0x79: {  	v4 =	vperm.xlane v3, v0;
	_ =	sdelay $0x1  }
0x7a: {  	v3 =	vperm.xlane v3, v2;
	v4 =	vadd.s32 v1, v4;
	_ =	sdelay $0x1  }
0x7b: {  	v3 =	vadd.s32 v1, v3;
	_ =	sdelay $0x2  }
0x7c: {  	[tilespmem:s28], [sflag:$0x2] =	stream.indirect_vreg.gather [hbm4b:s3+s2], $0x80, v4, vm0, $0xb8;
	[tilespmem:$0xE000] =	vst v63  }
0x7d: {  	s4 =	rddreg [dreg:$0x2]  }
0x7e: {  	[tilespmem:s29], [sflag:$0x2] =	stream.indirect_vreg.gather [hbm4b:s3+s2], $0x80, v3, vm0, $0xb8;
	[tilespmem:$0xE000] =	vst v63  }
0x7f: {  	s4 =	sadd.s32 s1, s4  }
0x80: {  	[hbm4b:s4+s2] =	stream.linear.scatter [tilespmem:s8], [sflag:$0x3], $0x5000, $0x38;
	[tilespmem:$0xE000] =	vst v63  }
0x81: {  	_ =	swait.ge [sflag:s7], $0x5000  }
0x82: {  	[sflag:s7] =	ssyncset.done $0x0  }
0x83: {  	[sflag:s7] =	ssyncadd.s32 $0xFFFFB000  }
0x84: {  	_ =	swait.ge [sflag:s30], $0x5000  }
0x85: {  	[sflag:s30] =	ssyncset.done $0x0  }
0x86: {  	[sflag:s30] =	ssyncadd.s32 $0xFFFFB000  }
0x87: {  	v3 =	vld [tilespmem:s0+$0x60];
	_ =	sdelay $0x4  }
0x88: {  	v59 =	vshll.u32 v3, $0x1  }
0x89: {  	v3 =	vand.u32 $0x7, v3;
	v4 =	vand.u32 $0xFFFFFFF0, v59  }
0x8a: {  	v3 =	vor.u32 v3, v4  }
0x8b: {  	v4 =	vperm.xlane v3, v0;
	_ =	sdelay $0x1  }
0x8c: {  	v3 =	vperm.xlane v3, v2;
	v4 =	vadd.s32 v1, v4;
	_ =	sdelay $0x1  }
0x8d: {  	v3 =	vadd.s32 v1, v3;
	_ =	sdelay $0x2  }
0x8e: {  	[tilespmem:s8], [sflag:$0x1] =	stream.indirect_vreg.gather [hbm4b:s3+s2], $0x80, v4, vm0, $0xb8;
	[tilespmem:$0xE000] =	vst v63  }
0x8f: {  	_ = 	snop  }
0x90: {  	[tilespmem:s9], [sflag:$0x1] =	stream.indirect_vreg.gather [hbm4b:s3+s2], $0x80, v3, vm0, $0xb8;
	[tilespmem:$0xE000] =	vst v63  }
0x91: {  	v3 =	vld [tilespmem:s0+$0x70];
	_ =	sdelay $0x4  }
0x92: {  	v60 =	vshll.u32 v3, $0x1  }
0x93: {  	v3 =	vand.u32 $0x7, v3;
	v4 =	vand.u32 $0xFFFFFFF0, v60  }
0x94: {  	v3 =	vor.u32 v3, v4  }
0x95: {  	v4 =	vperm.xlane v3, v0;
	_ =	sdelay $0x1  }
0x96: {  	v3 =	vperm.xlane v3, v2;
	v4 =	vadd.s32 v1, v4;
	_ =	sdelay $0x1  }
0x97: {  	v3 =	vadd.s32 v1, v3;
	_ =	sdelay $0x2  }
0x98: {  	[tilespmem:s10], [sflag:$0x1] =	stream.indirect_vreg.gather [hbm4b:s3+s2], $0x80, v4, vm0, $0xb8;
	[tilespmem:$0xE000] =	vst v63  }
0x99: {  	_ = 	snop  }
0x9a: {  	[tilespmem:s11], [sflag:$0x1] =	stream.indirect_vreg.gather [hbm4b:s3+s2], $0x80, v3, vm0, $0xb8;
	[tilespmem:$0xE000] =	vst v63  }
0x9b: {  	v3 =	vld [tilespmem:s0+$0x80];
	_ =	sdelay $0x4  }
0x9c: {  	v61 =	vshll.u32 v3, $0x1  }
0x9d: {  	v3 =	vand.u32 $0x7, v3;
	v4 =	vand.u32 $0xFFFFFFF0, v61  }
0x9e: {  	v3 =	vor.u32 v3, v4  }
0x9f: {  	v4 =	vperm.xlane v3, v0;
	_ =	sdelay $0x1  }
0xa0: {  	v3 =	vperm.xlane v3, v2;
	v4 =	vadd.s32 v1, v4;
	_ =	sdelay $0x1  }
0xa1: {  	v3 =	vadd.s32 v1, v3;
	_ =	sdelay $0x2  }
0xa2: {  	[tilespmem:s12], [sflag:$0x1] =	stream.indirect_vreg.gather [hbm4b:s3+s2], $0x80, v4, vm0, $0xb8;
	[tilespmem:$0xE000] =	vst v63  }
0xa3: {  	_ = 	snop  }
0xa4: {  	[tilespmem:s13], [sflag:$0x1] =	stream.indirect_vreg.gather [hbm4b:s3+s2], $0x80, v3, vm0, $0xb8;
	[tilespmem:$0xE000] =	vst v63  }
0xa5: {  	v3 =	vld [tilespmem:s0+$0x90];
	_ =	sdelay $0x4  }
0xa6: {  	v62 =	vshll.u32 v3, $0x1  }
0xa7: {  	v3 =	vand.u32 $0x7, v3;
	v4 =	vand.u32 $0xFFFFFFF0, v62  }
0xa8: {  	v3 =	vor.u32 v3, v4  }
0xa9: {  	v4 =	vperm.xlane v3, v0;
	_ =	sdelay $0x1  }
0xaa: {  	v3 =	vperm.xlane v3, v2;
	v4 =	vadd.s32 v1, v4;
	_ =	sdelay $0x1  }
0xab: {  	v3 =	vadd.s32 v1, v3;
	_ =	sdelay $0x2  }
0xac: {  	[tilespmem:s14], [sflag:$0x1] =	stream.indirect_vreg.gather [hbm4b:s3+s2], $0x80, v4, vm0, $0xb8;
	[tilespmem:$0xE000] =	vst v63  }
0xad: {  	_ = 	snop  }
0xae: {  	[tilespmem:s15], [sflag:$0x1] =	stream.indirect_vreg.gather [hbm4b:s3+s2], $0x80, v3, vm0, $0xb8;
	[tilespmem:$0xE000] =	vst v63  }
0xaf: {  	v3 =	vld [tilespmem:s0+$0xA0];
	_ =	sdelay $0x4  }
0xb0: {  	v63 =	vshll.u32 v3, $0x1  }
0xb1: {  	v3 =	vand.u32 $0x7, v3;
	v4 =	vand.u32 $0xFFFFFFF0, v63  }
0xb2: {  	v3 =	vor.u32 v3, v4  }
0xb3: {  	v4 =	vperm.xlane v3, v0;
	_ =	sdelay $0x1  }
0xb4: {  	v3 =	vperm.xlane v3, v2;
	v4 =	vadd.s32 v1, v4;
	_ =	sdelay $0x1  }
0xb5: {  	v3 =	vadd.s32 v1, v3;
	_ =	sdelay $0x2  }
0xb6: {  	[tilespmem:s16], [sflag:$0x1] =	stream.indirect_vreg.gather [hbm4b:s3+s2], $0x80, v4, vm0, $0xb8;
	[tilespmem:$0xE000] =	vst v63  }
0xb7: {  	p0 =	sne.s32 s1, $0x4C400  }
0xb8: {  	[tilespmem:s17], [sflag:$0x1] =	stream.indirect_vreg.gather [hbm4b:s3+s2], $0x80, v3, vm0, $0xb8;
	[tilespmem:$0xE000] =	vst v63  }
.Ltmp0:
0xb9: {  	s4 =	sadd.s32 $0xA00, s4;
	(pc) =	sbr.rel @p0 .LBB2_2-.Ltmp0, $4  }
0xba: {  	[hbm4b:s4+s2] =	stream.linear.scatter [tilespmem:s19], [sflag:$0x3], $0x5000, $0x38;
	[tilespmem:$0xE000] =	vst v63  }
0xbb: {  	_ =	swait.ge [sflag:s7], $0x5000  }
0xbc: {  	[sflag:s7] =	ssyncset.done $0x0  }
0xbd: {  	s1 =	sadd.s32 $0x1400, s1;
	s0 =	sadd.s32 $0x100, s0;
	[sflag:s7] =	ssyncadd.s32 $0xFFFFB000  }
0xbe: {  	_ =	swait.ge [sflag:s18], $0x5000;
	s31 =	sadd.s32 $0x1, s31  }
0xbf: {  	[sflag:s18] =	ssyncset.done $0x0;
	p0 =	sne.s32 s31, s6  }
.Ltmp1:
0xc0: {  	[sflag:s18] =	ssyncadd.s32 $0xFFFFB000;
	(pc) =	sbr.rel @p0 .LBB2_1-.Ltmp1, $4  }
0xc1: {  	[hbm4b:s5+s2] =	stream.linear.scatter [tilespmem:s8], [sflag:$0x3], $0x5000, $0x38;
	[tilespmem:$0xE000] =	vst v63  }
0xc2: {  	_ =	swait.ge [sflag:s7], $0x5000  }
0xc3: {  	[sflag:s7] =	ssyncset.done $0x0  }
0xc4: {  	[sflag:s7] =	ssyncadd.s32 $0xFFFFB000  }
0xc5: {  	_ =	sfence.sel $0x180000  }
0xc6: {  	[bflag:$0x0] =	sbarrier.arrive $0xFFFF  }
0xc7: {  	_ =	strace $0x90000053  }
0xc8: {  	s0 =	stileid.u32;
	[bflag:$0x2] =	sbarrier.arrive $0xFFFF  }
0xc9: {  	p0 =	sne.s32 s0, $0x0;
	s0 =	rddreg [dreg:$0x1]  }
0xca: {  	s0 =	sadd.s32 @!p0 $0x100000, s0  }
0xcb: {  	[sflag:s0] =	ssyncadd.tile.s32 @!p0 $0x1;
	_ =	shalt  }
.Lfunc_end2:
_tile_overlayer_lowered:
.L_overlay_start_2:
0xcc: {  	(tag) =	ssettag $0x2  }
0xcd: {  	s0 =	rddreg [dreg:$0x0];
	s2 =	stileid.u32  }
0xce: {  	s1 =	rddreg [dreg:$0x1];
	p0 =	sne.s32 s2, $0x0  }
0xcf: {  	s3 =	rddreg [dreg:$0x2];
	[bflag:$0x3] =	sbarrier.arrive $0xFFFF;
	s2 =	simm.s32 @!p0 $0x1C03  }
0xd0: {  	[timem:s3], [sflag:s2] =	dma.local @!p0 [hbm:s0], s1  }
0xd1: {  	s0 =	simm.s32 @!p0 $0x3  }
0xd2: {  	_ =	swait.ge @!p0 [sflag:s0], s1  }
0xd3: {  	s1 =	ssub.s32 @!p0 $0x0, s1;
	[sflag:s0] =	ssyncset.done @!p0 $0x0  }
0xd4: {  	[sflag:s0] =	ssyncadd.s32 @!p0 s1  }
0xd5: {  	[bflag:$0x3] =	sbarrier.arrive $0xFFFF  }
0xd6: {  	_ =	shalt  }

// kernel: kernel.35.cloned.1.call-start
scs
__scs_entry_jumppad:
0x0: {  	(pc) =	sbr.rel $0x88, $3  }
0x1: {  	(tag) =	ssettag $0x0;
	lr =	simm.s32 $0x1  }
0x2: {  	[smem:$0x3F8D] =	sst lr;
	_ =	strace $0xD0000000  }
0x3: {  	_ = 	snop  }
0x4: {  	_ = 	snop  }
0x5: {  	_ = 	snop  }
0x6: {  	_ = 	snop  }
0x7: {  	_ = 	snop  }
__scs_overlays_trampoline_lowered:
0x8: {  	[smem:$0x3F9C] =	sst s0  }
0x9: {  	[smem:$0x3F9D] =	sst s1  }
0xa: {  	[smem:$0x3F9E] =	sst s2  }
0xb: {  	[smem:$0x3F9F] =	sst s3  }
0xc: {  	[smem:$0x3FA0] =	sst s4  }
0xd: {  	[smem:$0x3FA1] =	sst s5  }
0xe: {  	[smem:$0x3FA2] =	sst s6  }
0xf: {  	[smem:$0x3FA3] =	sst s7  }
0x10: {  	[smem:$0x3FA4] =	sst s8  }
0x11: {  	[smem:$0x3FA5] =	sst s9;
	s0 =	simm.s32 @!p0 $0x0  }
0x12: {  	s1 =	sld [smem:$0x3F8B];
	s0 =	simm.s32 @p0 $0x1  }
0x13: {  	[smem:$0x3FA6] =	sst s0;
	s0 =	simm.s32 @!p1 $0x0  }
0x14: {  	s2 =	sld [smem:$0x3F8A];
	s0 =	simm.s32 @p1 $0x1  }
0x15: {  	[smem:$0x3FA7] =	sst s0;
	s0 =	simm.s32 @!p2 $0x0  }
0x16: {  	s3 =	sld [smem:$0x3FDB];
	s0 =	simm.s32 @p2 $0x1  }
0x17: {  	s4 =	simm.s32 $0x1BF5;
	[smem:$0x3FA9] =	sst s0  }
0x18: {  	s0 =	sld [smem:$0x3F8C];
	_ =	swait.ge [sflag:s4], $0x0  }
0x19: {  	s7 =	sld [smem:$0x3F8D]  }
0x1a: {  	s8 =	sadd.s32 $0xFFFFE003, lr  }
0x1b: {  	s9 =	sadd.s32 $0xFFFFFEF7, lr;
	s5 =	simm.s32 $0xFFFFFFFF;
	p2 =	slt.u32 s8, $0xFFFFF086  }
0x1c: {  	p1 =	slt.u32 s9, $0xF7A;
	s5 =	simm.s32 @!p2 $0x0  }
0x1d: {  	s5 =	simm.s32 @p1 $0x1;
	p0 =	seq.s32 s7, s2  }
0x1e: {  	s7 =	smul.u32 @!p0 $0xF7A, s2;
	p2 =	seq.s32 @!p0 s5, $0x0  }
0x1f: {  	s9 =	smul.u32 $0xF7A, s1;
	s8 =	simm.s32 @!p0 $0x1BF5;
	p2 =	por !p2, p0  }
0x20: {  	[sflag:s8] =	ssyncset.s32 @!p0 $0xFFFFF086;
	s6 =	sadd.s32 @!p0 s3, s7;
	s7 =	simm.s32 @!p0 $0x108  }
0x21: {  	s3 =	sadd.s32 s3, s9;
	s6 =	sadd.s32 @!p0 $0x88, s6;
	s7 =	simm.s32 @p2 $0x1082  }
0x22: {  	[simem:s7], [sflag:s8] =	dma.local @!p0 [hbm:s6], $0xF7A  }
0x23: {  	s9 =	sor.u32 $0xD0000000, s2;
	s6 =	simm.s32 $0x108;
	_ =	swait.ge @!p0 [sflag:s8], $0x0  }
0x24: {  	s3 =	sadd.s32 $0x88, s3;
	s6 =	simm.s32 @!p1 $0x1082;
	[sflag:s4] =	ssyncset.s32 $0xFFFFF086  }
0x25: {  	[simem:s6], [sflag:s4] =	dma.local [hbm:s3], $0xF7A  }
0x26: {  	[smem:$0x3F8D] =	sst s1;
	(tag) =	ssettag s2;
	_ =	strace s9  }
0x27: {  	s1 =	sld [smem:$0x3F9D]  }
0x28: {  	s2 =	sld [smem:$0x3F9E]  }
0x29: {  	s4 =	sld [smem:$0x3FA0]  }
0x2a: {  	p0 =	seq.s32 s5, $0x0;
	s5 =	sld [smem:$0x3FA1]  }
0x2b: {  	s6 =	sld [smem:$0x3FA2]  }
0x2c: {  	s7 =	sld [smem:$0x3FA3]  }
0x2d: {  	s3 =	simm.s32 $0x108;
	s8 =	sld [smem:$0x3FA4]  }
0x2e: {  	s3 =	simm.s32 @!p0 $0x1082;
	s9 =	sld [smem:$0x3FA5]  }
0x2f: {  	lr =	sadd.s32 s0, s3;
	s0 =	sld [smem:$0x3F9C]  }
0x30: {  	s3 =	sld [smem:$0x3F9F]  }
0x31: {  	[smem:$0x3FA8] =	sst s10  }
0x32: {  	s10 =	sld [smem:$0x3FA6];
	_ =	sdelay $0x3  }
0x33: {  	p0 =	seq.s32 s10, $0x1;
	s10 =	sld [smem:$0x3FA8];
	_ =	sdelay $0x3  }
0x34: {  	[smem:$0x3FA8] =	sst s10  }
0x35: {  	s10 =	sld [smem:$0x3FA7];
	_ =	sdelay $0x3  }
0x36: {  	p1 =	seq.s32 s10, $0x1;
	s10 =	sld [smem:$0x3FA8];
	_ =	sdelay $0x3  }
0x37: {  	[smem:$0x3FA8] =	sst s10  }
0x38: {  	s10 =	sld [smem:$0x3FA9]  }
0x39: {  	_ = 	snop;
	(pc) =	sbr.ind lr, $3  }
0x3a: {  	_ = 	snop  }
0x3b: {  	_ = 	snop  }
0x3c: {  	p2 =	seq.s32 s10, $0x1;
	s10 =	sld [smem:$0x3FA8]  }
0x3d: {  	_ =	shalt  }
0x3e: {  	_ =	shalt  }
0x3f: {  	_ =	shalt  }
0x40: {  	_ =	shalt  }
0x41: {  	_ =	shalt  }
0x42: {  	_ =	shalt  }
0x43: {  	_ =	shalt  }
0x44: {  	_ =	shalt  }
0x45: {  	_ =	shalt  }
0x46: {  	_ =	shalt  }
0x47: {  	_ =	shalt  }
0x48: {  	_ =	shalt  }
0x49: {  	_ =	shalt  }
0x4a: {  	_ =	shalt  }
0x4b: {  	_ =	shalt  }
0x4c: {  	_ =	shalt  }
0x4d: {  	_ =	shalt  }
0x4e: {  	_ =	shalt  }
0x4f: {  	_ =	shalt  }
0x50: {  	_ =	shalt  }
0x51: {  	_ =	shalt  }
0x52: {  	_ =	shalt  }
0x53: {  	_ =	shalt  }
0x54: {  	_ =	shalt  }
0x55: {  	_ =	shalt  }
0x56: {  	_ =	shalt  }
0x57: {  	_ =	shalt  }
0x58: {  	_ =	shalt  }
0x59: {  	_ =	shalt  }
0x5a: {  	_ =	shalt  }
0x5b: {  	_ =	shalt  }
0x5c: {  	_ =	shalt  }
0x5d: {  	_ =	shalt  }
0x5e: {  	_ =	shalt  }
0x5f: {  	_ =	shalt  }
0x60: {  	_ =	shalt  }
0x61: {  	_ =	shalt  }
0x62: {  	_ =	shalt  }
0x63: {  	_ =	shalt  }
0x64: {  	_ =	shalt  }
0x65: {  	_ =	shalt  }
0x66: {  	_ =	shalt  }
0x67: {  	_ =	shalt  }
0x68: {  	_ =	shalt  }
0x69: {  	_ =	shalt  }
0x6a: {  	_ =	shalt  }
0x6b: {  	_ =	shalt  }
0x6c: {  	_ =	shalt  }
0x6d: {  	_ =	shalt  }
0x6e: {  	_ =	shalt  }
0x6f: {  	_ =	shalt  }
0x70: {  	_ =	shalt  }
0x71: {  	_ =	shalt  }
0x72: {  	_ =	shalt  }
0x73: {  	_ =	shalt  }
0x74: {  	_ =	shalt  }
0x75: {  	_ =	shalt  }
0x76: {  	_ =	shalt  }
0x77: {  	_ =	shalt  }
0x78: {  	_ =	shalt  }
0x79: {  	_ =	shalt  }
0x7a: {  	_ =	shalt  }
0x7b: {  	_ =	shalt  }
0x7c: {  	_ =	shalt  }
0x7d: {  	_ =	shalt  }
0x7e: {  	_ =	shalt  }
0x7f: {  	_ =	shalt  }
0x80: {  	_ =	shalt  }
0x81: {  	_ =	shalt  }
0x82: {  	_ =	shalt  }
0x83: {  	_ =	shalt  }
0x84: {  	_ =	shalt  }
0x85: {  	_ =	shalt  }
0x86: {  	_ =	shalt  }
0x87: {  	_ =	shalt  }
.Lfunc_end0:
.L_simem_size_0:
called_computation.5_lowered:
.L_overlay_start_0:
0x88: {  	s2 =	sld [smem:$0x3FD9]  }
0x89: {  	s3 =	sld [smem:$0x3FFE];
	_ =	sdelay $0x1  }
0x8a: {  	s1 =	srdreg.scid  }
0x8b: {  	s0 =	sand.u32 $0x1, s1  }
0x8c: {  	s16 =	sshll.u32 s0, $0xA;
	s2 =	sadd.s32 s3, s2  }
0x8d: {  	s2 =	sadd.s32 s2, s16  }
0x8e: {  	[smem:$0x3FB4] =	sst s2  }
0x8f: {  	_ = 	snop  }
0x90: {  	(tm) =	ssettm $0x1  }
0x91: {  	s17 =	sld [smem:$0x3FFB];
	_ =	sdelay $0x3  }
0x92: {  	_ =	strace s17  }
0x93: {  	s2 =	sld [smem:$0x3FFC];
	_ =	sdelay $0x3  }
0x94: {  	_ =	strace s2  }
0x95: {  	s2 =	sld [smem:$0x3FFD];
	_ =	sdelay $0x3  }
0x96: {  	_ =	strace s2  }
0x97: {  	_ =	strace $0x8FFFFFFF  }
0x98: {  	s18 =	sld [smem:$0x3FDB];
	_ =	sdelay $0x1  }
0x99: {  	s19 =	simm.s32 $_scs_section_size  }
0x9a: {  	s4 =	simm.s32 $_size__tile_overlayer_lowered;
	s5 =	simm.s32 $_tile_overlayer_lowered  }
0x9b: {  	s22 =	simm.s32 $0x1BFF;
	s21 =	sshll.u32 s5, $0x1;
	s2 =	sadd.s32 s19, s18  }
0x9c: {  	s6 =	simm.s32 $0x0;
	s20 =	sshll.u32 s4, $0x1;
	s4 =	sadd.s32 s21, s2  }
0x9d: {  	[timem:s6], [sflag:s22] =	dma.local [hbm:s4], s20  }
0x9e: {  	_ =	swait.ge [sflag:s22], s20  }
0x9f: {  	s3 =	ssub.s32 $0x0, s20;
	[sflag:s22] =	ssyncset.done $0x0  }
0xa0: {  	[sflag:s22] =	ssyncadd.s32 s3;
	_ =	sdelay $0x1  }
0xa1: {  	s23 =	simm.s32 $0x1B8B  }
0xa2: {  	_ =	swait.ge [sflag:s23], $0x1  }
0xa3: {  	[sflag:s23] =	ssyncset.done $0x0  }
0xa4: {  	s25 =	simm.s32 $0x1B8E;
	s24 =	sld [smem:$0x3FFE];
	[sflag:s23] =	ssyncadd.s32 $0xFFFFFFFF  }
0xa5: {  	s26 =	simm.s32 $execute0_lowered;
	[smem:$0x3FD2] =	sst s25  }
0xa6: {  	s4 =	sshll.u32 s26, $0x1;
	_ =	strace $0x80000055;
	[dreg:$0x1] =	wrdreg $0xFFFFFFFF  }
0xa7: {  	s28 =	simm.s32 $_size_execute0_lowered;
	s2 =	sadd.s32 s2, s4;
	[dreg:$0x0] =	wrdreg $0x0  }
0xa8: {  	s4 =	sshll.u32 s28, $0x1;
	[dreg:$0x2] =	wrdreg s2  }
0xa9: {  	[dreg:$0x3] =	wrdreg s4  }
0xaa: {  	[dreg:$0x4] =	wrdreg $0xC0  }
0xab: {  	_ =	task [dreg:s6], $0x5FFFF  }
0xac: {  	[dreg:$0x1] =	wrdreg $0xFFFFFFFF  }
0xad: {  	[dreg:$0x0] =	wrdreg $0x60  }
0xae: {  	[dreg:$0x2] =	wrdreg s24  }
0xaf: {  	[dreg:$0x3] =	wrdreg $0x51000  }
0xb0: {  	[dreg:$0x4] =	wrdreg $0x9  }
0xb1: {  	_ =	task.clear_ibuf [dreg:s6], $0x5FFFF;
	_ =	strace $0x90000055  }
0xb2: {  	s29 =	simm.s32 $0x9;
	_ =	strace $0x80000057  }
0xb3: {  	_ =	swait.ge [sflag:s29], $0x1  }
0xb4: {  	[sflag:s29] =	ssyncadd.s32 $0xFFFFFFFF  }
0xb5: {  	_ =	strace $0x90000057  }
0xb6: {  	_ =	sfence  }
0xb7: {  	s30 =	sld [smem:$0x0];
	_ =	sdelay $0x2  }
0xb8: {  	s31 =	sshll.u32 s1, $0xD;
	s1 =	sshrl.u32 s1, $0x2  }
0xb9: {  	s3 =	sand.u32 $0x4000, s31;
	s1 =	sadd.s32 s1, s30  }
0xba: {  	s0 =	sor.u32 s3, s0;
	s1 =	sshll.u32 s1, $0x11  }
0xbb: {  	s0 =	sor.u32 s1, s0  }
0xbc: {  	s0 =	sadd.s32 $0x8F2B, s0  }
0xbd: {  	[sflag:s0] =	ssyncadd.remote.s32 $0x1  }
0xbe: {  	_ =	sfence.sel $0xFFFF  }
0xbf: {  	[dreg:$0x0] =	wrdreg $0xFFFFFFFF;
	(pc) =	sbr.abs _section_cstart, $3  }
0xc0: {  	[dreg:$0x1] =	wrdreg $0xFFFFFFFF  }
0xc1: {  	_ =	task.clear_ibuf [dreg:s6], $0x2FFFF;
	_ =	strace $0x9FFFFFFF  }
0xc2: {  	(tm) =	ssettm $0x7FFFFFFF  }
0xc3: {  	_ =	shalt  }
tec
execute0_lowered:
.L_overlay_start_1:
0x0: {  	(tag) =	ssettag $0x1  }
0x1: {  	s1 =	stileid.u32  }
0x2: {  	s6 =	rddreg [dreg:$0x0];
	s5 =	smul.u32 $0x2800, s1  }
0x3: {  	s2 =	rddreg [dreg:$0x1];
	s12 =	smul.u32 $0x50000, s1  }
0x4: {  	s3 =	simm.s32 $0x0;
	s4 =	srdreg.scid;
	s23 =	smul.u32 $0x14000, s1  }
0x5: {  	s28 =	simm.s32 $0x0;
	[smem:$0x7FF] =	sst s3;
	s18 =	smul.u32 $0x4E200, s1  }
0x6: {  	s9 =	sand.u32 $0x1, s4;
	s10 =	sadd.s32 $0x142B800, s6;
	s25 =	smul.u32 $0x4E20, s1  }
0x7: {  	s20 =	sshll.u32 s1, $0x1;
	s4 =	sadd.s32 $0x16600, s6;
	s22 =	smul.u32 $0x138800, s9  }
0x8: {  	s13 =	sadd.s32 $0x502400, s6;
	s16 =	sadd.s32 $0x12C000, s2;
	s19 =	smul.u32 $0x27100, s9  }
0x9: {  	p0 =	seq.s32 s1, $0xF;
	s7 =	sor.u32 s9, s20;
	s20 =	smul.u32 $0x2710, s9  }
0xa: {  	_ =	strace $0x80000056;
	s11 =	ssub.s32 $0x2, s9;
	s8 =	smul.u32 $0x2710, s7  }
0xb: {  	s5 =	sadd.s32 s5, s6;
	s14 =	sshrl.u32 s11, $0x1;
	s15 =	smul.u32 $0x27100, s7  }
0xc: {  	s21 =	sshrl.u32 s12, $0x2;
	s6 =	sadd.s32 $0xA60E00, s6;
	s26 =	sadd.s32 s18, s10  }
0xd: {  	s18 =	simm.s32 $0x100;
	s11 =	ssub.s32 s11, s14;
	s17 =	sadd.s32 s21, s2  }
0xe: {  	s5 =	sadd.s32 $0xA3B600, s5;
	s14 =	sadd.s32 s23, s22;
	s12 =	sshrl.u32 s22, $0x3  }
0xf: {  	s29 =	sadd.s32 s19, s26;
	s30 =	sadd.s32 s20, s25;
	s19 =	simm.s32 $0x1  }
0x10: {  	s20 =	simm.s32 $0x3;
	s21 =	simm.s32 $0x80;
	s22 =	simm.s32 $0x2900  }
0x11: {  	s23 =	simm.s32 $0x50;
	s25 =	simm.s32 $0x2;
	s26 =	simm.s32 $0x4  }
0x12: {  	s24 =	sshrl.u32 s8, $0x3;
	s8 =	sadd.s32 s10, s15;
	s14 =	sshrl.u32 s14, $0x3  }
0x13: {  	s12 =	sadd.s32 s13, s12;
	s11 =	smax.u32 s11, $0x1;
	s31 =	sadd.s32 $0x50, s30  }
0x14: {  	s15 =	sshrl.u32 @p0 s16, $0x3;
	s16 =	sshll.u32 @!p0 s1, $0x6;
	s17 =	sshrl.u32 @!p0 s17, $0x3  }
0x15: {  	s7 =	sadd.s32 s4, s24;
	s9 =	sadd.s32 s13, s14;
	s10 =	sadd.s32 $0x25800, s12  }
0x16: {  	s12 =	sadd.s32 $0xA00, s29;
	s13 =	sadd.s32 $0xA0, s30;
	s14 =	sshrl.u32 s31, $0x3  }
0x17: {  	s16 =	sor.u32 @!p0 $0x1C05, s16;
	s24 =	simm.s32 $0x5;
	s14 =	sadd.s32 s14, s4  }
.LBB2_1:
0x18: {  	s29 =	simm.s32 @p0 $0x1FC5  }
0x19: {  	[spmem:s15], [sflag:s29] =	dma.local @p0 [hbm:s6], $0x1900  }
0x1a: {  	s29 =	simm.s32 @p0 $0x5  }
0x1b: {  	_ =	swait.ge @p0 [sflag:s29], $0x1900  }
0x1c: {  	[sflag:s29] =	ssyncset.done @p0 $0x0  }
0x1d: {  	[sflag:s29] =	ssyncadd.s32 @p0 $0xFFFFE700;
	s29 =	simm.s32 @!p0 $0x5  }
0x1e: {  	[spmem:s17], [sflag:s16] =	dma.local @!p0 [hbm:s5], $0x2800  }
0x1f: {  	_ =	swait.ge @!p0 [sflag:s29], $0x2800  }
0x20: {  	[sflag:s29] =	ssyncset.done @!p0 $0x0  }
0x21: {  	[sflag:s29] =	ssyncadd.s32 @!p0 $0xFFFFD800  }
0x22: {  	[tilespmem:s3], [sflag:$0x1] =	stream.linear.gather [hbm4b:s7+s3], $0x50, $0x38;
	[tilespmem:$0x18980] =	vst v63  }
0x23: {  	_ = 	snop  }
0x24: {  	[tilespmem:s18], [sflag:$0x3] =	stream.linear.gather [hbm4b:s8+s3], $0x2800, $0x38;
	[tilespmem:$0x18980] =	vst v63  }
0x25: {  	[bflag:$0x0] =	sbarrier.arrive $0xFFFF  }
0x26: {  	_ =	swait.ge [sflag:s19], $0x50  }
0x27: {  	[sflag:s19] =	ssyncset.done $0x0  }
0x28: {  	[sflag:s19] =	ssyncadd.s32 $0xFFFFFFB0  }
0x29: {  	_ =	swait.ge [sflag:s20], $0x2800  }
0x2a: {  	[sflag:s20] =	ssyncset.done $0x0  }
0x2b: {  	s29 =	sadd.s32 $0x0, s14;
	[sflag:s20] =	ssyncadd.s32 $0xFFFFD800  }
0x2c: {  	[tilespmem:s21], [sflag:$0x2] =	stream.linear.gather [hbm4b:s29+s3], $0x50, $0x38;
	[tilespmem:$0x18980] =	vst v63  }
0x2d: {  	s29 =	sadd.s32 $0xFFFFFB00, s12  }
0x2e: {  	[tilespmem:s22], [sflag:$0x4] =	stream.linear.gather [hbm4b:s29+s3], $0x2800, $0x38;
	[tilespmem:$0x18980] =	vst v63  }
0x2f: {  	_ = 	snop  }
0x30: {  	[spmem:s2] =	stream.indirect.scatter.add.f32 [tilespmem:s18], [sflag:$0x5], $0x80, s3, s23, $0xb8;
	[tilespmem:$0x18980] =	vst v63  }
0x31: {  	_ =	swait.ge [sflag:s24], $0x2800  }
0x32: {  	[sflag:s24] =	ssyncset.done $0x0  }
0x33: {  	[sflag:s24] =	ssyncadd.s32 $0xFFFFD800  }
0x34: {  	_ =	swait.ge [sflag:s25], $0x50  }
0x35: {  	[sflag:s25] =	ssyncset.done $0x0  }
0x36: {  	[sflag:s25] =	ssyncadd.s32 $0xFFFFFFB0  }
0x37: {  	_ =	swait.ge [sflag:s26], $0x2800  }
0x38: {  	s29 =	sshrl.u32 s13, $0x3;
	[sflag:s26] =	ssyncset.done $0x0  }
0x39: {  	s29 =	sadd.s32 s4, s29;
	[sflag:s26] =	ssyncadd.s32 $0xFFFFD800  }
0x3a: {  	[tilespmem:s3], [sflag:$0x1] =	stream.linear.gather [hbm4b:s29+s3], $0x50, $0x38;
	[tilespmem:$0x18980] =	vst v63  }
0x3b: {  	_ = 	snop  }
0x3c: {  	[tilespmem:s18], [sflag:$0x3] =	stream.linear.gather [hbm4b:s12+s3], $0x2800, $0x38;
	[tilespmem:$0x18980] =	vst v63  }
0x3d: {  	_ = 	snop  }
0x3e: {  	[spmem:s2] =	stream.indirect.scatter.add.f32 [tilespmem:s22], [sflag:$0x5], $0x80, s21, s23, $0xb8;
	[tilespmem:$0x18980] =	vst v63  }
0x3f: {  	s30 =	smov.u32 s12;
	_ =	swait.ge [sflag:s24], $0x2800  }
0x40: {  	s31 =	smov.u32 s13;
	s29 =	simm.s32 $0x14;
	[sflag:s24] =	ssyncset.done $0x0  }
.LBB2_2:
0x41: {  	[sflag:s24] =	ssyncadd.s32 $0xFFFFD800;
	s30 =	sadd.s32 $0xA00, s30;
	s31 =	sadd.s32 $0xA0, s31  }
0x42: {  	p1 =	sne.s32 s29, $0x4C4;
	s0 =	smov.u32 s29;
	s29 =	sadd.s32 $0x14, s29  }
0x43: {  	_ =	swait.ge [sflag:s19], $0x50  }
0x44: {  	[sflag:s19] =	ssyncset.done $0x0  }
0x45: {  	[sflag:s19] =	ssyncadd.s32 $0xFFFFFFB0  }
0x46: {  	_ =	swait.ge [sflag:s20], $0x2800  }
0x47: {  	[sflag:s20] =	ssyncset.done $0x0  }
0x48: {  	s0 =	sadd.s32 s0, s14;
	[sflag:s20] =	ssyncadd.s32 $0xFFFFD800  }
0x49: {  	[tilespmem:s21], [sflag:$0x2] =	stream.linear.gather [hbm4b:s0+s3], $0x50, $0x38;
	[tilespmem:$0x18980] =	vst v63  }
0x4a: {  	s0 =	sadd.s32 $0xFFFFFB00, s30  }
0x4b: {  	[tilespmem:s22], [sflag:$0x4] =	stream.linear.gather [hbm4b:s0+s3], $0x2800, $0x38;
	[tilespmem:$0x18980] =	vst v63  }
0x4c: {  	_ = 	snop  }
0x4d: {  	[spmem:s2] =	stream.indirect.scatter.add.f32 [tilespmem:s18], [sflag:$0x5], $0x80, s3, s23, $0xb8;
	[tilespmem:$0x18980] =	vst v63  }
0x4e: {  	_ =	swait.ge [sflag:s24], $0x2800  }
0x4f: {  	[sflag:s24] =	ssyncset.done $0x0  }
0x50: {  	[sflag:s24] =	ssyncadd.s32 $0xFFFFD800  }
0x51: {  	_ =	swait.ge [sflag:s25], $0x50  }
0x52: {  	[sflag:s25] =	ssyncset.done $0x0  }
0x53: {  	[sflag:s25] =	ssyncadd.s32 $0xFFFFFFB0  }
0x54: {  	_ =	swait.ge [sflag:s26], $0x2800  }
0x55: {  	s0 =	sshrl.u32 s31, $0x3;
	[sflag:s26] =	ssyncset.done $0x0  }
0x56: {  	s0 =	sadd.s32 s4, s0;
	[sflag:s26] =	ssyncadd.s32 $0xFFFFD800  }
0x57: {  	[tilespmem:s3], [sflag:$0x1] =	stream.linear.gather [hbm4b:s0+s3], $0x50, $0x38;
	[tilespmem:$0x18980] =	vst v63  }
0x58: {  	_ = 	snop  }
0x59: {  	[tilespmem:s18], [sflag:$0x3] =	stream.linear.gather [hbm4b:s30+s3], $0x2800, $0x38;
	[tilespmem:$0x18980] =	vst v63  }
.Ltmp0:
0x5a: {  	_ = 	snop;
	(pc) =	sbr.rel @p1 .LBB2_2-.Ltmp0, $4  }
0x5b: {  	_ = 	snop  }
0x5c: {  	[spmem:s2] =	stream.indirect.scatter.add.f32 [tilespmem:s22], [sflag:$0x5], $0x80, s21, s23, $0xb8;
	[tilespmem:$0x18980] =	vst v63  }
0x5d: {  	_ =	swait.ge [sflag:s24], $0x2800  }
0x5e: {  	[sflag:s24] =	ssyncset.done $0x0  }
0x5f: {  	[sflag:s24] =	ssyncadd.s32 $0xFFFFD800  }
0x60: {  	_ =	swait.ge [sflag:s19], $0x50  }
0x61: {  	[sflag:s19] =	ssyncset.done $0x0  }
0x62: {  	[sflag:s19] =	ssyncadd.s32 $0xFFFFFFB0  }
0x63: {  	_ =	swait.ge [sflag:s20], $0x2800  }
0x64: {  	[sflag:s20] =	ssyncset.done $0x0  }
0x65: {  	[sflag:s20] =	ssyncadd.s32 $0xFFFFD800  }
0x66: {  	[spmem:s2] =	stream.indirect.scatter.add.f32 [tilespmem:s18], [sflag:$0x5], $0x80, s3, s23, $0xb8;
	[tilespmem:$0x18980] =	vst v63  }
0x67: {  	_ =	swait.ge [sflag:s24], $0x2800  }
0x68: {  	[sflag:s24] =	ssyncset.done $0x0  }
0x69: {  	[sflag:s24] =	ssyncadd.s32 $0xFFFFD800  }
0x6a: {  	s0 =	simm.s32 @p0 $0x1FC5;
	[bflag:$0x0] =	sbarrier.arrive $0xFFFF  }
0x6b: {  	[hbm:s10], [sflag:s0] =	dma.local @p0 [spmem:s15], $0x1900  }
0x6c: {  	s0 =	simm.s32 @p0 $0x5  }
0x6d: {  	s28 =	sadd.s32 $0x1, s28;
	_ =	swait.ge @p0 [sflag:s0], $0x1900  }
0x6e: {  	p1 =	sne.s32 s28, s11;
	[sflag:s0] =	ssyncset.done @p0 $0x0  }
.Ltmp1:
0x6f: {  	[sflag:s0] =	ssyncadd.s32 @p0 $0xFFFFE700;
	s0 =	simm.s32 @!p0 $0x5;
	(pc) =	sbr.rel @p1 .LBB2_1-.Ltmp1, $4  }
0x70: {  	[hbm:s9], [sflag:s16] =	dma.local @!p0 [spmem:s17], $0x2800  }
0x71: {  	_ =	swait.ge @!p0 [sflag:s0], $0x2800  }
0x72: {  	[sflag:s0] =	ssyncset.done @!p0 $0x0  }
0x73: {  	[sflag:s0] =	ssyncadd.s32 @!p0 $0xFFFFD800  }
0x74: {  	_ =	sfence.sel $0x180000  }
0x75: {  	[bflag:$0x0] =	sbarrier.arrive $0xFFFF  }
0x76: {  	_ =	strace $0x90000056  }
0x77: {  	[bflag:$0x2] =	sbarrier.arrive $0xFFFF  }
0x78: {  	p0 =	sne.s32 s1, $0x0;
	s0 =	rddreg [dreg:$0x2]  }
0x79: {  	s0 =	sadd.s32 @!p0 $0x100000, s0  }
0x7a: {  	[sflag:s0] =	ssyncadd.tile.s32 @!p0 $0x1;
	_ =	shalt  }
.Lfunc_end2:
_tile_overlayer_lowered:
.L_overlay_start_2:
0x7b: {  	(tag) =	ssettag $0x2  }
0x7c: {  	s0 =	rddreg [dreg:$0x0];
	s2 =	stileid.u32  }
0x7d: {  	s1 =	rddreg [dreg:$0x1];
	p0 =	sne.s32 s2, $0x0  }
0x7e: {  	s3 =	rddreg [dreg:$0x2];
	[bflag:$0x3] =	sbarrier.arrive $0xFFFF;
	s2 =	simm.s32 @!p0 $0x1C05  }
0x7f: {  	[timem:s3], [sflag:s2] =	dma.local @!p0 [hbm:s0], s1  }
0x80: {  	s0 =	simm.s32 @!p0 $0x5  }
0x81: {  	_ =	swait.ge @!p0 [sflag:s0], s1  }
0x82: {  	s1 =	ssub.s32 @!p0 $0x0, s1;
	[sflag:s0] =	ssyncset.done @!p0 $0x0  }
0x83: {  	[sflag:s0] =	ssyncadd.s32 @!p0 s1  }
0x84: {  	[bflag:$0x3] =	sbarrier.arrive $0xFFFF  }
0x85: {  	_ =	shalt  }

// kernel: kernel.38.cloned.1.call-start
scs
__scs_entry_jumppad:
0x0: {  	(pc) =	sbr.rel $0x88, $3  }
0x1: {  	(tag) =	ssettag $0x0;
	lr =	simm.s32 $0x1  }
0x2: {  	[smem:$0x3F8D] =	sst lr;
	_ =	strace $0xD0000000  }
0x3: {  	_ = 	snop  }
0x4: {  	_ = 	snop  }
0x5: {  	_ = 	snop  }
0x6: {  	_ = 	snop  }
0x7: {  	_ = 	snop  }
__scs_overlays_trampoline_lowered:
0x8: {  	[smem:$0x3F9C] =	sst s0  }
0x9: {  	[smem:$0x3F9D] =	sst s1  }
0xa: {  	[smem:$0x3F9E] =	sst s2  }
0xb: {  	[smem:$0x3F9F] =	sst s3  }
0xc: {  	[smem:$0x3FA0] =	sst s4  }
0xd: {  	[smem:$0x3FA1] =	sst s5  }
0xe: {  	[smem:$0x3FA2] =	sst s6  }
0xf: {  	[smem:$0x3FA3] =	sst s7  }
0x10: {  	[smem:$0x3FA4] =	sst s8  }
0x11: {  	[smem:$0x3FA5] =	sst s9;
	s0 =	simm.s32 @!p0 $0x0  }
0x12: {  	s1 =	sld [smem:$0x3F8B];
	s0 =	simm.s32 @p0 $0x1  }
0x13: {  	[smem:$0x3FA6] =	sst s0;
	s0 =	simm.s32 @!p1 $0x0  }
0x14: {  	s2 =	sld [smem:$0x3F8A];
	s0 =	simm.s32 @p1 $0x1  }
0x15: {  	[smem:$0x3FA7] =	sst s0;
	s0 =	simm.s32 @!p2 $0x0  }
0x16: {  	s3 =	sld [smem:$0x3FDB];
	s0 =	simm.s32 @p2 $0x1  }
0x17: {  	s4 =	simm.s32 $0x1BF5;
	[smem:$0x3FA9] =	sst s0  }
0x18: {  	s0 =	sld [smem:$0x3F8C];
	_ =	swait.ge [sflag:s4], $0x0  }
0x19: {  	s7 =	sld [smem:$0x3F8D]  }
0x1a: {  	s8 =	sadd.s32 $0xFFFFE003, lr  }
0x1b: {  	s9 =	sadd.s32 $0xFFFFFEF7, lr;
	s5 =	simm.s32 $0xFFFFFFFF;
	p2 =	slt.u32 s8, $0xFFFFF086  }
0x1c: {  	p1 =	slt.u32 s9, $0xF7A;
	s5 =	simm.s32 @!p2 $0x0  }
0x1d: {  	s5 =	simm.s32 @p1 $0x1;
	p0 =	seq.s32 s7, s2  }
0x1e: {  	s7 =	smul.u32 @!p0 $0xF7A, s2;
	p2 =	seq.s32 @!p0 s5, $0x0  }
0x1f: {  	s9 =	smul.u32 $0xF7A, s1;
	s8 =	simm.s32 @!p0 $0x1BF5;
	p2 =	por !p2, p0  }
0x20: {  	[sflag:s8] =	ssyncset.s32 @!p0 $0xFFFFF086;
	s6 =	sadd.s32 @!p0 s3, s7;
	s7 =	simm.s32 @!p0 $0x108  }
0x21: {  	s3 =	sadd.s32 s3, s9;
	s6 =	sadd.s32 @!p0 $0x88, s6;
	s7 =	simm.s32 @p2 $0x1082  }
0x22: {  	[simem:s7], [sflag:s8] =	dma.local @!p0 [hbm:s6], $0xF7A  }
0x23: {  	s9 =	sor.u32 $0xD0000000, s2;
	s6 =	simm.s32 $0x108;
	_ =	swait.ge @!p0 [sflag:s8], $0x0  }
0x24: {  	s3 =	sadd.s32 $0x88, s3;
	s6 =	simm.s32 @!p1 $0x1082;
	[sflag:s4] =	ssyncset.s32 $0xFFFFF086  }
0x25: {  	[simem:s6], [sflag:s4] =	dma.local [hbm:s3], $0xF7A  }
0x26: {  	[smem:$0x3F8D] =	sst s1;
	(tag) =	ssettag s2;
	_ =	strace s9  }
0x27: {  	s1 =	sld [smem:$0x3F9D]  }
0x28: {  	s2 =	sld [smem:$0x3F9E]  }
0x29: {  	s4 =	sld [smem:$0x3FA0]  }
0x2a: {  	p0 =	seq.s32 s5, $0x0;
	s5 =	sld [smem:$0x3FA1]  }
0x2b: {  	s6 =	sld [smem:$0x3FA2]  }
0x2c: {  	s7 =	sld [smem:$0x3FA3]  }
0x2d: {  	s3 =	simm.s32 $0x108;
	s8 =	sld [smem:$0x3FA4]  }
0x2e: {  	s3 =	simm.s32 @!p0 $0x1082;
	s9 =	sld [smem:$0x3FA5]  }
0x2f: {  	lr =	sadd.s32 s0, s3;
	s0 =	sld [smem:$0x3F9C]  }
0x30: {  	s3 =	sld [smem:$0x3F9F]  }
0x31: {  	[smem:$0x3FA8] =	sst s10  }
0x32: {  	s10 =	sld [smem:$0x3FA6];
	_ =	sdelay $0x3  }
0x33: {  	p0 =	seq.s32 s10, $0x1;
	s10 =	sld [smem:$0x3FA8];
	_ =	sdelay $0x3  }
0x34: {  	[smem:$0x3FA8] =	sst s10  }
0x35: {  	s10 =	sld [smem:$0x3FA7];
	_ =	sdelay $0x3  }
0x36: {  	p1 =	seq.s32 s10, $0x1;
	s10 =	sld [smem:$0x3FA8];
	_ =	sdelay $0x3  }
0x37: {  	[smem:$0x3FA8] =	sst s10  }
0x38: {  	s10 =	sld [smem:$0x3FA9]  }
0x39: {  	_ = 	snop;
	(pc) =	sbr.ind lr, $3  }
0x3a: {  	_ = 	snop  }
0x3b: {  	_ = 	snop  }
0x3c: {  	p2 =	seq.s32 s10, $0x1;
	s10 =	sld [smem:$0x3FA8]  }
0x3d: {  	_ =	shalt  }
0x3e: {  	_ =	shalt  }
0x3f: {  	_ =	shalt  }
0x40: {  	_ =	shalt  }
0x41: {  	_ =	shalt  }
0x42: {  	_ =	shalt  }
0x43: {  	_ =	shalt  }
0x44: {  	_ =	shalt  }
0x45: {  	_ =	shalt  }
0x46: {  	_ =	shalt  }
0x47: {  	_ =	shalt  }
0x48: {  	_ =	shalt  }
0x49: {  	_ =	shalt  }
0x4a: {  	_ =	shalt  }
0x4b: {  	_ =	shalt  }
0x4c: {  	_ =	shalt  }
0x4d: {  	_ =	shalt  }
0x4e: {  	_ =	shalt  }
0x4f: {  	_ =	shalt  }
0x50: {  	_ =	shalt  }
0x51: {  	_ =	shalt  }
0x52: {  	_ =	shalt  }
0x53: {  	_ =	shalt  }
0x54: {  	_ =	shalt  }
0x55: {  	_ =	shalt  }
0x56: {  	_ =	shalt  }
0x57: {  	_ =	shalt  }
0x58: {  	_ =	shalt  }
0x59: {  	_ =	shalt  }
0x5a: {  	_ =	shalt  }
0x5b: {  	_ =	shalt  }
0x5c: {  	_ =	shalt  }
0x5d: {  	_ =	shalt  }
0x5e: {  	_ =	shalt  }
0x5f: {  	_ =	shalt  }
0x60: {  	_ =	shalt  }
0x61: {  	_ =	shalt  }
0x62: {  	_ =	shalt  }
0x63: {  	_ =	shalt  }
0x64: {  	_ =	shalt  }
0x65: {  	_ =	shalt  }
0x66: {  	_ =	shalt  }
0x67: {  	_ =	shalt  }
0x68: {  	_ =	shalt  }
0x69: {  	_ =	shalt  }
0x6a: {  	_ =	shalt  }
0x6b: {  	_ =	shalt  }
0x6c: {  	_ =	shalt  }
0x6d: {  	_ =	shalt  }
0x6e: {  	_ =	shalt  }
0x6f: {  	_ =	shalt  }
0x70: {  	_ =	shalt  }
0x71: {  	_ =	shalt  }
0x72: {  	_ =	shalt  }
0x73: {  	_ =	shalt  }
0x74: {  	_ =	shalt  }
0x75: {  	_ =	shalt  }
0x76: {  	_ =	shalt  }
0x77: {  	_ =	shalt  }
0x78: {  	_ =	shalt  }
0x79: {  	_ =	shalt  }
0x7a: {  	_ =	shalt  }
0x7b: {  	_ =	shalt  }
0x7c: {  	_ =	shalt  }
0x7d: {  	_ =	shalt  }
0x7e: {  	_ =	shalt  }
0x7f: {  	_ =	shalt  }
0x80: {  	_ =	shalt  }
0x81: {  	_ =	shalt  }
0x82: {  	_ =	shalt  }
0x83: {  	_ =	shalt  }
0x84: {  	_ =	shalt  }
0x85: {  	_ =	shalt  }
0x86: {  	_ =	shalt  }
0x87: {  	_ =	shalt  }
.Lfunc_end0:
.L_simem_size_0:
called_computation.6_lowered:
.L_overlay_start_0:
0x88: {  	s2 =	sld [smem:$0x3FD9]  }
0x89: {  	s3 =	sld [smem:$0x3FFE];
	_ =	sdelay $0x1  }
0x8a: {  	s1 =	srdreg.scid  }
0x8b: {  	s0 =	sand.u32 $0x1, s1  }
0x8c: {  	s16 =	sshll.u32 s0, $0xA;
	s2 =	sadd.s32 s3, s2  }
0x8d: {  	s2 =	sadd.s32 s2, s16  }
0x8e: {  	[smem:$0x3FB4] =	sst s2  }
0x8f: {  	_ = 	snop  }
0x90: {  	(tm) =	ssettm $0x1  }
0x91: {  	s17 =	sld [smem:$0x3FFB];
	_ =	sdelay $0x3  }
0x92: {  	_ =	strace s17  }
0x93: {  	s2 =	sld [smem:$0x3FFC];
	_ =	sdelay $0x3  }
0x94: {  	_ =	strace s2  }
0x95: {  	s2 =	sld [smem:$0x3FFD];
	_ =	sdelay $0x3  }
0x96: {  	_ =	strace s2  }
0x97: {  	_ =	strace $0x8FFFFFFF  }
0x98: {  	s18 =	sld [smem:$0x3FDB];
	_ =	sdelay $0x1  }
0x99: {  	s19 =	simm.s32 $_scs_section_size  }
0x9a: {  	s4 =	simm.s32 $_size__tile_overlayer_lowered;
	s5 =	simm.s32 $_tile_overlayer_lowered  }
0x9b: {  	s22 =	simm.s32 $0x1BFF;
	s21 =	sshll.u32 s5, $0x1;
	s2 =	sadd.s32 s19, s18  }
0x9c: {  	s6 =	simm.s32 $0x0;
	s20 =	sshll.u32 s4, $0x1;
	s4 =	sadd.s32 s21, s2  }
0x9d: {  	[timem:s6], [sflag:s22] =	dma.local [hbm:s4], s20  }
0x9e: {  	_ =	swait.ge [sflag:s22], s20  }
0x9f: {  	s3 =	ssub.s32 $0x0, s20;
	[sflag:s22] =	ssyncset.done $0x0  }
0xa0: {  	[sflag:s22] =	ssyncadd.s32 s3;
	_ =	sdelay $0x1  }
0xa1: {  	s23 =	simm.s32 $0x1B8B  }
0xa2: {  	_ =	swait.ge [sflag:s23], $0x1  }
0xa3: {  	[sflag:s23] =	ssyncset.done $0x0  }
0xa4: {  	s25 =	simm.s32 $0x1B8E;
	s24 =	sld [smem:$0x3FFE];
	[sflag:s23] =	ssyncadd.s32 $0xFFFFFFFF  }
0xa5: {  	s26 =	simm.s32 $execute0_lowered;
	[smem:$0x3FD2] =	sst s25  }
0xa6: {  	s4 =	sshll.u32 s26, $0x1;
	_ =	strace $0x80000058;
	[dreg:$0x1] =	wrdreg $0xFFFFFFFF  }
0xa7: {  	s28 =	simm.s32 $_size_execute0_lowered;
	s2 =	sadd.s32 s2, s4;
	[dreg:$0x0] =	wrdreg $0x0  }
0xa8: {  	s4 =	sshll.u32 s28, $0x1;
	[dreg:$0x2] =	wrdreg s2  }
0xa9: {  	[dreg:$0x3] =	wrdreg s4  }
0xaa: {  	[dreg:$0x4] =	wrdreg $0xC0  }
0xab: {  	_ =	task [dreg:s6], $0x5FFFF  }
0xac: {  	[dreg:$0x1] =	wrdreg $0xFFFFFFFF  }
0xad: {  	[dreg:$0x0] =	wrdreg $0x60  }
0xae: {  	[dreg:$0x2] =	wrdreg s24  }
0xaf: {  	[dreg:$0x3] =	wrdreg $0xAA00  }
0xb0: {  	[dreg:$0x4] =	wrdreg $0x9  }
0xb1: {  	_ =	task.clear_ibuf [dreg:s6], $0x5FFFF;
	_ =	strace $0x90000058  }
0xb2: {  	s29 =	simm.s32 $0x9;
	_ =	strace $0x8000005A  }
0xb3: {  	_ =	swait.ge [sflag:s29], $0x1  }
0xb4: {  	[sflag:s29] =	ssyncadd.s32 $0xFFFFFFFF  }
0xb5: {  	_ =	strace $0x9000005A  }
0xb6: {  	_ =	sfence  }
0xb7: {  	s30 =	sld [smem:$0x0];
	_ =	sdelay $0x2  }
0xb8: {  	s31 =	sshll.u32 s1, $0xD;
	s1 =	sshrl.u32 s1, $0x2  }
0xb9: {  	s3 =	sand.u32 $0x4000, s31;
	s1 =	sadd.s32 s1, s30  }
0xba: {  	s0 =	sor.u32 s3, s0;
	s1 =	sshll.u32 s1, $0x11  }
0xbb: {  	s0 =	sor.u32 s1, s0  }
0xbc: {  	s0 =	sadd.s32 $0x8F2B, s0  }
0xbd: {  	[sflag:s0] =	ssyncadd.remote.s32 $0x1  }
0xbe: {  	_ =	sfence.sel $0xFFFF  }
0xbf: {  	[dreg:$0x0] =	wrdreg $0xFFFFFFFF;
	(pc) =	sbr.abs _section_cstart, $3  }
0xc0: {  	[dreg:$0x1] =	wrdreg $0xFFFFFFFF  }
0xc1: {  	_ =	task.clear_ibuf [dreg:s6], $0x2FFFF;
	_ =	strace $0x9FFFFFFF  }
0xc2: {  	(tm) =	ssettm $0x7FFFFFFF  }
0xc3: {  	_ =	shalt  }
tec
execute0_lowered:
.L_overlay_start_1:
0x0: {  	(tag) =	ssettag $0x1  }
0x1: {  	s6 =	rddreg [dreg:$0x0]  }
0x2: {  	s1 =	rddreg [dreg:$0x1];
	s3 =	simm.s32 $0x0;
	s0 =	stileid.u32  }
0x3: {  	s4 =	srdreg.scid;
	s20 =	simm.s32 $0x1;
	s21 =	simm.s32 $0x3  }
0x4: {  	s22 =	simm.s32 $0x50;
	s28 =	simm.s32 $0x0;
	[smem:$0x7FF] =	sst s3  }
0x5: {  	s9 =	smul.u32 $0x2800, s0;
	s7 =	sand.u32 $0x1, s4;
	s14 =	sadd.s32 $0x550600, s6  }
0x6: {  	s5 =	sshll.u32 s0, $0x1;
	s4 =	sadd.s32 $0x16600, s6;
	s15 =	sadd.s32 $0x63AE00, s6  }
0x7: {  	s16 =	smul.u32 $0x4E20, s0;
	s17 =	sadd.s32 $0x25800, s1;
	p0 =	seq.s32 s0, $0xF  }
0x8: {  	_ =	strace $0x80000059;
	s5 =	sor.u32 s7, s5;
	s23 =	smul.u32 $0x27100, s7  }
0x9: {  	s10 =	ssub.s32 $0x2, s7;
	s25 =	smul.u32 $0x2710, s7;
	s19 =	sshll.u32 @!p0 s0, $0x6  }
0xa: {  	s8 =	sshrl.u32 s9, $0x3;
	s11 =	smul.u32 $0x2710, s5;
	s12 =	sshrl.u32 s10, $0x1  }
0xb: {  	s13 =	smul.u32 $0x4E20, s5;
	s18 =	sadd.s32 s9, s1;
	s8 =	sadd.s32 s8, s6  }
0xc: {  	s12 =	ssub.s32 s10, s12;
	s6 =	sadd.s32 $0xA67300, s6;
	s9 =	sadd.s32 s9, s23  }
0xd: {  	s10 =	sshrl.u32 s23, $0x3;
	s16 =	sadd.s32 s25, s16;
	s18 =	sshrl.u32 @!p0 s18, $0x3  }
0xe: {  	s23 =	simm.s32 $0x5A0;
	s25 =	simm.s32 $0x2;
	s5 =	sadd.s32 $0xA62800, s8  }
0xf: {  	s24 =	sshrl.u32 s11, $0x3;
	s8 =	sadd.s32 s14, s13;
	s26 =	sshrl.u32 s9, $0x3  }
0x10: {  	s29 =	sadd.s32 s15, s10;
	s9 =	sadd.s32 $0xA0, s16;
	s12 =	smax.u32 s12, $0x1  }
0x11: {  	s31 =	sadd.s32 $0x50, s16;
	s7 =	sadd.s32 s4, s24;
	s10 =	sadd.s32 s15, s26  }
0x12: {  	s11 =	sadd.s32 $0x4B00, s29;
	s30 =	sshll.u32 s9, $0x1;
	s16 =	sshll.u32 s31, $0x1  }
0x13: {  	s15 =	sshrl.u32 s31, $0x3;
	s24 =	simm.s32 $0x5;
	s26 =	simm.s32 $0x4  }
0x14: {  	s13 =	sadd.s32 s30, s14;
	s14 =	sadd.s32 s16, s14;
	s15 =	sadd.s32 s15, s4  }
0x15: {  	s16 =	sshrl.u32 @p0 s17, $0x3;
	s17 =	sor.u32 @!p0 $0x1C05, s19;
	s19 =	simm.s32 $0xA0  }
.LBB2_1:
0x16: {  	s29 =	simm.s32 @p0 $0x1FC5  }
0x17: {  	[spmem:s16], [sflag:s29] =	dma.local @p0 [hbm:s6], $0x320  }
0x18: {  	s29 =	simm.s32 @p0 $0x5  }
0x19: {  	_ =	swait.ge @p0 [sflag:s29], $0x320  }
0x1a: {  	[sflag:s29] =	ssyncset.done @p0 $0x0  }
0x1b: {  	[sflag:s29] =	ssyncadd.s32 @p0 $0xFFFFFCE0;
	s29 =	simm.s32 @!p0 $0x5  }
0x1c: {  	[spmem:s18], [sflag:s17] =	dma.local @!p0 [hbm:s5], $0x500  }
0x1d: {  	_ =	swait.ge @!p0 [sflag:s29], $0x500  }
0x1e: {  	[sflag:s29] =	ssyncset.done @!p0 $0x0  }
0x1f: {  	[sflag:s29] =	ssyncadd.s32 @!p0 $0xFFFFFB00  }
0x20: {  	[tilespmem:s3], [sflag:$0x1] =	stream.linear.gather [hbm4b:s7+s3], $0x50, $0x38;
	[tilespmem:$0x31B0] =	vst v63  }
0x21: {  	_ = 	snop  }
0x22: {  	[tilespmem:s19], [sflag:$0x3] =	stream.linear.gather [hbm4b:s8+s3], $0x500, $0x38;
	[tilespmem:$0x31B0] =	vst v63  }
0x23: {  	[bflag:$0x0] =	sbarrier.arrive $0xFFFF  }
0x24: {  	_ =	swait.ge [sflag:s20], $0x50  }
0x25: {  	[sflag:s20] =	ssyncset.done $0x0  }
0x26: {  	[sflag:s20] =	ssyncadd.s32 $0xFFFFFFB0  }
0x27: {  	_ =	swait.ge [sflag:s21], $0x500  }
0x28: {  	[sflag:s21] =	ssyncset.done $0x0  }
0x29: {  	[sflag:s21] =	ssyncadd.s32 $0xFFFFFB00  }
0x2a: {  	[tilespmem:s22], [sflag:$0x2] =	stream.linear.gather [hbm4b:s15+s3], $0x50, $0x38;
	[tilespmem:$0x31B0] =	vst v63  }
0x2b: {  	s29 =	sadd.s32 $0x0, s14  }
0x2c: {  	[tilespmem:s23], [sflag:$0x4] =	stream.linear.gather [hbm4b:s29+s3], $0x500, $0x38;
	[tilespmem:$0x31B0] =	vst v63  }
0x2d: {  	_ = 	snop  }
0x2e: {  	[spmem:s1] =	stream.indirect.scatter.add.f32 [tilespmem:s19], [sflag:$0x5], $0x10, s3, s22, $0xb8;
	[tilespmem:$0x31B0] =	vst v63  }
0x2f: {  	_ =	swait.ge [sflag:s24], $0x500  }
0x30: {  	[sflag:s24] =	ssyncset.done $0x0  }
0x31: {  	[sflag:s24] =	ssyncadd.s32 $0xFFFFFB00  }
0x32: {  	_ =	swait.ge [sflag:s25], $0x50  }
0x33: {  	[sflag:s25] =	ssyncset.done $0x0  }
0x34: {  	[sflag:s25] =	ssyncadd.s32 $0xFFFFFFB0  }
0x35: {  	_ =	swait.ge [sflag:s26], $0x500  }
0x36: {  	s29 =	sshrl.u32 s9, $0x3;
	[sflag:s26] =	ssyncset.done $0x0  }
0x37: {  	s29 =	sadd.s32 s4, s29;
	[sflag:s26] =	ssyncadd.s32 $0xFFFFFB00  }
0x38: {  	[tilespmem:s3], [sflag:$0x1] =	stream.linear.gather [hbm4b:s29+s3], $0x50, $0x38;
	[tilespmem:$0x31B0] =	vst v63  }
0x39: {  	s29 =	sadd.s32 $0x0, s13  }
0x3a: {  	[tilespmem:s19], [sflag:$0x3] =	stream.linear.gather [hbm4b:s29+s3], $0x500, $0x38;
	[tilespmem:$0x31B0] =	vst v63  }
0x3b: {  	_ = 	snop  }
0x3c: {  	[spmem:s1] =	stream.indirect.scatter.add.f32 [tilespmem:s23], [sflag:$0x5], $0x10, s22, s22, $0xb8;
	[tilespmem:$0x31B0] =	vst v63  }
0x3d: {  	s30 =	smov.u32 s9;
	_ =	swait.ge [sflag:s24], $0x500  }
0x3e: {  	s31 =	smov.u32 s15;
	s29 =	simm.s32 $0x140;
	[sflag:s24] =	ssyncset.done $0x0  }
.LBB2_2:
0x3f: {  	[sflag:s24] =	ssyncadd.s32 $0xFFFFFB00;
	s30 =	sadd.s32 $0xA0, s30;
	s31 =	sadd.s32 $0x14, s31  }
0x40: {  	p1 =	sne.s32 s29, $0x4C40;
	s0 =	smov.u32 s29;
	s29 =	sadd.s32 $0x140, s29  }
0x41: {  	_ =	swait.ge [sflag:s20], $0x50  }
0x42: {  	[sflag:s20] =	ssyncset.done $0x0  }
0x43: {  	[sflag:s20] =	ssyncadd.s32 $0xFFFFFFB0  }
0x44: {  	_ =	swait.ge [sflag:s21], $0x500  }
0x45: {  	[sflag:s21] =	ssyncset.done $0x0  }
0x46: {  	[sflag:s21] =	ssyncadd.s32 $0xFFFFFB00  }
0x47: {  	[tilespmem:s22], [sflag:$0x2] =	stream.linear.gather [hbm4b:s31+s3], $0x50, $0x38;
	[tilespmem:$0x31B0] =	vst v63  }
0x48: {  	s2 =	sadd.s32 s0, s14  }
0x49: {  	[tilespmem:s23], [sflag:$0x4] =	stream.linear.gather [hbm4b:s2+s3], $0x500, $0x38;
	[tilespmem:$0x31B0] =	vst v63  }
0x4a: {  	_ = 	snop  }
0x4b: {  	[spmem:s1] =	stream.indirect.scatter.add.f32 [tilespmem:s19], [sflag:$0x5], $0x10, s3, s22, $0xb8;
	[tilespmem:$0x31B0] =	vst v63  }
0x4c: {  	_ =	swait.ge [sflag:s24], $0x500  }
0x4d: {  	[sflag:s24] =	ssyncset.done $0x0  }
0x4e: {  	[sflag:s24] =	ssyncadd.s32 $0xFFFFFB00  }
0x4f: {  	_ =	swait.ge [sflag:s25], $0x50  }
0x50: {  	[sflag:s25] =	ssyncset.done $0x0  }
0x51: {  	[sflag:s25] =	ssyncadd.s32 $0xFFFFFFB0  }
0x52: {  	_ =	swait.ge [sflag:s26], $0x500  }
0x53: {  	s2 =	sshrl.u32 s30, $0x3;
	[sflag:s26] =	ssyncset.done $0x0  }
0x54: {  	s2 =	sadd.s32 s4, s2;
	[sflag:s26] =	ssyncadd.s32 $0xFFFFFB00  }
0x55: {  	[tilespmem:s3], [sflag:$0x1] =	stream.linear.gather [hbm4b:s2+s3], $0x50, $0x38;
	[tilespmem:$0x31B0] =	vst v63  }
0x56: {  	s0 =	sadd.s32 s0, s13  }
0x57: {  	[tilespmem:s19], [sflag:$0x3] =	stream.linear.gather [hbm4b:s0+s3], $0x500, $0x38;
	[tilespmem:$0x31B0] =	vst v63  }
.Ltmp0:
0x58: {  	_ = 	snop;
	(pc) =	sbr.rel @p1 .LBB2_2-.Ltmp0, $4  }
0x59: {  	_ = 	snop  }
0x5a: {  	[spmem:s1] =	stream.indirect.scatter.add.f32 [tilespmem:s23], [sflag:$0x5], $0x10, s22, s22, $0xb8;
	[tilespmem:$0x31B0] =	vst v63  }
0x5b: {  	_ =	swait.ge [sflag:s24], $0x500  }
0x5c: {  	[sflag:s24] =	ssyncset.done $0x0  }
0x5d: {  	[sflag:s24] =	ssyncadd.s32 $0xFFFFFB00  }
0x5e: {  	_ =	swait.ge [sflag:s20], $0x50  }
0x5f: {  	[sflag:s20] =	ssyncset.done $0x0  }
0x60: {  	[sflag:s20] =	ssyncadd.s32 $0xFFFFFFB0  }
0x61: {  	_ =	swait.ge [sflag:s21], $0x500  }
0x62: {  	[sflag:s21] =	ssyncset.done $0x0  }
0x63: {  	[sflag:s21] =	ssyncadd.s32 $0xFFFFFB00  }
0x64: {  	[spmem:s1] =	stream.indirect.scatter.add.f32 [tilespmem:s19], [sflag:$0x5], $0x10, s3, s22, $0xb8;
	[tilespmem:$0x31B0] =	vst v63  }
0x65: {  	_ =	swait.ge [sflag:s24], $0x500  }
0x66: {  	[sflag:s24] =	ssyncset.done $0x0  }
0x67: {  	[sflag:s24] =	ssyncadd.s32 $0xFFFFFB00  }
0x68: {  	s0 =	simm.s32 @p0 $0x1FC5;
	[bflag:$0x0] =	sbarrier.arrive $0xFFFF  }
0x69: {  	[hbm:s11], [sflag:s0] =	dma.local @p0 [spmem:s16], $0x320  }
0x6a: {  	s0 =	simm.s32 @p0 $0x5  }
0x6b: {  	s28 =	sadd.s32 $0x1, s28;
	_ =	swait.ge @p0 [sflag:s0], $0x320  }
0x6c: {  	p1 =	sne.s32 s28, s12;
	[sflag:s0] =	ssyncset.done @p0 $0x0  }
.Ltmp1:
0x6d: {  	[sflag:s0] =	ssyncadd.s32 @p0 $0xFFFFFCE0;
	s0 =	simm.s32 @!p0 $0x5;
	(pc) =	sbr.rel @p1 .LBB2_1-.Ltmp1, $4  }
0x6e: {  	[hbm:s10], [sflag:s17] =	dma.local @!p0 [spmem:s18], $0x500  }
0x6f: {  	_ =	swait.ge @!p0 [sflag:s0], $0x500  }
0x70: {  	[sflag:s0] =	ssyncset.done @!p0 $0x0  }
0x71: {  	[sflag:s0] =	ssyncadd.s32 @!p0 $0xFFFFFB00  }
0x72: {  	_ =	sfence.sel $0x180000  }
0x73: {  	[bflag:$0x0] =	sbarrier.arrive $0xFFFF  }
0x74: {  	_ =	strace $0x90000059  }
0x75: {  	s0 =	stileid.u32;
	[bflag:$0x2] =	sbarrier.arrive $0xFFFF  }
0x76: {  	p0 =	sne.s32 s0, $0x0;
	s0 =	rddreg [dreg:$0x2]  }
0x77: {  	s0 =	sadd.s32 @!p0 $0x100000, s0  }
0x78: {  	[sflag:s0] =	ssyncadd.tile.s32 @!p0 $0x1;
	_ =	shalt  }
.Lfunc_end2:
_tile_overlayer_lowered:
.L_overlay_start_2:
0x79: {  	(tag) =	ssettag $0x2  }
0x7a: {  	s0 =	rddreg [dreg:$0x0];
	s2 =	stileid.u32  }
0x7b: {  	s1 =	rddreg [dreg:$0x1];
	p0 =	sne.s32 s2, $0x0  }
0x7c: {  	s3 =	rddreg [dreg:$0x2];
	[bflag:$0x3] =	sbarrier.arrive $0xFFFF;
	s2 =	simm.s32 @!p0 $0x1C05  }
0x7d: {  	[timem:s3], [sflag:s2] =	dma.local @!p0 [hbm:s0], s1  }
0x7e: {  	s0 =	simm.s32 @!p0 $0x5  }
0x7f: {  	_ =	swait.ge @!p0 [sflag:s0], s1  }
0x80: {  	s1 =	ssub.s32 @!p0 $0x0, s1;
	[sflag:s0] =	ssyncset.done @!p0 $0x0  }
0x81: {  	[sflag:s0] =	ssyncadd.s32 @!p0 s1  }
0x82: {  	[bflag:$0x3] =	sbarrier.arrive $0xFFFF  }
0x83: {  	_ =	shalt  }

// kernel: kernel.41.cloned.1.call-start
scs
__scs_entry_jumppad:
0x0: {  	(pc) =	sbr.rel $0x88, $3  }
0x1: {  	(tag) =	ssettag $0x0;
	lr =	simm.s32 $0x1  }
0x2: {  	[smem:$0x3F8D] =	sst lr;
	_ =	strace $0xD0000000  }
0x3: {  	_ = 	snop  }
0x4: {  	_ = 	snop  }
0x5: {  	_ = 	snop  }
0x6: {  	_ = 	snop  }
0x7: {  	_ = 	snop  }
__scs_overlays_trampoline_lowered:
0x8: {  	[smem:$0x3F9C] =	sst s0  }
0x9: {  	[smem:$0x3F9D] =	sst s1  }
0xa: {  	[smem:$0x3F9E] =	sst s2  }
0xb: {  	[smem:$0x3F9F] =	sst s3  }
0xc: {  	[smem:$0x3FA0] =	sst s4  }
0xd: {  	[smem:$0x3FA1] =	sst s5  }
0xe: {  	[smem:$0x3FA2] =	sst s6  }
0xf: {  	[smem:$0x3FA3] =	sst s7  }
0x10: {  	[smem:$0x3FA4] =	sst s8  }
0x11: {  	[smem:$0x3FA5] =	sst s9;
	s0 =	simm.s32 @!p0 $0x0  }
0x12: {  	s1 =	sld [smem:$0x3F8B];
	s0 =	simm.s32 @p0 $0x1  }
0x13: {  	[smem:$0x3FA6] =	sst s0;
	s0 =	simm.s32 @!p1 $0x0  }
0x14: {  	s2 =	sld [smem:$0x3F8A];
	s0 =	simm.s32 @p1 $0x1  }
0x15: {  	[smem:$0x3FA7] =	sst s0;
	s0 =	simm.s32 @!p2 $0x0  }
0x16: {  	s3 =	sld [smem:$0x3FDB];
	s0 =	simm.s32 @p2 $0x1  }
0x17: {  	s4 =	simm.s32 $0x1BF5;
	[smem:$0x3FA9] =	sst s0  }
0x18: {  	s0 =	sld [smem:$0x3F8C];
	_ =	swait.ge [sflag:s4], $0x0  }
0x19: {  	s7 =	sld [smem:$0x3F8D]  }
0x1a: {  	s8 =	sadd.s32 $0xFFFFE003, lr  }
0x1b: {  	s9 =	sadd.s32 $0xFFFFFEF7, lr;
	s5 =	simm.s32 $0xFFFFFFFF;
	p2 =	slt.u32 s8, $0xFFFFF086  }
0x1c: {  	p1 =	slt.u32 s9, $0xF7A;
	s5 =	simm.s32 @!p2 $0x0  }
0x1d: {  	s5 =	simm.s32 @p1 $0x1;
	p0 =	seq.s32 s7, s2  }
0x1e: {  	s7 =	smul.u32 @!p0 $0xF7A, s2;
	p2 =	seq.s32 @!p0 s5, $0x0  }
0x1f: {  	s9 =	smul.u32 $0xF7A, s1;
	s8 =	simm.s32 @!p0 $0x1BF5;
	p2 =	por !p2, p0  }
0x20: {  	[sflag:s8] =	ssyncset.s32 @!p0 $0xFFFFF086;
	s6 =	sadd.s32 @!p0 s3, s7;
	s7 =	simm.s32 @!p0 $0x108  }
0x21: {  	s3 =	sadd.s32 s3, s9;
	s6 =	sadd.s32 @!p0 $0x88, s6;
	s7 =	simm.s32 @p2 $0x1082  }
0x22: {  	[simem:s7], [sflag:s8] =	dma.local @!p0 [hbm:s6], $0xF7A  }
0x23: {  	s9 =	sor.u32 $0xD0000000, s2;
	s6 =	simm.s32 $0x108;
	_ =	swait.ge @!p0 [sflag:s8], $0x0  }
0x24: {  	s3 =	sadd.s32 $0x88, s3;
	s6 =	simm.s32 @!p1 $0x1082;
	[sflag:s4] =	ssyncset.s32 $0xFFFFF086  }
0x25: {  	[simem:s6], [sflag:s4] =	dma.local [hbm:s3], $0xF7A  }
0x26: {  	[smem:$0x3F8D] =	sst s1;
	(tag) =	ssettag s2;
	_ =	strace s9  }
0x27: {  	s1 =	sld [smem:$0x3F9D]  }
0x28: {  	s2 =	sld [smem:$0x3F9E]  }
0x29: {  	s4 =	sld [smem:$0x3FA0]  }
0x2a: {  	p0 =	seq.s32 s5, $0x0;
	s5 =	sld [smem:$0x3FA1]  }
0x2b: {  	s6 =	sld [smem:$0x3FA2]  }
0x2c: {  	s7 =	sld [smem:$0x3FA3]  }
0x2d: {  	s3 =	simm.s32 $0x108;
	s8 =	sld [smem:$0x3FA4]  }
0x2e: {  	s3 =	simm.s32 @!p0 $0x1082;
	s9 =	sld [smem:$0x3FA5]  }
0x2f: {  	lr =	sadd.s32 s0, s3;
	s0 =	sld [smem:$0x3F9C]  }
0x30: {  	s3 =	sld [smem:$0x3F9F]  }
0x31: {  	[smem:$0x3FA8] =	sst s10  }
0x32: {  	s10 =	sld [smem:$0x3FA6];
	_ =	sdelay $0x3  }
0x33: {  	p0 =	seq.s32 s10, $0x1;
	s10 =	sld [smem:$0x3FA8];
	_ =	sdelay $0x3  }
0x34: {  	[smem:$0x3FA8] =	sst s10  }
0x35: {  	s10 =	sld [smem:$0x3FA7];
	_ =	sdelay $0x3  }
0x36: {  	p1 =	seq.s32 s10, $0x1;
	s10 =	sld [smem:$0x3FA8];
	_ =	sdelay $0x3  }
0x37: {  	[smem:$0x3FA8] =	sst s10  }
0x38: {  	s10 =	sld [smem:$0x3FA9]  }
0x39: {  	_ = 	snop;
	(pc) =	sbr.ind lr, $3  }
0x3a: {  	_ = 	snop  }
0x3b: {  	_ = 	snop  }
0x3c: {  	p2 =	seq.s32 s10, $0x1;
	s10 =	sld [smem:$0x3FA8]  }
0x3d: {  	_ =	shalt  }
0x3e: {  	_ =	shalt  }
0x3f: {  	_ =	shalt  }
0x40: {  	_ =	shalt  }
0x41: {  	_ =	shalt  }
0x42: {  	_ =	shalt  }
0x43: {  	_ =	shalt  }
0x44: {  	_ =	shalt  }
0x45: {  	_ =	shalt  }
0x46: {  	_ =	shalt  }
0x47: {  	_ =	shalt  }
0x48: {  	_ =	shalt  }
0x49: {  	_ =	shalt  }
0x4a: {  	_ =	shalt  }
0x4b: {  	_ =	shalt  }
0x4c: {  	_ =	shalt  }
0x4d: {  	_ =	shalt  }
0x4e: {  	_ =	shalt  }
0x4f: {  	_ =	shalt  }
0x50: {  	_ =	shalt  }
0x51: {  	_ =	shalt  }
0x52: {  	_ =	shalt  }
0x53: {  	_ =	shalt  }
0x54: {  	_ =	shalt  }
0x55: {  	_ =	shalt  }
0x56: {  	_ =	shalt  }
0x57: {  	_ =	shalt  }
0x58: {  	_ =	shalt  }
0x59: {  	_ =	shalt  }
0x5a: {  	_ =	shalt  }
0x5b: {  	_ =	shalt  }
0x5c: {  	_ =	shalt  }
0x5d: {  	_ =	shalt  }
0x5e: {  	_ =	shalt  }
0x5f: {  	_ =	shalt  }
0x60: {  	_ =	shalt  }
0x61: {  	_ =	shalt  }
0x62: {  	_ =	shalt  }
0x63: {  	_ =	shalt  }
0x64: {  	_ =	shalt  }
0x65: {  	_ =	shalt  }
0x66: {  	_ =	shalt  }
0x67: {  	_ =	shalt  }
0x68: {  	_ =	shalt  }
0x69: {  	_ =	shalt  }
0x6a: {  	_ =	shalt  }
0x6b: {  	_ =	shalt  }
0x6c: {  	_ =	shalt  }
0x6d: {  	_ =	shalt  }
0x6e: {  	_ =	shalt  }
0x6f: {  	_ =	shalt  }
0x70: {  	_ =	shalt  }
0x71: {  	_ =	shalt  }
0x72: {  	_ =	shalt  }
0x73: {  	_ =	shalt  }
0x74: {  	_ =	shalt  }
0x75: {  	_ =	shalt  }
0x76: {  	_ =	shalt  }
0x77: {  	_ =	shalt  }
0x78: {  	_ =	shalt  }
0x79: {  	_ =	shalt  }
0x7a: {  	_ =	shalt  }
0x7b: {  	_ =	shalt  }
0x7c: {  	_ =	shalt  }
0x7d: {  	_ =	shalt  }
0x7e: {  	_ =	shalt  }
0x7f: {  	_ =	shalt  }
0x80: {  	_ =	shalt  }
0x81: {  	_ =	shalt  }
0x82: {  	_ =	shalt  }
0x83: {  	_ =	shalt  }
0x84: {  	_ =	shalt  }
0x85: {  	_ =	shalt  }
0x86: {  	_ =	shalt  }
0x87: {  	_ =	shalt  }
.Lfunc_end0:
.L_simem_size_0:
called_computation.7_lowered:
.L_overlay_start_0:
0x88: {  	s2 =	sld [smem:$0x3FD9]  }
0x89: {  	s3 =	sld [smem:$0x3FFE];
	_ =	sdelay $0x1  }
0x8a: {  	s1 =	srdreg.scid  }
0x8b: {  	s0 =	sand.u32 $0x1, s1  }
0x8c: {  	s16 =	sshll.u32 s0, $0xA;
	s2 =	sadd.s32 s3, s2  }
0x8d: {  	s2 =	sadd.s32 s2, s16  }
0x8e: {  	[smem:$0x3FB4] =	sst s2  }
0x8f: {  	_ = 	snop  }
0x90: {  	(tm) =	ssettm $0x1  }
0x91: {  	s17 =	sld [smem:$0x3FFB];
	_ =	sdelay $0x3  }
0x92: {  	_ =	strace s17  }
0x93: {  	s2 =	sld [smem:$0x3FFC];
	_ =	sdelay $0x3  }
0x94: {  	_ =	strace s2  }
0x95: {  	s2 =	sld [smem:$0x3FFD];
	_ =	sdelay $0x3  }
0x96: {  	_ =	strace s2  }
0x97: {  	_ =	strace $0x8FFFFFFF  }
0x98: {  	s18 =	sld [smem:$0x3FDB];
	_ =	sdelay $0x1  }
0x99: {  	s19 =	simm.s32 $_scs_section_size  }
0x9a: {  	s4 =	simm.s32 $_size__tile_overlayer_lowered;
	s5 =	simm.s32 $_tile_overlayer_lowered  }
0x9b: {  	s22 =	simm.s32 $0x1BFF;
	s21 =	sshll.u32 s5, $0x1;
	s2 =	sadd.s32 s19, s18  }
0x9c: {  	s6 =	simm.s32 $0x0;
	s20 =	sshll.u32 s4, $0x1;
	s4 =	sadd.s32 s21, s2  }
0x9d: {  	[timem:s6], [sflag:s22] =	dma.local [hbm:s4], s20  }
0x9e: {  	_ =	swait.ge [sflag:s22], s20  }
0x9f: {  	s3 =	ssub.s32 $0x0, s20;
	[sflag:s22] =	ssyncset.done $0x0  }
0xa0: {  	[sflag:s22] =	ssyncadd.s32 s3;
	_ =	sdelay $0x1  }
0xa1: {  	s23 =	simm.s32 $0x1B8B  }
0xa2: {  	_ =	swait.ge [sflag:s23], $0x1  }
0xa3: {  	[sflag:s23] =	ssyncset.done $0x0  }
0xa4: {  	s25 =	simm.s32 $0x1B8E;
	s24 =	sld [smem:$0x3FFE];
	[sflag:s23] =	ssyncadd.s32 $0xFFFFFFFF  }
0xa5: {  	s26 =	simm.s32 $execute0_lowered;
	[smem:$0x3FD2] =	sst s25  }
0xa6: {  	s4 =	sshll.u32 s26, $0x1;
	_ =	strace $0x8000005B;
	[dreg:$0x1] =	wrdreg $0xFFFFFFFF  }
0xa7: {  	s28 =	simm.s32 $_size_execute0_lowered;
	s2 =	sadd.s32 s2, s4;
	[dreg:$0x0] =	wrdreg $0x0  }
0xa8: {  	s4 =	sshll.u32 s28, $0x1;
	[dreg:$0x2] =	wrdreg s2  }
0xa9: {  	[dreg:$0x3] =	wrdreg s4  }
0xaa: {  	[dreg:$0x4] =	wrdreg $0xC0  }
0xab: {  	_ =	task [dreg:s6], $0x5FFFF  }
0xac: {  	[dreg:$0x1] =	wrdreg $0xFFFFFFFF  }
0xad: {  	[dreg:$0x0] =	wrdreg $0x60  }
0xae: {  	[dreg:$0x2] =	wrdreg s24  }
0xaf: {  	[dreg:$0x3] =	wrdreg $0x9  }
0xb0: {  	_ =	task.clear_ibuf [dreg:s6], $0x4FFFF;
	_ =	strace $0x9000005B  }
0xb1: {  	s29 =	simm.s32 $0x9;
	_ =	strace $0x8000005D  }
0xb2: {  	_ =	swait.ge [sflag:s29], $0x1  }
0xb3: {  	[sflag:s29] =	ssyncadd.s32 $0xFFFFFFFF  }
0xb4: {  	_ =	strace $0x9000005D  }
0xb5: {  	_ =	sfence  }
0xb6: {  	s30 =	sld [smem:$0x0];
	_ =	sdelay $0x2  }
0xb7: {  	s31 =	sshll.u32 s1, $0xD;
	s1 =	sshrl.u32 s1, $0x2  }
0xb8: {  	s3 =	sand.u32 $0x4000, s31;
	s1 =	sadd.s32 s1, s30  }
0xb9: {  	s0 =	sor.u32 s3, s0;
	s1 =	sshll.u32 s1, $0x11  }
0xba: {  	s0 =	sor.u32 s1, s0  }
0xbb: {  	s0 =	sadd.s32 $0x8F2B, s0  }
0xbc: {  	[sflag:s0] =	ssyncadd.remote.s32 $0x1  }
0xbd: {  	_ =	sfence.sel $0xFFFF  }
0xbe: {  	[dreg:$0x0] =	wrdreg $0xFFFFFFFF;
	(pc) =	sbr.abs _section_cstart, $3  }
0xbf: {  	[dreg:$0x1] =	wrdreg $0xFFFFFFFF  }
0xc0: {  	_ =	task.clear_ibuf [dreg:s6], $0x2FFFF;
	_ =	strace $0x9FFFFFFF  }
0xc1: {  	(tm) =	ssettm $0x7FFFFFFF  }
tec
execute0_lowered:
.L_overlay_start_1:
0x0: {  	(tag) =	ssettag $0x1  }
0x1: {  	s0 =	rddreg [dreg:$0x0]  }
0x2: {  	s2 =	simm.s32 $0x0;
	s1 =	srdreg.scid;
	s7 =	stileid.u32  }
0x3: {  	s9 =	simm.s32 $0x4800;
	s10 =	simm.s32 $0x5000;
	s11 =	simm.s32 $0x5800  }
0x4: {  	s12 =	simm.s32 $0x6000;
	s13 =	simm.s32 $0x6800;
	s14 =	simm.s32 $0x7000  }
0x5: {  	s15 =	simm.s32 $0x7800;
	s16 =	simm.s32 $0x8000;
	s17 =	simm.s32 $0x8800  }
0x6: {  	s18 =	simm.s32 $0x1;
	s19 =	simm.s32 $0x9000;
	s20 =	simm.s32 $0x9800  }
0x7: {  	s21 =	simm.s32 $0xA000;
	s22 =	simm.s32 $0xA800;
	s23 =	simm.s32 $0xB000  }
0x8: {  	s24 =	simm.s32 $0xB800;
	s25 =	simm.s32 $0xC000;
	s26 =	simm.s32 $0xC800  }
0x9: {  	s28 =	simm.s32 $0xD000;
	s29 =	simm.s32 $0xD800;
	s30 =	simm.s32 $0x2  }
0xa: {  	s31 =	simm.s32 $0x0;
	[smem:$0x7FF] =	sst s2;
	s1 =	sand.u32 $0x1, s1  }
0xb: {  	s3 =	sshll.u32 s7, $0x1;
	s7 =	smul.u32 $0x9C400, s7;
	_ =	strace $0x8000005C  }
0xc: {  	s4 =	sor.u32 s1, s3;
	s6 =	ssub.s32 $0x2, s1;
	s1 =	smul.u32 $0x4E200, s1  }
0xd: {  	s3 =	sadd.s32 $0x5C5A00, s0;
	s5 =	sshll.u32 s4, $0xB;
	s4 =	smul.u32 $0x271000, s4  }
0xe: {  	s8 =	sshrl.u32 s6, $0x1;
	s5 =	sadd.s32 s5, s0;
	s0 =	sadd.s32 $0xA67800, s0  }
0xf: {  	s6 =	ssub.s32 s6, s8;
	s8 =	simm.s32 $0x4000;
	s4 =	sshrl.u32 s4, $0x3  }
0x10: {  	v2 =	vlaneseq.u32;
	s7 =	sadd.s32 s7, s0;
	s5 =	sadd.s32 $0xA2B600, s5;
	s6 =	smax.u32 s6, $0x1  }
0x11: {  	vm0 =	vmmov $0xffff;
	v1 =	vshrl.u32 v2, $0x3;
	[dreg:$0x3] =	wrdreg s5;
	s0 =	sadd.s32 s0, s4;
	s1 =	sadd.s32 s1, s7  }
0x12: {  	v0 =	vand.u32 $0x7, v2;
	v2 =	vor.u32 $0x8, v2;
	v1 =	vmul.u32 $0x8, v1;
	s7 =	simm.s32 $0x3;
	s5 =	sadd.s32 $0x4D800, s0;
	[dreg:$0x2] =	wrdreg s1  }
.LBB2_1:
0x13: {  	s0 =	rddreg [dreg:$0x3]  }
0x14: {  	[tilespmem:s2], [sflag:$0x3] =	stream.linear.gather [hbm4b:s0+s2], $0x3E80, $0x38;
	[tilespmem:$0xE000] =	vst v63  }
0x15: {  	_ =	swait.ge [sflag:s7], $0x3E80  }
0x16: {  	[sflag:s7] =	ssyncset.done $0x0  }
0x17: {  	[sflag:s7] =	ssyncadd.s32 $0xFFFFC180  }
0x18: {  	v3 =	vld [tilespmem:$0x0];
	_ =	sdelay $0x4  }
0x19: {  	v4 =	vshll.u32 v3, $0x1  }
0x1a: {  	v3 =	vand.u32 $0x7, v3;
	v4 =	vand.u32 $0xFFFFFFF0, v4  }
0x1b: {  	v3 =	vor.u32 v3, v4  }
0x1c: {  	v4 =	vperm.xlane v3, v0;
	_ =	sdelay $0x1  }
0x1d: {  	v3 =	vperm.xlane v3, v2;
	v4 =	vadd.s32 v1, v4;
	_ =	sdelay $0x1  }
0x1e: {  	v3 =	vadd.s32 v1, v3;
	_ =	sdelay $0x2  }
0x1f: {  	[tilespmem:s8], [sflag:$0x1] =	stream.indirect_vreg.gather [hbm4b:s3+s2], $0x80, v4, vm0, $0xb8;
	[tilespmem:$0xE000] =	vst v63  }
0x20: {  	_ = 	snop  }
0x21: {  	[tilespmem:s9], [sflag:$0x1] =	stream.indirect_vreg.gather [hbm4b:s3+s2], $0x80, v3, vm0, $0xb8;
	[tilespmem:$0xE000] =	vst v63  }
0x22: {  	v3 =	vld [tilespmem:$0x10];
	_ =	sdelay $0x4  }
0x23: {  	v60 =	vshll.u32 v3, $0x1  }
0x24: {  	v3 =	vand.u32 $0x7, v3;
	v4 =	vand.u32 $0xFFFFFFF0, v60  }
0x25: {  	v3 =	vor.u32 v3, v4  }
0x26: {  	v4 =	vperm.xlane v3, v0;
	_ =	sdelay $0x1  }
0x27: {  	v3 =	vperm.xlane v3, v2;
	v4 =	vadd.s32 v1, v4;
	_ =	sdelay $0x1  }
0x28: {  	v3 =	vadd.s32 v1, v3;
	_ =	sdelay $0x2  }
0x29: {  	[tilespmem:s10], [sflag:$0x1] =	stream.indirect_vreg.gather [hbm4b:s3+s2], $0x80, v4, vm0, $0xb8;
	[tilespmem:$0xE000] =	vst v63  }
0x2a: {  	_ = 	snop  }
0x2b: {  	[tilespmem:s11], [sflag:$0x1] =	stream.indirect_vreg.gather [hbm4b:s3+s2], $0x80, v3, vm0, $0xb8;
	[tilespmem:$0xE000] =	vst v63  }
0x2c: {  	v3 =	vld [tilespmem:$0x20];
	_ =	sdelay $0x4  }
0x2d: {  	v61 =	vshll.u32 v3, $0x1  }
0x2e: {  	v3 =	vand.u32 $0x7, v3;
	v4 =	vand.u32 $0xFFFFFFF0, v61  }
0x2f: {  	v3 =	vor.u32 v3, v4  }
0x30: {  	v4 =	vperm.xlane v3, v0;
	_ =	sdelay $0x1  }
0x31: {  	v3 =	vperm.xlane v3, v2;
	v4 =	vadd.s32 v1, v4;
	_ =	sdelay $0x1  }
0x32: {  	v3 =	vadd.s32 v1, v3;
	_ =	sdelay $0x2  }
0x33: {  	[tilespmem:s12], [sflag:$0x1] =	stream.indirect_vreg.gather [hbm4b:s3+s2], $0x80, v4, vm0, $0xb8;
	[tilespmem:$0xE000] =	vst v63  }
0x34: {  	_ = 	snop  }
0x35: {  	[tilespmem:s13], [sflag:$0x1] =	stream.indirect_vreg.gather [hbm4b:s3+s2], $0x80, v3, vm0, $0xb8;
	[tilespmem:$0xE000] =	vst v63  }
0x36: {  	v3 =	vld [tilespmem:$0x30];
	_ =	sdelay $0x4  }
0x37: {  	v62 =	vshll.u32 v3, $0x1  }
0x38: {  	v3 =	vand.u32 $0x7, v3;
	v4 =	vand.u32 $0xFFFFFFF0, v62  }
0x39: {  	v3 =	vor.u32 v3, v4  }
0x3a: {  	v4 =	vperm.xlane v3, v0;
	_ =	sdelay $0x1  }
0x3b: {  	v3 =	vperm.xlane v3, v2;
	v4 =	vadd.s32 v1, v4;
	_ =	sdelay $0x1  }
0x3c: {  	v3 =	vadd.s32 v1, v3;
	_ =	sdelay $0x2  }
0x3d: {  	[tilespmem:s14], [sflag:$0x1] =	stream.indirect_vreg.gather [hbm4b:s3+s2], $0x80, v4, vm0, $0xb8;
	[tilespmem:$0xE000] =	vst v63  }
0x3e: {  	_ = 	snop  }
0x3f: {  	[tilespmem:s15], [sflag:$0x1] =	stream.indirect_vreg.gather [hbm4b:s3+s2], $0x80, v3, vm0, $0xb8;
	[tilespmem:$0xE000] =	vst v63  }
0x40: {  	v3 =	vld [tilespmem:$0x40];
	_ =	sdelay $0x4  }
0x41: {  	v63 =	vshll.u32 v3, $0x1  }
0x42: {  	v3 =	vand.u32 $0x7, v3;
	v4 =	vand.u32 $0xFFFFFFF0, v63  }
0x43: {  	v3 =	vor.u32 v3, v4  }
0x44: {  	v4 =	vperm.xlane v3, v0;
	_ =	sdelay $0x1  }
0x45: {  	v3 =	vperm.xlane v3, v2;
	v4 =	vadd.s32 v1, v4;
	_ =	sdelay $0x1  }
0x46: {  	v3 =	vadd.s32 v1, v3;
	_ =	sdelay $0x2  }
0x47: {  	[tilespmem:s16], [sflag:$0x1] =	stream.indirect_vreg.gather [hbm4b:s3+s2], $0x80, v4, vm0, $0xb8;
	[tilespmem:$0xE000] =	vst v63  }
0x48: {  	s1 =	simm.s32 $0x0;
	s0 =	simm.s32 $0xA0  }
0x49: {  	[tilespmem:s17], [sflag:$0x1] =	stream.indirect_vreg.gather [hbm4b:s3+s2], $0x80, v3, vm0, $0xb8;
	[tilespmem:$0xE000] =	vst v63  }
.LBB2_2:
0x4a: {  	_ =	swait.ge [sflag:s18], $0x5000  }
0x4b: {  	[sflag:s18] =	ssyncset.done $0x0  }
0x4c: {  	[sflag:s18] =	ssyncadd.s32 $0xFFFFB000  }
0x4d: {  	v3 =	vld [tilespmem:s0+$0xFFFFFFE0];
	_ =	sdelay $0x4  }
0x4e: {  	v4 =	vshll.u32 v3, $0x1  }
0x4f: {  	v3 =	vand.u32 $0x7, v3;
	v4 =	vand.u32 $0xFFFFFFF0, v4  }
0x50: {  	v3 =	vor.u32 v3, v4  }
0x51: {  	v4 =	vperm.xlane v3, v0;
	_ =	sdelay $0x1  }
0x52: {  	v3 =	vperm.xlane v3, v2;
	v4 =	vadd.s32 v1, v4;
	_ =	sdelay $0x1  }
0x53: {  	v3 =	vadd.s32 v1, v3;
	_ =	sdelay $0x2  }
0x54: {  	[tilespmem:s19], [sflag:$0x2] =	stream.indirect_vreg.gather [hbm4b:s3+s2], $0x80, v4, vm0, $0xb8;
	[tilespmem:$0xE000] =	vst v63  }
0x55: {  	_ = 	snop  }
0x56: {  	[tilespmem:s20], [sflag:$0x2] =	stream.indirect_vreg.gather [hbm4b:s3+s2], $0x80, v3, vm0, $0xb8;
	[tilespmem:$0xE000] =	vst v63  }
0x57: {  	v3 =	vld [tilespmem:s0+$0xFFFFFFF0];
	_ =	sdelay $0x4  }
0x58: {  	v55 =	vshll.u32 v3, $0x1  }
0x59: {  	v3 =	vand.u32 $0x7, v3;
	v4 =	vand.u32 $0xFFFFFFF0, v55  }
0x5a: {  	v3 =	vor.u32 v3, v4  }
0x5b: {  	v4 =	vperm.xlane v3, v0;
	_ =	sdelay $0x1  }
0x5c: {  	v3 =	vperm.xlane v3, v2;
	v4 =	vadd.s32 v1, v4;
	_ =	sdelay $0x1  }
0x5d: {  	v3 =	vadd.s32 v1, v3;
	_ =	sdelay $0x2  }
0x5e: {  	[tilespmem:s21], [sflag:$0x2] =	stream.indirect_vreg.gather [hbm4b:s3+s2], $0x80, v4, vm0, $0xb8;
	[tilespmem:$0xE000] =	vst v63  }
0x5f: {  	_ = 	snop  }
0x60: {  	[tilespmem:s22], [sflag:$0x2] =	stream.indirect_vreg.gather [hbm4b:s3+s2], $0x80, v3, vm0, $0xb8;
	[tilespmem:$0xE000] =	vst v63  }
0x61: {  	v3 =	vld [tilespmem:s0+$0x0];
	_ =	sdelay $0x4  }
0x62: {  	v56 =	vshll.u32 v3, $0x1  }
0x63: {  	v3 =	vand.u32 $0x7, v3;
	v4 =	vand.u32 $0xFFFFFFF0, v56  }
0x64: {  	v3 =	vor.u32 v3, v4  }
0x65: {  	v4 =	vperm.xlane v3, v0;
	_ =	sdelay $0x1  }
0x66: {  	v3 =	vperm.xlane v3, v2;
	v4 =	vadd.s32 v1, v4;
	_ =	sdelay $0x1  }
0x67: {  	v3 =	vadd.s32 v1, v3;
	_ =	sdelay $0x2  }
0x68: {  	[tilespmem:s23], [sflag:$0x2] =	stream.indirect_vreg.gather [hbm4b:s3+s2], $0x80, v4, vm0, $0xb8;
	[tilespmem:$0xE000] =	vst v63  }
0x69: {  	_ = 	snop  }
0x6a: {  	[tilespmem:s24], [sflag:$0x2] =	stream.indirect_vreg.gather [hbm4b:s3+s2], $0x80, v3, vm0, $0xb8;
	[tilespmem:$0xE000] =	vst v63  }
0x6b: {  	v3 =	vld [tilespmem:s0+$0x10];
	_ =	sdelay $0x4  }
0x6c: {  	v57 =	vshll.u32 v3, $0x1  }
0x6d: {  	v3 =	vand.u32 $0x7, v3;
	v4 =	vand.u32 $0xFFFFFFF0, v57  }
0x6e: {  	v3 =	vor.u32 v3, v4  }
0x6f: {  	v4 =	vperm.xlane v3, v0;
	_ =	sdelay $0x1  }
0x70: {  	v3 =	vperm.xlane v3, v2;
	v4 =	vadd.s32 v1, v4;
	_ =	sdelay $0x1  }
0x71: {  	v3 =	vadd.s32 v1, v3;
	_ =	sdelay $0x2  }
0x72: {  	[tilespmem:s25], [sflag:$0x2] =	stream.indirect_vreg.gather [hbm4b:s3+s2], $0x80, v4, vm0, $0xb8;
	[tilespmem:$0xE000] =	vst v63  }
0x73: {  	_ = 	snop  }
0x74: {  	[tilespmem:s26], [sflag:$0x2] =	stream.indirect_vreg.gather [hbm4b:s3+s2], $0x80, v3, vm0, $0xb8;
	[tilespmem:$0xE000] =	vst v63  }
0x75: {  	v3 =	vld [tilespmem:s0+$0x20];
	_ =	sdelay $0x4  }
0x76: {  	v58 =	vshll.u32 v3, $0x1  }
0x77: {  	v3 =	vand.u32 $0x7, v3;
	v4 =	vand.u32 $0xFFFFFFF0, v58  }
0x78: {  	v3 =	vor.u32 v3, v4  }
0x79: {  	v4 =	vperm.xlane v3, v0;
	_ =	sdelay $0x1  }
0x7a: {  	v3 =	vperm.xlane v3, v2;
	v4 =	vadd.s32 v1, v4;
	_ =	sdelay $0x1  }
0x7b: {  	v3 =	vadd.s32 v1, v3;
	_ =	sdelay $0x2  }
0x7c: {  	[tilespmem:s28], [sflag:$0x2] =	stream.indirect_vreg.gather [hbm4b:s3+s2], $0x80, v4, vm0, $0xb8;
	[tilespmem:$0xE000] =	vst v63  }
0x7d: {  	s4 =	rddreg [dreg:$0x2]  }
0x7e: {  	[tilespmem:s29], [sflag:$0x2] =	stream.indirect_vreg.gather [hbm4b:s3+s2], $0x80, v3, vm0, $0xb8;
	[tilespmem:$0xE000] =	vst v63  }
0x7f: {  	s4 =	sadd.s32 s1, s4  }
0x80: {  	[hbm4b:s4+s2] =	stream.linear.scatter [tilespmem:s8], [sflag:$0x3], $0x5000, $0x38;
	[tilespmem:$0xE000] =	vst v63  }
0x81: {  	_ =	swait.ge [sflag:s7], $0x5000  }
0x82: {  	[sflag:s7] =	ssyncset.done $0x0  }
0x83: {  	[sflag:s7] =	ssyncadd.s32 $0xFFFFB000  }
0x84: {  	_ =	swait.ge [sflag:s30], $0x5000  }
0x85: {  	[sflag:s30] =	ssyncset.done $0x0  }
0x86: {  	[sflag:s30] =	ssyncadd.s32 $0xFFFFB000  }
0x87: {  	v3 =	vld [tilespmem:s0+$0x60];
	_ =	sdelay $0x4  }
0x88: {  	v59 =	vshll.u32 v3, $0x1  }
0x89: {  	v3 =	vand.u32 $0x7, v3;
	v4 =	vand.u32 $0xFFFFFFF0, v59  }
0x8a: {  	v3 =	vor.u32 v3, v4  }
0x8b: {  	v4 =	vperm.xlane v3, v0;
	_ =	sdelay $0x1  }
0x8c: {  	v3 =	vperm.xlane v3, v2;
	v4 =	vadd.s32 v1, v4;
	_ =	sdelay $0x1  }
0x8d: {  	v3 =	vadd.s32 v1, v3;
	_ =	sdelay $0x2  }
0x8e: {  	[tilespmem:s8], [sflag:$0x1] =	stream.indirect_vreg.gather [hbm4b:s3+s2], $0x80, v4, vm0, $0xb8;
	[tilespmem:$0xE000] =	vst v63  }
0x8f: {  	_ = 	snop  }
0x90: {  	[tilespmem:s9], [sflag:$0x1] =	stream.indirect_vreg.gather [hbm4b:s3+s2], $0x80, v3, vm0, $0xb8;
	[tilespmem:$0xE000] =	vst v63  }
0x91: {  	v3 =	vld [tilespmem:s0+$0x70];
	_ =	sdelay $0x4  }
0x92: {  	v60 =	vshll.u32 v3, $0x1  }
0x93: {  	v3 =	vand.u32 $0x7, v3;
	v4 =	vand.u32 $0xFFFFFFF0, v60  }
0x94: {  	v3 =	vor.u32 v3, v4  }
0x95: {  	v4 =	vperm.xlane v3, v0;
	_ =	sdelay $0x1  }
0x96: {  	v3 =	vperm.xlane v3, v2;
	v4 =	vadd.s32 v1, v4;
	_ =	sdelay $0x1  }
0x97: {  	v3 =	vadd.s32 v1, v3;
	_ =	sdelay $0x2  }
0x98: {  	[tilespmem:s10], [sflag:$0x1] =	stream.indirect_vreg.gather [hbm4b:s3+s2], $0x80, v4, vm0, $0xb8;
	[tilespmem:$0xE000] =	vst v63  }
0x99: {  	_ = 	snop  }
0x9a: {  	[tilespmem:s11], [sflag:$0x1] =	stream.indirect_vreg.gather [hbm4b:s3+s2], $0x80, v3, vm0, $0xb8;
	[tilespmem:$0xE000] =	vst v63  }
0x9b: {  	v3 =	vld [tilespmem:s0+$0x80];
	_ =	sdelay $0x4  }
0x9c: {  	v61 =	vshll.u32 v3, $0x1  }
0x9d: {  	v3 =	vand.u32 $0x7, v3;
	v4 =	vand.u32 $0xFFFFFFF0, v61  }
0x9e: {  	v3 =	vor.u32 v3, v4  }
0x9f: {  	v4 =	vperm.xlane v3, v0;
	_ =	sdelay $0x1  }
0xa0: {  	v3 =	vperm.xlane v3, v2;
	v4 =	vadd.s32 v1, v4;
	_ =	sdelay $0x1  }
0xa1: {  	v3 =	vadd.s32 v1, v3;
	_ =	sdelay $0x2  }
0xa2: {  	[tilespmem:s12], [sflag:$0x1] =	stream.indirect_vreg.gather [hbm4b:s3+s2], $0x80, v4, vm0, $0xb8;
	[tilespmem:$0xE000] =	vst v63  }
0xa3: {  	_ = 	snop  }
0xa4: {  	[tilespmem:s13], [sflag:$0x1] =	stream.indirect_vreg.gather [hbm4b:s3+s2], $0x80, v3, vm0, $0xb8;
	[tilespmem:$0xE000] =	vst v63  }
0xa5: {  	v3 =	vld [tilespmem:s0+$0x90];
	_ =	sdelay $0x4  }
0xa6: {  	v62 =	vshll.u32 v3, $0x1  }
0xa7: {  	v3 =	vand.u32 $0x7, v3;
	v4 =	vand.u32 $0xFFFFFFF0, v62  }
0xa8: {  	v3 =	vor.u32 v3, v4  }
0xa9: {  	v4 =	vperm.xlane v3, v0;
	_ =	sdelay $0x1  }
0xaa: {  	v3 =	vperm.xlane v3, v2;
	v4 =	vadd.s32 v1, v4;
	_ =	sdelay $0x1  }
0xab: {  	v3 =	vadd.s32 v1, v3;
	_ =	sdelay $0x2  }
0xac: {  	[tilespmem:s14], [sflag:$0x1] =	stream.indirect_vreg.gather [hbm4b:s3+s2], $0x80, v4, vm0, $0xb8;
	[tilespmem:$0xE000] =	vst v63  }
0xad: {  	_ = 	snop  }
0xae: {  	[tilespmem:s15], [sflag:$0x1] =	stream.indirect_vreg.gather [hbm4b:s3+s2], $0x80, v3, vm0, $0xb8;
	[tilespmem:$0xE000] =	vst v63  }
0xaf: {  	v3 =	vld [tilespmem:s0+$0xA0];
	_ =	sdelay $0x4  }
0xb0: {  	v63 =	vshll.u32 v3, $0x1  }
0xb1: {  	v3 =	vand.u32 $0x7, v3;
	v4 =	vand.u32 $0xFFFFFFF0, v63  }
0xb2: {  	v3 =	vor.u32 v3, v4  }
0xb3: {  	v4 =	vperm.xlane v3, v0;
	_ =	sdelay $0x1  }
0xb4: {  	v3 =	vperm.xlane v3, v2;
	v4 =	vadd.s32 v1, v4;
	_ =	sdelay $0x1  }
0xb5: {  	v3 =	vadd.s32 v1, v3;
	_ =	sdelay $0x2  }
0xb6: {  	[tilespmem:s16], [sflag:$0x1] =	stream.indirect_vreg.gather [hbm4b:s3+s2], $0x80, v4, vm0, $0xb8;
	[tilespmem:$0xE000] =	vst v63  }
0xb7: {  	p0 =	sne.s32 s1, $0x4C400  }
0xb8: {  	[tilespmem:s17], [sflag:$0x1] =	stream.indirect_vreg.gather [hbm4b:s3+s2], $0x80, v3, vm0, $0xb8;
	[tilespmem:$0xE000] =	vst v63  }
.Ltmp0:
0xb9: {  	s4 =	sadd.s32 $0xA00, s4;
	(pc) =	sbr.rel @p0 .LBB2_2-.Ltmp0, $4  }
0xba: {  	[hbm4b:s4+s2] =	stream.linear.scatter [tilespmem:s19], [sflag:$0x3], $0x5000, $0x38;
	[tilespmem:$0xE000] =	vst v63  }
0xbb: {  	_ =	swait.ge [sflag:s7], $0x5000  }
0xbc: {  	[sflag:s7] =	ssyncset.done $0x0  }
0xbd: {  	s1 =	sadd.s32 $0x1400, s1;
	s0 =	sadd.s32 $0x100, s0;
	[sflag:s7] =	ssyncadd.s32 $0xFFFFB000  }
0xbe: {  	_ =	swait.ge [sflag:s18], $0x5000;
	s31 =	sadd.s32 $0x1, s31  }
0xbf: {  	[sflag:s18] =	ssyncset.done $0x0;
	p0 =	sne.s32 s31, s6  }
.Ltmp1:
0xc0: {  	[sflag:s18] =	ssyncadd.s32 $0xFFFFB000;
	(pc) =	sbr.rel @p0 .LBB2_1-.Ltmp1, $4  }
0xc1: {  	[hbm4b:s5+s2] =	stream.linear.scatter [tilespmem:s8], [sflag:$0x3], $0x5000, $0x38;
	[tilespmem:$0xE000] =	vst v63  }
0xc2: {  	_ =	swait.ge [sflag:s7], $0x5000  }
0xc3: {  	[sflag:s7] =	ssyncset.done $0x0  }
0xc4: {  	[sflag:s7] =	ssyncadd.s32 $0xFFFFB000  }
0xc5: {  	_ =	sfence.sel $0x180000  }
0xc6: {  	[bflag:$0x0] =	sbarrier.arrive $0xFFFF  }
0xc7: {  	_ =	strace $0x9000005C  }
0xc8: {  	s0 =	stileid.u32;
	[bflag:$0x2] =	sbarrier.arrive $0xFFFF  }
0xc9: {  	p0 =	sne.s32 s0, $0x0;
	s0 =	rddreg [dreg:$0x1]  }
0xca: {  	s0 =	sadd.s32 @!p0 $0x100000, s0  }
0xcb: {  	[sflag:s0] =	ssyncadd.tile.s32 @!p0 $0x1;
	_ =	shalt  }
.Lfunc_end2:
_tile_overlayer_lowered:
.L_overlay_start_2:
0xcc: {  	(tag) =	ssettag $0x2  }
0xcd: {  	s0 =	rddreg [dreg:$0x0];
	s2 =	stileid.u32  }
0xce: {  	s1 =	rddreg [dreg:$0x1];
	p0 =	sne.s32 s2, $0x0  }
0xcf: {  	s3 =	rddreg [dreg:$0x2];
	[bflag:$0x3] =	sbarrier.arrive $0xFFFF;
	s2 =	simm.s32 @!p0 $0x1C03  }
0xd0: {  	[timem:s3], [sflag:s2] =	dma.local @!p0 [hbm:s0], s1  }
0xd1: {  	s0 =	simm.s32 @!p0 $0x3  }
0xd2: {  	_ =	swait.ge @!p0 [sflag:s0], s1  }
0xd3: {  	s1 =	ssub.s32 @!p0 $0x0, s1;
	[sflag:s0] =	ssyncset.done @!p0 $0x0  }
0xd4: {  	[sflag:s0] =	ssyncadd.s32 @!p0 s1  }
0xd5: {  	[bflag:$0x3] =	sbarrier.arrive $0xFFFF  }
0xd6: {  	_ =	shalt  }

// kernel: kernel.44.cloned.1.call-start
scs
__scs_entry_jumppad:
0x0: {  	(pc) =	sbr.rel $0x88, $3  }
0x1: {  	(tag) =	ssettag $0x0;
	lr =	simm.s32 $0x1  }
0x2: {  	[smem:$0x3F8D] =	sst lr;
	_ =	strace $0xD0000000  }
0x3: {  	_ = 	snop  }
0x4: {  	_ = 	snop  }
0x5: {  	_ = 	snop  }
0x6: {  	_ = 	snop  }
0x7: {  	_ = 	snop  }
__scs_overlays_trampoline_lowered:
0x8: {  	[smem:$0x3F9C] =	sst s0  }
0x9: {  	[smem:$0x3F9D] =	sst s1  }
0xa: {  	[smem:$0x3F9E] =	sst s2  }
0xb: {  	[smem:$0x3F9F] =	sst s3  }
0xc: {  	[smem:$0x3FA0] =	sst s4  }
0xd: {  	[smem:$0x3FA1] =	sst s5  }
0xe: {  	[smem:$0x3FA2] =	sst s6  }
0xf: {  	[smem:$0x3FA3] =	sst s7  }
0x10: {  	[smem:$0x3FA4] =	sst s8  }
0x11: {  	[smem:$0x3FA5] =	sst s9;
	s0 =	simm.s32 @!p0 $0x0  }
0x12: {  	s1 =	sld [smem:$0x3F8B];
	s0 =	simm.s32 @p0 $0x1  }
0x13: {  	[smem:$0x3FA6] =	sst s0;
	s0 =	simm.s32 @!p1 $0x0  }
0x14: {  	s2 =	sld [smem:$0x3F8A];
	s0 =	simm.s32 @p1 $0x1  }
0x15: {  	[smem:$0x3FA7] =	sst s0;
	s0 =	simm.s32 @!p2 $0x0  }
0x16: {  	s3 =	sld [smem:$0x3FDB];
	s0 =	simm.s32 @p2 $0x1  }
0x17: {  	s4 =	simm.s32 $0x1BF5;
	[smem:$0x3FA9] =	sst s0  }
0x18: {  	s0 =	sld [smem:$0x3F8C];
	_ =	swait.ge [sflag:s4], $0x0  }
0x19: {  	s7 =	sld [smem:$0x3F8D]  }
0x1a: {  	s8 =	sadd.s32 $0xFFFFE003, lr  }
0x1b: {  	s9 =	sadd.s32 $0xFFFFFEF7, lr;
	s5 =	simm.s32 $0xFFFFFFFF;
	p2 =	slt.u32 s8, $0xFFFFF086  }
0x1c: {  	p1 =	slt.u32 s9, $0xF7A;
	s5 =	simm.s32 @!p2 $0x0  }
0x1d: {  	s5 =	simm.s32 @p1 $0x1;
	p0 =	seq.s32 s7, s2  }
0x1e: {  	s7 =	smul.u32 @!p0 $0xF7A, s2;
	p2 =	seq.s32 @!p0 s5, $0x0  }
0x1f: {  	s9 =	smul.u32 $0xF7A, s1;
	s8 =	simm.s32 @!p0 $0x1BF5;
	p2 =	por !p2, p0  }
0x20: {  	[sflag:s8] =	ssyncset.s32 @!p0 $0xFFFFF086;
	s6 =	sadd.s32 @!p0 s3, s7;
	s7 =	simm.s32 @!p0 $0x108  }
0x21: {  	s3 =	sadd.s32 s3, s9;
	s6 =	sadd.s32 @!p0 $0x88, s6;
	s7 =	simm.s32 @p2 $0x1082  }
0x22: {  	[simem:s7], [sflag:s8] =	dma.local @!p0 [hbm:s6], $0xF7A  }
0x23: {  	s9 =	sor.u32 $0xD0000000, s2;
	s6 =	simm.s32 $0x108;
	_ =	swait.ge @!p0 [sflag:s8], $0x0  }
0x24: {  	s3 =	sadd.s32 $0x88, s3;
	s6 =	simm.s32 @!p1 $0x1082;
	[sflag:s4] =	ssyncset.s32 $0xFFFFF086  }
0x25: {  	[simem:s6], [sflag:s4] =	dma.local [hbm:s3], $0xF7A  }
0x26: {  	[smem:$0x3F8D] =	sst s1;
	(tag) =	ssettag s2;
	_ =	strace s9  }
0x27: {  	s1 =	sld [smem:$0x3F9D]  }
0x28: {  	s2 =	sld [smem:$0x3F9E]  }
0x29: {  	s4 =	sld [smem:$0x3FA0]  }
0x2a: {  	p0 =	seq.s32 s5, $0x0;
	s5 =	sld [smem:$0x3FA1]  }
0x2b: {  	s6 =	sld [smem:$0x3FA2]  }
0x2c: {  	s7 =	sld [smem:$0x3FA3]  }
0x2d: {  	s3 =	simm.s32 $0x108;
	s8 =	sld [smem:$0x3FA4]  }
0x2e: {  	s3 =	simm.s32 @!p0 $0x1082;
	s9 =	sld [smem:$0x3FA5]  }
0x2f: {  	lr =	sadd.s32 s0, s3;
	s0 =	sld [smem:$0x3F9C]  }
0x30: {  	s3 =	sld [smem:$0x3F9F]  }
0x31: {  	[smem:$0x3FA8] =	sst s10  }
0x32: {  	s10 =	sld [smem:$0x3FA6];
	_ =	sdelay $0x3  }
0x33: {  	p0 =	seq.s32 s10, $0x1;
	s10 =	sld [smem:$0x3FA8];
	_ =	sdelay $0x3  }
0x34: {  	[smem:$0x3FA8] =	sst s10  }
0x35: {  	s10 =	sld [smem:$0x3FA7];
	_ =	sdelay $0x3  }
0x36: {  	p1 =	seq.s32 s10, $0x1;
	s10 =	sld [smem:$0x3FA8];
	_ =	sdelay $0x3  }
0x37: {  	[smem:$0x3FA8] =	sst s10  }
0x38: {  	s10 =	sld [smem:$0x3FA9]  }
0x39: {  	_ = 	snop;
	(pc) =	sbr.ind lr, $3  }
0x3a: {  	_ = 	snop  }
0x3b: {  	_ = 	snop  }
0x3c: {  	p2 =	seq.s32 s10, $0x1;
	s10 =	sld [smem:$0x3FA8]  }
0x3d: {  	_ =	shalt  }
0x3e: {  	_ =	shalt  }
0x3f: {  	_ =	shalt  }
0x40: {  	_ =	shalt  }
0x41: {  	_ =	shalt  }
0x42: {  	_ =	shalt  }
0x43: {  	_ =	shalt  }
0x44: {  	_ =	shalt  }
0x45: {  	_ =	shalt  }
0x46: {  	_ =	shalt  }
0x47: {  	_ =	shalt  }
0x48: {  	_ =	shalt  }
0x49: {  	_ =	shalt  }
0x4a: {  	_ =	shalt  }
0x4b: {  	_ =	shalt  }
0x4c: {  	_ =	shalt  }
0x4d: {  	_ =	shalt  }
0x4e: {  	_ =	shalt  }
0x4f: {  	_ =	shalt  }
0x50: {  	_ =	shalt  }
0x51: {  	_ =	shalt  }
0x52: {  	_ =	shalt  }
0x53: {  	_ =	shalt  }
0x54: {  	_ =	shalt  }
0x55: {  	_ =	shalt  }
0x56: {  	_ =	shalt  }
0x57: {  	_ =	shalt  }
0x58: {  	_ =	shalt  }
0x59: {  	_ =	shalt  }
0x5a: {  	_ =	shalt  }
0x5b: {  	_ =	shalt  }
0x5c: {  	_ =	shalt  }
0x5d: {  	_ =	shalt  }
0x5e: {  	_ =	shalt  }
0x5f: {  	_ =	shalt  }
0x60: {  	_ =	shalt  }
0x61: {  	_ =	shalt  }
0x62: {  	_ =	shalt  }
0x63: {  	_ =	shalt  }
0x64: {  	_ =	shalt  }
0x65: {  	_ =	shalt  }
0x66: {  	_ =	shalt  }
0x67: {  	_ =	shalt  }
0x68: {  	_ =	shalt  }
0x69: {  	_ =	shalt  }
0x6a: {  	_ =	shalt  }
0x6b: {  	_ =	shalt  }
0x6c: {  	_ =	shalt  }
0x6d: {  	_ =	shalt  }
0x6e: {  	_ =	shalt  }
0x6f: {  	_ =	shalt  }
0x70: {  	_ =	shalt  }
0x71: {  	_ =	shalt  }
0x72: {  	_ =	shalt  }
0x73: {  	_ =	shalt  }
0x74: {  	_ =	shalt  }
0x75: {  	_ =	shalt  }
0x76: {  	_ =	shalt  }
0x77: {  	_ =	shalt  }
0x78: {  	_ =	shalt  }
0x79: {  	_ =	shalt  }
0x7a: {  	_ =	shalt  }
0x7b: {  	_ =	shalt  }
0x7c: {  	_ =	shalt  }
0x7d: {  	_ =	shalt  }
0x7e: {  	_ =	shalt  }
0x7f: {  	_ =	shalt  }
0x80: {  	_ =	shalt  }
0x81: {  	_ =	shalt  }
0x82: {  	_ =	shalt  }
0x83: {  	_ =	shalt  }
0x84: {  	_ =	shalt  }
0x85: {  	_ =	shalt  }
0x86: {  	_ =	shalt  }
0x87: {  	_ =	shalt  }
.Lfunc_end0:
.L_simem_size_0:
called_computation.8_lowered:
.L_overlay_start_0:
0x88: {  	s2 =	sld [smem:$0x3FD9]  }
0x89: {  	s3 =	sld [smem:$0x3FFE];
	_ =	sdelay $0x1  }
0x8a: {  	s1 =	srdreg.scid  }
0x8b: {  	s0 =	sand.u32 $0x1, s1  }
0x8c: {  	s16 =	sshll.u32 s0, $0xA;
	s2 =	sadd.s32 s3, s2  }
0x8d: {  	s2 =	sadd.s32 s2, s16  }
0x8e: {  	[smem:$0x3FB4] =	sst s2  }
0x8f: {  	_ = 	snop  }
0x90: {  	(tm) =	ssettm $0x1  }
0x91: {  	s17 =	sld [smem:$0x3FFB];
	_ =	sdelay $0x3  }
0x92: {  	_ =	strace s17  }
0x93: {  	s2 =	sld [smem:$0x3FFC];
	_ =	sdelay $0x3  }
0x94: {  	_ =	strace s2  }
0x95: {  	s2 =	sld [smem:$0x3FFD];
	_ =	sdelay $0x3  }
0x96: {  	_ =	strace s2  }
0x97: {  	_ =	strace $0x8FFFFFFF  }
0x98: {  	s18 =	sld [smem:$0x3FDB];
	_ =	sdelay $0x1  }
0x99: {  	s19 =	simm.s32 $_scs_section_size  }
0x9a: {  	s4 =	simm.s32 $_size__tile_overlayer_lowered;
	s5 =	simm.s32 $_tile_overlayer_lowered  }
0x9b: {  	s22 =	simm.s32 $0x1BFF;
	s21 =	sshll.u32 s5, $0x1;
	s2 =	sadd.s32 s19, s18  }
0x9c: {  	s6 =	simm.s32 $0x0;
	s20 =	sshll.u32 s4, $0x1;
	s4 =	sadd.s32 s21, s2  }
0x9d: {  	[timem:s6], [sflag:s22] =	dma.local [hbm:s4], s20  }
0x9e: {  	_ =	swait.ge [sflag:s22], s20  }
0x9f: {  	s3 =	ssub.s32 $0x0, s20;
	[sflag:s22] =	ssyncset.done $0x0  }
0xa0: {  	[sflag:s22] =	ssyncadd.s32 s3;
	_ =	sdelay $0x1  }
0xa1: {  	s23 =	simm.s32 $0x1B8B  }
0xa2: {  	_ =	swait.ge [sflag:s23], $0x1  }
0xa3: {  	[sflag:s23] =	ssyncset.done $0x0  }
0xa4: {  	s25 =	simm.s32 $0x1B8E;
	s24 =	sld [smem:$0x3FFE];
	[sflag:s23] =	ssyncadd.s32 $0xFFFFFFFF  }
0xa5: {  	s26 =	simm.s32 $execute0_lowered;
	[smem:$0x3FD2] =	sst s25  }
0xa6: {  	s4 =	sshll.u32 s26, $0x1;
	_ =	strace $0x8000005E;
	[dreg:$0x1] =	wrdreg $0xFFFFFFFF  }
0xa7: {  	s28 =	simm.s32 $_size_execute0_lowered;
	s2 =	sadd.s32 s2, s4;
	[dreg:$0x0] =	wrdreg $0x0  }
0xa8: {  	s4 =	sshll.u32 s28, $0x1;
	[dreg:$0x2] =	wrdreg s2  }
0xa9: {  	[dreg:$0x3] =	wrdreg s4  }
0xaa: {  	[dreg:$0x4] =	wrdreg $0xC0  }
0xab: {  	_ =	task [dreg:s6], $0x5FFFF  }
0xac: {  	[dreg:$0x1] =	wrdreg $0xFFFFFFFF  }
0xad: {  	[dreg:$0x0] =	wrdreg $0x60  }
0xae: {  	[dreg:$0x2] =	wrdreg s24  }
0xaf: {  	[dreg:$0x3] =	wrdreg $0x51000  }
0xb0: {  	[dreg:$0x4] =	wrdreg $0x9  }
0xb1: {  	_ =	task.clear_ibuf [dreg:s6], $0x5FFFF;
	_ =	strace $0x9000005E  }
0xb2: {  	s29 =	simm.s32 $0x9;
	_ =	strace $0x80000060  }
0xb3: {  	_ =	swait.ge [sflag:s29], $0x1  }
0xb4: {  	[sflag:s29] =	ssyncadd.s32 $0xFFFFFFFF  }
0xb5: {  	_ =	strace $0x90000060  }
0xb6: {  	_ =	sfence  }
0xb7: {  	s30 =	sld [smem:$0x0];
	_ =	sdelay $0x2  }
0xb8: {  	s31 =	sshll.u32 s1, $0xD;
	s1 =	sshrl.u32 s1, $0x2  }
0xb9: {  	s3 =	sand.u32 $0x4000, s31;
	s1 =	sadd.s32 s1, s30  }
0xba: {  	s0 =	sor.u32 s3, s0;
	s1 =	sshll.u32 s1, $0x11  }
0xbb: {  	s0 =	sor.u32 s1, s0  }
0xbc: {  	s0 =	sadd.s32 $0x8F2B, s0  }
0xbd: {  	[sflag:s0] =	ssyncadd.remote.s32 $0x1  }
0xbe: {  	_ =	sfence.sel $0xFFFF  }
0xbf: {  	[dreg:$0x0] =	wrdreg $0xFFFFFFFF;
	(pc) =	sbr.abs _section_cstart, $3  }
0xc0: {  	[dreg:$0x1] =	wrdreg $0xFFFFFFFF  }
0xc1: {  	_ =	task.clear_ibuf [dreg:s6], $0x2FFFF;
	_ =	strace $0x9FFFFFFF  }
0xc2: {  	(tm) =	ssettm $0x7FFFFFFF  }
0xc3: {  	_ =	shalt  }
tec
execute0_lowered:
.L_overlay_start_1:
0x0: {  	(tag) =	ssettag $0x1  }
0x1: {  	s1 =	stileid.u32  }
0x2: {  	s6 =	rddreg [dreg:$0x0];
	s5 =	smul.u32 $0x2800, s1  }
0x3: {  	s2 =	rddreg [dreg:$0x1];
	s12 =	smul.u32 $0x50000, s1  }
0x4: {  	s3 =	simm.s32 $0x0;
	s4 =	srdreg.scid;
	s23 =	smul.u32 $0x14000, s1  }
0x5: {  	s28 =	simm.s32 $0x0;
	[smem:$0x7FF] =	sst s3;
	s18 =	smul.u32 $0x4E200, s1  }
0x6: {  	s9 =	sand.u32 $0x1, s4;
	s10 =	sadd.s32 $0x142B800, s6;
	s25 =	smul.u32 $0x4E20, s1  }
0x7: {  	s20 =	sshll.u32 s1, $0x1;
	s4 =	sadd.s32 $0x16600, s6;
	s22 =	smul.u32 $0x138800, s9  }
0x8: {  	s13 =	sadd.s32 $0x502400, s6;
	s16 =	sadd.s32 $0x12C000, s2;
	s19 =	smul.u32 $0x27100, s9  }
0x9: {  	p0 =	seq.s32 s1, $0xF;
	s7 =	sor.u32 s9, s20;
	s20 =	smul.u32 $0x2710, s9  }
0xa: {  	_ =	strace $0x8000005F;
	s11 =	ssub.s32 $0x2, s9;
	s8 =	smul.u32 $0x2710, s7  }
0xb: {  	s5 =	sadd.s32 s5, s6;
	s14 =	sshrl.u32 s11, $0x1;
	s15 =	smul.u32 $0x27100, s7  }
0xc: {  	s21 =	sshrl.u32 s12, $0x2;
	s6 =	sadd.s32 $0xA60E00, s6;
	s26 =	sadd.s32 s18, s10  }
0xd: {  	s18 =	simm.s32 $0x100;
	s11 =	ssub.s32 s11, s14;
	s17 =	sadd.s32 s21, s2  }
0xe: {  	s5 =	sadd.s32 $0xA3B600, s5;
	s14 =	sadd.s32 s23, s22;
	s12 =	sshrl.u32 s22, $0x3  }
0xf: {  	s29 =	sadd.s32 s19, s26;
	s30 =	sadd.s32 s20, s25;
	s19 =	simm.s32 $0x1  }
0x10: {  	s20 =	simm.s32 $0x3;
	s21 =	simm.s32 $0x80;
	s22 =	simm.s32 $0x2900  }
0x11: {  	s23 =	simm.s32 $0x50;
	s25 =	simm.s32 $0x2;
	s26 =	simm.s32 $0x4  }
0x12: {  	s24 =	sshrl.u32 s8, $0x3;
	s8 =	sadd.s32 s10, s15;
	s14 =	sshrl.u32 s14, $0x3  }
0x13: {  	s12 =	sadd.s32 s13, s12;
	s11 =	smax.u32 s11, $0x1;
	s31 =	sadd.s32 $0x50, s30  }
0x14: {  	s15 =	sshrl.u32 @p0 s16, $0x3;
	s16 =	sshll.u32 @!p0 s1, $0x6;
	s17 =	sshrl.u32 @!p0 s17, $0x3  }
0x15: {  	s7 =	sadd.s32 s4, s24;
	s9 =	sadd.s32 s13, s14;
	s10 =	sadd.s32 $0x25800, s12  }
0x16: {  	s12 =	sadd.s32 $0xA00, s29;
	s13 =	sadd.s32 $0xA0, s30;
	s14 =	sshrl.u32 s31, $0x3  }
0x17: {  	s16 =	sor.u32 @!p0 $0x1C05, s16;
	s24 =	simm.s32 $0x5;
	s14 =	sadd.s32 s14, s4  }
.LBB2_1:
0x18: {  	s29 =	simm.s32 @p0 $0x1FC5  }
0x19: {  	[spmem:s15], [sflag:s29] =	dma.local @p0 [hbm:s6], $0x1900  }
0x1a: {  	s29 =	simm.s32 @p0 $0x5  }
0x1b: {  	_ =	swait.ge @p0 [sflag:s29], $0x1900  }
0x1c: {  	[sflag:s29] =	ssyncset.done @p0 $0x0  }
0x1d: {  	[sflag:s29] =	ssyncadd.s32 @p0 $0xFFFFE700;
	s29 =	simm.s32 @!p0 $0x5  }
0x1e: {  	[spmem:s17], [sflag:s16] =	dma.local @!p0 [hbm:s5], $0x2800  }
0x1f: {  	_ =	swait.ge @!p0 [sflag:s29], $0x2800  }
0x20: {  	[sflag:s29] =	ssyncset.done @!p0 $0x0  }
0x21: {  	[sflag:s29] =	ssyncadd.s32 @!p0 $0xFFFFD800  }
0x22: {  	[tilespmem:s3], [sflag:$0x1] =	stream.linear.gather [hbm4b:s7+s3], $0x50, $0x38;
	[tilespmem:$0x18980] =	vst v63  }
0x23: {  	_ = 	snop  }
0x24: {  	[tilespmem:s18], [sflag:$0x3] =	stream.linear.gather [hbm4b:s8+s3], $0x2800, $0x38;
	[tilespmem:$0x18980] =	vst v63  }
0x25: {  	[bflag:$0x0] =	sbarrier.arrive $0xFFFF  }
0x26: {  	_ =	swait.ge [sflag:s19], $0x50  }
0x27: {  	[sflag:s19] =	ssyncset.done $0x0  }
0x28: {  	[sflag:s19] =	ssyncadd.s32 $0xFFFFFFB0  }
0x29: {  	_ =	swait.ge [sflag:s20], $0x2800  }
0x2a: {  	[sflag:s20] =	ssyncset.done $0x0  }
0x2b: {  	s29 =	sadd.s32 $0x0, s14;
	[sflag:s20] =	ssyncadd.s32 $0xFFFFD800  }
0x2c: {  	[tilespmem:s21], [sflag:$0x2] =	stream.linear.gather [hbm4b:s29+s3], $0x50, $0x38;
	[tilespmem:$0x18980] =	vst v63  }
0x2d: {  	s29 =	sadd.s32 $0xFFFFFB00, s12  }
0x2e: {  	[tilespmem:s22], [sflag:$0x4] =	stream.linear.gather [hbm4b:s29+s3], $0x2800, $0x38;
	[tilespmem:$0x18980] =	vst v63  }
0x2f: {  	_ = 	snop  }
0x30: {  	[spmem:s2] =	stream.indirect.scatter.add.f32 [tilespmem:s18], [sflag:$0x5], $0x80, s3, s23, $0xb8;
	[tilespmem:$0x18980] =	vst v63  }
0x31: {  	_ =	swait.ge [sflag:s24], $0x2800  }
0x32: {  	[sflag:s24] =	ssyncset.done $0x0  }
0x33: {  	[sflag:s24] =	ssyncadd.s32 $0xFFFFD800  }
0x34: {  	_ =	swait.ge [sflag:s25], $0x50  }
0x35: {  	[sflag:s25] =	ssyncset.done $0x0  }
0x36: {  	[sflag:s25] =	ssyncadd.s32 $0xFFFFFFB0  }
0x37: {  	_ =	swait.ge [sflag:s26], $0x2800  }
0x38: {  	s29 =	sshrl.u32 s13, $0x3;
	[sflag:s26] =	ssyncset.done $0x0  }
0x39: {  	s29 =	sadd.s32 s4, s29;
	[sflag:s26] =	ssyncadd.s32 $0xFFFFD800  }
0x3a: {  	[tilespmem:s3], [sflag:$0x1] =	stream.linear.gather [hbm4b:s29+s3], $0x50, $0x38;
	[tilespmem:$0x18980] =	vst v63  }
0x3b: {  	_ = 	snop  }
0x3c: {  	[tilespmem:s18], [sflag:$0x3] =	stream.linear.gather [hbm4b:s12+s3], $0x2800, $0x38;
	[tilespmem:$0x18980] =	vst v63  }
0x3d: {  	_ = 	snop  }
0x3e: {  	[spmem:s2] =	stream.indirect.scatter.add.f32 [tilespmem:s22], [sflag:$0x5], $0x80, s21, s23, $0xb8;
	[tilespmem:$0x18980] =	vst v63  }
0x3f: {  	s30 =	smov.u32 s12;
	_ =	swait.ge [sflag:s24], $0x2800  }
0x40: {  	s31 =	smov.u32 s13;
	s29 =	simm.s32 $0x14;
	[sflag:s24] =	ssyncset.done $0x0  }
.LBB2_2:
0x41: {  	[sflag:s24] =	ssyncadd.s32 $0xFFFFD800;
	s30 =	sadd.s32 $0xA00, s30;
	s31 =	sadd.s32 $0xA0, s31  }
0x42: {  	p1 =	sne.s32 s29, $0x4C4;
	s0 =	smov.u32 s29;
	s29 =	sadd.s32 $0x14, s29  }
0x43: {  	_ =	swait.ge [sflag:s19], $0x50  }
0x44: {  	[sflag:s19] =	ssyncset.done $0x0  }
0x45: {  	[sflag:s19] =	ssyncadd.s32 $0xFFFFFFB0  }
0x46: {  	_ =	swait.ge [sflag:s20], $0x2800  }
0x47: {  	[sflag:s20] =	ssyncset.done $0x0  }
0x48: {  	s0 =	sadd.s32 s0, s14;
	[sflag:s20] =	ssyncadd.s32 $0xFFFFD800  }
0x49: {  	[tilespmem:s21], [sflag:$0x2] =	stream.linear.gather [hbm4b:s0+s3], $0x50, $0x38;
	[tilespmem:$0x18980] =	vst v63  }
0x4a: {  	s0 =	sadd.s32 $0xFFFFFB00, s30  }
0x4b: {  	[tilespmem:s22], [sflag:$0x4] =	stream.linear.gather [hbm4b:s0+s3], $0x2800, $0x38;
	[tilespmem:$0x18980] =	vst v63  }
0x4c: {  	_ = 	snop  }
0x4d: {  	[spmem:s2] =	stream.indirect.scatter.add.f32 [tilespmem:s18], [sflag:$0x5], $0x80, s3, s23, $0xb8;
	[tilespmem:$0x18980] =	vst v63  }
0x4e: {  	_ =	swait.ge [sflag:s24], $0x2800  }
0x4f: {  	[sflag:s24] =	ssyncset.done $0x0  }
0x50: {  	[sflag:s24] =	ssyncadd.s32 $0xFFFFD800  }
0x51: {  	_ =	swait.ge [sflag:s25], $0x50  }
0x52: {  	[sflag:s25] =	ssyncset.done $0x0  }
0x53: {  	[sflag:s25] =	ssyncadd.s32 $0xFFFFFFB0  }
0x54: {  	_ =	swait.ge [sflag:s26], $0x2800  }
0x55: {  	s0 =	sshrl.u32 s31, $0x3;
	[sflag:s26] =	ssyncset.done $0x0  }
0x56: {  	s0 =	sadd.s32 s4, s0;
	[sflag:s26] =	ssyncadd.s32 $0xFFFFD800  }
0x57: {  	[tilespmem:s3], [sflag:$0x1] =	stream.linear.gather [hbm4b:s0+s3], $0x50, $0x38;
	[tilespmem:$0x18980] =	vst v63  }
0x58: {  	_ = 	snop  }
0x59: {  	[tilespmem:s18], [sflag:$0x3] =	stream.linear.gather [hbm4b:s30+s3], $0x2800, $0x38;
	[tilespmem:$0x18980] =	vst v63  }
.Ltmp0:
0x5a: {  	_ = 	snop;
	(pc) =	sbr.rel @p1 .LBB2_2-.Ltmp0, $4  }
0x5b: {  	_ = 	snop  }
0x5c: {  	[spmem:s2] =	stream.indirect.scatter.add.f32 [tilespmem:s22], [sflag:$0x5], $0x80, s21, s23, $0xb8;
	[tilespmem:$0x18980] =	vst v63  }
0x5d: {  	_ =	swait.ge [sflag:s24], $0x2800  }
0x5e: {  	[sflag:s24] =	ssyncset.done $0x0  }
0x5f: {  	[sflag:s24] =	ssyncadd.s32 $0xFFFFD800  }
0x60: {  	_ =	swait.ge [sflag:s19], $0x50  }
0x61: {  	[sflag:s19] =	ssyncset.done $0x0  }
0x62: {  	[sflag:s19] =	ssyncadd.s32 $0xFFFFFFB0  }
0x63: {  	_ =	swait.ge [sflag:s20], $0x2800  }
0x64: {  	[sflag:s20] =	ssyncset.done $0x0  }
0x65: {  	[sflag:s20] =	ssyncadd.s32 $0xFFFFD800  }
0x66: {  	[spmem:s2] =	stream.indirect.scatter.add.f32 [tilespmem:s18], [sflag:$0x5], $0x80, s3, s23, $0xb8;
	[tilespmem:$0x18980] =	vst v63  }
0x67: {  	_ =	swait.ge [sflag:s24], $0x2800  }
0x68: {  	[sflag:s24] =	ssyncset.done $0x0  }
0x69: {  	[sflag:s24] =	ssyncadd.s32 $0xFFFFD800  }
0x6a: {  	s0 =	simm.s32 @p0 $0x1FC5;
	[bflag:$0x0] =	sbarrier.arrive $0xFFFF  }
0x6b: {  	[hbm:s10], [sflag:s0] =	dma.local @p0 [spmem:s15], $0x1900  }
0x6c: {  	s0 =	simm.s32 @p0 $0x5  }
0x6d: {  	s28 =	sadd.s32 $0x1, s28;
	_ =	swait.ge @p0 [sflag:s0], $0x1900  }
0x6e: {  	p1 =	sne.s32 s28, s11;
	[sflag:s0] =	ssyncset.done @p0 $0x0  }
.Ltmp1:
0x6f: {  	[sflag:s0] =	ssyncadd.s32 @p0 $0xFFFFE700;
	s0 =	simm.s32 @!p0 $0x5;
	(pc) =	sbr.rel @p1 .LBB2_1-.Ltmp1, $4  }
0x70: {  	[hbm:s9], [sflag:s16] =	dma.local @!p0 [spmem:s17], $0x2800  }
0x71: {  	_ =	swait.ge @!p0 [sflag:s0], $0x2800  }
0x72: {  	[sflag:s0] =	ssyncset.done @!p0 $0x0  }
0x73: {  	[sflag:s0] =	ssyncadd.s32 @!p0 $0xFFFFD800  }
0x74: {  	_ =	sfence.sel $0x180000  }
0x75: {  	[bflag:$0x0] =	sbarrier.arrive $0xFFFF  }
0x76: {  	_ =	strace $0x9000005F  }
0x77: {  	[bflag:$0x2] =	sbarrier.arrive $0xFFFF  }
0x78: {  	p0 =	sne.s32 s1, $0x0;
	s0 =	rddreg [dreg:$0x2]  }
0x79: {  	s0 =	sadd.s32 @!p0 $0x100000, s0  }
0x7a: {  	[sflag:s0] =	ssyncadd.tile.s32 @!p0 $0x1;
	_ =	shalt  }
.Lfunc_end2:
_tile_overlayer_lowered:
.L_overlay_start_2:
0x7b: {  	(tag) =	ssettag $0x2  }
0x7c: {  	s0 =	rddreg [dreg:$0x0];
	s2 =	stileid.u32  }
0x7d: {  	s1 =	rddreg [dreg:$0x1];
	p0 =	sne.s32 s2, $0x0  }
0x7e: {  	s3 =	rddreg [dreg:$0x2];
	[bflag:$0x3] =	sbarrier.arrive $0xFFFF;
	s2 =	simm.s32 @!p0 $0x1C05  }
0x7f: {  	[timem:s3], [sflag:s2] =	dma.local @!p0 [hbm:s0], s1  }
0x80: {  	s0 =	simm.s32 @!p0 $0x5  }
0x81: {  	_ =	swait.ge @!p0 [sflag:s0], s1  }
0x82: {  	s1 =	ssub.s32 @!p0 $0x0, s1;
	[sflag:s0] =	ssyncset.done @!p0 $0x0  }
0x83: {  	[sflag:s0] =	ssyncadd.s32 @!p0 s1  }
0x84: {  	[bflag:$0x3] =	sbarrier.arrive $0xFFFF  }
0x85: {  	_ =	shalt  }

// kernel: kernel.47.cloned.1.call-start
scs
__scs_entry_jumppad:
0x0: {  	(pc) =	sbr.rel $0x88, $3  }
0x1: {  	(tag) =	ssettag $0x0;
	lr =	simm.s32 $0x1  }
0x2: {  	[smem:$0x3F8D] =	sst lr;
	_ =	strace $0xD0000000  }
0x3: {  	_ = 	snop  }
0x4: {  	_ = 	snop  }
0x5: {  	_ = 	snop  }
0x6: {  	_ = 	snop  }
0x7: {  	_ = 	snop  }
__scs_overlays_trampoline_lowered:
0x8: {  	[smem:$0x3F9C] =	sst s0  }
0x9: {  	[smem:$0x3F9D] =	sst s1  }
0xa: {  	[smem:$0x3F9E] =	sst s2  }
0xb: {  	[smem:$0x3F9F] =	sst s3  }
0xc: {  	[smem:$0x3FA0] =	sst s4  }
0xd: {  	[smem:$0x3FA1] =	sst s5  }
0xe: {  	[smem:$0x3FA2] =	sst s6  }
0xf: {  	[smem:$0x3FA3] =	sst s7  }
0x10: {  	[smem:$0x3FA4] =	sst s8  }
0x11: {  	[smem:$0x3FA5] =	sst s9;
	s0 =	simm.s32 @!p0 $0x0  }
0x12: {  	s1 =	sld [smem:$0x3F8B];
	s0 =	simm.s32 @p0 $0x1  }
0x13: {  	[smem:$0x3FA6] =	sst s0;
	s0 =	simm.s32 @!p1 $0x0  }
0x14: {  	s2 =	sld [smem:$0x3F8A];
	s0 =	simm.s32 @p1 $0x1  }
0x15: {  	[smem:$0x3FA7] =	sst s0;
	s0 =	simm.s32 @!p2 $0x0  }
0x16: {  	s3 =	sld [smem:$0x3FDB];
	s0 =	simm.s32 @p2 $0x1  }
0x17: {  	s4 =	simm.s32 $0x1BF5;
	[smem:$0x3FA9] =	sst s0  }
0x18: {  	s0 =	sld [smem:$0x3F8C];
	_ =	swait.ge [sflag:s4], $0x0  }
0x19: {  	s7 =	sld [smem:$0x3F8D]  }
0x1a: {  	s8 =	sadd.s32 $0xFFFFE003, lr  }
0x1b: {  	s9 =	sadd.s32 $0xFFFFFEF7, lr;
	s5 =	simm.s32 $0xFFFFFFFF;
	p2 =	slt.u32 s8, $0xFFFFF086  }
0x1c: {  	p1 =	slt.u32 s9, $0xF7A;
	s5 =	simm.s32 @!p2 $0x0  }
0x1d: {  	s5 =	simm.s32 @p1 $0x1;
	p0 =	seq.s32 s7, s2  }
0x1e: {  	s7 =	smul.u32 @!p0 $0xF7A, s2;
	p2 =	seq.s32 @!p0 s5, $0x0  }
0x1f: {  	s9 =	smul.u32 $0xF7A, s1;
	s8 =	simm.s32 @!p0 $0x1BF5;
	p2 =	por !p2, p0  }
0x20: {  	[sflag:s8] =	ssyncset.s32 @!p0 $0xFFFFF086;
	s6 =	sadd.s32 @!p0 s3, s7;
	s7 =	simm.s32 @!p0 $0x108  }
0x21: {  	s3 =	sadd.s32 s3, s9;
	s6 =	sadd.s32 @!p0 $0x88, s6;
	s7 =	simm.s32 @p2 $0x1082  }
0x22: {  	[simem:s7], [sflag:s8] =	dma.local @!p0 [hbm:s6], $0xF7A  }
0x23: {  	s9 =	sor.u32 $0xD0000000, s2;
	s6 =	simm.s32 $0x108;
	_ =	swait.ge @!p0 [sflag:s8], $0x0  }
0x24: {  	s3 =	sadd.s32 $0x88, s3;
	s6 =	simm.s32 @!p1 $0x1082;
	[sflag:s4] =	ssyncset.s32 $0xFFFFF086  }
0x25: {  	[simem:s6], [sflag:s4] =	dma.local [hbm:s3], $0xF7A  }
0x26: {  	[smem:$0x3F8D] =	sst s1;
	(tag) =	ssettag s2;
	_ =	strace s9  }
0x27: {  	s1 =	sld [smem:$0x3F9D]  }
0x28: {  	s2 =	sld [smem:$0x3F9E]  }
0x29: {  	s4 =	sld [smem:$0x3FA0]  }
0x2a: {  	p0 =	seq.s32 s5, $0x0;
	s5 =	sld [smem:$0x3FA1]  }
0x2b: {  	s6 =	sld [smem:$0x3FA2]  }
0x2c: {  	s7 =	sld [smem:$0x3FA3]  }
0x2d: {  	s3 =	simm.s32 $0x108;
	s8 =	sld [smem:$0x3FA4]  }
0x2e: {  	s3 =	simm.s32 @!p0 $0x1082;
	s9 =	sld [smem:$0x3FA5]  }
0x2f: {  	lr =	sadd.s32 s0, s3;
	s0 =	sld [smem:$0x3F9C]  }
0x30: {  	s3 =	sld [smem:$0x3F9F]  }
0x31: {  	[smem:$0x3FA8] =	sst s10  }
0x32: {  	s10 =	sld [smem:$0x3FA6];
	_ =	sdelay $0x3  }
0x33: {  	p0 =	seq.s32 s10, $0x1;
	s10 =	sld [smem:$0x3FA8];
	_ =	sdelay $0x3  }
0x34: {  	[smem:$0x3FA8] =	sst s10  }
0x35: {  	s10 =	sld [smem:$0x3FA7];
	_ =	sdelay $0x3  }
0x36: {  	p1 =	seq.s32 s10, $0x1;
	s10 =	sld [smem:$0x3FA8];
	_ =	sdelay $0x3  }
0x37: {  	[smem:$0x3FA8] =	sst s10  }
0x38: {  	s10 =	sld [smem:$0x3FA9]  }
0x39: {  	_ = 	snop;
	(pc) =	sbr.ind lr, $3  }
0x3a: {  	_ = 	snop  }
0x3b: {  	_ = 	snop  }
0x3c: {  	p2 =	seq.s32 s10, $0x1;
	s10 =	sld [smem:$0x3FA8]  }
0x3d: {  	_ =	shalt  }
0x3e: {  	_ =	shalt  }
0x3f: {  	_ =	shalt  }
0x40: {  	_ =	shalt  }
0x41: {  	_ =	shalt  }
0x42: {  	_ =	shalt  }
0x43: {  	_ =	shalt  }
0x44: {  	_ =	shalt  }
0x45: {  	_ =	shalt  }
0x46: {  	_ =	shalt  }
0x47: {  	_ =	shalt  }
0x48: {  	_ =	shalt  }
0x49: {  	_ =	shalt  }
0x4a: {  	_ =	shalt  }
0x4b: {  	_ =	shalt  }
0x4c: {  	_ =	shalt  }
0x4d: {  	_ =	shalt  }
0x4e: {  	_ =	shalt  }
0x4f: {  	_ =	shalt  }
0x50: {  	_ =	shalt  }
0x51: {  	_ =	shalt  }
0x52: {  	_ =	shalt  }
0x53: {  	_ =	shalt  }
0x54: {  	_ =	shalt  }
0x55: {  	_ =	shalt  }
0x56: {  	_ =	shalt  }
0x57: {  	_ =	shalt  }
0x58: {  	_ =	shalt  }
0x59: {  	_ =	shalt  }
0x5a: {  	_ =	shalt  }
0x5b: {  	_ =	shalt  }
0x5c: {  	_ =	shalt  }
0x5d: {  	_ =	shalt  }
0x5e: {  	_ =	shalt  }
0x5f: {  	_ =	shalt  }
0x60: {  	_ =	shalt  }
0x61: {  	_ =	shalt  }
0x62: {  	_ =	shalt  }
0x63: {  	_ =	shalt  }
0x64: {  	_ =	shalt  }
0x65: {  	_ =	shalt  }
0x66: {  	_ =	shalt  }
0x67: {  	_ =	shalt  }
0x68: {  	_ =	shalt  }
0x69: {  	_ =	shalt  }
0x6a: {  	_ =	shalt  }
0x6b: {  	_ =	shalt  }
0x6c: {  	_ =	shalt  }
0x6d: {  	_ =	shalt  }
0x6e: {  	_ =	shalt  }
0x6f: {  	_ =	shalt  }
0x70: {  	_ =	shalt  }
0x71: {  	_ =	shalt  }
0x72: {  	_ =	shalt  }
0x73: {  	_ =	shalt  }
0x74: {  	_ =	shalt  }
0x75: {  	_ =	shalt  }
0x76: {  	_ =	shalt  }
0x77: {  	_ =	shalt  }
0x78: {  	_ =	shalt  }
0x79: {  	_ =	shalt  }
0x7a: {  	_ =	shalt  }
0x7b: {  	_ =	shalt  }
0x7c: {  	_ =	shalt  }
0x7d: {  	_ =	shalt  }
0x7e: {  	_ =	shalt  }
0x7f: {  	_ =	shalt  }
0x80: {  	_ =	shalt  }
0x81: {  	_ =	shalt  }
0x82: {  	_ =	shalt  }
0x83: {  	_ =	shalt  }
0x84: {  	_ =	shalt  }
0x85: {  	_ =	shalt  }
0x86: {  	_ =	shalt  }
0x87: {  	_ =	shalt  }
.Lfunc_end0:
.L_simem_size_0:
called_computation.9_lowered:
.L_overlay_start_0:
0x88: {  	s2 =	sld [smem:$0x3FD9]  }
0x89: {  	s3 =	sld [smem:$0x3FFE];
	_ =	sdelay $0x1  }
0x8a: {  	s1 =	srdreg.scid  }
0x8b: {  	s0 =	sand.u32 $0x1, s1  }
0x8c: {  	s16 =	sshll.u32 s0, $0xA;
	s2 =	sadd.s32 s3, s2  }
0x8d: {  	s2 =	sadd.s32 s2, s16  }
0x8e: {  	[smem:$0x3FB4] =	sst s2  }
0x8f: {  	_ = 	snop  }
0x90: {  	(tm) =	ssettm $0x1  }
0x91: {  	s17 =	sld [smem:$0x3FFB];
	_ =	sdelay $0x3  }
0x92: {  	_ =	strace s17  }
0x93: {  	s2 =	sld [smem:$0x3FFC];
	_ =	sdelay $0x3  }
0x94: {  	_ =	strace s2  }
0x95: {  	s2 =	sld [smem:$0x3FFD];
	_ =	sdelay $0x3  }
0x96: {  	_ =	strace s2  }
0x97: {  	_ =	strace $0x8FFFFFFF  }
0x98: {  	s18 =	sld [smem:$0x3FDB];
	_ =	sdelay $0x1  }
0x99: {  	s19 =	simm.s32 $_scs_section_size  }
0x9a: {  	s4 =	simm.s32 $_size__tile_overlayer_lowered;
	s5 =	simm.s32 $_tile_overlayer_lowered  }
0x9b: {  	s22 =	simm.s32 $0x1BFF;
	s21 =	sshll.u32 s5, $0x1;
	s2 =	sadd.s32 s19, s18  }
0x9c: {  	s6 =	simm.s32 $0x0;
	s20 =	sshll.u32 s4, $0x1;
	s4 =	sadd.s32 s21, s2  }
0x9d: {  	[timem:s6], [sflag:s22] =	dma.local [hbm:s4], s20  }
0x9e: {  	_ =	swait.ge [sflag:s22], s20  }
0x9f: {  	s3 =	ssub.s32 $0x0, s20;
	[sflag:s22] =	ssyncset.done $0x0  }
0xa0: {  	[sflag:s22] =	ssyncadd.s32 s3;
	_ =	sdelay $0x1  }
0xa1: {  	s23 =	simm.s32 $0x1B8B  }
0xa2: {  	_ =	swait.ge [sflag:s23], $0x1  }
0xa3: {  	[sflag:s23] =	ssyncset.done $0x0  }
0xa4: {  	s25 =	simm.s32 $0x1B8E;
	s24 =	sld [smem:$0x3FFE];
	[sflag:s23] =	ssyncadd.s32 $0xFFFFFFFF  }
0xa5: {  	s26 =	simm.s32 $execute0_lowered;
	[smem:$0x3FD2] =	sst s25  }
0xa6: {  	s4 =	sshll.u32 s26, $0x1;
	_ =	strace $0x80000061;
	[dreg:$0x1] =	wrdreg $0xFFFFFFFF  }
0xa7: {  	s28 =	simm.s32 $_size_execute0_lowered;
	s2 =	sadd.s32 s2, s4;
	[dreg:$0x0] =	wrdreg $0x0  }
0xa8: {  	s4 =	sshll.u32 s28, $0x1;
	[dreg:$0x2] =	wrdreg s2  }
0xa9: {  	[dreg:$0x3] =	wrdreg s4  }
0xaa: {  	[dreg:$0x4] =	wrdreg $0xC0  }
0xab: {  	_ =	task [dreg:s6], $0x5FFFF  }
0xac: {  	[dreg:$0x1] =	wrdreg $0xFFFFFFFF  }
0xad: {  	[dreg:$0x0] =	wrdreg $0x60  }
0xae: {  	[dreg:$0x2] =	wrdreg s24  }
0xaf: {  	[dreg:$0x3] =	wrdreg $0xAA00  }
0xb0: {  	[dreg:$0x4] =	wrdreg $0x9  }
0xb1: {  	_ =	task.clear_ibuf [dreg:s6], $0x5FFFF;
	_ =	strace $0x90000061  }
0xb2: {  	s29 =	simm.s32 $0x9;
	_ =	strace $0x80000063  }
0xb3: {  	_ =	swait.ge [sflag:s29], $0x1  }
0xb4: {  	[sflag:s29] =	ssyncadd.s32 $0xFFFFFFFF  }
0xb5: {  	_ =	strace $0x90000063  }
0xb6: {  	_ =	sfence  }
0xb7: {  	s30 =	sld [smem:$0x0];
	_ =	sdelay $0x2  }
0xb8: {  	s31 =	sshll.u32 s1, $0xD;
	s1 =	sshrl.u32 s1, $0x2  }
0xb9: {  	s3 =	sand.u32 $0x4000, s31;
	s1 =	sadd.s32 s1, s30  }
0xba: {  	s0 =	sor.u32 s3, s0;
	s1 =	sshll.u32 s1, $0x11  }
0xbb: {  	s0 =	sor.u32 s1, s0  }
0xbc: {  	s0 =	sadd.s32 $0x8F2B, s0  }
0xbd: {  	[sflag:s0] =	ssyncadd.remote.s32 $0x1  }
0xbe: {  	_ =	sfence.sel $0xFFFF  }
0xbf: {  	[dreg:$0x0] =	wrdreg $0xFFFFFFFF;
	(pc) =	sbr.abs _section_cstart, $3  }
0xc0: {  	[dreg:$0x1] =	wrdreg $0xFFFFFFFF  }
0xc1: {  	_ =	task.clear_ibuf [dreg:s6], $0x2FFFF;
	_ =	strace $0x9FFFFFFF  }
0xc2: {  	(tm) =	ssettm $0x7FFFFFFF  }
0xc3: {  	_ =	shalt  }
tec
execute0_lowered:
.L_overlay_start_1:
0x0: {  	(tag) =	ssettag $0x1  }
0x1: {  	s6 =	rddreg [dreg:$0x0]  }
0x2: {  	s1 =	rddreg [dreg:$0x1];
	s3 =	simm.s32 $0x0;
	s0 =	stileid.u32  }
0x3: {  	s4 =	srdreg.scid;
	s20 =	simm.s32 $0x1;
	s21 =	simm.s32 $0x3  }
0x4: {  	s22 =	simm.s32 $0x50;
	s28 =	simm.s32 $0x0;
	[smem:$0x7FF] =	sst s3  }
0x5: {  	s9 =	smul.u32 $0x2800, s0;
	s7 =	sand.u32 $0x1, s4;
	s5 =	sshll.u32 s0, $0x1  }
0x6: {  	s14 =	sadd.s32 $0x550600, s6;
	s4 =	sadd.s32 $0x16600, s6;
	s15 =	sadd.s32 $0xC800, s6  }
0x7: {  	s16 =	smul.u32 $0x4E20, s0;
	s17 =	sadd.s32 $0x25800, s1;
	p0 =	seq.s32 s0, $0xF  }
0x8: {  	_ =	strace $0x80000062;
	s5 =	sor.u32 s7, s5;
	s23 =	smul.u32 $0x27100, s7  }
0x9: {  	s10 =	ssub.s32 $0x2, s7;
	s25 =	smul.u32 $0x2710, s7;
	s19 =	sshll.u32 @!p0 s0, $0x6  }
0xa: {  	s8 =	sshrl.u32 s9, $0x3;
	s11 =	smul.u32 $0x2710, s5;
	s12 =	sshrl.u32 s10, $0x1  }
0xb: {  	s13 =	smul.u32 $0x4E20, s5;
	s18 =	sadd.s32 s9, s1;
	s8 =	sadd.s32 s8, s6  }
0xc: {  	s12 =	ssub.s32 s10, s12;
	s6 =	sadd.s32 $0xA67300, s6;
	s9 =	sadd.s32 s9, s23  }
0xd: {  	s10 =	sshrl.u32 s23, $0x3;
	s16 =	sadd.s32 s25, s16;
	s18 =	sshrl.u32 @!p0 s18, $0x3  }
0xe: {  	s23 =	simm.s32 $0x5A0;
	s25 =	simm.s32 $0x2;
	s5 =	sadd.s32 $0xA62800, s8  }
0xf: {  	s24 =	sshrl.u32 s11, $0x3;
	s8 =	sadd.s32 s14, s13;
	s26 =	sshrl.u32 s9, $0x3  }
0x10: {  	s29 =	sadd.s32 s15, s10;
	s9 =	sadd.s32 $0xA0, s16;
	s12 =	smax.u32 s12, $0x1  }
0x11: {  	s31 =	sadd.s32 $0x50, s16;
	s7 =	sadd.s32 s4, s24;
	s10 =	sadd.s32 s15, s26  }
0x12: {  	s11 =	sadd.s32 $0x4B00, s29;
	s30 =	sshll.u32 s9, $0x1;
	s16 =	sshll.u32 s31, $0x1  }
0x13: {  	s15 =	sshrl.u32 s31, $0x3;
	s24 =	simm.s32 $0x5;
	s26 =	simm.s32 $0x4  }
0x14: {  	s13 =	sadd.s32 s30, s14;
	s14 =	sadd.s32 s16, s14;
	s15 =	sadd.s32 s15, s4  }
0x15: {  	s16 =	sshrl.u32 @p0 s17, $0x3;
	s17 =	sor.u32 @!p0 $0x1C05, s19;
	s19 =	simm.s32 $0xA0  }
.LBB2_1:
0x16: {  	s29 =	simm.s32 @p0 $0x1FC5  }
0x17: {  	[spmem:s16], [sflag:s29] =	dma.local @p0 [hbm:s6], $0x320  }
0x18: {  	s29 =	simm.s32 @p0 $0x5  }
0x19: {  	_ =	swait.ge @p0 [sflag:s29], $0x320  }
0x1a: {  	[sflag:s29] =	ssyncset.done @p0 $0x0  }
0x1b: {  	[sflag:s29] =	ssyncadd.s32 @p0 $0xFFFFFCE0;
	s29 =	simm.s32 @!p0 $0x5  }
0x1c: {  	[spmem:s18], [sflag:s17] =	dma.local @!p0 [hbm:s5], $0x500  }
0x1d: {  	_ =	swait.ge @!p0 [sflag:s29], $0x500  }
0x1e: {  	[sflag:s29] =	ssyncset.done @!p0 $0x0  }
0x1f: {  	[sflag:s29] =	ssyncadd.s32 @!p0 $0xFFFFFB00  }
0x20: {  	[tilespmem:s3], [sflag:$0x1] =	stream.linear.gather [hbm4b:s7+s3], $0x50, $0x38;
	[tilespmem:$0x31B0] =	vst v63  }
0x21: {  	_ = 	snop  }
0x22: {  	[tilespmem:s19], [sflag:$0x3] =	stream.linear.gather [hbm4b:s8+s3], $0x500, $0x38;
	[tilespmem:$0x31B0] =	vst v63  }
0x23: {  	[bflag:$0x0] =	sbarrier.arrive $0xFFFF  }
0x24: {  	_ =	swait.ge [sflag:s20], $0x50  }
0x25: {  	[sflag:s20] =	ssyncset.done $0x0  }
0x26: {  	[sflag:s20] =	ssyncadd.s32 $0xFFFFFFB0  }
0x27: {  	_ =	swait.ge [sflag:s21], $0x500  }
0x28: {  	[sflag:s21] =	ssyncset.done $0x0  }
0x29: {  	[sflag:s21] =	ssyncadd.s32 $0xFFFFFB00  }
0x2a: {  	[tilespmem:s22], [sflag:$0x2] =	stream.linear.gather [hbm4b:s15+s3], $0x50, $0x38;
	[tilespmem:$0x31B0] =	vst v63  }
0x2b: {  	s29 =	sadd.s32 $0x0, s14  }
0x2c: {  	[tilespmem:s23], [sflag:$0x4] =	stream.linear.gather [hbm4b:s29+s3], $0x500, $0x38;
	[tilespmem:$0x31B0] =	vst v63  }
0x2d: {  	_ = 	snop  }
0x2e: {  	[spmem:s1] =	stream.indirect.scatter.add.f32 [tilespmem:s19], [sflag:$0x5], $0x10, s3, s22, $0xb8;
	[tilespmem:$0x31B0] =	vst v63  }
0x2f: {  	_ =	swait.ge [sflag:s24], $0x500  }
0x30: {  	[sflag:s24] =	ssyncset.done $0x0  }
0x31: {  	[sflag:s24] =	ssyncadd.s32 $0xFFFFFB00  }
0x32: {  	_ =	swait.ge [sflag:s25], $0x50  }
0x33: {  	[sflag:s25] =	ssyncset.done $0x0  }
0x34: {  	[sflag:s25] =	ssyncadd.s32 $0xFFFFFFB0  }
0x35: {  	_ =	swait.ge [sflag:s26], $0x500  }
0x36: {  	s29 =	sshrl.u32 s9, $0x3;
	[sflag:s26] =	ssyncset.done $0x0  }
0x37: {  	s29 =	sadd.s32 s4, s29;
	[sflag:s26] =	ssyncadd.s32 $0xFFFFFB00  }
0x38: {  	[tilespmem:s3], [sflag:$0x1] =	stream.linear.gather [hbm4b:s29+s3], $0x50, $0x38;
	[tilespmem:$0x31B0] =	vst v63  }
0x39: {  	s29 =	sadd.s32 $0x0, s13  }
0x3a: {  	[tilespmem:s19], [sflag:$0x3] =	stream.linear.gather [hbm4b:s29+s3], $0x500, $0x38;
	[tilespmem:$0x31B0] =	vst v63  }
0x3b: {  	_ = 	snop  }
0x3c: {  	[spmem:s1] =	stream.indirect.scatter.add.f32 [tilespmem:s23], [sflag:$0x5], $0x10, s22, s22, $0xb8;
	[tilespmem:$0x31B0] =	vst v63  }
0x3d: {  	s30 =	smov.u32 s9;
	_ =	swait.ge [sflag:s24], $0x500  }
0x3e: {  	s31 =	smov.u32 s15;
	s29 =	simm.s32 $0x140;
	[sflag:s24] =	ssyncset.done $0x0  }
.LBB2_2:
0x3f: {  	[sflag:s24] =	ssyncadd.s32 $0xFFFFFB00;
	s30 =	sadd.s32 $0xA0, s30;
	s31 =	sadd.s32 $0x14, s31  }
0x40: {  	p1 =	sne.s32 s29, $0x4C40;
	s0 =	smov.u32 s29;
	s29 =	sadd.s32 $0x140, s29  }
0x41: {  	_ =	swait.ge [sflag:s20], $0x50  }
0x42: {  	[sflag:s20] =	ssyncset.done $0x0  }
0x43: {  	[sflag:s20] =	ssyncadd.s32 $0xFFFFFFB0  }
0x44: {  	_ =	swait.ge [sflag:s21], $0x500  }
0x45: {  	[sflag:s21] =	ssyncset.done $0x0  }
0x46: {  	[sflag:s21] =	ssyncadd.s32 $0xFFFFFB00  }
0x47: {  	[tilespmem:s22], [sflag:$0x2] =	stream.linear.gather [hbm4b:s31+s3], $0x50, $0x38;
	[tilespmem:$0x31B0] =	vst v63  }
0x48: {  	s2 =	sadd.s32 s0, s14  }
0x49: {  	[tilespmem:s23], [sflag:$0x4] =	stream.linear.gather [hbm4b:s2+s3], $0x500, $0x38;
	[tilespmem:$0x31B0] =	vst v63  }
0x4a: {  	_ = 	snop  }
0x4b: {  	[spmem:s1] =	stream.indirect.scatter.add.f32 [tilespmem:s19], [sflag:$0x5], $0x10, s3, s22, $0xb8;
	[tilespmem:$0x31B0] =	vst v63  }
0x4c: {  	_ =	swait.ge [sflag:s24], $0x500  }
0x4d: {  	[sflag:s24] =	ssyncset.done $0x0  }
0x4e: {  	[sflag:s24] =	ssyncadd.s32 $0xFFFFFB00  }
0x4f: {  	_ =	swait.ge [sflag:s25], $0x50  }
0x50: {  	[sflag:s25] =	ssyncset.done $0x0  }
0x51: {  	[sflag:s25] =	ssyncadd.s32 $0xFFFFFFB0  }
0x52: {  	_ =	swait.ge [sflag:s26], $0x500  }
0x53: {  	s2 =	sshrl.u32 s30, $0x3;
	[sflag:s26] =	ssyncset.done $0x0  }
0x54: {  	s2 =	sadd.s32 s4, s2;
	[sflag:s26] =	ssyncadd.s32 $0xFFFFFB00  }
0x55: {  	[tilespmem:s3], [sflag:$0x1] =	stream.linear.gather [hbm4b:s2+s3], $0x50, $0x38;
	[tilespmem:$0x31B0] =	vst v63  }
0x56: {  	s0 =	sadd.s32 s0, s13  }
0x57: {  	[tilespmem:s19], [sflag:$0x3] =	stream.linear.gather [hbm4b:s0+s3], $0x500, $0x38;
	[tilespmem:$0x31B0] =	vst v63  }
.Ltmp0:
0x58: {  	_ = 	snop;
	(pc) =	sbr.rel @p1 .LBB2_2-.Ltmp0, $4  }
0x59: {  	_ = 	snop  }
0x5a: {  	[spmem:s1] =	stream.indirect.scatter.add.f32 [tilespmem:s23], [sflag:$0x5], $0x10, s22, s22, $0xb8;
	[tilespmem:$0x31B0] =	vst v63  }
0x5b: {  	_ =	swait.ge [sflag:s24], $0x500  }
0x5c: {  	[sflag:s24] =	ssyncset.done $0x0  }
0x5d: {  	[sflag:s24] =	ssyncadd.s32 $0xFFFFFB00  }
0x5e: {  	_ =	swait.ge [sflag:s20], $0x50  }
0x5f: {  	[sflag:s20] =	ssyncset.done $0x0  }
0x60: {  	[sflag:s20] =	ssyncadd.s32 $0xFFFFFFB0  }
0x61: {  	_ =	swait.ge [sflag:s21], $0x500  }
0x62: {  	[sflag:s21] =	ssyncset.done $0x0  }
0x63: {  	[sflag:s21] =	ssyncadd.s32 $0xFFFFFB00  }
0x64: {  	[spmem:s1] =	stream.indirect.scatter.add.f32 [tilespmem:s19], [sflag:$0x5], $0x10, s3, s22, $0xb8;
	[tilespmem:$0x31B0] =	vst v63  }
0x65: {  	_ =	swait.ge [sflag:s24], $0x500  }
0x66: {  	[sflag:s24] =	ssyncset.done $0x0  }
0x67: {  	[sflag:s24] =	ssyncadd.s32 $0xFFFFFB00  }
0x68: {  	s0 =	simm.s32 @p0 $0x1FC5;
	[bflag:$0x0] =	sbarrier.arrive $0xFFFF  }
0x69: {  	[hbm:s11], [sflag:s0] =	dma.local @p0 [spmem:s16], $0x320  }
0x6a: {  	s0 =	simm.s32 @p0 $0x5  }
0x6b: {  	s28 =	sadd.s32 $0x1, s28;
	_ =	swait.ge @p0 [sflag:s0], $0x320  }
0x6c: {  	p1 =	sne.s32 s28, s12;
	[sflag:s0] =	ssyncset.done @p0 $0x0  }
.Ltmp1:
0x6d: {  	[sflag:s0] =	ssyncadd.s32 @p0 $0xFFFFFCE0;
	s0 =	simm.s32 @!p0 $0x5;
	(pc) =	sbr.rel @p1 .LBB2_1-.Ltmp1, $4  }
0x6e: {  	[hbm:s10], [sflag:s17] =	dma.local @!p0 [spmem:s18], $0x500  }
0x6f: {  	_ =	swait.ge @!p0 [sflag:s0], $0x500  }
0x70: {  	[sflag:s0] =	ssyncset.done @!p0 $0x0  }
0x71: {  	[sflag:s0] =	ssyncadd.s32 @!p0 $0xFFFFFB00  }
0x72: {  	_ =	sfence.sel $0x180000  }
0x73: {  	[bflag:$0x0] =	sbarrier.arrive $0xFFFF  }
0x74: {  	_ =	strace $0x90000062  }
0x75: {  	s0 =	stileid.u32;
	[bflag:$0x2] =	sbarrier.arrive $0xFFFF  }
0x76: {  	p0 =	sne.s32 s0, $0x0;
	s0 =	rddreg [dreg:$0x2]  }
0x77: {  	s0 =	sadd.s32 @!p0 $0x100000, s0  }
0x78: {  	[sflag:s0] =	ssyncadd.tile.s32 @!p0 $0x1;
	_ =	shalt  }
.Lfunc_end2:
_tile_overlayer_lowered:
.L_overlay_start_2:
0x79: {  	(tag) =	ssettag $0x2  }
0x7a: {  	s0 =	rddreg [dreg:$0x0];
	s2 =	stileid.u32  }
0x7b: {  	s1 =	rddreg [dreg:$0x1];
	p0 =	sne.s32 s2, $0x0  }
0x7c: {  	s3 =	rddreg [dreg:$0x2];
	[bflag:$0x3] =	sbarrier.arrive $0xFFFF;
	s2 =	simm.s32 @!p0 $0x1C05  }
0x7d: {  	[timem:s3], [sflag:s2] =	dma.local @!p0 [hbm:s0], s1  }
0x7e: {  	s0 =	simm.s32 @!p0 $0x5  }
0x7f: {  	_ =	swait.ge @!p0 [sflag:s0], s1  }
0x80: {  	s1 =	ssub.s32 @!p0 $0x0, s1;
	[sflag:s0] =	ssyncset.done @!p0 $0x0  }
0x81: {  	[sflag:s0] =	ssyncadd.s32 @!p0 s1  }
0x82: {  	[bflag:$0x3] =	sbarrier.arrive $0xFFFF  }
0x83: {  	_ =	shalt  }

</sc_bundles>
